<compile_context>
chip_gen: v7x
topology: tpu7x:2x2x1
jax: 0.10.2.dev20260603
libtpu: 0.0.44.dev20260713+nightly
codegen_flags: <defaults>
</compile_context>

<pallas_src>
import functools

import jax
import jax.numpy as jnp
from jax import lax
from jax.experimental import pallas as pl
from jax.experimental.pallas import tpu as pltpu
from jax.experimental.pallas import tpu_sc as plsc

_NC = 2
_NS = 16
_NW = _NC * _NS
_L = 16


@jax.jit
def _gather_embed(idx, table):
    (n,) = idx.shape
    v4, d = table.shape
    assert d == 32
    hist = 50
    b = n // hist
    assert b % (128 * _NW // 2) == 0 and hist % 2 == 0
    n_vb = b // 128
    vb_per_w = n_vb // (_NW // 2)
    h_per_w = hist // 2
    blk = vb_per_w * 128 * hist
    n_units = h_per_w * 2

    mesh = plsc.VectorSubcoreMesh(core_axis_name="c", subcore_axis_name="s")

    @functools.partial(
        pl.kernel,
        out_type=jax.ShapeDtypeStruct((hist, d // 8, n_vb, 8, 128),
                                      jnp.float32),
        mesh=mesh,
        compiler_params=pltpu.CompilerParams(
            use_tc_tiling_on_sc=False, needs_layout_passes=False),
        scratch_types=[
            pltpu.VMEM((blk,), jnp.int32),
            pltpu.VMEM((512,), jnp.int32),
            pltpu.VMEM((512,), jnp.int32),
            pltpu.VMEM((512, 32), jnp.float32),
            pltpu.VMEM((512, 32), jnp.float32),
            pltpu.VMEM((4, 4, 8, 128), jnp.float32),
            pltpu.VMEM((4, 4, 8, 128), jnp.float32),
            pltpu.SemaphoreType.DMA,
            pltpu.SemaphoreType.DMA,
            pltpu.SemaphoreType.DMA,
            pltpu.SemaphoreType.DMA,
        ],
    )
    def k(idx_hbm, w_hbm, out_hbm, idxblk, lb0, lb1, rb0, rb1, ob0, ob1,
          gs0, gs1, ss0, ss1):
        wid = lax.axis_index("s") * _NC + lax.axis_index("c")
        vbg = wid // 2
        hhalf = wid % 2
        pltpu.sync_copy(idx_hbm.at[pl.ds(vbg * blk, blk)], idxblk)

        lanes = lax.iota(jnp.int32, _L)
        iota_h = lanes * hist
        lbufs = (lb0, lb1)
        rbufs = (rb0, rb1)
        obufs = (ob0, ob1)
        gsems = (gs0, gs1)
        ssems = (ss0, ss1)

        def unit_hq(u):
            h = hhalf * h_per_w + u // 2
            q = u % 2
            return h, q

        def build(u, s):
            h, q = unit_hq(u)
            base = q * (4 * 128 * hist) + h
            lb = lbufs[s]

            @plsc.parallel_loop(0, 32, unroll=4)
            def bbody(kb):
                addrs = iota_h + (base + kb * (_L * hist))
                off = pl.multiple_of(kb * _L, _L)
                lb[pl.ds(off, _L)] = plsc.load_gather(idxblk, [addrs]) * 4

        def gcopy(s):
            return pltpu.make_async_copy(w_hbm.at[lbufs[s]], rbufs[s],
                                         gsems[s])

        def transpose(s):
            rb, ob = rbufs[s], obufs[s]

            @plsc.parallel_loop(0, 32, unroll=4)
            def tbody(dd):
                col = jnp.full((_L,), dd, jnp.int32)
                g = dd // 8
                r = dd % 8
                for vbl in range(4):
                    for cb in range(8):
                        rows = lanes + (vbl * 128 + cb * _L)
                        ob[g, vbl, r, pl.ds(cb * _L, _L)] = (
                            plsc.load_gather(rb, [rows, col]))

        def scopies(u, s):
            h, q = unit_hq(u)
            vb0 = vbg * vb_per_w + q * 4
            return [
                pltpu.make_async_copy(
                    obufs[s].at[g], out_hbm.at[h, g, pl.ds(vb0, 4)], ssems[s])
                for g in range(4)
            ]

        build(0, 0)
        gcopy(0).start()

        def body(i, carry):
            u0 = i * 2
            u1 = u0 + 1

            build(u1, 1)
            gcopy(1).start()

            gcopy(0).wait()

            @pl.when(i > 0)
            def _():
                for c in scopies(u0 - 2, 0):
                    c.wait()

            transpose(0)
            for c in scopies(u0, 0):
                c.start()

            @pl.when(u0 + 2 < n_units)
            def _():
                build(u0 + 2, 0)
                gcopy(0).start()

            gcopy(1).wait()

            @pl.when(i > 0)
            def _():
                for c in scopies(u1 - 2, 1):
                    c.wait()

            transpose(1)
            for c in scopies(u1, 1):
                c.start()

            return carry

        lax.fori_loop(0, n_units // 2, body, 0)

        for c in scopies(n_units - 2, 0):
            c.wait()
        for c in scopies(n_units - 1, 1):
            c.wait()

    return k(idx, table)


def kernel(x, weight):
    b, h = x.shape
    v, d = weight.shape
    idx = x.reshape(b * h).astype(jnp.int32)
    wp = jnp.pad(weight, ((0, 0), (0, 128 - d))).reshape(v * (128 // d), d)
    out5 = _gather_embed(idx, wp)
    return out5.transpose(2, 4, 0, 1, 3).reshape(b, h, d)

# --- scband reference (transcript-rebuilt; emitter-appended) ---
"""Pipeline reference for scband-token-embedding-618475290999 (READ-ONLY COPY).

The authoritative reference and input builder live on the scoring server;
editing this copy changes nothing except your own understanding.
"""

import jax, jax.numpy as jnp
import numpy as np

VOCAB = 1000000
EMBED_DIM = 32
BATCH = 16384
HIST = 50

def setup_inputs(seed: int = 0) -> dict:
    key = jax.random.key(seed)
    k_idx, k_w = jax.random.split(key)
    x = jax.random.randint(k_idx, (BATCH, HIST), 0, VOCAB, dtype=jnp.int64)
    # nn.Embedding default init: N(0, 1)
    weight = jax.random.normal(k_w, (VOCAB, EMBED_DIM), dtype=jnp.float32)
    return {"x": x, "weight": weight}

def reference(x, weight):
    # TokenEmbedding.forward: self.embed(x) -> gather rows of the table
    return jnp.take(weight, x, axis=0)

if __name__ == "__main__":
    import jax
    _d = setup_inputs()
    print(jax.jit(kernel)(*tuple(_d.values())))

</pallas_src>

<mosaic_0001>
#map = affine_map<(d0, d1) -> (0)>
#map1 = affine_map<(d0, d1) -> (0, 0)>
#map2 = affine_map<(d0, d1) -> (0, 0, 0, 0, 0)>
module attributes {stable_mosaic.version = 14 : i64} {
  func.func @k(%arg0: i32, %arg1: i32, %arg2: memref<819200xi32, #tpu.memory_space<hbm>>, %arg3: memref<4000000x32xf32, #tpu.memory_space<hbm>>, %arg4: memref<50x4x128x8x128xf32, #tpu.memory_space<hbm>>, %arg5: memref<51200xi32, #tpu.memory_space<vmem>>, %arg6: memref<512xi32, #tpu.memory_space<vmem>>, %arg7: memref<512xi32, #tpu.memory_space<vmem>>, %arg8: memref<512x32xf32, #tpu.memory_space<vmem>>, %arg9: memref<512x32xf32, #tpu.memory_space<vmem>>, %arg10: memref<4x4x8x128xf32, #tpu.memory_space<vmem>>, %arg11: memref<4x4x8x128xf32, #tpu.memory_space<vmem>>, %arg12: memref<!tpu.dma_semaphore, #tpu.memory_space<semaphore_mem>>, %arg13: memref<!tpu.dma_semaphore, #tpu.memory_space<semaphore_mem>>, %arg14: memref<!tpu.dma_semaphore, #tpu.memory_space<semaphore_mem>>, %arg15: memref<!tpu.dma_semaphore, #tpu.memory_space<semaphore_mem>>) attributes {dimension_semantics = [#tpu.dimension_semantics<core_parallel>, #tpu.dimension_semantics<subcore_parallel>], iteration_bounds = array<i64: 2, 16>, scalar_prefetch = 0 : i64, scratch_operands = 11 : i64, tpu.core_type = #tpu.core_type<sc_vector_subcore>, window_params = [{transform_indices = #map}, {transform_indices = #map1}, {transform_indices = #map2}]} {
    %mul3A = arith.constant 2 : i32
    %mul3A_0 = arith.muli %arg1, %mul3A : i32
    %add3A = arith.addi %mul3A_0, %arg0 : i32
    %jit3A = arith.constant 2 : i32
    %div3A = arith.divsi %add3A, %jit3A : i32
    %sign3A = arith.constant 0 : i32
    %sign3A_1 = arith.cmpi sgt, %add3A, %sign3A : i32
    %sign3A_2 = arith.extui %sign3A_1 : i1 to i32
    %sign3A_3 = arith.constant 0 : i32
    %sign3A_4 = arith.cmpi slt, %add3A, %sign3A_3 : i32
    %sign3A_5 = arith.extui %sign3A_4 : i1 to i32
    %sign3A_6 = arith.subi %sign3A_2, %sign3A_5 : i32
    %sign3A_7 = arith.constant 0 : i32
    %sign3A_8 = arith.cmpi sgt, %jit3A, %sign3A_7 : i32
    %sign3A_9 = arith.extui %sign3A_8 : i1 to i32
    %sign3A_10 = arith.constant 0 : i32
    %sign3A_11 = arith.cmpi slt, %jit3A, %sign3A_10 : i32
    %sign3A_12 = arith.extui %sign3A_11 : i1 to i32
    %sign3A_13 = arith.subi %sign3A_9, %sign3A_12 : i32
    %ne3A = arith.cmpi ne, %sign3A_6, %sign3A_13 : i32
    %rem3A = arith.remsi %add3A, %jit3A : i32
    %ne3A_14 = arith.constant 0 : i32
    %ne3A_15 = arith.cmpi ne, %rem3A, %ne3A_14 : i32
    %and3A = arith.andi %ne3A, %ne3A_15 : i1
    %sub3A = arith.constant 1 : i32
    %sub3A_16 = arith.subi %div3A, %sub3A : i32
    %select_n3A = arith.select %and3A, %sub3A_16, %div3A : i32
    %jit3A_17 = arith.constant 2 : i32
    %eq3A = arith.constant 0 : i32
    %eq3A_18 = arith.cmpi eq, %jit3A_17, %eq3A : i32
    %jit3A_19 = arith.constant 1 : i32
    %select_n3A_20 = arith.select %eq3A_18, %jit3A_19, %jit3A_17 : i32
    %rem3A_21 = arith.remsi %add3A, %select_n3A_20 : i32
    %ne3A_22 = arith.constant 0 : i32
    %ne3A_23 = arith.cmpi ne, %rem3A_21, %ne3A_22 : i32
    %lt3A = arith.constant 0 : i32
    %lt3A_24 = arith.cmpi slt, %rem3A_21, %lt3A : i32
    %lt3A_25 = arith.constant 0 : i32
    %lt3A_26 = arith.cmpi slt, %select_n3A_20, %lt3A_25 : i32
    %ne3A_27 = arith.xori %lt3A_24, %lt3A_26 : i1
    %and3A_28 = arith.andi %ne3A_27, %ne3A_23 : i1
    %add3A_29 = arith.addi %rem3A_21, %select_n3A_20 : i32
    %select_n3A_30 = arith.select %and3A_28, %add3A_29, %rem3A_21 : i32
    %mul3A_31 = arith.constant 51200 : i32
    %mul3A_32 = arith.muli %select_n3A, %mul3A_31 : i32
    "tpu.region"() ({
      %run_scoped3A = tpu.sem_alloc : memref<!tpu.dma_semaphore, #tpu.memory_space<semaphore_mem>>
      %dma_start3A_226 = tpu.memref_slice %arg2[%mul3A_32] : memref<819200xi32, #tpu.memory_space<hbm>> -> memref<51200xi32, #tpu.memory_space<hbm>>
      %dma_start3A_227 = tpu.memref_slice %arg2[%mul3A_32] : memref<819200xi32, #tpu.memory_space<hbm>> -> memref<51200xi32, #tpu.memory_space<hbm>>
      tpu.enqueue_dma source(%dma_start3A_227 : memref<51200xi32, #tpu.memory_space<hbm>>) target(%arg5 : memref<51200xi32, #tpu.memory_space<vmem>>) target_semaphore(%run_scoped3A : memref<!tpu.dma_semaphore, #tpu.memory_space<semaphore_mem>>)
      %dma_wait3A_228 = tpu.memref_slice %arg2[%mul3A_32] : memref<819200xi32, #tpu.memory_space<hbm>> -> memref<51200xi32, #tpu.memory_space<hbm>>
      %dma_wait3A_229 = tpu.memref_slice %arg2[%mul3A_32] : memref<819200xi32, #tpu.memory_space<hbm>> -> memref<51200xi32, #tpu.memory_space<hbm>>
      tpu.wait_dma2 semaphore(%run_scoped3A : memref<!tpu.dma_semaphore, #tpu.memory_space<semaphore_mem>>) src(%dma_wait3A_229 : memref<51200xi32, #tpu.memory_space<hbm>>) dst(%arg5 : memref<51200xi32, #tpu.memory_space<vmem>>)
      tpu.yield
    }) : () -> ()
    %iota3A = tpu.iota {dimensions = array<i32: 0>} : vector<16xi32>
    %mul3A_33 = arith.constant 50 : i32
    %mul3A_34 = vector.broadcast %mul3A_33 : i32 to vector<16xi32>
    %mul3A_35 = arith.muli %iota3A, %mul3A_34 : vector<16xi32>
    %mul3A_36 = arith.constant 25 : i32
    %mul3A_37 = arith.muli %select_n3A_30, %mul3A_36 : i32
    %add3A_38 = arith.constant 0 : i32
    %add3A_39 = arith.addi %mul3A_37, %add3A_38 : i32
    %add3A_40 = arith.constant 0 : i32
    %add3A_41 = arith.addi %add3A_40, %add3A_39 : i32
    %parallel_loop3A = arith.constant 0 : i32
    %parallel_loop3A_42 = arith.constant 32 : i32
    %parallel_loop3A_43 = arith.constant 1 : i32
    scf.for %parallel_loop3A_226 = %parallel_loop3A to %parallel_loop3A_42 step %parallel_loop3A_43  : i32 {
      %parallel_loop3A_227 = arith.constant 800 : i32
      %parallel_loop3A_228 = arith.muli %parallel_loop3A_226, %parallel_loop3A_227 : i32
      %parallel_loop3A_229 = arith.addi %add3A_41, %parallel_loop3A_228 : i32
      %parallel_loop3A_230 = vector.broadcast %parallel_loop3A_229 : i32 to vector<16xi32>
      %parallel_loop3A_231 = arith.addi %mul3A_35, %parallel_loop3A_230 : vector<16xi32>
      %parallel_loop3A_232 = arith.constant 16 : i32
      %parallel_loop3A_233 = arith.muli %parallel_loop3A_226, %parallel_loop3A_232 : i32
      %parallel_loop3A_234 = tpu.assume_multiple %parallel_loop3A_233, 16 : i32
      %parallel_loop3A_235 = tpu.vector_load_idx %arg5[%parallel_loop3A_231] : memref<51200xi32, #tpu.memory_space<vmem>>[vector<16xi32>], vector<16xi32>,
      %parallel_loop3A_236 = arith.constant 4 : i32
      %parallel_loop3A_237 = vector.broadcast %parallel_loop3A_236 : i32 to vector<16xi32>
      %parallel_loop3A_238 = arith.muli %parallel_loop3A_235, %parallel_loop3A_237 : vector<16xi32>
      %parallel_loop3A_239 = arith.index_cast %parallel_loop3A_234 : i32 to index
      %parallel_loop3A_240 = tpu.vector_load %arg6[%parallel_loop3A_239] {strides = array<i32>} : memref<512xi32, #tpu.memory_space<vmem>>, vector<16xi32>,
      tpu.vector_store %arg6[%parallel_loop3A_239], %parallel_loop3A_238 {strides = array<i32>} : memref<512xi32, #tpu.memory_space<vmem>>, vector<16xi32>,
    } {sc.loop_unroll_factor = 4 : i64, sc.parallel_access}
    %dma_start3A = arith.constant 0 : i32
    %dma_start3A_44 = arith.constant 0 : i32
    %dma_start3A_45 = tpu.memref_slice %arg3[%dma_start3A, %dma_start3A_44] : memref<4000000x32xf32, #tpu.memory_space<hbm>> -> memref<4000000x32xf32, #tpu.memory_space<hbm>>
    tpu.enqueue_indirect_dma source(%dma_start3A_45 : memref<4000000x32xf32, #tpu.memory_space<hbm>>) target(%arg8 : memref<512x32xf32, #tpu.memory_space<vmem>>) offsets(%arg6 : memref<512xi32, #tpu.memory_space<vmem>>) semaphore(%arg12 : memref<!tpu.dma_semaphore, #tpu.memory_space<semaphore_mem>>)
    %scan3A = arith.constant 0 : i32
    %scan3A_46 = arith.constant 0 : i32
    %scan3A_47 = arith.constant 25 : i32
    %scan3A_48 = arith.addi %scan3A_46, %scan3A_47 : i32
    %scan3A_49 = arith.constant 1 : i32
    scf.for %scan3A_226 = %scan3A_46 to %scan3A_48 step %scan3A_49  : i32 {
      %mul3A_227 = arith.constant 2 : i32
      %mul3A_228 = arith.muli %scan3A_226, %mul3A_227 : i32
      %add3A_229 = arith.constant 1 : i32
      %add3A_230 = arith.addi %mul3A_228, %add3A_229 : i32
      %mul3A_231 = arith.constant 25 : i32
      %mul3A_232 = arith.muli %select_n3A_30, %mul3A_231 : i32
      %jit3A_233 = arith.constant 2 : i32
      %div3A_234 = arith.divsi %add3A_230, %jit3A_233 : i32
      %sign3A_235 = arith.constant 0 : i32
      %sign3A_236 = arith.cmpi sgt, %add3A_230, %sign3A_235 : i32
      %sign3A_237 = arith.extui %sign3A_236 : i1 to i32
      %sign3A_238 = arith.constant 0 : i32
      %sign3A_239 = arith.cmpi slt, %add3A_230, %sign3A_238 : i32
      %sign3A_240 = arith.extui %sign3A_239 : i1 to i32
      %sign3A_241 = arith.subi %sign3A_237, %sign3A_240 : i32
      %sign3A_242 = arith.constant 0 : i32
      %sign3A_243 = arith.cmpi sgt, %jit3A_233, %sign3A_242 : i32
      %sign3A_244 = arith.extui %sign3A_243 : i1 to i32
      %sign3A_245 = arith.constant 0 : i32
      %sign3A_246 = arith.cmpi slt, %jit3A_233, %sign3A_245 : i32
      %sign3A_247 = arith.extui %sign3A_246 : i1 to i32
      %sign3A_248 = arith.subi %sign3A_244, %sign3A_247 : i32
      %ne3A_249 = arith.cmpi ne, %sign3A_241, %sign3A_248 : i32
      %rem3A_250 = arith.remsi %add3A_230, %jit3A_233 : i32
      %ne3A_251 = arith.constant 0 : i32
      %ne3A_252 = arith.cmpi ne, %rem3A_250, %ne3A_251 : i32
      %and3A_253 = arith.andi %ne3A_249, %ne3A_252 : i1
      %sub3A_254 = arith.constant 1 : i32
      %sub3A_255 = arith.subi %div3A_234, %sub3A_254 : i32
      %select_n3A_256 = arith.select %and3A_253, %sub3A_255, %div3A_234 : i32
      %add3A_257 = arith.addi %mul3A_232, %select_n3A_256 : i32
      %jit3A_258 = arith.constant 2 : i32
      %eq3A_259 = arith.constant 0 : i32
      %eq3A_260 = arith.cmpi eq, %jit3A_258, %eq3A_259 : i32
      %jit3A_261 = arith.constant 1 : i32
      %select_n3A_262 = arith.select %eq3A_260, %jit3A_261, %jit3A_258 : i32
      %rem3A_263 = arith.remsi %add3A_230, %select_n3A_262 : i32
      %ne3A_264 = arith.constant 0 : i32
      %ne3A_265 = arith.cmpi ne, %rem3A_263, %ne3A_264 : i32
      %lt3A_266 = arith.constant 0 : i32
      %lt3A_267 = arith.cmpi slt, %rem3A_263, %lt3A_266 : i32
      %lt3A_268 = arith.constant 0 : i32
      %lt3A_269 = arith.cmpi slt, %select_n3A_262, %lt3A_268 : i32
      %ne3A_270 = arith.xori %lt3A_267, %lt3A_269 : i1
      %and3A_271 = arith.andi %ne3A_270, %ne3A_265 : i1
      %add3A_272 = arith.addi %rem3A_263, %select_n3A_262 : i32
      %select_n3A_273 = arith.select %and3A_271, %add3A_272, %rem3A_263 : i32
      %mul3A_274 = arith.constant 25600 : i32
      %mul3A_275 = arith.muli %select_n3A_273, %mul3A_274 : i32
      %add3A_276 = arith.addi %mul3A_275, %add3A_257 : i32
      %parallel_loop3A_277 = arith.constant 0 : i32
      %parallel_loop3A_278 = arith.constant 32 : i32
      %parallel_loop3A_279 = arith.constant 1 : i32
      scf.for %parallel_loop3A_565 = %parallel_loop3A_277 to %parallel_loop3A_278 step %parallel_loop3A_279  : i32 {
        %parallel_loop3A_566 = arith.constant 800 : i32
        %parallel_loop3A_567 = arith.muli %parallel_loop3A_565, %parallel_loop3A_566 : i32
        %parallel_loop3A_568 = arith.addi %add3A_276, %parallel_loop3A_567 : i32
        %parallel_loop3A_569 = vector.broadcast %parallel_loop3A_568 : i32 to vector<16xi32>
        %parallel_loop3A_570 = arith.addi %mul3A_35, %parallel_loop3A_569 : vector<16xi32>
        %parallel_loop3A_571 = arith.constant 16 : i32
        %parallel_loop3A_572 = arith.muli %parallel_loop3A_565, %parallel_loop3A_571 : i32
        %parallel_loop3A_573 = tpu.assume_multiple %parallel_loop3A_572, 16 : i32
        %parallel_loop3A_574 = tpu.vector_load_idx %arg5[%parallel_loop3A_570] : memref<51200xi32, #tpu.memory_space<vmem>>[vector<16xi32>], vector<16xi32>,
        %parallel_loop3A_575 = arith.constant 4 : i32
        %parallel_loop3A_576 = vector.broadcast %parallel_loop3A_575 : i32 to vector<16xi32>
        %parallel_loop3A_577 = arith.muli %parallel_loop3A_574, %parallel_loop3A_576 : vector<16xi32>
        %parallel_loop3A_578 = arith.index_cast %parallel_loop3A_573 : i32 to index
        %parallel_loop3A_579 = tpu.vector_load %arg7[%parallel_loop3A_578] {strides = array<i32>} : memref<512xi32, #tpu.memory_space<vmem>>, vector<16xi32>,
        tpu.vector_store %arg7[%parallel_loop3A_578], %parallel_loop3A_577 {strides = array<i32>} : memref<512xi32, #tpu.memory_space<vmem>>, vector<16xi32>,
      } {sc.loop_unroll_factor = 4 : i64, sc.parallel_access}
      %dma_start3A_280 = arith.constant 0 : i32
      %dma_start3A_281 = arith.constant 0 : i32
      %dma_start3A_282 = tpu.memref_slice %arg3[%dma_start3A_280, %dma_start3A_281] : memref<4000000x32xf32, #tpu.memory_space<hbm>> -> memref<4000000x32xf32, #tpu.memory_space<hbm>>
      tpu.enqueue_indirect_dma source(%dma_start3A_282 : memref<4000000x32xf32, #tpu.memory_space<hbm>>) target(%arg9 : memref<512x32xf32, #tpu.memory_space<vmem>>) offsets(%arg7 : memref<512xi32, #tpu.memory_space<vmem>>) semaphore(%arg13 : memref<!tpu.dma_semaphore, #tpu.memory_space<semaphore_mem>>)
      %dma_wait3A_283 = arith.constant 0 : i32
      %dma_wait3A_284 = arith.constant 0 : i32
      %dma_wait3A_285 = tpu.memref_slice %arg3[%dma_wait3A_283, %dma_wait3A_284] : memref<4000000x32xf32, #tpu.memory_space<hbm>> -> memref<4000000x32xf32, #tpu.memory_space<hbm>>
      tpu.wait_indirect_dma semaphore(%arg12 : memref<!tpu.dma_semaphore, #tpu.memory_space<semaphore_mem>>) src(%dma_wait3A_285 : memref<4000000x32xf32, #tpu.memory_space<hbm>>) dst(%arg8 : memref<512x32xf32, #tpu.memory_space<vmem>>)
      %gt3A = arith.constant 0 : i32
      %gt3A_286 = arith.cmpi sgt, %scan3A_226, %gt3A : i32
      %convert_element_type3A = arith.extui %gt3A_286 : i1 to i32
      %cond3A = arith.constant 0 : i32
      %cond3A_287 = arith.cmpi ne, %convert_element_type3A, %cond3A : i32
      scf.if %cond3A_287 {
        %sub3A_565 = arith.constant 2 : i32
        %sub3A_566 = arith.subi %mul3A_228, %sub3A_565 : i32
        %mul3A_567 = arith.constant 25 : i32
        %mul3A_568 = arith.muli %select_n3A_30, %mul3A_567 : i32
        %jit3A_569 = arith.constant 2 : i32
        %div3A_570 = arith.divsi %sub3A_566, %jit3A_569 : i32
        %sign3A_571 = arith.constant 0 : i32
        %sign3A_572 = arith.cmpi sgt, %sub3A_566, %sign3A_571 : i32
        %sign3A_573 = arith.extui %sign3A_572 : i1 to i32
        %sign3A_574 = arith.constant 0 : i32
        %sign3A_575 = arith.cmpi slt, %sub3A_566, %sign3A_574 : i32
        %sign3A_576 = arith.extui %sign3A_575 : i1 to i32
        %sign3A_577 = arith.subi %sign3A_573, %sign3A_576 : i32
        %sign3A_578 = arith.constant 0 : i32
        %sign3A_579 = arith.cmpi sgt, %jit3A_569, %sign3A_578 : i32
        %sign3A_580 = arith.extui %sign3A_579 : i1 to i32
        %sign3A_581 = arith.constant 0 : i32
        %sign3A_582 = arith.cmpi slt, %jit3A_569, %sign3A_581 : i32
        %sign3A_583 = arith.extui %sign3A_582 : i1 to i32
        %sign3A_584 = arith.subi %sign3A_580, %sign3A_583 : i32
        %ne3A_585 = arith.cmpi ne, %sign3A_577, %sign3A_584 : i32
        %rem3A_586 = arith.remsi %sub3A_566, %jit3A_569 : i32
        %ne3A_587 = arith.constant 0 : i32
        %ne3A_588 = arith.cmpi ne, %rem3A_586, %ne3A_587 : i32
        %and3A_589 = arith.andi %ne3A_585, %ne3A_588 : i1
        %sub3A_590 = arith.constant 1 : i32
        %sub3A_591 = arith.subi %div3A_570, %sub3A_590 : i32
        %select_n3A_592 = arith.select %and3A_589, %sub3A_591, %div3A_570 : i32
        %add3A_593 = arith.addi %mul3A_568, %select_n3A_592 : i32
        %jit3A_594 = arith.constant 2 : i32
        %eq3A_595 = arith.constant 0 : i32
        %eq3A_596 = arith.cmpi eq, %jit3A_594, %eq3A_595 : i32
        %jit3A_597 = arith.constant 1 : i32
        %select_n3A_598 = arith.select %eq3A_596, %jit3A_597, %jit3A_594 : i32
        %rem3A_599 = arith.remsi %sub3A_566, %select_n3A_598 : i32
        %ne3A_600 = arith.constant 0 : i32
        %ne3A_601 = arith.cmpi ne, %rem3A_599, %ne3A_600 : i32
        %lt3A_602 = arith.constant 0 : i32
        %lt3A_603 = arith.cmpi slt, %rem3A_599, %lt3A_602 : i32
        %lt3A_604 = arith.constant 0 : i32
        %lt3A_605 = arith.cmpi slt, %select_n3A_598, %lt3A_604 : i32
        %ne3A_606 = arith.xori %lt3A_603, %lt3A_605 : i1
        %and3A_607 = arith.andi %ne3A_606, %ne3A_601 : i1
        %add3A_608 = arith.addi %rem3A_599, %select_n3A_598 : i32
        %select_n3A_609 = arith.select %and3A_607, %add3A_608, %rem3A_599 : i32
        %mul3A_610 = arith.constant 8 : i32
        %mul3A_611 = arith.muli %select_n3A, %mul3A_610 : i32
        %mul3A_612 = arith.constant 4 : i32
        %mul3A_613 = arith.muli %select_n3A_609, %mul3A_612 : i32
        %add3A_614 = arith.addi %mul3A_611, %mul3A_613 : i32
        %dma_wait3A_615 = arith.constant 0 : i32
        %dma_wait3A_616 = arith.constant 0 : i32
        %dma_wait3A_617 = arith.constant 0 : i32
        %dma_wait3A_618 = arith.constant 0 : i32
        %dma_wait3A_619 = arith.constant 0 : i32
        %dma_wait3A_620 = tpu.memref_slice %arg10[%dma_wait3A_615, %dma_wait3A_617, %dma_wait3A_618, %dma_wait3A_619] : memref<4x4x8x128xf32, #tpu.memory_space<vmem>> -> memref<1x4x8x128xf32, #tpu.memory_space<vmem>>
        %dma_wait3A_621 = tpu.memref_squeeze %dma_wait3A_620 : memref<1x4x8x128xf32, #tpu.memory_space<vmem>> -> memref<4x8x128xf32, #tpu.memory_space<vmem>>
        %dma_wait3A_622 = arith.constant 0 : i32
        %dma_wait3A_623 = arith.constant 0 : i32
        %dma_wait3A_624 = tpu.memref_slice %arg4[%add3A_593, %dma_wait3A_616, %add3A_614, %dma_wait3A_622, %dma_wait3A_623] : memref<50x4x128x8x128xf32, #tpu.memory_space<hbm>> -> memref<1x1x4x8x128xf32, #tpu.memory_space<hbm>>
        %dma_wait3A_625 = tpu.memref_squeeze %dma_wait3A_624 : memref<1x1x4x8x128xf32, #tpu.memory_space<hbm>> -> memref<4x8x128xf32, #tpu.memory_space<hbm>>
        %dma_wait3A_626 = arith.constant 0 : i32
        %dma_wait3A_627 = arith.constant 0 : i32
        %dma_wait3A_628 = tpu.memref_slice %arg4[%add3A_593, %dma_wait3A_616, %add3A_614, %dma_wait3A_626, %dma_wait3A_627] : memref<50x4x128x8x128xf32, #tpu.memory_space<hbm>> -> memref<1x1x4x8x128xf32, #tpu.memory_space<hbm>>
        %dma_wait3A_629 = tpu.memref_squeeze %dma_wait3A_628 : memref<1x1x4x8x128xf32, #tpu.memory_space<hbm>> -> memref<4x8x128xf32, #tpu.memory_space<hbm>>
        %dma_wait3A_630 = arith.constant 0 : i32
        %dma_wait3A_631 = arith.constant 0 : i32
        %dma_wait3A_632 = arith.constant 0 : i32
        %dma_wait3A_633 = tpu.memref_slice %arg10[%dma_wait3A_615, %dma_wait3A_630, %dma_wait3A_631, %dma_wait3A_632] : memref<4x4x8x128xf32, #tpu.memory_space<vmem>> -> memref<1x4x8x128xf32, #tpu.memory_space<vmem>>
        %dma_wait3A_634 = tpu.memref_squeeze %dma_wait3A_633 : memref<1x4x8x128xf32, #tpu.memory_space<vmem>> -> memref<4x8x128xf32, #tpu.memory_space<vmem>>
        tpu.wait_dma2 semaphore(%arg14 : memref<!tpu.dma_semaphore, #tpu.memory_space<semaphore_mem>>) src(%dma_wait3A_634 : memref<4x8x128xf32, #tpu.memory_space<vmem>>) dst(%dma_wait3A_629 : memref<4x8x128xf32, #tpu.memory_space<hbm>>)
        %dma_wait3A_635 = arith.constant 1 : i32
        %dma_wait3A_636 = arith.constant 1 : i32
        %dma_wait3A_637 = arith.constant 0 : i32
        %dma_wait3A_638 = arith.constant 0 : i32
        %dma_wait3A_639 = arith.constant 0 : i32
        %dma_wait3A_640 = tpu.memref_slice %arg10[%dma_wait3A_635, %dma_wait3A_637, %dma_wait3A_638, %dma_wait3A_639] : memref<4x4x8x128xf32, #tpu.memory_space<vmem>> -> memref<1x4x8x128xf32, #tpu.memory_space<vmem>>
        %dma_wait3A_641 = tpu.memref_squeeze %dma_wait3A_640 : memref<1x4x8x128xf32, #tpu.memory_space<vmem>> -> memref<4x8x128xf32, #tpu.memory_space<vmem>>
        %dma_wait3A_642 = arith.constant 0 : i32
        %dma_wait3A_643 = arith.constant 0 : i32
        %dma_wait3A_644 = tpu.memref_slice %arg4[%add3A_593, %dma_wait3A_636, %add3A_614, %dma_wait3A_642, %dma_wait3A_643] : memref<50x4x128x8x128xf32, #tpu.memory_space<hbm>> -> memref<1x1x4x8x128xf32, #tpu.memory_space<hbm>>
        %dma_wait3A_645 = tpu.memref_squeeze %dma_wait3A_644 : memref<1x1x4x8x128xf32, #tpu.memory_space<hbm>> -> memref<4x8x128xf32, #tpu.memory_space<hbm>>
        %dma_wait3A_646 = arith.constant 0 : i32
        %dma_wait3A_647 = arith.constant 0 : i32
        %dma_wait3A_648 = tpu.memref_slice %arg4[%add3A_593, %dma_wait3A_636, %add3A_614, %dma_wait3A_646, %dma_wait3A_647] : memref<50x4x128x8x128xf32, #tpu.memory_space<hbm>> -> memref<1x1x4x8x128xf32, #tpu.memory_space<hbm>>
        %dma_wait3A_649 = tpu.memref_squeeze %dma_wait3A_648 : memref<1x1x4x8x128xf32, #tpu.memory_space<hbm>> -> memref<4x8x128xf32, #tpu.memory_space<hbm>>
        %dma_wait3A_650 = arith.constant 0 : i32
        %dma_wait3A_651 = arith.constant 0 : i32
        %dma_wait3A_652 = arith.constant 0 : i32
        %dma_wait3A_653 = tpu.memref_slice %arg10[%dma_wait3A_635, %dma_wait3A_650, %dma_wait3A_651, %dma_wait3A_652] : memref<4x4x8x128xf32, #tpu.memory_space<vmem>> -> memref<1x4x8x128xf32, #tpu.memory_space<vmem>>
        %dma_wait3A_654 = tpu.memref_squeeze %dma_wait3A_653 : memref<1x4x8x128xf32, #tpu.memory_space<vmem>> -> memref<4x8x128xf32, #tpu.memory_space<vmem>>
        tpu.wait_dma2 semaphore(%arg14 : memref<!tpu.dma_semaphore, #tpu.memory_space<semaphore_mem>>) src(%dma_wait3A_654 : memref<4x8x128xf32, #tpu.memory_space<vmem>>) dst(%dma_wait3A_649 : memref<4x8x128xf32, #tpu.memory_space<hbm>>)
        %dma_wait3A_655 = arith.constant 2 : i32
        %dma_wait3A_656 = arith.constant 2 : i32
        %dma_wait3A_657 = arith.constant 0 : i32
        %dma_wait3A_658 = arith.constant 0 : i32
        %dma_wait3A_659 = arith.constant 0 : i32
        %dma_wait3A_660 = tpu.memref_slice %arg10[%dma_wait3A_655, %dma_wait3A_657, %dma_wait3A_658, %dma_wait3A_659] : memref<4x4x8x128xf32, #tpu.memory_space<vmem>> -> memref<1x4x8x128xf32, #tpu.memory_space<vmem>>
        %dma_wait3A_661 = tpu.memref_squeeze %dma_wait3A_660 : memref<1x4x8x128xf32, #tpu.memory_space<vmem>> -> memref<4x8x128xf32, #tpu.memory_space<vmem>>
        %dma_wait3A_662 = arith.constant 0 : i32
        %dma_wait3A_663 = arith.constant 0 : i32
        %dma_wait3A_664 = tpu.memref_slice %arg4[%add3A_593, %dma_wait3A_656, %add3A_614, %dma_wait3A_662, %dma_wait3A_663] : memref<50x4x128x8x128xf32, #tpu.memory_space<hbm>> -> memref<1x1x4x8x128xf32, #tpu.memory_space<hbm>>
        %dma_wait3A_665 = tpu.memref_squeeze %dma_wait3A_664 : memref<1x1x4x8x128xf32, #tpu.memory_space<hbm>> -> memref<4x8x128xf32, #tpu.memory_space<hbm>>
        %dma_wait3A_666 = arith.constant 0 : i32
        %dma_wait3A_667 = arith.constant 0 : i32
        %dma_wait3A_668 = tpu.memref_slice %arg4[%add3A_593, %dma_wait3A_656, %add3A_614, %dma_wait3A_666, %dma_wait3A_667] : memref<50x4x128x8x128xf32, #tpu.memory_space<hbm>> -> memref<1x1x4x8x128xf32, #tpu.memory_space<hbm>>
        %dma_wait3A_669 = tpu.memref_squeeze %dma_wait3A_668 : memref<1x1x4x8x128xf32, #tpu.memory_space<hbm>> -> memref<4x8x128xf32, #tpu.memory_space<hbm>>
        %dma_wait3A_670 = arith.constant 0 : i32
        %dma_wait3A_671 = arith.constant 0 : i32
        %dma_wait3A_672 = arith.constant 0 : i32
        %dma_wait3A_673 = tpu.memref_slice %arg10[%dma_wait3A_655, %dma_wait3A_670, %dma_wait3A_671, %dma_wait3A_672] : memref<4x4x8x128xf32, #tpu.memory_space<vmem>> -> memref<1x4x8x128xf32, #tpu.memory_space<vmem>>
        %dma_wait3A_674 = tpu.memref_squeeze %dma_wait3A_673 : memref<1x4x8x128xf32, #tpu.memory_space<vmem>> -> memref<4x8x128xf32, #tpu.memory_space<vmem>>
        tpu.wait_dma2 semaphore(%arg14 : memref<!tpu.dma_semaphore, #tpu.memory_space<semaphore_mem>>) src(%dma_wait3A_674 : memref<4x8x128xf32, #tpu.memory_space<vmem>>) dst(%dma_wait3A_669 : memref<4x8x128xf32, #tpu.memory_space<hbm>>)
        %dma_wait3A_675 = arith.constant 3 : i32
        %dma_wait3A_676 = arith.constant 3 : i32
        %dma_wait3A_677 = arith.constant 0 : i32
        %dma_wait3A_678 = arith.constant 0 : i32
        %dma_wait3A_679 = arith.constant 0 : i32
        %dma_wait3A_680 = tpu.memref_slice %arg10[%dma_wait3A_675, %dma_wait3A_677, %dma_wait3A_678, %dma_wait3A_679] : memref<4x4x8x128xf32, #tpu.memory_space<vmem>> -> memref<1x4x8x128xf32, #tpu.memory_space<vmem>>
        %dma_wait3A_681 = tpu.memref_squeeze %dma_wait3A_680 : memref<1x4x8x128xf32, #tpu.memory_space<vmem>> -> memref<4x8x128xf32, #tpu.memory_space<vmem>>
        %dma_wait3A_682 = arith.constant 0 : i32
        %dma_wait3A_683 = arith.constant 0 : i32
        %dma_wait3A_684 = tpu.memref_slice %arg4[%add3A_593, %dma_wait3A_676, %add3A_614, %dma_wait3A_682, %dma_wait3A_683] : memref<50x4x128x8x128xf32, #tpu.memory_space<hbm>> -> memref<1x1x4x8x128xf32, #tpu.memory_space<hbm>>
        %dma_wait3A_685 = tpu.memref_squeeze %dma_wait3A_684 : memref<1x1x4x8x128xf32, #tpu.memory_space<hbm>> -> memref<4x8x128xf32, #tpu.memory_space<hbm>>
        %dma_wait3A_686 = arith.constant 0 : i32
        %dma_wait3A_687 = arith.constant 0 : i32
        %dma_wait3A_688 = tpu.memref_slice %arg4[%add3A_593, %dma_wait3A_676, %add3A_614, %dma_wait3A_686, %dma_wait3A_687] : memref<50x4x128x8x128xf32, #tpu.memory_space<hbm>> -> memref<1x1x4x8x128xf32, #tpu.memory_space<hbm>>
        %dma_wait3A_689 = tpu.memref_squeeze %dma_wait3A_688 : memref<1x1x4x8x128xf32, #tpu.memory_space<hbm>> -> memref<4x8x128xf32, #tpu.memory_space<hbm>>
        %dma_wait3A_690 = arith.constant 0 : i32
        %dma_wait3A_691 = arith.constant 0 : i32
        %dma_wait3A_692 = arith.constant 0 : i32
        %dma_wait3A_693 = tpu.memref_slice %arg10[%dma_wait3A_675, %dma_wait3A_690, %dma_wait3A_691, %dma_wait3A_692] : memref<4x4x8x128xf32, #tpu.memory_space<vmem>> -> memref<1x4x8x128xf32, #tpu.memory_space<vmem>>
        %dma_wait3A_694 = tpu.memref_squeeze %dma_wait3A_693 : memref<1x4x8x128xf32, #tpu.memory_space<vmem>> -> memref<4x8x128xf32, #tpu.memory_space<vmem>>
        tpu.wait_dma2 semaphore(%arg14 : memref<!tpu.dma_semaphore, #tpu.memory_space<semaphore_mem>>) src(%dma_wait3A_694 : memref<4x8x128xf32, #tpu.memory_space<vmem>>) dst(%dma_wait3A_689 : memref<4x8x128xf32, #tpu.memory_space<hbm>>)
      } else {
      }
      %parallel_loop3A_288 = arith.constant 0 : i32
      %parallel_loop3A_289 = arith.constant 32 : i32
      %parallel_loop3A_290 = arith.constant 1 : i32
      scf.for %parallel_loop3A_565 = %parallel_loop3A_288 to %parallel_loop3A_289 step %parallel_loop3A_290  : i32 {
        %parallel_loop3A_566 = vector.broadcast %parallel_loop3A_565 : i32 to vector<16xi32>
        %parallel_loop3A_567 = arith.constant 8 : i32
        %parallel_loop3A_568 = arith.divsi %parallel_loop3A_565, %parallel_loop3A_567 : i32
        %parallel_loop3A_569 = arith.constant 0 : i32
        %parallel_loop3A_570 = arith.cmpi sgt, %parallel_loop3A_565, %parallel_loop3A_569 : i32
        %parallel_loop3A_571 = arith.extui %parallel_loop3A_570 : i1 to i32
        %parallel_loop3A_572 = arith.constant 0 : i32
        %parallel_loop3A_573 = arith.cmpi slt, %parallel_loop3A_565, %parallel_loop3A_572 : i32
        %parallel_loop3A_574 = arith.extui %parallel_loop3A_573 : i1 to i32
        %parallel_loop3A_575 = arith.subi %parallel_loop3A_571, %parallel_loop3A_574 : i32
        %parallel_loop3A_576 = arith.constant 0 : i32
        %parallel_loop3A_577 = arith.cmpi sgt, %parallel_loop3A_567, %parallel_loop3A_576 : i32
        %parallel_loop3A_578 = arith.extui %parallel_loop3A_577 : i1 to i32
        %parallel_loop3A_579 = arith.constant 0 : i32
        %parallel_loop3A_580 = arith.cmpi slt, %parallel_loop3A_567, %parallel_loop3A_579 : i32
        %parallel_loop3A_581 = arith.extui %parallel_loop3A_580 : i1 to i32
        %parallel_loop3A_582 = arith.subi %parallel_loop3A_578, %parallel_loop3A_581 : i32
        %parallel_loop3A_583 = arith.cmpi ne, %parallel_loop3A_575, %parallel_loop3A_582 : i32
        %parallel_loop3A_584 = arith.remsi %parallel_loop3A_565, %parallel_loop3A_567 : i32
        %parallel_loop3A_585 = arith.constant 0 : i32
        %parallel_loop3A_586 = arith.cmpi ne, %parallel_loop3A_584, %parallel_loop3A_585 : i32
        %parallel_loop3A_587 = arith.andi %parallel_loop3A_583, %parallel_loop3A_586 : i1
        %parallel_loop3A_588 = arith.constant 1 : i32
        %parallel_loop3A_589 = arith.subi %parallel_loop3A_568, %parallel_loop3A_588 : i32
        %parallel_loop3A_590 = arith.select %parallel_loop3A_587, %parallel_loop3A_589, %parallel_loop3A_568 : i32
        %parallel_loop3A_591 = arith.constant 8 : i32
        %parallel_loop3A_592 = arith.constant 0 : i32
        %parallel_loop3A_593 = arith.cmpi eq, %parallel_loop3A_591, %parallel_loop3A_592 : i32
        %parallel_loop3A_594 = arith.constant 1 : i32
        %parallel_loop3A_595 = arith.select %parallel_loop3A_593, %parallel_loop3A_594, %parallel_loop3A_591 : i32
        %parallel_loop3A_596 = arith.remsi %parallel_loop3A_565, %parallel_loop3A_595 : i32
        %parallel_loop3A_597 = arith.constant 0 : i32
        %parallel_loop3A_598 = arith.cmpi ne, %parallel_loop3A_596, %parallel_loop3A_597 : i32
        %parallel_loop3A_599 = arith.constant 0 : i32
        %parallel_loop3A_600 = arith.cmpi slt, %parallel_loop3A_596, %parallel_loop3A_599 : i32
        %parallel_loop3A_601 = arith.constant 0 : i32
        %parallel_loop3A_602 = arith.cmpi slt, %parallel_loop3A_595, %parallel_loop3A_601 : i32
        %parallel_loop3A_603 = arith.xori %parallel_loop3A_600, %parallel_loop3A_602 : i1
        %parallel_loop3A_604 = arith.andi %parallel_loop3A_603, %parallel_loop3A_598 : i1
        %parallel_loop3A_605 = arith.addi %parallel_loop3A_596, %parallel_loop3A_595 : i32
        %parallel_loop3A_606 = arith.select %parallel_loop3A_604, %parallel_loop3A_605, %parallel_loop3A_596 : i32
        %parallel_loop3A_607 = arith.constant 0 : i32
        %parallel_loop3A_608 = vector.broadcast %parallel_loop3A_607 : i32 to vector<16xi32>
        %parallel_loop3A_609 = arith.addi %iota3A, %parallel_loop3A_608 : vector<16xi32>
        %parallel_loop3A_610 = tpu.vector_load_idx %arg8[%parallel_loop3A_609, %parallel_loop3A_566] : memref<512x32xf32, #tpu.memory_space<vmem>>[vector<16xi32>, vector<16xi32>], vector<16xf32>,
        %parallel_loop3A_611 = arith.constant 0 : i32
        %parallel_loop3A_612 = arith.index_cast %parallel_loop3A_590 : i32 to index
        %parallel_loop3A_613 = arith.index_cast %parallel_loop3A_611 : i32 to index
        %parallel_loop3A_614 = arith.index_cast %parallel_loop3A_606 : i32 to index
        %parallel_loop3A_615 = arith.constant 0 : index
        %parallel_loop3A_616 = tpu.vector_load %arg10[%parallel_loop3A_612, %parallel_loop3A_613, %parallel_loop3A_614, %parallel_loop3A_615] {strides = array<i32>} : memref<4x4x8x128xf32, #tpu.memory_space<vmem>>, vector<16xf32>,
        tpu.vector_store %arg10[%parallel_loop3A_612, %parallel_loop3A_613, %parallel_loop3A_614, %parallel_loop3A_615], %parallel_loop3A_610 {strides = array<i32>} : memref<4x4x8x128xf32, #tpu.memory_space<vmem>>, vector<16xf32>,
        %parallel_loop3A_617 = arith.constant 16 : i32
        %parallel_loop3A_618 = vector.broadcast %parallel_loop3A_617 : i32 to vector<16xi32>
        %parallel_loop3A_619 = arith.addi %iota3A, %parallel_loop3A_618 : vector<16xi32>
        %parallel_loop3A_620 = tpu.vector_load_idx %arg8[%parallel_loop3A_619, %parallel_loop3A_566] : memref<512x32xf32, #tpu.memory_space<vmem>>[vector<16xi32>, vector<16xi32>], vector<16xf32>,
        %parallel_loop3A_621 = arith.constant 0 : i32
        %parallel_loop3A_622 = arith.index_cast %parallel_loop3A_590 : i32 to index
        %parallel_loop3A_623 = arith.index_cast %parallel_loop3A_621 : i32 to index
        %parallel_loop3A_624 = arith.index_cast %parallel_loop3A_606 : i32 to index
        %parallel_loop3A_625 = arith.constant 16 : index
        %parallel_loop3A_626 = tpu.vector_load %arg10[%parallel_loop3A_622, %parallel_loop3A_623, %parallel_loop3A_624, %parallel_loop3A_625] {strides = array<i32>} : memref<4x4x8x128xf32, #tpu.memory_space<vmem>>, vector<16xf32>,
        tpu.vector_store %arg10[%parallel_loop3A_622, %parallel_loop3A_623, %parallel_loop3A_624, %parallel_loop3A_625], %parallel_loop3A_620 {strides = array<i32>} : memref<4x4x8x128xf32, #tpu.memory_space<vmem>>, vector<16xf32>,
        %parallel_loop3A_627 = arith.constant 32 : i32
        %parallel_loop3A_628 = vector.broadcast %parallel_loop3A_627 : i32 to vector<16xi32>
        %parallel_loop3A_629 = arith.addi %iota3A, %parallel_loop3A_628 : vector<16xi32>
        %parallel_loop3A_630 = tpu.vector_load_idx %arg8[%parallel_loop3A_629, %parallel_loop3A_566] : memref<512x32xf32, #tpu.memory_space<vmem>>[vector<16xi32>, vector<16xi32>], vector<16xf32>,
        %parallel_loop3A_631 = arith.constant 0 : i32
        %parallel_loop3A_632 = arith.index_cast %parallel_loop3A_590 : i32 to index
        %parallel_loop3A_633 = arith.index_cast %parallel_loop3A_631 : i32 to index
        %parallel_loop3A_634 = arith.index_cast %parallel_loop3A_606 : i32 to index
        %parallel_loop3A_635 = arith.constant 32 : index
        %parallel_loop3A_636 = tpu.vector_load %arg10[%parallel_loop3A_632, %parallel_loop3A_633, %parallel_loop3A_634, %parallel_loop3A_635] {strides = array<i32>} : memref<4x4x8x128xf32, #tpu.memory_space<vmem>>, vector<16xf32>,
        tpu.vector_store %arg10[%parallel_loop3A_632, %parallel_loop3A_633, %parallel_loop3A_634, %parallel_loop3A_635], %parallel_loop3A_630 {strides = array<i32>} : memref<4x4x8x128xf32, #tpu.memory_space<vmem>>, vector<16xf32>,
        %parallel_loop3A_637 = arith.constant 48 : i32
        %parallel_loop3A_638 = vector.broadcast %parallel_loop3A_637 : i32 to vector<16xi32>
        %parallel_loop3A_639 = arith.addi %iota3A, %parallel_loop3A_638 : vector<16xi32>
        %parallel_loop3A_640 = tpu.vector_load_idx %arg8[%parallel_loop3A_639, %parallel_loop3A_566] : memref<512x32xf32, #tpu.memory_space<vmem>>[vector<16xi32>, vector<16xi32>], vector<16xf32>,
        %parallel_loop3A_641 = arith.constant 0 : i32
        %parallel_loop3A_642 = arith.index_cast %parallel_loop3A_590 : i32 to index
        %parallel_loop3A_643 = arith.index_cast %parallel_loop3A_641 : i32 to index
        %parallel_loop3A_644 = arith.index_cast %parallel_loop3A_606 : i32 to index
        %parallel_loop3A_645 = arith.constant 48 : index
        %parallel_loop3A_646 = tpu.vector_load %arg10[%parallel_loop3A_642, %parallel_loop3A_643, %parallel_loop3A_644, %parallel_loop3A_645] {strides = array<i32>} : memref<4x4x8x128xf32, #tpu.memory_space<vmem>>, vector<16xf32>,
        tpu.vector_store %arg10[%parallel_loop3A_642, %parallel_loop3A_643, %parallel_loop3A_644, %parallel_loop3A_645], %parallel_loop3A_640 {strides = array<i32>} : memref<4x4x8x128xf32, #tpu.memory_space<vmem>>, vector<16xf32>,
        %parallel_loop3A_647 = arith.constant 64 : i32
        %parallel_loop3A_648 = vector.broadcast %parallel_loop3A_647 : i32 to vector<16xi32>
        %parallel_loop3A_649 = arith.addi %iota3A, %parallel_loop3A_648 : vector<16xi32>
        %parallel_loop3A_650 = tpu.vector_load_idx %arg8[%parallel_loop3A_649, %parallel_loop3A_566] : memref<512x32xf32, #tpu.memory_space<vmem>>[vector<16xi32>, vector<16xi32>], vector<16xf32>,
        %parallel_loop3A_651 = arith.constant 0 : i32
        %parallel_loop3A_652 = arith.index_cast %parallel_loop3A_590 : i32 to index
        %parallel_loop3A_653 = arith.index_cast %parallel_loop3A_651 : i32 to index
        %parallel_loop3A_654 = arith.index_cast %parallel_loop3A_606 : i32 to index
        %parallel_loop3A_655 = arith.constant 64 : index
        %parallel_loop3A_656 = tpu.vector_load %arg10[%parallel_loop3A_652, %parallel_loop3A_653, %parallel_loop3A_654, %parallel_loop3A_655] {strides = array<i32>} : memref<4x4x8x128xf32, #tpu.memory_space<vmem>>, vector<16xf32>,
        tpu.vector_store %arg10[%parallel_loop3A_652, %parallel_loop3A_653, %parallel_loop3A_654, %parallel_loop3A_655], %parallel_loop3A_650 {strides = array<i32>} : memref<4x4x8x128xf32, #tpu.memory_space<vmem>>, vector<16xf32>,
        %parallel_loop3A_657 = arith.constant 80 : i32
        %parallel_loop3A_658 = vector.broadcast %parallel_loop3A_657 : i32 to vector<16xi32>
        %parallel_loop3A_659 = arith.addi %iota3A, %parallel_loop3A_658 : vector<16xi32>
        %parallel_loop3A_660 = tpu.vector_load_idx %arg8[%parallel_loop3A_659, %parallel_loop3A_566] : memref<512x32xf32, #tpu.memory_space<vmem>>[vector<16xi32>, vector<16xi32>], vector<16xf32>,
        %parallel_loop3A_661 = arith.constant 0 : i32
        %parallel_loop3A_662 = arith.index_cast %parallel_loop3A_590 : i32 to index
        %parallel_loop3A_663 = arith.index_cast %parallel_loop3A_661 : i32 to index
        %parallel_loop3A_664 = arith.index_cast %parallel_loop3A_606 : i32 to index
        %parallel_loop3A_665 = arith.constant 80 : index
        %parallel_loop3A_666 = tpu.vector_load %arg10[%parallel_loop3A_662, %parallel_loop3A_663, %parallel_loop3A_664, %parallel_loop3A_665] {strides = array<i32>} : memref<4x4x8x128xf32, #tpu.memory_space<vmem>>, vector<16xf32>,
        tpu.vector_store %arg10[%parallel_loop3A_662, %parallel_loop3A_663, %parallel_loop3A_664, %parallel_loop3A_665], %parallel_loop3A_660 {strides = array<i32>} : memref<4x4x8x128xf32, #tpu.memory_space<vmem>>, vector<16xf32>,
        %parallel_loop3A_667 = arith.constant 96 : i32
        %parallel_loop3A_668 = vector.broadcast %parallel_loop3A_667 : i32 to vector<16xi32>
        %parallel_loop3A_669 = arith.addi %iota3A, %parallel_loop3A_668 : vector<16xi32>
        %parallel_loop3A_670 = tpu.vector_load_idx %arg8[%parallel_loop3A_669, %parallel_loop3A_566] : memref<512x32xf32, #tpu.memory_space<vmem>>[vector<16xi32>, vector<16xi32>], vector<16xf32>,
        %parallel_loop3A_671 = arith.constant 0 : i32
        %parallel_loop3A_672 = arith.index_cast %parallel_loop3A_590 : i32 to index
        %parallel_loop3A_673 = arith.index_cast %parallel_loop3A_671 : i32 to index
        %parallel_loop3A_674 = arith.index_cast %parallel_loop3A_606 : i32 to index
        %parallel_loop3A_675 = arith.constant 96 : index
        %parallel_loop3A_676 = tpu.vector_load %arg10[%parallel_loop3A_672, %parallel_loop3A_673, %parallel_loop3A_674, %parallel_loop3A_675] {strides = array<i32>} : memref<4x4x8x128xf32, #tpu.memory_space<vmem>>, vector<16xf32>,
        tpu.vector_store %arg10[%parallel_loop3A_672, %parallel_loop3A_673, %parallel_loop3A_674, %parallel_loop3A_675], %parallel_loop3A_670 {strides = array<i32>} : memref<4x4x8x128xf32, #tpu.memory_space<vmem>>, vector<16xf32>,
        %parallel_loop3A_677 = arith.constant 112 : i32
        %parallel_loop3A_678 = vector.broadcast %parallel_loop3A_677 : i32 to vector<16xi32>
        %parallel_loop3A_679 = arith.addi %iota3A, %parallel_loop3A_678 : vector<16xi32>
        %parallel_loop3A_680 = tpu.vector_load_idx %arg8[%parallel_loop3A_679, %parallel_loop3A_566] : memref<512x32xf32, #tpu.memory_space<vmem>>[vector<16xi32>, vector<16xi32>], vector<16xf32>,
        %parallel_loop3A_681 = arith.constant 0 : i32
        %parallel_loop3A_682 = arith.index_cast %parallel_loop3A_590 : i32 to index
        %parallel_loop3A_683 = arith.index_cast %parallel_loop3A_681 : i32 to index
        %parallel_loop3A_684 = arith.index_cast %parallel_loop3A_606 : i32 to index
        %parallel_loop3A_685 = arith.constant 112 : index
        %parallel_loop3A_686 = tpu.vector_load %arg10[%parallel_loop3A_682, %parallel_loop3A_683, %parallel_loop3A_684, %parallel_loop3A_685] {strides = array<i32>} : memref<4x4x8x128xf32, #tpu.memory_space<vmem>>, vector<16xf32>,
        tpu.vector_store %arg10[%parallel_loop3A_682, %parallel_loop3A_683, %parallel_loop3A_684, %parallel_loop3A_685], %parallel_loop3A_680 {strides = array<i32>} : memref<4x4x8x128xf32, #tpu.memory_space<vmem>>, vector<16xf32>,
        %parallel_loop3A_687 = arith.constant 128 : i32
        %parallel_loop3A_688 = vector.broadcast %parallel_loop3A_687 : i32 to vector<16xi32>
        %parallel_loop3A_689 = arith.addi %iota3A, %parallel_loop3A_688 : vector<16xi32>
        %parallel_loop3A_690 = tpu.vector_load_idx %arg8[%parallel_loop3A_689, %parallel_loop3A_566] : memref<512x32xf32, #tpu.memory_space<vmem>>[vector<16xi32>, vector<16xi32>], vector<16xf32>,
        %parallel_loop3A_691 = arith.constant 1 : i32
        %parallel_loop3A_692 = arith.index_cast %parallel_loop3A_590 : i32 to index
        %parallel_loop3A_693 = arith.index_cast %parallel_loop3A_691 : i32 to index
        %parallel_loop3A_694 = arith.index_cast %parallel_loop3A_606 : i32 to index
        %parallel_loop3A_695 = arith.constant 0 : index
        %parallel_loop3A_696 = tpu.vector_load %arg10[%parallel_loop3A_692, %parallel_loop3A_693, %parallel_loop3A_694, %parallel_loop3A_695] {strides = array<i32>} : memref<4x4x8x128xf32, #tpu.memory_space<vmem>>, vector<16xf32>,
        tpu.vector_store %arg10[%parallel_loop3A_692, %parallel_loop3A_693, %parallel_loop3A_694, %parallel_loop3A_695], %parallel_loop3A_690 {strides = array<i32>} : memref<4x4x8x128xf32, #tpu.memory_space<vmem>>, vector<16xf32>,
        %parallel_loop3A_697 = arith.constant 144 : i32
        %parallel_loop3A_698 = vector.broadcast %parallel_loop3A_697 : i32 to vector<16xi32>
        %parallel_loop3A_699 = arith.addi %iota3A, %parallel_loop3A_698 : vector<16xi32>
        %parallel_loop3A_700 = tpu.vector_load_idx %arg8[%parallel_loop3A_699, %parallel_loop3A_566] : memref<512x32xf32, #tpu.memory_space<vmem>>[vector<16xi32>, vector<16xi32>], vector<16xf32>,
        %parallel_loop3A_701 = arith.constant 1 : i32
        %parallel_loop3A_702 = arith.index_cast %parallel_loop3A_590 : i32 to index
        %parallel_loop3A_703 = arith.index_cast %parallel_loop3A_701 : i32 to index
        %parallel_loop3A_704 = arith.index_cast %parallel_loop3A_606 : i32 to index
        %parallel_loop3A_705 = arith.constant 16 : index
        %parallel_loop3A_706 = tpu.vector_load %arg10[%parallel_loop3A_702, %parallel_loop3A_703, %parallel_loop3A_704, %parallel_loop3A_705] {strides = array<i32>} : memref<4x4x8x128xf32, #tpu.memory_space<vmem>>, vector<16xf32>,
        tpu.vector_store %arg10[%parallel_loop3A_702, %parallel_loop3A_703, %parallel_loop3A_704, %parallel_loop3A_705], %parallel_loop3A_700 {strides = array<i32>} : memref<4x4x8x128xf32, #tpu.memory_space<vmem>>, vector<16xf32>,
        %parallel_loop3A_707 = arith.constant 160 : i32
        %parallel_loop3A_708 = vector.broadcast %parallel_loop3A_707 : i32 to vector<16xi32>
        %parallel_loop3A_709 = arith.addi %iota3A, %parallel_loop3A_708 : vector<16xi32>
        %parallel_loop3A_710 = tpu.vector_load_idx %arg8[%parallel_loop3A_709, %parallel_loop3A_566] : memref<512x32xf32, #tpu.memory_space<vmem>>[vector<16xi32>, vector<16xi32>], vector<16xf32>,
        %parallel_loop3A_711 = arith.constant 1 : i32
        %parallel_loop3A_712 = arith.index_cast %parallel_loop3A_590 : i32 to index
        %parallel_loop3A_713 = arith.index_cast %parallel_loop3A_711 : i32 to index
        %parallel_loop3A_714 = arith.index_cast %parallel_loop3A_606 : i32 to index
        %parallel_loop3A_715 = arith.constant 32 : index
        %parallel_loop3A_716 = tpu.vector_load %arg10[%parallel_loop3A_712, %parallel_loop3A_713, %parallel_loop3A_714, %parallel_loop3A_715] {strides = array<i32>} : memref<4x4x8x128xf32, #tpu.memory_space<vmem>>, vector<16xf32>,
        tpu.vector_store %arg10[%parallel_loop3A_712, %parallel_loop3A_713, %parallel_loop3A_714, %parallel_loop3A_715], %parallel_loop3A_710 {strides = array<i32>} : memref<4x4x8x128xf32, #tpu.memory_space<vmem>>, vector<16xf32>,
        %parallel_loop3A_717 = arith.constant 176 : i32
        %parallel_loop3A_718 = vector.broadcast %parallel_loop3A_717 : i32 to vector<16xi32>
        %parallel_loop3A_719 = arith.addi %iota3A, %parallel_loop3A_718 : vector<16xi32>
        %parallel_loop3A_720 = tpu.vector_load_idx %arg8[%parallel_loop3A_719, %parallel_loop3A_566] : memref<512x32xf32, #tpu.memory_space<vmem>>[vector<16xi32>, vector<16xi32>], vector<16xf32>,
        %parallel_loop3A_721 = arith.constant 1 : i32
        %parallel_loop3A_722 = arith.index_cast %parallel_loop3A_590 : i32 to index
        %parallel_loop3A_723 = arith.index_cast %parallel_loop3A_721 : i32 to index
        %parallel_loop3A_724 = arith.index_cast %parallel_loop3A_606 : i32 to index
        %parallel_loop3A_725 = arith.constant 48 : index
        %parallel_loop3A_726 = tpu.vector_load %arg10[%parallel_loop3A_722, %parallel_loop3A_723, %parallel_loop3A_724, %parallel_loop3A_725] {strides = array<i32>} : memref<4x4x8x128xf32, #tpu.memory_space<vmem>>, vector<16xf32>,
        tpu.vector_store %arg10[%parallel_loop3A_722, %parallel_loop3A_723, %parallel_loop3A_724, %parallel_loop3A_725], %parallel_loop3A_720 {strides = array<i32>} : memref<4x4x8x128xf32, #tpu.memory_space<vmem>>, vector<16xf32>,
        %parallel_loop3A_727 = arith.constant 192 : i32
        %parallel_loop3A_728 = vector.broadcast %parallel_loop3A_727 : i32 to vector<16xi32>
        %parallel_loop3A_729 = arith.addi %iota3A, %parallel_loop3A_728 : vector<16xi32>
        %parallel_loop3A_730 = tpu.vector_load_idx %arg8[%parallel_loop3A_729, %parallel_loop3A_566] : memref<512x32xf32, #tpu.memory_space<vmem>>[vector<16xi32>, vector<16xi32>], vector<16xf32>,
        %parallel_loop3A_731 = arith.constant 1 : i32
        %parallel_loop3A_732 = arith.index_cast %parallel_loop3A_590 : i32 to index
        %parallel_loop3A_733 = arith.index_cast %parallel_loop3A_731 : i32 to index
        %parallel_loop3A_734 = arith.index_cast %parallel_loop3A_606 : i32 to index
        %parallel_loop3A_735 = arith.constant 64 : index
        %parallel_loop3A_736 = tpu.vector_load %arg10[%parallel_loop3A_732, %parallel_loop3A_733, %parallel_loop3A_734, %parallel_loop3A_735] {strides = array<i32>} : memref<4x4x8x128xf32, #tpu.memory_space<vmem>>, vector<16xf32>,
        tpu.vector_store %arg10[%parallel_loop3A_732, %parallel_loop3A_733, %parallel_loop3A_734, %parallel_loop3A_735], %parallel_loop3A_730 {strides = array<i32>} : memref<4x4x8x128xf32, #tpu.memory_space<vmem>>, vector<16xf32>,
        %parallel_loop3A_737 = arith.constant 208 : i32
        %parallel_loop3A_738 = vector.broadcast %parallel_loop3A_737 : i32 to vector<16xi32>
        %parallel_loop3A_739 = arith.addi %iota3A, %parallel_loop3A_738 : vector<16xi32>
        %parallel_loop3A_740 = tpu.vector_load_idx %arg8[%parallel_loop3A_739, %parallel_loop3A_566] : memref<512x32xf32, #tpu.memory_space<vmem>>[vector<16xi32>, vector<16xi32>], vector<16xf32>,
        %parallel_loop3A_741 = arith.constant 1 : i32
        %parallel_loop3A_742 = arith.index_cast %parallel_loop3A_590 : i32 to index
        %parallel_loop3A_743 = arith.index_cast %parallel_loop3A_741 : i32 to index
        %parallel_loop3A_744 = arith.index_cast %parallel_loop3A_606 : i32 to index
        %parallel_loop3A_745 = arith.constant 80 : index
        %parallel_loop3A_746 = tpu.vector_load %arg10[%parallel_loop3A_742, %parallel_loop3A_743, %parallel_loop3A_744, %parallel_loop3A_745] {strides = array<i32>} : memref<4x4x8x128xf32, #tpu.memory_space<vmem>>, vector<16xf32>,
        tpu.vector_store %arg10[%parallel_loop3A_742, %parallel_loop3A_743, %parallel_loop3A_744, %parallel_loop3A_745], %parallel_loop3A_740 {strides = array<i32>} : memref<4x4x8x128xf32, #tpu.memory_space<vmem>>, vector<16xf32>,
        %parallel_loop3A_747 = arith.constant 224 : i32
        %parallel_loop3A_748 = vector.broadcast %parallel_loop3A_747 : i32 to vector<16xi32>
        %parallel_loop3A_749 = arith.addi %iota3A, %parallel_loop3A_748 : vector<16xi32>
        %parallel_loop3A_750 = tpu.vector_load_idx %arg8[%parallel_loop3A_749, %parallel_loop3A_566] : memref<512x32xf32, #tpu.memory_space<vmem>>[vector<16xi32>, vector<16xi32>], vector<16xf32>,
        %parallel_loop3A_751 = arith.constant 1 : i32
        %parallel_loop3A_752 = arith.index_cast %parallel_loop3A_590 : i32 to index
        %parallel_loop3A_753 = arith.index_cast %parallel_loop3A_751 : i32 to index
        %parallel_loop3A_754 = arith.index_cast %parallel_loop3A_606 : i32 to index
        %parallel_loop3A_755 = arith.constant 96 : index
        %parallel_loop3A_756 = tpu.vector_load %arg10[%parallel_loop3A_752, %parallel_loop3A_753, %parallel_loop3A_754, %parallel_loop3A_755] {strides = array<i32>} : memref<4x4x8x128xf32, #tpu.memory_space<vmem>>, vector<16xf32>,
        tpu.vector_store %arg10[%parallel_loop3A_752, %parallel_loop3A_753, %parallel_loop3A_754, %parallel_loop3A_755], %parallel_loop3A_750 {strides = array<i32>} : memref<4x4x8x128xf32, #tpu.memory_space<vmem>>, vector<16xf32>,
        %parallel_loop3A_757 = arith.constant 240 : i32
        %parallel_loop3A_758 = vector.broadcast %parallel_loop3A_757 : i32 to vector<16xi32>
        %parallel_loop3A_759 = arith.addi %iota3A, %parallel_loop3A_758 : vector<16xi32>
        %parallel_loop3A_760 = tpu.vector_load_idx %arg8[%parallel_loop3A_759, %parallel_loop3A_566] : memref<512x32xf32, #tpu.memory_space<vmem>>[vector<16xi32>, vector<16xi32>], vector<16xf32>,
        %parallel_loop3A_761 = arith.constant 1 : i32
        %parallel_loop3A_762 = arith.index_cast %parallel_loop3A_590 : i32 to index
        %parallel_loop3A_763 = arith.index_cast %parallel_loop3A_761 : i32 to index
        %parallel_loop3A_764 = arith.index_cast %parallel_loop3A_606 : i32 to index
        %parallel_loop3A_765 = arith.constant 112 : index
        %parallel_loop3A_766 = tpu.vector_load %arg10[%parallel_loop3A_762, %parallel_loop3A_763, %parallel_loop3A_764, %parallel_loop3A_765] {strides = array<i32>} : memref<4x4x8x128xf32, #tpu.memory_space<vmem>>, vector<16xf32>,
        tpu.vector_store %arg10[%parallel_loop3A_762, %parallel_loop3A_763, %parallel_loop3A_764, %parallel_loop3A_765], %parallel_loop3A_760 {strides = array<i32>} : memref<4x4x8x128xf32, #tpu.memory_space<vmem>>, vector<16xf32>,
        %parallel_loop3A_767 = arith.constant 256 : i32
        %parallel_loop3A_768 = vector.broadcast %parallel_loop3A_767 : i32 to vector<16xi32>
        %parallel_loop3A_769 = arith.addi %iota3A, %parallel_loop3A_768 : vector<16xi32>
        %parallel_loop3A_770 = tpu.vector_load_idx %arg8[%parallel_loop3A_769, %parallel_loop3A_566] : memref<512x32xf32, #tpu.memory_space<vmem>>[vector<16xi32>, vector<16xi32>], vector<16xf32>,
        %parallel_loop3A_771 = arith.constant 2 : i32
        %parallel_loop3A_772 = arith.index_cast %parallel_loop3A_590 : i32 to index
        %parallel_loop3A_773 = arith.index_cast %parallel_loop3A_771 : i32 to index
        %parallel_loop3A_774 = arith.index_cast %parallel_loop3A_606 : i32 to index
        %parallel_loop3A_775 = arith.constant 0 : index
        %parallel_loop3A_776 = tpu.vector_load %arg10[%parallel_loop3A_772, %parallel_loop3A_773, %parallel_loop3A_774, %parallel_loop3A_775] {strides = array<i32>} : memref<4x4x8x128xf32, #tpu.memory_space<vmem>>, vector<16xf32>,
        tpu.vector_store %arg10[%parallel_loop3A_772, %parallel_loop3A_773, %parallel_loop3A_774, %parallel_loop3A_775], %parallel_loop3A_770 {strides = array<i32>} : memref<4x4x8x128xf32, #tpu.memory_space<vmem>>, vector<16xf32>,
        %parallel_loop3A_777 = arith.constant 272 : i32
        %parallel_loop3A_778 = vector.broadcast %parallel_loop3A_777 : i32 to vector<16xi32>
        %parallel_loop3A_779 = arith.addi %iota3A, %parallel_loop3A_778 : vector<16xi32>
        %parallel_loop3A_780 = tpu.vector_load_idx %arg8[%parallel_loop3A_779, %parallel_loop3A_566] : memref<512x32xf32, #tpu.memory_space<vmem>>[vector<16xi32>, vector<16xi32>], vector<16xf32>,
        %parallel_loop3A_781 = arith.constant 2 : i32
        %parallel_loop3A_782 = arith.index_cast %parallel_loop3A_590 : i32 to index
        %parallel_loop3A_783 = arith.index_cast %parallel_loop3A_781 : i32 to index
        %parallel_loop3A_784 = arith.index_cast %parallel_loop3A_606 : i32 to index
        %parallel_loop3A_785 = arith.constant 16 : index
        %parallel_loop3A_786 = tpu.vector_load %arg10[%parallel_loop3A_782, %parallel_loop3A_783, %parallel_loop3A_784, %parallel_loop3A_785] {strides = array<i32>} : memref<4x4x8x128xf32, #tpu.memory_space<vmem>>, vector<16xf32>,
        tpu.vector_store %arg10[%parallel_loop3A_782, %parallel_loop3A_783, %parallel_loop3A_784, %parallel_loop3A_785], %parallel_loop3A_780 {strides = array<i32>} : memref<4x4x8x128xf32, #tpu.memory_space<vmem>>, vector<16xf32>,
        %parallel_loop3A_787 = arith.constant 288 : i32
        %parallel_loop3A_788 = vector.broadcast %parallel_loop3A_787 : i32 to vector<16xi32>
        %parallel_loop3A_789 = arith.addi %iota3A, %parallel_loop3A_788 : vector<16xi32>
        %parallel_loop3A_790 = tpu.vector_load_idx %arg8[%parallel_loop3A_789, %parallel_loop3A_566] : memref<512x32xf32, #tpu.memory_space<vmem>>[vector<16xi32>, vector<16xi32>], vector<16xf32>,
        %parallel_loop3A_791 = arith.constant 2 : i32
        %parallel_loop3A_792 = arith.index_cast %parallel_loop3A_590 : i32 to index
        %parallel_loop3A_793 = arith.index_cast %parallel_loop3A_791 : i32 to index
        %parallel_loop3A_794 = arith.index_cast %parallel_loop3A_606 : i32 to index
        %parallel_loop3A_795 = arith.constant 32 : index
        %parallel_loop3A_796 = tpu.vector_load %arg10[%parallel_loop3A_792, %parallel_loop3A_793, %parallel_loop3A_794, %parallel_loop3A_795] {strides = array<i32>} : memref<4x4x8x128xf32, #tpu.memory_space<vmem>>, vector<16xf32>,
        tpu.vector_store %arg10[%parallel_loop3A_792, %parallel_loop3A_793, %parallel_loop3A_794, %parallel_loop3A_795], %parallel_loop3A_790 {strides = array<i32>} : memref<4x4x8x128xf32, #tpu.memory_space<vmem>>, vector<16xf32>,
        %parallel_loop3A_797 = arith.constant 304 : i32
        %parallel_loop3A_798 = vector.broadcast %parallel_loop3A_797 : i32 to vector<16xi32>
        %parallel_loop3A_799 = arith.addi %iota3A, %parallel_loop3A_798 : vector<16xi32>
        %parallel_loop3A_800 = tpu.vector_load_idx %arg8[%parallel_loop3A_799, %parallel_loop3A_566] : memref<512x32xf32, #tpu.memory_space<vmem>>[vector<16xi32>, vector<16xi32>], vector<16xf32>,
        %parallel_loop3A_801 = arith.constant 2 : i32
        %parallel_loop3A_802 = arith.index_cast %parallel_loop3A_590 : i32 to index
        %parallel_loop3A_803 = arith.index_cast %parallel_loop3A_801 : i32 to index
        %parallel_loop3A_804 = arith.index_cast %parallel_loop3A_606 : i32 to index
        %parallel_loop3A_805 = arith.constant 48 : index
        %parallel_loop3A_806 = tpu.vector_load %arg10[%parallel_loop3A_802, %parallel_loop3A_803, %parallel_loop3A_804, %parallel_loop3A_805] {strides = array<i32>} : memref<4x4x8x128xf32, #tpu.memory_space<vmem>>, vector<16xf32>,
        tpu.vector_store %arg10[%parallel_loop3A_802, %parallel_loop3A_803, %parallel_loop3A_804, %parallel_loop3A_805], %parallel_loop3A_800 {strides = array<i32>} : memref<4x4x8x128xf32, #tpu.memory_space<vmem>>, vector<16xf32>,
        %parallel_loop3A_807 = arith.constant 320 : i32
        %parallel_loop3A_808 = vector.broadcast %parallel_loop3A_807 : i32 to vector<16xi32>
        %parallel_loop3A_809 = arith.addi %iota3A, %parallel_loop3A_808 : vector<16xi32>
        %parallel_loop3A_810 = tpu.vector_load_idx %arg8[%parallel_loop3A_809, %parallel_loop3A_566] : memref<512x32xf32, #tpu.memory_space<vmem>>[vector<16xi32>, vector<16xi32>], vector<16xf32>,
        %parallel_loop3A_811 = arith.constant 2 : i32
        %parallel_loop3A_812 = arith.index_cast %parallel_loop3A_590 : i32 to index
        %parallel_loop3A_813 = arith.index_cast %parallel_loop3A_811 : i32 to index
        %parallel_loop3A_814 = arith.index_cast %parallel_loop3A_606 : i32 to index
        %parallel_loop3A_815 = arith.constant 64 : index
        %parallel_loop3A_816 = tpu.vector_load %arg10[%parallel_loop3A_812, %parallel_loop3A_813, %parallel_loop3A_814, %parallel_loop3A_815] {strides = array<i32>} : memref<4x4x8x128xf32, #tpu.memory_space<vmem>>, vector<16xf32>,
        tpu.vector_store %arg10[%parallel_loop3A_812, %parallel_loop3A_813, %parallel_loop3A_814, %parallel_loop3A_815], %parallel_loop3A_810 {strides = array<i32>} : memref<4x4x8x128xf32, #tpu.memory_space<vmem>>, vector<16xf32>,
        %parallel_loop3A_817 = arith.constant 336 : i32
        %parallel_loop3A_818 = vector.broadcast %parallel_loop3A_817 : i32 to vector<16xi32>
        %parallel_loop3A_819 = arith.addi %iota3A, %parallel_loop3A_818 : vector<16xi32>
        %parallel_loop3A_820 = tpu.vector_load_idx %arg8[%parallel_loop3A_819, %parallel_loop3A_566] : memref<512x32xf32, #tpu.memory_space<vmem>>[vector<16xi32>, vector<16xi32>], vector<16xf32>,
        %parallel_loop3A_821 = arith.constant 2 : i32
        %parallel_loop3A_822 = arith.index_cast %parallel_loop3A_590 : i32 to index
        %parallel_loop3A_823 = arith.index_cast %parallel_loop3A_821 : i32 to index
        %parallel_loop3A_824 = arith.index_cast %parallel_loop3A_606 : i32 to index
        %parallel_loop3A_825 = arith.constant 80 : index
        %parallel_loop3A_826 = tpu.vector_load %arg10[%parallel_loop3A_822, %parallel_loop3A_823, %parallel_loop3A_824, %parallel_loop3A_825] {strides = array<i32>} : memref<4x4x8x128xf32, #tpu.memory_space<vmem>>, vector<16xf32>,
        tpu.vector_store %arg10[%parallel_loop3A_822, %parallel_loop3A_823, %parallel_loop3A_824, %parallel_loop3A_825], %parallel_loop3A_820 {strides = array<i32>} : memref<4x4x8x128xf32, #tpu.memory_space<vmem>>, vector<16xf32>,
        %parallel_loop3A_827 = arith.constant 352 : i32
        %parallel_loop3A_828 = vector.broadcast %parallel_loop3A_827 : i32 to vector<16xi32>
        %parallel_loop3A_829 = arith.addi %iota3A, %parallel_loop3A_828 : vector<16xi32>
        %parallel_loop3A_830 = tpu.vector_load_idx %arg8[%parallel_loop3A_829, %parallel_loop3A_566] : memref<512x32xf32, #tpu.memory_space<vmem>>[vector<16xi32>, vector<16xi32>], vector<16xf32>,
        %parallel_loop3A_831 = arith.constant 2 : i32
        %parallel_loop3A_832 = arith.index_cast %parallel_loop3A_590 : i32 to index
        %parallel_loop3A_833 = arith.index_cast %parallel_loop3A_831 : i32 to index
        %parallel_loop3A_834 = arith.index_cast %parallel_loop3A_606 : i32 to index
        %parallel_loop3A_835 = arith.constant 96 : index
        %parallel_loop3A_836 = tpu.vector_load %arg10[%parallel_loop3A_832, %parallel_loop3A_833, %parallel_loop3A_834, %parallel_loop3A_835] {strides = array<i32>} : memref<4x4x8x128xf32, #tpu.memory_space<vmem>>, vector<16xf32>,
        tpu.vector_store %arg10[%parallel_loop3A_832, %parallel_loop3A_833, %parallel_loop3A_834, %parallel_loop3A_835], %parallel_loop3A_830 {strides = array<i32>} : memref<4x4x8x128xf32, #tpu.memory_space<vmem>>, vector<16xf32>,
        %parallel_loop3A_837 = arith.constant 368 : i32
        %parallel_loop3A_838 = vector.broadcast %parallel_loop3A_837 : i32 to vector<16xi32>
        %parallel_loop3A_839 = arith.addi %iota3A, %parallel_loop3A_838 : vector<16xi32>
        %parallel_loop3A_840 = tpu.vector_load_idx %arg8[%parallel_loop3A_839, %parallel_loop3A_566] : memref<512x32xf32, #tpu.memory_space<vmem>>[vector<16xi32>, vector<16xi32>], vector<16xf32>,
        %parallel_loop3A_841 = arith.constant 2 : i32
        %parallel_loop3A_842 = arith.index_cast %parallel_loop3A_590 : i32 to index
        %parallel_loop3A_843 = arith.index_cast %parallel_loop3A_841 : i32 to index
        %parallel_loop3A_844 = arith.index_cast %parallel_loop3A_606 : i32 to index
        %parallel_loop3A_845 = arith.constant 112 : index
        %parallel_loop3A_846 = tpu.vector_load %arg10[%parallel_loop3A_842, %parallel_loop3A_843, %parallel_loop3A_844, %parallel_loop3A_845] {strides = array<i32>} : memref<4x4x8x128xf32, #tpu.memory_space<vmem>>, vector<16xf32>,
        tpu.vector_store %arg10[%parallel_loop3A_842, %parallel_loop3A_843, %parallel_loop3A_844, %parallel_loop3A_845], %parallel_loop3A_840 {strides = array<i32>} : memref<4x4x8x128xf32, #tpu.memory_space<vmem>>, vector<16xf32>,
        %parallel_loop3A_847 = arith.constant 384 : i32
        %parallel_loop3A_848 = vector.broadcast %parallel_loop3A_847 : i32 to vector<16xi32>
        %parallel_loop3A_849 = arith.addi %iota3A, %parallel_loop3A_848 : vector<16xi32>
        %parallel_loop3A_850 = tpu.vector_load_idx %arg8[%parallel_loop3A_849, %parallel_loop3A_566] : memref<512x32xf32, #tpu.memory_space<vmem>>[vector<16xi32>, vector<16xi32>], vector<16xf32>,
        %parallel_loop3A_851 = arith.constant 3 : i32
        %parallel_loop3A_852 = arith.index_cast %parallel_loop3A_590 : i32 to index
        %parallel_loop3A_853 = arith.index_cast %parallel_loop3A_851 : i32 to index
        %parallel_loop3A_854 = arith.index_cast %parallel_loop3A_606 : i32 to index
        %parallel_loop3A_855 = arith.constant 0 : index
        %parallel_loop3A_856 = tpu.vector_load %arg10[%parallel_loop3A_852, %parallel_loop3A_853, %parallel_loop3A_854, %parallel_loop3A_855] {strides = array<i32>} : memref<4x4x8x128xf32, #tpu.memory_space<vmem>>, vector<16xf32>,
        tpu.vector_store %arg10[%parallel_loop3A_852, %parallel_loop3A_853, %parallel_loop3A_854, %parallel_loop3A_855], %parallel_loop3A_850 {strides = array<i32>} : memref<4x4x8x128xf32, #tpu.memory_space<vmem>>, vector<16xf32>,
        %parallel_loop3A_857 = arith.constant 400 : i32
        %parallel_loop3A_858 = vector.broadcast %parallel_loop3A_857 : i32 to vector<16xi32>
        %parallel_loop3A_859 = arith.addi %iota3A, %parallel_loop3A_858 : vector<16xi32>
        %parallel_loop3A_860 = tpu.vector_load_idx %arg8[%parallel_loop3A_859, %parallel_loop3A_566] : memref<512x32xf32, #tpu.memory_space<vmem>>[vector<16xi32>, vector<16xi32>], vector<16xf32>,
        %parallel_loop3A_861 = arith.constant 3 : i32
        %parallel_loop3A_862 = arith.index_cast %parallel_loop3A_590 : i32 to index
        %parallel_loop3A_863 = arith.index_cast %parallel_loop3A_861 : i32 to index
        %parallel_loop3A_864 = arith.index_cast %parallel_loop3A_606 : i32 to index
        %parallel_loop3A_865 = arith.constant 16 : index
        %parallel_loop3A_866 = tpu.vector_load %arg10[%parallel_loop3A_862, %parallel_loop3A_863, %parallel_loop3A_864, %parallel_loop3A_865] {strides = array<i32>} : memref<4x4x8x128xf32, #tpu.memory_space<vmem>>, vector<16xf32>,
        tpu.vector_store %arg10[%parallel_loop3A_862, %parallel_loop3A_863, %parallel_loop3A_864, %parallel_loop3A_865], %parallel_loop3A_860 {strides = array<i32>} : memref<4x4x8x128xf32, #tpu.memory_space<vmem>>, vector<16xf32>,
        %parallel_loop3A_867 = arith.constant 416 : i32
        %parallel_loop3A_868 = vector.broadcast %parallel_loop3A_867 : i32 to vector<16xi32>
        %parallel_loop3A_869 = arith.addi %iota3A, %parallel_loop3A_868 : vector<16xi32>
        %parallel_loop3A_870 = tpu.vector_load_idx %arg8[%parallel_loop3A_869, %parallel_loop3A_566] : memref<512x32xf32, #tpu.memory_space<vmem>>[vector<16xi32>, vector<16xi32>], vector<16xf32>,
        %parallel_loop3A_871 = arith.constant 3 : i32
        %parallel_loop3A_872 = arith.index_cast %parallel_loop3A_590 : i32 to index
        %parallel_loop3A_873 = arith.index_cast %parallel_loop3A_871 : i32 to index
        %parallel_loop3A_874 = arith.index_cast %parallel_loop3A_606 : i32 to index
        %parallel_loop3A_875 = arith.constant 32 : index
        %parallel_loop3A_876 = tpu.vector_load %arg10[%parallel_loop3A_872, %parallel_loop3A_873, %parallel_loop3A_874, %parallel_loop3A_875] {strides = array<i32>} : memref<4x4x8x128xf32, #tpu.memory_space<vmem>>, vector<16xf32>,
        tpu.vector_store %arg10[%parallel_loop3A_872, %parallel_loop3A_873, %parallel_loop3A_874, %parallel_loop3A_875], %parallel_loop3A_870 {strides = array<i32>} : memref<4x4x8x128xf32, #tpu.memory_space<vmem>>, vector<16xf32>,
        %parallel_loop3A_877 = arith.constant 432 : i32
        %parallel_loop3A_878 = vector.broadcast %parallel_loop3A_877 : i32 to vector<16xi32>
        %parallel_loop3A_879 = arith.addi %iota3A, %parallel_loop3A_878 : vector<16xi32>
        %parallel_loop3A_880 = tpu.vector_load_idx %arg8[%parallel_loop3A_879, %parallel_loop3A_566] : memref<512x32xf32, #tpu.memory_space<vmem>>[vector<16xi32>, vector<16xi32>], vector<16xf32>,
        %parallel_loop3A_881 = arith.constant 3 : i32
        %parallel_loop3A_882 = arith.index_cast %parallel_loop3A_590 : i32 to index
        %parallel_loop3A_883 = arith.index_cast %parallel_loop3A_881 : i32 to index
        %parallel_loop3A_884 = arith.index_cast %parallel_loop3A_606 : i32 to index
        %parallel_loop3A_885 = arith.constant 48 : index
        %parallel_loop3A_886 = tpu.vector_load %arg10[%parallel_loop3A_882, %parallel_loop3A_883, %parallel_loop3A_884, %parallel_loop3A_885] {strides = array<i32>} : memref<4x4x8x128xf32, #tpu.memory_space<vmem>>, vector<16xf32>,
        tpu.vector_store %arg10[%parallel_loop3A_882, %parallel_loop3A_883, %parallel_loop3A_884, %parallel_loop3A_885], %parallel_loop3A_880 {strides = array<i32>} : memref<4x4x8x128xf32, #tpu.memory_space<vmem>>, vector<16xf32>,
        %parallel_loop3A_887 = arith.constant 448 : i32
        %parallel_loop3A_888 = vector.broadcast %parallel_loop3A_887 : i32 to vector<16xi32>
        %parallel_loop3A_889 = arith.addi %iota3A, %parallel_loop3A_888 : vector<16xi32>
        %parallel_loop3A_890 = tpu.vector_load_idx %arg8[%parallel_loop3A_889, %parallel_loop3A_566] : memref<512x32xf32, #tpu.memory_space<vmem>>[vector<16xi32>, vector<16xi32>], vector<16xf32>,
        %parallel_loop3A_891 = arith.constant 3 : i32
        %parallel_loop3A_892 = arith.index_cast %parallel_loop3A_590 : i32 to index
        %parallel_loop3A_893 = arith.index_cast %parallel_loop3A_891 : i32 to index
        %parallel_loop3A_894 = arith.index_cast %parallel_loop3A_606 : i32 to index
        %parallel_loop3A_895 = arith.constant 64 : index
        %parallel_loop3A_896 = tpu.vector_load %arg10[%parallel_loop3A_892, %parallel_loop3A_893, %parallel_loop3A_894, %parallel_loop3A_895] {strides = array<i32>} : memref<4x4x8x128xf32, #tpu.memory_space<vmem>>, vector<16xf32>,
        tpu.vector_store %arg10[%parallel_loop3A_892, %parallel_loop3A_893, %parallel_loop3A_894, %parallel_loop3A_895], %parallel_loop3A_890 {strides = array<i32>} : memref<4x4x8x128xf32, #tpu.memory_space<vmem>>, vector<16xf32>,
        %parallel_loop3A_897 = arith.constant 464 : i32
        %parallel_loop3A_898 = vector.broadcast %parallel_loop3A_897 : i32 to vector<16xi32>
        %parallel_loop3A_899 = arith.addi %iota3A, %parallel_loop3A_898 : vector<16xi32>
        %parallel_loop3A_900 = tpu.vector_load_idx %arg8[%parallel_loop3A_899, %parallel_loop3A_566] : memref<512x32xf32, #tpu.memory_space<vmem>>[vector<16xi32>, vector<16xi32>], vector<16xf32>,
        %parallel_loop3A_901 = arith.constant 3 : i32
        %parallel_loop3A_902 = arith.index_cast %parallel_loop3A_590 : i32 to index
        %parallel_loop3A_903 = arith.index_cast %parallel_loop3A_901 : i32 to index
        %parallel_loop3A_904 = arith.index_cast %parallel_loop3A_606 : i32 to index
        %parallel_loop3A_905 = arith.constant 80 : index
        %parallel_loop3A_906 = tpu.vector_load %arg10[%parallel_loop3A_902, %parallel_loop3A_903, %parallel_loop3A_904, %parallel_loop3A_905] {strides = array<i32>} : memref<4x4x8x128xf32, #tpu.memory_space<vmem>>, vector<16xf32>,
        tpu.vector_store %arg10[%parallel_loop3A_902, %parallel_loop3A_903, %parallel_loop3A_904, %parallel_loop3A_905], %parallel_loop3A_900 {strides = array<i32>} : memref<4x4x8x128xf32, #tpu.memory_space<vmem>>, vector<16xf32>,
        %parallel_loop3A_907 = arith.constant 480 : i32
        %parallel_loop3A_908 = vector.broadcast %parallel_loop3A_907 : i32 to vector<16xi32>
        %parallel_loop3A_909 = arith.addi %iota3A, %parallel_loop3A_908 : vector<16xi32>
        %parallel_loop3A_910 = tpu.vector_load_idx %arg8[%parallel_loop3A_909, %parallel_loop3A_566] : memref<512x32xf32, #tpu.memory_space<vmem>>[vector<16xi32>, vector<16xi32>], vector<16xf32>,
        %parallel_loop3A_911 = arith.constant 3 : i32
        %parallel_loop3A_912 = arith.index_cast %parallel_loop3A_590 : i32 to index
        %parallel_loop3A_913 = arith.index_cast %parallel_loop3A_911 : i32 to index
        %parallel_loop3A_914 = arith.index_cast %parallel_loop3A_606 : i32 to index
        %parallel_loop3A_915 = arith.constant 96 : index
        %parallel_loop3A_916 = tpu.vector_load %arg10[%parallel_loop3A_912, %parallel_loop3A_913, %parallel_loop3A_914, %parallel_loop3A_915] {strides = array<i32>} : memref<4x4x8x128xf32, #tpu.memory_space<vmem>>, vector<16xf32>,
        tpu.vector_store %arg10[%parallel_loop3A_912, %parallel_loop3A_913, %parallel_loop3A_914, %parallel_loop3A_915], %parallel_loop3A_910 {strides = array<i32>} : memref<4x4x8x128xf32, #tpu.memory_space<vmem>>, vector<16xf32>,
        %parallel_loop3A_917 = arith.constant 496 : i32
        %parallel_loop3A_918 = vector.broadcast %parallel_loop3A_917 : i32 to vector<16xi32>
        %parallel_loop3A_919 = arith.addi %iota3A, %parallel_loop3A_918 : vector<16xi32>
        %parallel_loop3A_920 = tpu.vector_load_idx %arg8[%parallel_loop3A_919, %parallel_loop3A_566] : memref<512x32xf32, #tpu.memory_space<vmem>>[vector<16xi32>, vector<16xi32>], vector<16xf32>,
        %parallel_loop3A_921 = arith.constant 3 : i32
        %parallel_loop3A_922 = arith.index_cast %parallel_loop3A_590 : i32 to index
        %parallel_loop3A_923 = arith.index_cast %parallel_loop3A_921 : i32 to index
        %parallel_loop3A_924 = arith.index_cast %parallel_loop3A_606 : i32 to index
        %parallel_loop3A_925 = arith.constant 112 : index
        %parallel_loop3A_926 = tpu.vector_load %arg10[%parallel_loop3A_922, %parallel_loop3A_923, %parallel_loop3A_924, %parallel_loop3A_925] {strides = array<i32>} : memref<4x4x8x128xf32, #tpu.memory_space<vmem>>, vector<16xf32>,
        tpu.vector_store %arg10[%parallel_loop3A_922, %parallel_loop3A_923, %parallel_loop3A_924, %parallel_loop3A_925], %parallel_loop3A_920 {strides = array<i32>} : memref<4x4x8x128xf32, #tpu.memory_space<vmem>>, vector<16xf32>,
      } {sc.loop_unroll_factor = 4 : i64, sc.parallel_access}
      %mul3A_291 = arith.constant 25 : i32
      %mul3A_292 = arith.muli %select_n3A_30, %mul3A_291 : i32
      %jit3A_293 = arith.constant 2 : i32
      %div3A_294 = arith.divsi %mul3A_228, %jit3A_293 : i32
      %sign3A_295 = arith.constant 0 : i32
      %sign3A_296 = arith.cmpi sgt, %mul3A_228, %sign3A_295 : i32
      %sign3A_297 = arith.extui %sign3A_296 : i1 to i32
      %sign3A_298 = arith.constant 0 : i32
      %sign3A_299 = arith.cmpi slt, %mul3A_228, %sign3A_298 : i32
      %sign3A_300 = arith.extui %sign3A_299 : i1 to i32
      %sign3A_301 = arith.subi %sign3A_297, %sign3A_300 : i32
      %sign3A_302 = arith.constant 0 : i32
      %sign3A_303 = arith.cmpi sgt, %jit3A_293, %sign3A_302 : i32
      %sign3A_304 = arith.extui %sign3A_303 : i1 to i32
      %sign3A_305 = arith.constant 0 : i32
      %sign3A_306 = arith.cmpi slt, %jit3A_293, %sign3A_305 : i32
      %sign3A_307 = arith.extui %sign3A_306 : i1 to i32
      %sign3A_308 = arith.subi %sign3A_304, %sign3A_307 : i32
      %ne3A_309 = arith.cmpi ne, %sign3A_301, %sign3A_308 : i32
      %rem3A_310 = arith.remsi %mul3A_228, %jit3A_293 : i32
      %ne3A_311 = arith.constant 0 : i32
      %ne3A_312 = arith.cmpi ne, %rem3A_310, %ne3A_311 : i32
      %and3A_313 = arith.andi %ne3A_309, %ne3A_312 : i1
      %sub3A_314 = arith.constant 1 : i32
      %sub3A_315 = arith.subi %div3A_294, %sub3A_314 : i32
      %select_n3A_316 = arith.select %and3A_313, %sub3A_315, %div3A_294 : i32
      %add3A_317 = arith.addi %mul3A_292, %select_n3A_316 : i32
      %jit3A_318 = arith.constant 2 : i32
      %eq3A_319 = arith.constant 0 : i32
      %eq3A_320 = arith.cmpi eq, %jit3A_318, %eq3A_319 : i32
      %jit3A_321 = arith.constant 1 : i32
      %select_n3A_322 = arith.select %eq3A_320, %jit3A_321, %jit3A_318 : i32
      %rem3A_323 = arith.remsi %mul3A_228, %select_n3A_322 : i32
      %ne3A_324 = arith.constant 0 : i32
      %ne3A_325 = arith.cmpi ne, %rem3A_323, %ne3A_324 : i32
      %lt3A_326 = arith.constant 0 : i32
      %lt3A_327 = arith.cmpi slt, %rem3A_323, %lt3A_326 : i32
      %lt3A_328 = arith.constant 0 : i32
      %lt3A_329 = arith.cmpi slt, %select_n3A_322, %lt3A_328 : i32
      %ne3A_330 = arith.xori %lt3A_327, %lt3A_329 : i1
      %and3A_331 = arith.andi %ne3A_330, %ne3A_325 : i1
      %add3A_332 = arith.addi %rem3A_323, %select_n3A_322 : i32
      %select_n3A_333 = arith.select %and3A_331, %add3A_332, %rem3A_323 : i32
      %mul3A_334 = arith.constant 8 : i32
      %mul3A_335 = arith.muli %select_n3A, %mul3A_334 : i32
      %mul3A_336 = arith.constant 4 : i32
      %mul3A_337 = arith.muli %select_n3A_333, %mul3A_336 : i32
      %add3A_338 = arith.addi %mul3A_335, %mul3A_337 : i32
      %dma_start3A_339 = arith.constant 0 : i32
      %dma_start3A_340 = arith.constant 0 : i32
      %dma_start3A_341 = arith.constant 0 : i32
      %dma_start3A_342 = arith.constant 0 : i32
      %dma_start3A_343 = arith.constant 0 : i32
      %dma_start3A_344 = tpu.memref_slice %arg10[%dma_start3A_339, %dma_start3A_341, %dma_start3A_342, %dma_start3A_343] : memref<4x4x8x128xf32, #tpu.memory_space<vmem>> -> memref<1x4x8x128xf32, #tpu.memory_space<vmem>>
      %dma_start3A_345 = tpu.memref_squeeze %dma_start3A_344 : memref<1x4x8x128xf32, #tpu.memory_space<vmem>> -> memref<4x8x128xf32, #tpu.memory_space<vmem>>
      %dma_start3A_346 = arith.constant 0 : i32
      %dma_start3A_347 = arith.constant 0 : i32
      %dma_start3A_348 = tpu.memref_slice %arg4[%add3A_317, %dma_start3A_340, %add3A_338, %dma_start3A_346, %dma_start3A_347] : memref<50x4x128x8x128xf32, #tpu.memory_space<hbm>> -> memref<1x1x4x8x128xf32, #tpu.memory_space<hbm>>
      %dma_start3A_349 = tpu.memref_squeeze %dma_start3A_348 : memref<1x1x4x8x128xf32, #tpu.memory_space<hbm>> -> memref<4x8x128xf32, #tpu.memory_space<hbm>>
      %dma_start3A_350 = arith.constant 0 : i32
      %dma_start3A_351 = arith.constant 0 : i32
      %dma_start3A_352 = tpu.memref_slice %arg4[%add3A_317, %dma_start3A_340, %add3A_338, %dma_start3A_350, %dma_start3A_351] : memref<50x4x128x8x128xf32, #tpu.memory_space<hbm>> -> memref<1x1x4x8x128xf32, #tpu.memory_space<hbm>>
      %dma_start3A_353 = tpu.memref_squeeze %dma_start3A_352 : memref<1x1x4x8x128xf32, #tpu.memory_space<hbm>> -> memref<4x8x128xf32, #tpu.memory_space<hbm>>
      %dma_start3A_354 = arith.constant 0 : i32
      %dma_start3A_355 = arith.constant 0 : i32
      %dma_start3A_356 = arith.constant 0 : i32
      %dma_start3A_357 = tpu.memref_slice %arg10[%dma_start3A_339, %dma_start3A_354, %dma_start3A_355, %dma_start3A_356] : memref<4x4x8x128xf32, #tpu.memory_space<vmem>> -> memref<1x4x8x128xf32, #tpu.memory_space<vmem>>
      %dma_start3A_358 = tpu.memref_squeeze %dma_start3A_357 : memref<1x4x8x128xf32, #tpu.memory_space<vmem>> -> memref<4x8x128xf32, #tpu.memory_space<vmem>>
      tpu.enqueue_dma source(%dma_start3A_358 : memref<4x8x128xf32, #tpu.memory_space<vmem>>) target(%dma_start3A_353 : memref<4x8x128xf32, #tpu.memory_space<hbm>>) target_semaphore(%arg14 : memref<!tpu.dma_semaphore, #tpu.memory_space<semaphore_mem>>)
      %dma_start3A_359 = arith.constant 1 : i32
      %dma_start3A_360 = arith.constant 1 : i32
      %dma_start3A_361 = arith.constant 0 : i32
      %dma_start3A_362 = arith.constant 0 : i32
      %dma_start3A_363 = arith.constant 0 : i32
      %dma_start3A_364 = tpu.memref_slice %arg10[%dma_start3A_359, %dma_start3A_361, %dma_start3A_362, %dma_start3A_363] : memref<4x4x8x128xf32, #tpu.memory_space<vmem>> -> memref<1x4x8x128xf32, #tpu.memory_space<vmem>>
      %dma_start3A_365 = tpu.memref_squeeze %dma_start3A_364 : memref<1x4x8x128xf32, #tpu.memory_space<vmem>> -> memref<4x8x128xf32, #tpu.memory_space<vmem>>
      %dma_start3A_366 = arith.constant 0 : i32
      %dma_start3A_367 = arith.constant 0 : i32
      %dma_start3A_368 = tpu.memref_slice %arg4[%add3A_317, %dma_start3A_360, %add3A_338, %dma_start3A_366, %dma_start3A_367] : memref<50x4x128x8x128xf32, #tpu.memory_space<hbm>> -> memref<1x1x4x8x128xf32, #tpu.memory_space<hbm>>
      %dma_start3A_369 = tpu.memref_squeeze %dma_start3A_368 : memref<1x1x4x8x128xf32, #tpu.memory_space<hbm>> -> memref<4x8x128xf32, #tpu.memory_space<hbm>>
      %dma_start3A_370 = arith.constant 0 : i32
      %dma_start3A_371 = arith.constant 0 : i32
      %dma_start3A_372 = tpu.memref_slice %arg4[%add3A_317, %dma_start3A_360, %add3A_338, %dma_start3A_370, %dma_start3A_371] : memref<50x4x128x8x128xf32, #tpu.memory_space<hbm>> -> memref<1x1x4x8x128xf32, #tpu.memory_space<hbm>>
      %dma_start3A_373 = tpu.memref_squeeze %dma_start3A_372 : memref<1x1x4x8x128xf32, #tpu.memory_space<hbm>> -> memref<4x8x128xf32, #tpu.memory_space<hbm>>
      %dma_start3A_374 = arith.constant 0 : i32
      %dma_start3A_375 = arith.constant 0 : i32
      %dma_start3A_376 = arith.constant 0 : i32
      %dma_start3A_377 = tpu.memref_slice %arg10[%dma_start3A_359, %dma_start3A_374, %dma_start3A_375, %dma_start3A_376] : memref<4x4x8x128xf32, #tpu.memory_space<vmem>> -> memref<1x4x8x128xf32, #tpu.memory_space<vmem>>
      %dma_start3A_378 = tpu.memref_squeeze %dma_start3A_377 : memref<1x4x8x128xf32, #tpu.memory_space<vmem>> -> memref<4x8x128xf32, #tpu.memory_space<vmem>>
      tpu.enqueue_dma source(%dma_start3A_378 : memref<4x8x128xf32, #tpu.memory_space<vmem>>) target(%dma_start3A_373 : memref<4x8x128xf32, #tpu.memory_space<hbm>>) target_semaphore(%arg14 : memref<!tpu.dma_semaphore, #tpu.memory_space<semaphore_mem>>)
      %dma_start3A_379 = arith.constant 2 : i32
      %dma_start3A_380 = arith.constant 2 : i32
      %dma_start3A_381 = arith.constant 0 : i32
      %dma_start3A_382 = arith.constant 0 : i32
      %dma_start3A_383 = arith.constant 0 : i32
      %dma_start3A_384 = tpu.memref_slice %arg10[%dma_start3A_379, %dma_start3A_381, %dma_start3A_382, %dma_start3A_383] : memref<4x4x8x128xf32, #tpu.memory_space<vmem>> -> memref<1x4x8x128xf32, #tpu.memory_space<vmem>>
      %dma_start3A_385 = tpu.memref_squeeze %dma_start3A_384 : memref<1x4x8x128xf32, #tpu.memory_space<vmem>> -> memref<4x8x128xf32, #tpu.memory_space<vmem>>
      %dma_start3A_386 = arith.constant 0 : i32
      %dma_start3A_387 = arith.constant 0 : i32
      %dma_start3A_388 = tpu.memref_slice %arg4[%add3A_317, %dma_start3A_380, %add3A_338, %dma_start3A_386, %dma_start3A_387] : memref<50x4x128x8x128xf32, #tpu.memory_space<hbm>> -> memref<1x1x4x8x128xf32, #tpu.memory_space<hbm>>
      %dma_start3A_389 = tpu.memref_squeeze %dma_start3A_388 : memref<1x1x4x8x128xf32, #tpu.memory_space<hbm>> -> memref<4x8x128xf32, #tpu.memory_space<hbm>>
      %dma_start3A_390 = arith.constant 0 : i32
      %dma_start3A_391 = arith.constant 0 : i32
      %dma_start3A_392 = tpu.memref_slice %arg4[%add3A_317, %dma_start3A_380, %add3A_338, %dma_start3A_390, %dma_start3A_391] : memref<50x4x128x8x128xf32, #tpu.memory_space<hbm>> -> memref<1x1x4x8x128xf32, #tpu.memory_space<hbm>>
      %dma_start3A_393 = tpu.memref_squeeze %dma_start3A_392 : memref<1x1x4x8x128xf32, #tpu.memory_space<hbm>> -> memref<4x8x128xf32, #tpu.memory_space<hbm>>
      %dma_start3A_394 = arith.constant 0 : i32
      %dma_start3A_395 = arith.constant 0 : i32
      %dma_start3A_396 = arith.constant 0 : i32
      %dma_start3A_397 = tpu.memref_slice %arg10[%dma_start3A_379, %dma_start3A_394, %dma_start3A_395, %dma_start3A_396] : memref<4x4x8x128xf32, #tpu.memory_space<vmem>> -> memref<1x4x8x128xf32, #tpu.memory_space<vmem>>
      %dma_start3A_398 = tpu.memref_squeeze %dma_start3A_397 : memref<1x4x8x128xf32, #tpu.memory_space<vmem>> -> memref<4x8x128xf32, #tpu.memory_space<vmem>>
      tpu.enqueue_dma source(%dma_start3A_398 : memref<4x8x128xf32, #tpu.memory_space<vmem>>) target(%dma_start3A_393 : memref<4x8x128xf32, #tpu.memory_space<hbm>>) target_semaphore(%arg14 : memref<!tpu.dma_semaphore, #tpu.memory_space<semaphore_mem>>)
      %dma_start3A_399 = arith.constant 3 : i32
      %dma_start3A_400 = arith.constant 3 : i32
      %dma_start3A_401 = arith.constant 0 : i32
      %dma_start3A_402 = arith.constant 0 : i32
      %dma_start3A_403 = arith.constant 0 : i32
      %dma_start3A_404 = tpu.memref_slice %arg10[%dma_start3A_399, %dma_start3A_401, %dma_start3A_402, %dma_start3A_403] : memref<4x4x8x128xf32, #tpu.memory_space<vmem>> -> memref<1x4x8x128xf32, #tpu.memory_space<vmem>>
      %dma_start3A_405 = tpu.memref_squeeze %dma_start3A_404 : memref<1x4x8x128xf32, #tpu.memory_space<vmem>> -> memref<4x8x128xf32, #tpu.memory_space<vmem>>
      %dma_start3A_406 = arith.constant 0 : i32
      %dma_start3A_407 = arith.constant 0 : i32
      %dma_start3A_408 = tpu.memref_slice %arg4[%add3A_317, %dma_start3A_400, %add3A_338, %dma_start3A_406, %dma_start3A_407] : memref<50x4x128x8x128xf32, #tpu.memory_space<hbm>> -> memref<1x1x4x8x128xf32, #tpu.memory_space<hbm>>
      %dma_start3A_409 = tpu.memref_squeeze %dma_start3A_408 : memref<1x1x4x8x128xf32, #tpu.memory_space<hbm>> -> memref<4x8x128xf32, #tpu.memory_space<hbm>>
      %dma_start3A_410 = arith.constant 0 : i32
      %dma_start3A_411 = arith.constant 0 : i32
      %dma_start3A_412 = tpu.memref_slice %arg4[%add3A_317, %dma_start3A_400, %add3A_338, %dma_start3A_410, %dma_start3A_411] : memref<50x4x128x8x128xf32, #tpu.memory_space<hbm>> -> memref<1x1x4x8x128xf32, #tpu.memory_space<hbm>>
      %dma_start3A_413 = tpu.memref_squeeze %dma_start3A_412 : memref<1x1x4x8x128xf32, #tpu.memory_space<hbm>> -> memref<4x8x128xf32, #tpu.memory_space<hbm>>
      %dma_start3A_414 = arith.constant 0 : i32
      %dma_start3A_415 = arith.constant 0 : i32
      %dma_start3A_416 = arith.constant 0 : i32
      %dma_start3A_417 = tpu.memref_slice %arg10[%dma_start3A_399, %dma_start3A_414, %dma_start3A_415, %dma_start3A_416] : memref<4x4x8x128xf32, #tpu.memory_space<vmem>> -> memref<1x4x8x128xf32, #tpu.memory_space<vmem>>
      %dma_start3A_418 = tpu.memref_squeeze %dma_start3A_417 : memref<1x4x8x128xf32, #tpu.memory_space<vmem>> -> memref<4x8x128xf32, #tpu.memory_space<vmem>>
      tpu.enqueue_dma source(%dma_start3A_418 : memref<4x8x128xf32, #tpu.memory_space<vmem>>) target(%dma_start3A_413 : memref<4x8x128xf32, #tpu.memory_space<hbm>>) target_semaphore(%arg14 : memref<!tpu.dma_semaphore, #tpu.memory_space<semaphore_mem>>)
      %add3A_419 = arith.constant 2 : i32
      %add3A_420 = arith.addi %mul3A_228, %add3A_419 : i32
      %lt3A_421 = arith.constant 50 : i32
      %lt3A_422 = arith.cmpi slt, %add3A_420, %lt3A_421 : i32
      %convert_element_type3A_423 = arith.extui %lt3A_422 : i1 to i32
      %cond3A_424 = arith.constant 0 : i32
      %cond3A_425 = arith.cmpi ne, %convert_element_type3A_423, %cond3A_424 : i32
      scf.if %cond3A_425 {
        %add3A_565 = arith.constant 2 : i32
        %add3A_566 = arith.addi %mul3A_228, %add3A_565 : i32
        %mul3A_567 = arith.constant 25 : i32
        %mul3A_568 = arith.muli %select_n3A_30, %mul3A_567 : i32
        %jit3A_569 = arith.constant 2 : i32
        %div3A_570 = arith.divsi %add3A_566, %jit3A_569 : i32
        %sign3A_571 = arith.constant 0 : i32
        %sign3A_572 = arith.cmpi sgt, %add3A_566, %sign3A_571 : i32
        %sign3A_573 = arith.extui %sign3A_572 : i1 to i32
        %sign3A_574 = arith.constant 0 : i32
        %sign3A_575 = arith.cmpi slt, %add3A_566, %sign3A_574 : i32
        %sign3A_576 = arith.extui %sign3A_575 : i1 to i32
        %sign3A_577 = arith.subi %sign3A_573, %sign3A_576 : i32
        %sign3A_578 = arith.constant 0 : i32
        %sign3A_579 = arith.cmpi sgt, %jit3A_569, %sign3A_578 : i32
        %sign3A_580 = arith.extui %sign3A_579 : i1 to i32
        %sign3A_581 = arith.constant 0 : i32
        %sign3A_582 = arith.cmpi slt, %jit3A_569, %sign3A_581 : i32
        %sign3A_583 = arith.extui %sign3A_582 : i1 to i32
        %sign3A_584 = arith.subi %sign3A_580, %sign3A_583 : i32
        %ne3A_585 = arith.cmpi ne, %sign3A_577, %sign3A_584 : i32
        %rem3A_586 = arith.remsi %add3A_566, %jit3A_569 : i32
        %ne3A_587 = arith.constant 0 : i32
        %ne3A_588 = arith.cmpi ne, %rem3A_586, %ne3A_587 : i32
        %and3A_589 = arith.andi %ne3A_585, %ne3A_588 : i1
        %sub3A_590 = arith.constant 1 : i32
        %sub3A_591 = arith.subi %div3A_570, %sub3A_590 : i32
        %select_n3A_592 = arith.select %and3A_589, %sub3A_591, %div3A_570 : i32
        %add3A_593 = arith.addi %mul3A_568, %select_n3A_592 : i32
        %jit3A_594 = arith.constant 2 : i32
        %eq3A_595 = arith.constant 0 : i32
        %eq3A_596 = arith.cmpi eq, %jit3A_594, %eq3A_595 : i32
        %jit3A_597 = arith.constant 1 : i32
        %select_n3A_598 = arith.select %eq3A_596, %jit3A_597, %jit3A_594 : i32
        %rem3A_599 = arith.remsi %add3A_566, %select_n3A_598 : i32
        %ne3A_600 = arith.constant 0 : i32
        %ne3A_601 = arith.cmpi ne, %rem3A_599, %ne3A_600 : i32
        %lt3A_602 = arith.constant 0 : i32
        %lt3A_603 = arith.cmpi slt, %rem3A_599, %lt3A_602 : i32
        %lt3A_604 = arith.constant 0 : i32
        %lt3A_605 = arith.cmpi slt, %select_n3A_598, %lt3A_604 : i32
        %ne3A_606 = arith.xori %lt3A_603, %lt3A_605 : i1
        %and3A_607 = arith.andi %ne3A_606, %ne3A_601 : i1
        %add3A_608 = arith.addi %rem3A_599, %select_n3A_598 : i32
        %select_n3A_609 = arith.select %and3A_607, %add3A_608, %rem3A_599 : i32
        %mul3A_610 = arith.constant 25600 : i32
        %mul3A_611 = arith.muli %select_n3A_609, %mul3A_610 : i32
        %add3A_612 = arith.addi %mul3A_611, %add3A_593 : i32
        %parallel_loop3A_613 = arith.constant 0 : i32
        %parallel_loop3A_614 = arith.constant 32 : i32
        %parallel_loop3A_615 = arith.constant 1 : i32
        scf.for %parallel_loop3A_619 = %parallel_loop3A_613 to %parallel_loop3A_614 step %parallel_loop3A_615  : i32 {
          %parallel_loop3A_620 = arith.constant 800 : i32
          %parallel_loop3A_621 = arith.muli %parallel_loop3A_619, %parallel_loop3A_620 : i32
          %parallel_loop3A_622 = arith.addi %add3A_612, %parallel_loop3A_621 : i32
          %parallel_loop3A_623 = vector.broadcast %parallel_loop3A_622 : i32 to vector<16xi32>
          %parallel_loop3A_624 = arith.addi %mul3A_35, %parallel_loop3A_623 : vector<16xi32>
          %parallel_loop3A_625 = arith.constant 16 : i32
          %parallel_loop3A_626 = arith.muli %parallel_loop3A_619, %parallel_loop3A_625 : i32
          %parallel_loop3A_627 = tpu.assume_multiple %parallel_loop3A_626, 16 : i32
          %parallel_loop3A_628 = tpu.vector_load_idx %arg5[%parallel_loop3A_624] : memref<51200xi32, #tpu.memory_space<vmem>>[vector<16xi32>], vector<16xi32>,
          %parallel_loop3A_629 = arith.constant 4 : i32
          %parallel_loop3A_630 = vector.broadcast %parallel_loop3A_629 : i32 to vector<16xi32>
          %parallel_loop3A_631 = arith.muli %parallel_loop3A_628, %parallel_loop3A_630 : vector<16xi32>
          %parallel_loop3A_632 = arith.index_cast %parallel_loop3A_627 : i32 to index
          %parallel_loop3A_633 = tpu.vector_load %arg6[%parallel_loop3A_632] {strides = array<i32>} : memref<512xi32, #tpu.memory_space<vmem>>, vector<16xi32>,
          tpu.vector_store %arg6[%parallel_loop3A_632], %parallel_loop3A_631 {strides = array<i32>} : memref<512xi32, #tpu.memory_space<vmem>>, vector<16xi32>,
        } {sc.loop_unroll_factor = 4 : i64, sc.parallel_access}
        %dma_start3A_616 = arith.constant 0 : i32
        %dma_start3A_617 = arith.constant 0 : i32
        %dma_start3A_618 = tpu.memref_slice %arg3[%dma_start3A_616, %dma_start3A_617] : memref<4000000x32xf32, #tpu.memory_space<hbm>> -> memref<4000000x32xf32, #tpu.memory_space<hbm>>
        tpu.enqueue_indirect_dma source(%dma_start3A_618 : memref<4000000x32xf32, #tpu.memory_space<hbm>>) target(%arg8 : memref<512x32xf32, #tpu.memory_space<vmem>>) offsets(%arg6 : memref<512xi32, #tpu.memory_space<vmem>>) semaphore(%arg12 : memref<!tpu.dma_semaphore, #tpu.memory_space<semaphore_mem>>)
      } else {
      }
      %dma_wait3A_426 = arith.constant 0 : i32
      %dma_wait3A_427 = arith.constant 0 : i32
      %dma_wait3A_428 = tpu.memref_slice %arg3[%dma_wait3A_426, %dma_wait3A_427] : memref<4000000x32xf32, #tpu.memory_space<hbm>> -> memref<4000000x32xf32, #tpu.memory_space<hbm>>
      tpu.wait_indirect_dma semaphore(%arg13 : memref<!tpu.dma_semaphore, #tpu.memory_space<semaphore_mem>>) src(%dma_wait3A_428 : memref<4000000x32xf32, #tpu.memory_space<hbm>>) dst(%arg9 : memref<512x32xf32, #tpu.memory_space<vmem>>)
      %gt3A_429 = arith.constant 0 : i32
      %gt3A_430 = arith.cmpi sgt, %scan3A_226, %gt3A_429 : i32
      %convert_element_type3A_431 = arith.extui %gt3A_430 : i1 to i32
      %cond3A_432 = arith.constant 0 : i32
      %cond3A_433 = arith.cmpi ne, %convert_element_type3A_431, %cond3A_432 : i32
      scf.if %cond3A_433 {
        %sub3A_565 = arith.constant 2 : i32
        %sub3A_566 = arith.subi %add3A_230, %sub3A_565 : i32
        %mul3A_567 = arith.constant 25 : i32
        %mul3A_568 = arith.muli %select_n3A_30, %mul3A_567 : i32
        %jit3A_569 = arith.constant 2 : i32
        %div3A_570 = arith.divsi %sub3A_566, %jit3A_569 : i32
        %sign3A_571 = arith.constant 0 : i32
        %sign3A_572 = arith.cmpi sgt, %sub3A_566, %sign3A_571 : i32
        %sign3A_573 = arith.extui %sign3A_572 : i1 to i32
        %sign3A_574 = arith.constant 0 : i32
        %sign3A_575 = arith.cmpi slt, %sub3A_566, %sign3A_574 : i32
        %sign3A_576 = arith.extui %sign3A_575 : i1 to i32
        %sign3A_577 = arith.subi %sign3A_573, %sign3A_576 : i32
        %sign3A_578 = arith.constant 0 : i32
        %sign3A_579 = arith.cmpi sgt, %jit3A_569, %sign3A_578 : i32
        %sign3A_580 = arith.extui %sign3A_579 : i1 to i32
        %sign3A_581 = arith.constant 0 : i32
        %sign3A_582 = arith.cmpi slt, %jit3A_569, %sign3A_581 : i32
        %sign3A_583 = arith.extui %sign3A_582 : i1 to i32
        %sign3A_584 = arith.subi %sign3A_580, %sign3A_583 : i32
        %ne3A_585 = arith.cmpi ne, %sign3A_577, %sign3A_584 : i32
        %rem3A_586 = arith.remsi %sub3A_566, %jit3A_569 : i32
        %ne3A_587 = arith.constant 0 : i32
        %ne3A_588 = arith.cmpi ne, %rem3A_586, %ne3A_587 : i32
        %and3A_589 = arith.andi %ne3A_585, %ne3A_588 : i1
        %sub3A_590 = arith.constant 1 : i32
        %sub3A_591 = arith.subi %div3A_570, %sub3A_590 : i32
        %select_n3A_592 = arith.select %and3A_589, %sub3A_591, %div3A_570 : i32
        %add3A_593 = arith.addi %mul3A_568, %select_n3A_592 : i32
        %jit3A_594 = arith.constant 2 : i32
        %eq3A_595 = arith.constant 0 : i32
        %eq3A_596 = arith.cmpi eq, %jit3A_594, %eq3A_595 : i32
        %jit3A_597 = arith.constant 1 : i32
        %select_n3A_598 = arith.select %eq3A_596, %jit3A_597, %jit3A_594 : i32
        %rem3A_599 = arith.remsi %sub3A_566, %select_n3A_598 : i32
        %ne3A_600 = arith.constant 0 : i32
        %ne3A_601 = arith.cmpi ne, %rem3A_599, %ne3A_600 : i32
        %lt3A_602 = arith.constant 0 : i32
        %lt3A_603 = arith.cmpi slt, %rem3A_599, %lt3A_602 : i32
        %lt3A_604 = arith.constant 0 : i32
        %lt3A_605 = arith.cmpi slt, %select_n3A_598, %lt3A_604 : i32
        %ne3A_606 = arith.xori %lt3A_603, %lt3A_605 : i1
        %and3A_607 = arith.andi %ne3A_606, %ne3A_601 : i1
        %add3A_608 = arith.addi %rem3A_599, %select_n3A_598 : i32
        %select_n3A_609 = arith.select %and3A_607, %add3A_608, %rem3A_599 : i32
        %mul3A_610 = arith.constant 8 : i32
        %mul3A_611 = arith.muli %select_n3A, %mul3A_610 : i32
        %mul3A_612 = arith.constant 4 : i32
        %mul3A_613 = arith.muli %select_n3A_609, %mul3A_612 : i32
        %add3A_614 = arith.addi %mul3A_611, %mul3A_613 : i32
        %dma_wait3A_615 = arith.constant 0 : i32
        %dma_wait3A_616 = arith.constant 0 : i32
        %dma_wait3A_617 = arith.constant 0 : i32
        %dma_wait3A_618 = arith.constant 0 : i32
        %dma_wait3A_619 = arith.constant 0 : i32
        %dma_wait3A_620 = tpu.memref_slice %arg11[%dma_wait3A_615, %dma_wait3A_617, %dma_wait3A_618, %dma_wait3A_619] : memref<4x4x8x128xf32, #tpu.memory_space<vmem>> -> memref<1x4x8x128xf32, #tpu.memory_space<vmem>>
        %dma_wait3A_621 = tpu.memref_squeeze %dma_wait3A_620 : memref<1x4x8x128xf32, #tpu.memory_space<vmem>> -> memref<4x8x128xf32, #tpu.memory_space<vmem>>
        %dma_wait3A_622 = arith.constant 0 : i32
        %dma_wait3A_623 = arith.constant 0 : i32
        %dma_wait3A_624 = tpu.memref_slice %arg4[%add3A_593, %dma_wait3A_616, %add3A_614, %dma_wait3A_622, %dma_wait3A_623] : memref<50x4x128x8x128xf32, #tpu.memory_space<hbm>> -> memref<1x1x4x8x128xf32, #tpu.memory_space<hbm>>
        %dma_wait3A_625 = tpu.memref_squeeze %dma_wait3A_624 : memref<1x1x4x8x128xf32, #tpu.memory_space<hbm>> -> memref<4x8x128xf32, #tpu.memory_space<hbm>>
        %dma_wait3A_626 = arith.constant 0 : i32
        %dma_wait3A_627 = arith.constant 0 : i32
        %dma_wait3A_628 = tpu.memref_slice %arg4[%add3A_593, %dma_wait3A_616, %add3A_614, %dma_wait3A_626, %dma_wait3A_627] : memref<50x4x128x8x128xf32, #tpu.memory_space<hbm>> -> memref<1x1x4x8x128xf32, #tpu.memory_space<hbm>>
        %dma_wait3A_629 = tpu.memref_squeeze %dma_wait3A_628 : memref<1x1x4x8x128xf32, #tpu.memory_space<hbm>> -> memref<4x8x128xf32, #tpu.memory_space<hbm>>
        %dma_wait3A_630 = arith.constant 0 : i32
        %dma_wait3A_631 = arith.constant 0 : i32
        %dma_wait3A_632 = arith.constant 0 : i32
        %dma_wait3A_633 = tpu.memref_slice %arg11[%dma_wait3A_615, %dma_wait3A_630, %dma_wait3A_631, %dma_wait3A_632] : memref<4x4x8x128xf32, #tpu.memory_space<vmem>> -> memref<1x4x8x128xf32, #tpu.memory_space<vmem>>
        %dma_wait3A_634 = tpu.memref_squeeze %dma_wait3A_633 : memref<1x4x8x128xf32, #tpu.memory_space<vmem>> -> memref<4x8x128xf32, #tpu.memory_space<vmem>>
        tpu.wait_dma2 semaphore(%arg15 : memref<!tpu.dma_semaphore, #tpu.memory_space<semaphore_mem>>) src(%dma_wait3A_634 : memref<4x8x128xf32, #tpu.memory_space<vmem>>) dst(%dma_wait3A_629 : memref<4x8x128xf32, #tpu.memory_space<hbm>>)
        %dma_wait3A_635 = arith.constant 1 : i32
        %dma_wait3A_636 = arith.constant 1 : i32
        %dma_wait3A_637 = arith.constant 0 : i32
        %dma_wait3A_638 = arith.constant 0 : i32
        %dma_wait3A_639 = arith.constant 0 : i32
        %dma_wait3A_640 = tpu.memref_slice %arg11[%dma_wait3A_635, %dma_wait3A_637, %dma_wait3A_638, %dma_wait3A_639] : memref<4x4x8x128xf32, #tpu.memory_space<vmem>> -> memref<1x4x8x128xf32, #tpu.memory_space<vmem>>
        %dma_wait3A_641 = tpu.memref_squeeze %dma_wait3A_640 : memref<1x4x8x128xf32, #tpu.memory_space<vmem>> -> memref<4x8x128xf32, #tpu.memory_space<vmem>>
        %dma_wait3A_642 = arith.constant 0 : i32
        %dma_wait3A_643 = arith.constant 0 : i32
        %dma_wait3A_644 = tpu.memref_slice %arg4[%add3A_593, %dma_wait3A_636, %add3A_614, %dma_wait3A_642, %dma_wait3A_643] : memref<50x4x128x8x128xf32, #tpu.memory_space<hbm>> -> memref<1x1x4x8x128xf32, #tpu.memory_space<hbm>>
        %dma_wait3A_645 = tpu.memref_squeeze %dma_wait3A_644 : memref<1x1x4x8x128xf32, #tpu.memory_space<hbm>> -> memref<4x8x128xf32, #tpu.memory_space<hbm>>
        %dma_wait3A_646 = arith.constant 0 : i32
        %dma_wait3A_647 = arith.constant 0 : i32
        %dma_wait3A_648 = tpu.memref_slice %arg4[%add3A_593, %dma_wait3A_636, %add3A_614, %dma_wait3A_646, %dma_wait3A_647] : memref<50x4x128x8x128xf32, #tpu.memory_space<hbm>> -> memref<1x1x4x8x128xf32, #tpu.memory_space<hbm>>
        %dma_wait3A_649 = tpu.memref_squeeze %dma_wait3A_648 : memref<1x1x4x8x128xf32, #tpu.memory_space<hbm>> -> memref<4x8x128xf32, #tpu.memory_space<hbm>>
        %dma_wait3A_650 = arith.constant 0 : i32
        %dma_wait3A_651 = arith.constant 0 : i32
        %dma_wait3A_652 = arith.constant 0 : i32
        %dma_wait3A_653 = tpu.memref_slice %arg11[%dma_wait3A_635, %dma_wait3A_650, %dma_wait3A_651, %dma_wait3A_652] : memref<4x4x8x128xf32, #tpu.memory_space<vmem>> -> memref<1x4x8x128xf32, #tpu.memory_space<vmem>>
        %dma_wait3A_654 = tpu.memref_squeeze %dma_wait3A_653 : memref<1x4x8x128xf32, #tpu.memory_space<vmem>> -> memref<4x8x128xf32, #tpu.memory_space<vmem>>
        tpu.wait_dma2 semaphore(%arg15 : memref<!tpu.dma_semaphore, #tpu.memory_space<semaphore_mem>>) src(%dma_wait3A_654 : memref<4x8x128xf32, #tpu.memory_space<vmem>>) dst(%dma_wait3A_649 : memref<4x8x128xf32, #tpu.memory_space<hbm>>)
        %dma_wait3A_655 = arith.constant 2 : i32
        %dma_wait3A_656 = arith.constant 2 : i32
        %dma_wait3A_657 = arith.constant 0 : i32
        %dma_wait3A_658 = arith.constant 0 : i32
        %dma_wait3A_659 = arith.constant 0 : i32
        %dma_wait3A_660 = tpu.memref_slice %arg11[%dma_wait3A_655, %dma_wait3A_657, %dma_wait3A_658, %dma_wait3A_659] : memref<4x4x8x128xf32, #tpu.memory_space<vmem>> -> memref<1x4x8x128xf32, #tpu.memory_space<vmem>>
        %dma_wait3A_661 = tpu.memref_squeeze %dma_wait3A_660 : memref<1x4x8x128xf32, #tpu.memory_space<vmem>> -> memref<4x8x128xf32, #tpu.memory_space<vmem>>
        %dma_wait3A_662 = arith.constant 0 : i32
        %dma_wait3A_663 = arith.constant 0 : i32
        %dma_wait3A_664 = tpu.memref_slice %arg4[%add3A_593, %dma_wait3A_656, %add3A_614, %dma_wait3A_662, %dma_wait3A_663] : memref<50x4x128x8x128xf32, #tpu.memory_space<hbm>> -> memref<1x1x4x8x128xf32, #tpu.memory_space<hbm>>
        %dma_wait3A_665 = tpu.memref_squeeze %dma_wait3A_664 : memref<1x1x4x8x128xf32, #tpu.memory_space<hbm>> -> memref<4x8x128xf32, #tpu.memory_space<hbm>>
        %dma_wait3A_666 = arith.constant 0 : i32
        %dma_wait3A_667 = arith.constant 0 : i32
        %dma_wait3A_668 = tpu.memref_slice %arg4[%add3A_593, %dma_wait3A_656, %add3A_614, %dma_wait3A_666, %dma_wait3A_667] : memref<50x4x128x8x128xf32, #tpu.memory_space<hbm>> -> memref<1x1x4x8x128xf32, #tpu.memory_space<hbm>>
        %dma_wait3A_669 = tpu.memref_squeeze %dma_wait3A_668 : memref<1x1x4x8x128xf32, #tpu.memory_space<hbm>> -> memref<4x8x128xf32, #tpu.memory_space<hbm>>
        %dma_wait3A_670 = arith.constant 0 : i32
        %dma_wait3A_671 = arith.constant 0 : i32
        %dma_wait3A_672 = arith.constant 0 : i32
        %dma_wait3A_673 = tpu.memref_slice %arg11[%dma_wait3A_655, %dma_wait3A_670, %dma_wait3A_671, %dma_wait3A_672] : memref<4x4x8x128xf32, #tpu.memory_space<vmem>> -> memref<1x4x8x128xf32, #tpu.memory_space<vmem>>
        %dma_wait3A_674 = tpu.memref_squeeze %dma_wait3A_673 : memref<1x4x8x128xf32, #tpu.memory_space<vmem>> -> memref<4x8x128xf32, #tpu.memory_space<vmem>>
        tpu.wait_dma2 semaphore(%arg15 : memref<!tpu.dma_semaphore, #tpu.memory_space<semaphore_mem>>) src(%dma_wait3A_674 : memref<4x8x128xf32, #tpu.memory_space<vmem>>) dst(%dma_wait3A_669 : memref<4x8x128xf32, #tpu.memory_space<hbm>>)
        %dma_wait3A_675 = arith.constant 3 : i32
        %dma_wait3A_676 = arith.constant 3 : i32
        %dma_wait3A_677 = arith.constant 0 : i32
        %dma_wait3A_678 = arith.constant 0 : i32
        %dma_wait3A_679 = arith.constant 0 : i32
        %dma_wait3A_680 = tpu.memref_slice %arg11[%dma_wait3A_675, %dma_wait3A_677, %dma_wait3A_678, %dma_wait3A_679] : memref<4x4x8x128xf32, #tpu.memory_space<vmem>> -> memref<1x4x8x128xf32, #tpu.memory_space<vmem>>
        %dma_wait3A_681 = tpu.memref_squeeze %dma_wait3A_680 : memref<1x4x8x128xf32, #tpu.memory_space<vmem>> -> memref<4x8x128xf32, #tpu.memory_space<vmem>>
        %dma_wait3A_682 = arith.constant 0 : i32
        %dma_wait3A_683 = arith.constant 0 : i32
        %dma_wait3A_684 = tpu.memref_slice %arg4[%add3A_593, %dma_wait3A_676, %add3A_614, %dma_wait3A_682, %dma_wait3A_683] : memref<50x4x128x8x128xf32, #tpu.memory_space<hbm>> -> memref<1x1x4x8x128xf32, #tpu.memory_space<hbm>>
        %dma_wait3A_685 = tpu.memref_squeeze %dma_wait3A_684 : memref<1x1x4x8x128xf32, #tpu.memory_space<hbm>> -> memref<4x8x128xf32, #tpu.memory_space<hbm>>
        %dma_wait3A_686 = arith.constant 0 : i32
        %dma_wait3A_687 = arith.constant 0 : i32
        %dma_wait3A_688 = tpu.memref_slice %arg4[%add3A_593, %dma_wait3A_676, %add3A_614, %dma_wait3A_686, %dma_wait3A_687] : memref<50x4x128x8x128xf32, #tpu.memory_space<hbm>> -> memref<1x1x4x8x128xf32, #tpu.memory_space<hbm>>
        %dma_wait3A_689 = tpu.memref_squeeze %dma_wait3A_688 : memref<1x1x4x8x128xf32, #tpu.memory_space<hbm>> -> memref<4x8x128xf32, #tpu.memory_space<hbm>>
        %dma_wait3A_690 = arith.constant 0 : i32
        %dma_wait3A_691 = arith.constant 0 : i32
        %dma_wait3A_692 = arith.constant 0 : i32
        %dma_wait3A_693 = tpu.memref_slice %arg11[%dma_wait3A_675, %dma_wait3A_690, %dma_wait3A_691, %dma_wait3A_692] : memref<4x4x8x128xf32, #tpu.memory_space<vmem>> -> memref<1x4x8x128xf32, #tpu.memory_space<vmem>>
        %dma_wait3A_694 = tpu.memref_squeeze %dma_wait3A_693 : memref<1x4x8x128xf32, #tpu.memory_space<vmem>> -> memref<4x8x128xf32, #tpu.memory_space<vmem>>
        tpu.wait_dma2 semaphore(%arg15 : memref<!tpu.dma_semaphore, #tpu.memory_space<semaphore_mem>>) src(%dma_wait3A_694 : memref<4x8x128xf32, #tpu.memory_space<vmem>>) dst(%dma_wait3A_689 : memref<4x8x128xf32, #tpu.memory_space<hbm>>)
      } else {
      }
      %parallel_loop3A_434 = arith.constant 0 : i32
      %parallel_loop3A_435 = arith.constant 32 : i32
      %parallel_loop3A_436 = arith.constant 1 : i32
      scf.for %parallel_loop3A_565 = %parallel_loop3A_434 to %parallel_loop3A_435 step %parallel_loop3A_436  : i32 {
        %parallel_loop3A_566 = vector.broadcast %parallel_loop3A_565 : i32 to vector<16xi32>
        %parallel_loop3A_567 = arith.constant 8 : i32
        %parallel_loop3A_568 = arith.divsi %parallel_loop3A_565, %parallel_loop3A_567 : i32
        %parallel_loop3A_569 = arith.constant 0 : i32
        %parallel_loop3A_570 = arith.cmpi sgt, %parallel_loop3A_565, %parallel_loop3A_569 : i32
        %parallel_loop3A_571 = arith.extui %parallel_loop3A_570 : i1 to i32
        %parallel_loop3A_572 = arith.constant 0 : i32
        %parallel_loop3A_573 = arith.cmpi slt, %parallel_loop3A_565, %parallel_loop3A_572 : i32
        %parallel_loop3A_574 = arith.extui %parallel_loop3A_573 : i1 to i32
        %parallel_loop3A_575 = arith.subi %parallel_loop3A_571, %parallel_loop3A_574 : i32
        %parallel_loop3A_576 = arith.constant 0 : i32
        %parallel_loop3A_577 = arith.cmpi sgt, %parallel_loop3A_567, %parallel_loop3A_576 : i32
        %parallel_loop3A_578 = arith.extui %parallel_loop3A_577 : i1 to i32
        %parallel_loop3A_579 = arith.constant 0 : i32
        %parallel_loop3A_580 = arith.cmpi slt, %parallel_loop3A_567, %parallel_loop3A_579 : i32
        %parallel_loop3A_581 = arith.extui %parallel_loop3A_580 : i1 to i32
        %parallel_loop3A_582 = arith.subi %parallel_loop3A_578, %parallel_loop3A_581 : i32
        %parallel_loop3A_583 = arith.cmpi ne, %parallel_loop3A_575, %parallel_loop3A_582 : i32
        %parallel_loop3A_584 = arith.remsi %parallel_loop3A_565, %parallel_loop3A_567 : i32
        %parallel_loop3A_585 = arith.constant 0 : i32
        %parallel_loop3A_586 = arith.cmpi ne, %parallel_loop3A_584, %parallel_loop3A_585 : i32
        %parallel_loop3A_587 = arith.andi %parallel_loop3A_583, %parallel_loop3A_586 : i1
        %parallel_loop3A_588 = arith.constant 1 : i32
        %parallel_loop3A_589 = arith.subi %parallel_loop3A_568, %parallel_loop3A_588 : i32
        %parallel_loop3A_590 = arith.select %parallel_loop3A_587, %parallel_loop3A_589, %parallel_loop3A_568 : i32
        %parallel_loop3A_591 = arith.constant 8 : i32
        %parallel_loop3A_592 = arith.constant 0 : i32
        %parallel_loop3A_593 = arith.cmpi eq, %parallel_loop3A_591, %parallel_loop3A_592 : i32
        %parallel_loop3A_594 = arith.constant 1 : i32
        %parallel_loop3A_595 = arith.select %parallel_loop3A_593, %parallel_loop3A_594, %parallel_loop3A_591 : i32
        %parallel_loop3A_596 = arith.remsi %parallel_loop3A_565, %parallel_loop3A_595 : i32
        %parallel_loop3A_597 = arith.constant 0 : i32
        %parallel_loop3A_598 = arith.cmpi ne, %parallel_loop3A_596, %parallel_loop3A_597 : i32
        %parallel_loop3A_599 = arith.constant 0 : i32
        %parallel_loop3A_600 = arith.cmpi slt, %parallel_loop3A_596, %parallel_loop3A_599 : i32
        %parallel_loop3A_601 = arith.constant 0 : i32
        %parallel_loop3A_602 = arith.cmpi slt, %parallel_loop3A_595, %parallel_loop3A_601 : i32
        %parallel_loop3A_603 = arith.xori %parallel_loop3A_600, %parallel_loop3A_602 : i1
        %parallel_loop3A_604 = arith.andi %parallel_loop3A_603, %parallel_loop3A_598 : i1
        %parallel_loop3A_605 = arith.addi %parallel_loop3A_596, %parallel_loop3A_595 : i32
        %parallel_loop3A_606 = arith.select %parallel_loop3A_604, %parallel_loop3A_605, %parallel_loop3A_596 : i32
        %parallel_loop3A_607 = arith.constant 0 : i32
        %parallel_loop3A_608 = vector.broadcast %parallel_loop3A_607 : i32 to vector<16xi32>
        %parallel_loop3A_609 = arith.addi %iota3A, %parallel_loop3A_608 : vector<16xi32>
        %parallel_loop3A_610 = tpu.vector_load_idx %arg9[%parallel_loop3A_609, %parallel_loop3A_566] : memref<512x32xf32, #tpu.memory_space<vmem>>[vector<16xi32>, vector<16xi32>], vector<16xf32>,
        %parallel_loop3A_611 = arith.constant 0 : i32
        %parallel_loop3A_612 = arith.index_cast %parallel_loop3A_590 : i32 to index
        %parallel_loop3A_613 = arith.index_cast %parallel_loop3A_611 : i32 to index
        %parallel_loop3A_614 = arith.index_cast %parallel_loop3A_606 : i32 to index
        %parallel_loop3A_615 = arith.constant 0 : index
        %parallel_loop3A_616 = tpu.vector_load %arg11[%parallel_loop3A_612, %parallel_loop3A_613, %parallel_loop3A_614, %parallel_loop3A_615] {strides = array<i32>} : memref<4x4x8x128xf32, #tpu.memory_space<vmem>>, vector<16xf32>,
        tpu.vector_store %arg11[%parallel_loop3A_612, %parallel_loop3A_613, %parallel_loop3A_614, %parallel_loop3A_615], %parallel_loop3A_610 {strides = array<i32>} : memref<4x4x8x128xf32, #tpu.memory_space<vmem>>, vector<16xf32>,
        %parallel_loop3A_617 = arith.constant 16 : i32
        %parallel_loop3A_618 = vector.broadcast %parallel_loop3A_617 : i32 to vector<16xi32>
        %parallel_loop3A_619 = arith.addi %iota3A, %parallel_loop3A_618 : vector<16xi32>
        %parallel_loop3A_620 = tpu.vector_load_idx %arg9[%parallel_loop3A_619, %parallel_loop3A_566] : memref<512x32xf32, #tpu.memory_space<vmem>>[vector<16xi32>, vector<16xi32>], vector<16xf32>,
        %parallel_loop3A_621 = arith.constant 0 : i32
        %parallel_loop3A_622 = arith.index_cast %parallel_loop3A_590 : i32 to index
        %parallel_loop3A_623 = arith.index_cast %parallel_loop3A_621 : i32 to index
        %parallel_loop3A_624 = arith.index_cast %parallel_loop3A_606 : i32 to index
        %parallel_loop3A_625 = arith.constant 16 : index
        %parallel_loop3A_626 = tpu.vector_load %arg11[%parallel_loop3A_622, %parallel_loop3A_623, %parallel_loop3A_624, %parallel_loop3A_625] {strides = array<i32>} : memref<4x4x8x128xf32, #tpu.memory_space<vmem>>, vector<16xf32>,
        tpu.vector_store %arg11[%parallel_loop3A_622, %parallel_loop3A_623, %parallel_loop3A_624, %parallel_loop3A_625], %parallel_loop3A_620 {strides = array<i32>} : memref<4x4x8x128xf32, #tpu.memory_space<vmem>>, vector<16xf32>,
        %parallel_loop3A_627 = arith.constant 32 : i32
        %parallel_loop3A_628 = vector.broadcast %parallel_loop3A_627 : i32 to vector<16xi32>
        %parallel_loop3A_629 = arith.addi %iota3A, %parallel_loop3A_628 : vector<16xi32>
        %parallel_loop3A_630 = tpu.vector_load_idx %arg9[%parallel_loop3A_629, %parallel_loop3A_566] : memref<512x32xf32, #tpu.memory_space<vmem>>[vector<16xi32>, vector<16xi32>], vector<16xf32>,
        %parallel_loop3A_631 = arith.constant 0 : i32
        %parallel_loop3A_632 = arith.index_cast %parallel_loop3A_590 : i32 to index
        %parallel_loop3A_633 = arith.index_cast %parallel_loop3A_631 : i32 to index
        %parallel_loop3A_634 = arith.index_cast %parallel_loop3A_606 : i32 to index
        %parallel_loop3A_635 = arith.constant 32 : index
        %parallel_loop3A_636 = tpu.vector_load %arg11[%parallel_loop3A_632, %parallel_loop3A_633, %parallel_loop3A_634, %parallel_loop3A_635] {strides = array<i32>} : memref<4x4x8x128xf32, #tpu.memory_space<vmem>>, vector<16xf32>,
        tpu.vector_store %arg11[%parallel_loop3A_632, %parallel_loop3A_633, %parallel_loop3A_634, %parallel_loop3A_635], %parallel_loop3A_630 {strides = array<i32>} : memref<4x4x8x128xf32, #tpu.memory_space<vmem>>, vector<16xf32>,
        %parallel_loop3A_637 = arith.constant 48 : i32
        %parallel_loop3A_638 = vector.broadcast %parallel_loop3A_637 : i32 to vector<16xi32>
        %parallel_loop3A_639 = arith.addi %iota3A, %parallel_loop3A_638 : vector<16xi32>
        %parallel_loop3A_640 = tpu.vector_load_idx %arg9[%parallel_loop3A_639, %parallel_loop3A_566] : memref<512x32xf32, #tpu.memory_space<vmem>>[vector<16xi32>, vector<16xi32>], vector<16xf32>,
        %parallel_loop3A_641 = arith.constant 0 : i32
        %parallel_loop3A_642 = arith.index_cast %parallel_loop3A_590 : i32 to index
        %parallel_loop3A_643 = arith.index_cast %parallel_loop3A_641 : i32 to index
        %parallel_loop3A_644 = arith.index_cast %parallel_loop3A_606 : i32 to index
        %parallel_loop3A_645 = arith.constant 48 : index
        %parallel_loop3A_646 = tpu.vector_load %arg11[%parallel_loop3A_642, %parallel_loop3A_643, %parallel_loop3A_644, %parallel_loop3A_645] {strides = array<i32>} : memref<4x4x8x128xf32, #tpu.memory_space<vmem>>, vector<16xf32>,
        tpu.vector_store %arg11[%parallel_loop3A_642, %parallel_loop3A_643, %parallel_loop3A_644, %parallel_loop3A_645], %parallel_loop3A_640 {strides = array<i32>} : memref<4x4x8x128xf32, #tpu.memory_space<vmem>>, vector<16xf32>,
        %parallel_loop3A_647 = arith.constant 64 : i32
        %parallel_loop3A_648 = vector.broadcast %parallel_loop3A_647 : i32 to vector<16xi32>
        %parallel_loop3A_649 = arith.addi %iota3A, %parallel_loop3A_648 : vector<16xi32>
        %parallel_loop3A_650 = tpu.vector_load_idx %arg9[%parallel_loop3A_649, %parallel_loop3A_566] : memref<512x32xf32, #tpu.memory_space<vmem>>[vector<16xi32>, vector<16xi32>], vector<16xf32>,
        %parallel_loop3A_651 = arith.constant 0 : i32
        %parallel_loop3A_652 = arith.index_cast %parallel_loop3A_590 : i32 to index
        %parallel_loop3A_653 = arith.index_cast %parallel_loop3A_651 : i32 to index
        %parallel_loop3A_654 = arith.index_cast %parallel_loop3A_606 : i32 to index
        %parallel_loop3A_655 = arith.constant 64 : index
        %parallel_loop3A_656 = tpu.vector_load %arg11[%parallel_loop3A_652, %parallel_loop3A_653, %parallel_loop3A_654, %parallel_loop3A_655] {strides = array<i32>} : memref<4x4x8x128xf32, #tpu.memory_space<vmem>>, vector<16xf32>,
        tpu.vector_store %arg11[%parallel_loop3A_652, %parallel_loop3A_653, %parallel_loop3A_654, %parallel_loop3A_655], %parallel_loop3A_650 {strides = array<i32>} : memref<4x4x8x128xf32, #tpu.memory_space<vmem>>, vector<16xf32>,
        %parallel_loop3A_657 = arith.constant 80 : i32
        %parallel_loop3A_658 = vector.broadcast %parallel_loop3A_657 : i32 to vector<16xi32>
        %parallel_loop3A_659 = arith.addi %iota3A, %parallel_loop3A_658 : vector<16xi32>
        %parallel_loop3A_660 = tpu.vector_load_idx %arg9[%parallel_loop3A_659, %parallel_loop3A_566] : memref<512x32xf32, #tpu.memory_space<vmem>>[vector<16xi32>, vector<16xi32>], vector<16xf32>,
        %parallel_loop3A_661 = arith.constant 0 : i32
        %parallel_loop3A_662 = arith.index_cast %parallel_loop3A_590 : i32 to index
        %parallel_loop3A_663 = arith.index_cast %parallel_loop3A_661 : i32 to index
        %parallel_loop3A_664 = arith.index_cast %parallel_loop3A_606 : i32 to index
        %parallel_loop3A_665 = arith.constant 80 : index
        %parallel_loop3A_666 = tpu.vector_load %arg11[%parallel_loop3A_662, %parallel_loop3A_663, %parallel_loop3A_664, %parallel_loop3A_665] {strides = array<i32>} : memref<4x4x8x128xf32, #tpu.memory_space<vmem>>, vector<16xf32>,
        tpu.vector_store %arg11[%parallel_loop3A_662, %parallel_loop3A_663, %parallel_loop3A_664, %parallel_loop3A_665], %parallel_loop3A_660 {strides = array<i32>} : memref<4x4x8x128xf32, #tpu.memory_space<vmem>>, vector<16xf32>,
        %parallel_loop3A_667 = arith.constant 96 : i32
        %parallel_loop3A_668 = vector.broadcast %parallel_loop3A_667 : i32 to vector<16xi32>
        %parallel_loop3A_669 = arith.addi %iota3A, %parallel_loop3A_668 : vector<16xi32>
        %parallel_loop3A_670 = tpu.vector_load_idx %arg9[%parallel_loop3A_669, %parallel_loop3A_566] : memref<512x32xf32, #tpu.memory_space<vmem>>[vector<16xi32>, vector<16xi32>], vector<16xf32>,
        %parallel_loop3A_671 = arith.constant 0 : i32
        %parallel_loop3A_672 = arith.index_cast %parallel_loop3A_590 : i32 to index
        %parallel_loop3A_673 = arith.index_cast %parallel_loop3A_671 : i32 to index
        %parallel_loop3A_674 = arith.index_cast %parallel_loop3A_606 : i32 to index
        %parallel_loop3A_675 = arith.constant 96 : index
        %parallel_loop3A_676 = tpu.vector_load %arg11[%parallel_loop3A_672, %parallel_loop3A_673, %parallel_loop3A_674, %parallel_loop3A_675] {strides = array<i32>} : memref<4x4x8x128xf32, #tpu.memory_space<vmem>>, vector<16xf32>,
        tpu.vector_store %arg11[%parallel_loop3A_672, %parallel_loop3A_673, %parallel_loop3A_674, %parallel_loop3A_675], %parallel_loop3A_670 {strides = array<i32>} : memref<4x4x8x128xf32, #tpu.memory_space<vmem>>, vector<16xf32>,
        %parallel_loop3A_677 = arith.constant 112 : i32
        %parallel_loop3A_678 = vector.broadcast %parallel_loop3A_677 : i32 to vector<16xi32>
        %parallel_loop3A_679 = arith.addi %iota3A, %parallel_loop3A_678 : vector<16xi32>
        %parallel_loop3A_680 = tpu.vector_load_idx %arg9[%parallel_loop3A_679, %parallel_loop3A_566] : memref<512x32xf32, #tpu.memory_space<vmem>>[vector<16xi32>, vector<16xi32>], vector<16xf32>,
        %parallel_loop3A_681 = arith.constant 0 : i32
        %parallel_loop3A_682 = arith.index_cast %parallel_loop3A_590 : i32 to index
        %parallel_loop3A_683 = arith.index_cast %parallel_loop3A_681 : i32 to index
        %parallel_loop3A_684 = arith.index_cast %parallel_loop3A_606 : i32 to index
        %parallel_loop3A_685 = arith.constant 112 : index
        %parallel_loop3A_686 = tpu.vector_load %arg11[%parallel_loop3A_682, %parallel_loop3A_683, %parallel_loop3A_684, %parallel_loop3A_685] {strides = array<i32>} : memref<4x4x8x128xf32, #tpu.memory_space<vmem>>, vector<16xf32>,
        tpu.vector_store %arg11[%parallel_loop3A_682, %parallel_loop3A_683, %parallel_loop3A_684, %parallel_loop3A_685], %parallel_loop3A_680 {strides = array<i32>} : memref<4x4x8x128xf32, #tpu.memory_space<vmem>>, vector<16xf32>,
        %parallel_loop3A_687 = arith.constant 128 : i32
        %parallel_loop3A_688 = vector.broadcast %parallel_loop3A_687 : i32 to vector<16xi32>
        %parallel_loop3A_689 = arith.addi %iota3A, %parallel_loop3A_688 : vector<16xi32>
        %parallel_loop3A_690 = tpu.vector_load_idx %arg9[%parallel_loop3A_689, %parallel_loop3A_566] : memref<512x32xf32, #tpu.memory_space<vmem>>[vector<16xi32>, vector<16xi32>], vector<16xf32>,
        %parallel_loop3A_691 = arith.constant 1 : i32
        %parallel_loop3A_692 = arith.index_cast %parallel_loop3A_590 : i32 to index
        %parallel_loop3A_693 = arith.index_cast %parallel_loop3A_691 : i32 to index
        %parallel_loop3A_694 = arith.index_cast %parallel_loop3A_606 : i32 to index
        %parallel_loop3A_695 = arith.constant 0 : index
        %parallel_loop3A_696 = tpu.vector_load %arg11[%parallel_loop3A_692, %parallel_loop3A_693, %parallel_loop3A_694, %parallel_loop3A_695] {strides = array<i32>} : memref<4x4x8x128xf32, #tpu.memory_space<vmem>>, vector<16xf32>,
        tpu.vector_store %arg11[%parallel_loop3A_692, %parallel_loop3A_693, %parallel_loop3A_694, %parallel_loop3A_695], %parallel_loop3A_690 {strides = array<i32>} : memref<4x4x8x128xf32, #tpu.memory_space<vmem>>, vector<16xf32>,
        %parallel_loop3A_697 = arith.constant 144 : i32
        %parallel_loop3A_698 = vector.broadcast %parallel_loop3A_697 : i32 to vector<16xi32>
        %parallel_loop3A_699 = arith.addi %iota3A, %parallel_loop3A_698 : vector<16xi32>
        %parallel_loop3A_700 = tpu.vector_load_idx %arg9[%parallel_loop3A_699, %parallel_loop3A_566] : memref<512x32xf32, #tpu.memory_space<vmem>>[vector<16xi32>, vector<16xi32>], vector<16xf32>,
        %parallel_loop3A_701 = arith.constant 1 : i32
        %parallel_loop3A_702 = arith.index_cast %parallel_loop3A_590 : i32 to index
        %parallel_loop3A_703 = arith.index_cast %parallel_loop3A_701 : i32 to index
        %parallel_loop3A_704 = arith.index_cast %parallel_loop3A_606 : i32 to index
        %parallel_loop3A_705 = arith.constant 16 : index
        %parallel_loop3A_706 = tpu.vector_load %arg11[%parallel_loop3A_702, %parallel_loop3A_703, %parallel_loop3A_704, %parallel_loop3A_705] {strides = array<i32>} : memref<4x4x8x128xf32, #tpu.memory_space<vmem>>, vector<16xf32>,
        tpu.vector_store %arg11[%parallel_loop3A_702, %parallel_loop3A_703, %parallel_loop3A_704, %parallel_loop3A_705], %parallel_loop3A_700 {strides = array<i32>} : memref<4x4x8x128xf32, #tpu.memory_space<vmem>>, vector<16xf32>,
        %parallel_loop3A_707 = arith.constant 160 : i32
        %parallel_loop3A_708 = vector.broadcast %parallel_loop3A_707 : i32 to vector<16xi32>
        %parallel_loop3A_709 = arith.addi %iota3A, %parallel_loop3A_708 : vector<16xi32>
        %parallel_loop3A_710 = tpu.vector_load_idx %arg9[%parallel_loop3A_709, %parallel_loop3A_566] : memref<512x32xf32, #tpu.memory_space<vmem>>[vector<16xi32>, vector<16xi32>], vector<16xf32>,
        %parallel_loop3A_711 = arith.constant 1 : i32
        %parallel_loop3A_712 = arith.index_cast %parallel_loop3A_590 : i32 to index
        %parallel_loop3A_713 = arith.index_cast %parallel_loop3A_711 : i32 to index
        %parallel_loop3A_714 = arith.index_cast %parallel_loop3A_606 : i32 to index
        %parallel_loop3A_715 = arith.constant 32 : index
        %parallel_loop3A_716 = tpu.vector_load %arg11[%parallel_loop3A_712, %parallel_loop3A_713, %parallel_loop3A_714, %parallel_loop3A_715] {strides = array<i32>} : memref<4x4x8x128xf32, #tpu.memory_space<vmem>>, vector<16xf32>,
        tpu.vector_store %arg11[%parallel_loop3A_712, %parallel_loop3A_713, %parallel_loop3A_714, %parallel_loop3A_715], %parallel_loop3A_710 {strides = array<i32>} : memref<4x4x8x128xf32, #tpu.memory_space<vmem>>, vector<16xf32>,
        %parallel_loop3A_717 = arith.constant 176 : i32
        %parallel_loop3A_718 = vector.broadcast %parallel_loop3A_717 : i32 to vector<16xi32>
        %parallel_loop3A_719 = arith.addi %iota3A, %parallel_loop3A_718 : vector<16xi32>
        %parallel_loop3A_720 = tpu.vector_load_idx %arg9[%parallel_loop3A_719, %parallel_loop3A_566] : memref<512x32xf32, #tpu.memory_space<vmem>>[vector<16xi32>, vector<16xi32>], vector<16xf32>,
        %parallel_loop3A_721 = arith.constant 1 : i32
        %parallel_loop3A_722 = arith.index_cast %parallel_loop3A_590 : i32 to index
        %parallel_loop3A_723 = arith.index_cast %parallel_loop3A_721 : i32 to index
        %parallel_loop3A_724 = arith.index_cast %parallel_loop3A_606 : i32 to index
        %parallel_loop3A_725 = arith.constant 48 : index
        %parallel_loop3A_726 = tpu.vector_load %arg11[%parallel_loop3A_722, %parallel_loop3A_723, %parallel_loop3A_724, %parallel_loop3A_725] {strides = array<i32>} : memref<4x4x8x128xf32, #tpu.memory_space<vmem>>, vector<16xf32>,
        tpu.vector_store %arg11[%parallel_loop3A_722, %parallel_loop3A_723, %parallel_loop3A_724, %parallel_loop3A_725], %parallel_loop3A_720 {strides = array<i32>} : memref<4x4x8x128xf32, #tpu.memory_space<vmem>>, vector<16xf32>,
        %parallel_loop3A_727 = arith.constant 192 : i32
        %parallel_loop3A_728 = vector.broadcast %parallel_loop3A_727 : i32 to vector<16xi32>
        %parallel_loop3A_729 = arith.addi %iota3A, %parallel_loop3A_728 : vector<16xi32>
        %parallel_loop3A_730 = tpu.vector_load_idx %arg9[%parallel_loop3A_729, %parallel_loop3A_566] : memref<512x32xf32, #tpu.memory_space<vmem>>[vector<16xi32>, vector<16xi32>], vector<16xf32>,
        %parallel_loop3A_731 = arith.constant 1 : i32
        %parallel_loop3A_732 = arith.index_cast %parallel_loop3A_590 : i32 to index
        %parallel_loop3A_733 = arith.index_cast %parallel_loop3A_731 : i32 to index
        %parallel_loop3A_734 = arith.index_cast %parallel_loop3A_606 : i32 to index
        %parallel_loop3A_735 = arith.constant 64 : index
        %parallel_loop3A_736 = tpu.vector_load %arg11[%parallel_loop3A_732, %parallel_loop3A_733, %parallel_loop3A_734, %parallel_loop3A_735] {strides = array<i32>} : memref<4x4x8x128xf32, #tpu.memory_space<vmem>>, vector<16xf32>,
        tpu.vector_store %arg11[%parallel_loop3A_732, %parallel_loop3A_733, %parallel_loop3A_734, %parallel_loop3A_735], %parallel_loop3A_730 {strides = array<i32>} : memref<4x4x8x128xf32, #tpu.memory_space<vmem>>, vector<16xf32>,
        %parallel_loop3A_737 = arith.constant 208 : i32
        %parallel_loop3A_738 = vector.broadcast %parallel_loop3A_737 : i32 to vector<16xi32>
        %parallel_loop3A_739 = arith.addi %iota3A, %parallel_loop3A_738 : vector<16xi32>
        %parallel_loop3A_740 = tpu.vector_load_idx %arg9[%parallel_loop3A_739, %parallel_loop3A_566] : memref<512x32xf32, #tpu.memory_space<vmem>>[vector<16xi32>, vector<16xi32>], vector<16xf32>,
        %parallel_loop3A_741 = arith.constant 1 : i32
        %parallel_loop3A_742 = arith.index_cast %parallel_loop3A_590 : i32 to index
        %parallel_loop3A_743 = arith.index_cast %parallel_loop3A_741 : i32 to index
        %parallel_loop3A_744 = arith.index_cast %parallel_loop3A_606 : i32 to index
        %parallel_loop3A_745 = arith.constant 80 : index
        %parallel_loop3A_746 = tpu.vector_load %arg11[%parallel_loop3A_742, %parallel_loop3A_743, %parallel_loop3A_744, %parallel_loop3A_745] {strides = array<i32>} : memref<4x4x8x128xf32, #tpu.memory_space<vmem>>, vector<16xf32>,
        tpu.vector_store %arg11[%parallel_loop3A_742, %parallel_loop3A_743, %parallel_loop3A_744, %parallel_loop3A_745], %parallel_loop3A_740 {strides = array<i32>} : memref<4x4x8x128xf32, #tpu.memory_space<vmem>>, vector<16xf32>,
        %parallel_loop3A_747 = arith.constant 224 : i32
        %parallel_loop3A_748 = vector.broadcast %parallel_loop3A_747 : i32 to vector<16xi32>
        %parallel_loop3A_749 = arith.addi %iota3A, %parallel_loop3A_748 : vector<16xi32>
        %parallel_loop3A_750 = tpu.vector_load_idx %arg9[%parallel_loop3A_749, %parallel_loop3A_566] : memref<512x32xf32, #tpu.memory_space<vmem>>[vector<16xi32>, vector<16xi32>], vector<16xf32>,
        %parallel_loop3A_751 = arith.constant 1 : i32
        %parallel_loop3A_752 = arith.index_cast %parallel_loop3A_590 : i32 to index
        %parallel_loop3A_753 = arith.index_cast %parallel_loop3A_751 : i32 to index
        %parallel_loop3A_754 = arith.index_cast %parallel_loop3A_606 : i32 to index
        %parallel_loop3A_755 = arith.constant 96 : index
        %parallel_loop3A_756 = tpu.vector_load %arg11[%parallel_loop3A_752, %parallel_loop3A_753, %parallel_loop3A_754, %parallel_loop3A_755] {strides = array<i32>} : memref<4x4x8x128xf32, #tpu.memory_space<vmem>>, vector<16xf32>,
        tpu.vector_store %arg11[%parallel_loop3A_752, %parallel_loop3A_753, %parallel_loop3A_754, %parallel_loop3A_755], %parallel_loop3A_750 {strides = array<i32>} : memref<4x4x8x128xf32, #tpu.memory_space<vmem>>, vector<16xf32>,
        %parallel_loop3A_757 = arith.constant 240 : i32
        %parallel_loop3A_758 = vector.broadcast %parallel_loop3A_757 : i32 to vector<16xi32>
        %parallel_loop3A_759 = arith.addi %iota3A, %parallel_loop3A_758 : vector<16xi32>
        %parallel_loop3A_760 = tpu.vector_load_idx %arg9[%parallel_loop3A_759, %parallel_loop3A_566] : memref<512x32xf32, #tpu.memory_space<vmem>>[vector<16xi32>, vector<16xi32>], vector<16xf32>,
        %parallel_loop3A_761 = arith.constant 1 : i32
        %parallel_loop3A_762 = arith.index_cast %parallel_loop3A_590 : i32 to index
        %parallel_loop3A_763 = arith.index_cast %parallel_loop3A_761 : i32 to index
        %parallel_loop3A_764 = arith.index_cast %parallel_loop3A_606 : i32 to index
        %parallel_loop3A_765 = arith.constant 112 : index
        %parallel_loop3A_766 = tpu.vector_load %arg11[%parallel_loop3A_762, %parallel_loop3A_763, %parallel_loop3A_764, %parallel_loop3A_765] {strides = array<i32>} : memref<4x4x8x128xf32, #tpu.memory_space<vmem>>, vector<16xf32>,
        tpu.vector_store %arg11[%parallel_loop3A_762, %parallel_loop3A_763, %parallel_loop3A_764, %parallel_loop3A_765], %parallel_loop3A_760 {strides = array<i32>} : memref<4x4x8x128xf32, #tpu.memory_space<vmem>>, vector<16xf32>,
        %parallel_loop3A_767 = arith.constant 256 : i32
        %parallel_loop3A_768 = vector.broadcast %parallel_loop3A_767 : i32 to vector<16xi32>
        %parallel_loop3A_769 = arith.addi %iota3A, %parallel_loop3A_768 : vector<16xi32>
        %parallel_loop3A_770 = tpu.vector_load_idx %arg9[%parallel_loop3A_769, %parallel_loop3A_566] : memref<512x32xf32, #tpu.memory_space<vmem>>[vector<16xi32>, vector<16xi32>], vector<16xf32>,
        %parallel_loop3A_771 = arith.constant 2 : i32
        %parallel_loop3A_772 = arith.index_cast %parallel_loop3A_590 : i32 to index
        %parallel_loop3A_773 = arith.index_cast %parallel_loop3A_771 : i32 to index
        %parallel_loop3A_774 = arith.index_cast %parallel_loop3A_606 : i32 to index
        %parallel_loop3A_775 = arith.constant 0 : index
        %parallel_loop3A_776 = tpu.vector_load %arg11[%parallel_loop3A_772, %parallel_loop3A_773, %parallel_loop3A_774, %parallel_loop3A_775] {strides = array<i32>} : memref<4x4x8x128xf32, #tpu.memory_space<vmem>>, vector<16xf32>,
        tpu.vector_store %arg11[%parallel_loop3A_772, %parallel_loop3A_773, %parallel_loop3A_774, %parallel_loop3A_775], %parallel_loop3A_770 {strides = array<i32>} : memref<4x4x8x128xf32, #tpu.memory_space<vmem>>, vector<16xf32>,
        %parallel_loop3A_777 = arith.constant 272 : i32
        %parallel_loop3A_778 = vector.broadcast %parallel_loop3A_777 : i32 to vector<16xi32>
        %parallel_loop3A_779 = arith.addi %iota3A, %parallel_loop3A_778 : vector<16xi32>
        %parallel_loop3A_780 = tpu.vector_load_idx %arg9[%parallel_loop3A_779, %parallel_loop3A_566] : memref<512x32xf32, #tpu.memory_space<vmem>>[vector<16xi32>, vector<16xi32>], vector<16xf32>,
        %parallel_loop3A_781 = arith.constant 2 : i32
        %parallel_loop3A_782 = arith.index_cast %parallel_loop3A_590 : i32 to index
        %parallel_loop3A_783 = arith.index_cast %parallel_loop3A_781 : i32 to index
        %parallel_loop3A_784 = arith.index_cast %parallel_loop3A_606 : i32 to index
        %parallel_loop3A_785 = arith.constant 16 : index
        %parallel_loop3A_786 = tpu.vector_load %arg11[%parallel_loop3A_782, %parallel_loop3A_783, %parallel_loop3A_784, %parallel_loop3A_785] {strides = array<i32>} : memref<4x4x8x128xf32, #tpu.memory_space<vmem>>, vector<16xf32>,
        tpu.vector_store %arg11[%parallel_loop3A_782, %parallel_loop3A_783, %parallel_loop3A_784, %parallel_loop3A_785], %parallel_loop3A_780 {strides = array<i32>} : memref<4x4x8x128xf32, #tpu.memory_space<vmem>>, vector<16xf32>,
        %parallel_loop3A_787 = arith.constant 288 : i32
        %parallel_loop3A_788 = vector.broadcast %parallel_loop3A_787 : i32 to vector<16xi32>
        %parallel_loop3A_789 = arith.addi %iota3A, %parallel_loop3A_788 : vector<16xi32>
        %parallel_loop3A_790 = tpu.vector_load_idx %arg9[%parallel_loop3A_789, %parallel_loop3A_566] : memref<512x32xf32, #tpu.memory_space<vmem>>[vector<16xi32>, vector<16xi32>], vector<16xf32>,
        %parallel_loop3A_791 = arith.constant 2 : i32
        %parallel_loop3A_792 = arith.index_cast %parallel_loop3A_590 : i32 to index
        %parallel_loop3A_793 = arith.index_cast %parallel_loop3A_791 : i32 to index
        %parallel_loop3A_794 = arith.index_cast %parallel_loop3A_606 : i32 to index
        %parallel_loop3A_795 = arith.constant 32 : index
        %parallel_loop3A_796 = tpu.vector_load %arg11[%parallel_loop3A_792, %parallel_loop3A_793, %parallel_loop3A_794, %parallel_loop3A_795] {strides = array<i32>} : memref<4x4x8x128xf32, #tpu.memory_space<vmem>>, vector<16xf32>,
        tpu.vector_store %arg11[%parallel_loop3A_792, %parallel_loop3A_793, %parallel_loop3A_794, %parallel_loop3A_795], %parallel_loop3A_790 {strides = array<i32>} : memref<4x4x8x128xf32, #tpu.memory_space<vmem>>, vector<16xf32>,
        %parallel_loop3A_797 = arith.constant 304 : i32
        %parallel_loop3A_798 = vector.broadcast %parallel_loop3A_797 : i32 to vector<16xi32>
        %parallel_loop3A_799 = arith.addi %iota3A, %parallel_loop3A_798 : vector<16xi32>
        %parallel_loop3A_800 = tpu.vector_load_idx %arg9[%parallel_loop3A_799, %parallel_loop3A_566] : memref<512x32xf32, #tpu.memory_space<vmem>>[vector<16xi32>, vector<16xi32>], vector<16xf32>,
        %parallel_loop3A_801 = arith.constant 2 : i32
        %parallel_loop3A_802 = arith.index_cast %parallel_loop3A_590 : i32 to index
        %parallel_loop3A_803 = arith.index_cast %parallel_loop3A_801 : i32 to index
        %parallel_loop3A_804 = arith.index_cast %parallel_loop3A_606 : i32 to index
        %parallel_loop3A_805 = arith.constant 48 : index
        %parallel_loop3A_806 = tpu.vector_load %arg11[%parallel_loop3A_802, %parallel_loop3A_803, %parallel_loop3A_804, %parallel_loop3A_805] {strides = array<i32>} : memref<4x4x8x128xf32, #tpu.memory_space<vmem>>, vector<16xf32>,
        tpu.vector_store %arg11[%parallel_loop3A_802, %parallel_loop3A_803, %parallel_loop3A_804, %parallel_loop3A_805], %parallel_loop3A_800 {strides = array<i32>} : memref<4x4x8x128xf32, #tpu.memory_space<vmem>>, vector<16xf32>,
        %parallel_loop3A_807 = arith.constant 320 : i32
        %parallel_loop3A_808 = vector.broadcast %parallel_loop3A_807 : i32 to vector<16xi32>
        %parallel_loop3A_809 = arith.addi %iota3A, %parallel_loop3A_808 : vector<16xi32>
        %parallel_loop3A_810 = tpu.vector_load_idx %arg9[%parallel_loop3A_809, %parallel_loop3A_566] : memref<512x32xf32, #tpu.memory_space<vmem>>[vector<16xi32>, vector<16xi32>], vector<16xf32>,
        %parallel_loop3A_811 = arith.constant 2 : i32
        %parallel_loop3A_812 = arith.index_cast %parallel_loop3A_590 : i32 to index
        %parallel_loop3A_813 = arith.index_cast %parallel_loop3A_811 : i32 to index
        %parallel_loop3A_814 = arith.index_cast %parallel_loop3A_606 : i32 to index
        %parallel_loop3A_815 = arith.constant 64 : index
        %parallel_loop3A_816 = tpu.vector_load %arg11[%parallel_loop3A_812, %parallel_loop3A_813, %parallel_loop3A_814, %parallel_loop3A_815] {strides = array<i32>} : memref<4x4x8x128xf32, #tpu.memory_space<vmem>>, vector<16xf32>,
        tpu.vector_store %arg11[%parallel_loop3A_812, %parallel_loop3A_813, %parallel_loop3A_814, %parallel_loop3A_815], %parallel_loop3A_810 {strides = array<i32>} : memref<4x4x8x128xf32, #tpu.memory_space<vmem>>, vector<16xf32>,
        %parallel_loop3A_817 = arith.constant 336 : i32
        %parallel_loop3A_818 = vector.broadcast %parallel_loop3A_817 : i32 to vector<16xi32>
        %parallel_loop3A_819 = arith.addi %iota3A, %parallel_loop3A_818 : vector<16xi32>
        %parallel_loop3A_820 = tpu.vector_load_idx %arg9[%parallel_loop3A_819, %parallel_loop3A_566] : memref<512x32xf32, #tpu.memory_space<vmem>>[vector<16xi32>, vector<16xi32>], vector<16xf32>,
        %parallel_loop3A_821 = arith.constant 2 : i32
        %parallel_loop3A_822 = arith.index_cast %parallel_loop3A_590 : i32 to index
        %parallel_loop3A_823 = arith.index_cast %parallel_loop3A_821 : i32 to index
        %parallel_loop3A_824 = arith.index_cast %parallel_loop3A_606 : i32 to index
        %parallel_loop3A_825 = arith.constant 80 : index
        %parallel_loop3A_826 = tpu.vector_load %arg11[%parallel_loop3A_822, %parallel_loop3A_823, %parallel_loop3A_824, %parallel_loop3A_825] {strides = array<i32>} : memref<4x4x8x128xf32, #tpu.memory_space<vmem>>, vector<16xf32>,
        tpu.vector_store %arg11[%parallel_loop3A_822, %parallel_loop3A_823, %parallel_loop3A_824, %parallel_loop3A_825], %parallel_loop3A_820 {strides = array<i32>} : memref<4x4x8x128xf32, #tpu.memory_space<vmem>>, vector<16xf32>,
        %parallel_loop3A_827 = arith.constant 352 : i32
        %parallel_loop3A_828 = vector.broadcast %parallel_loop3A_827 : i32 to vector<16xi32>
        %parallel_loop3A_829 = arith.addi %iota3A, %parallel_loop3A_828 : vector<16xi32>
        %parallel_loop3A_830 = tpu.vector_load_idx %arg9[%parallel_loop3A_829, %parallel_loop3A_566] : memref<512x32xf32, #tpu.memory_space<vmem>>[vector<16xi32>, vector<16xi32>], vector<16xf32>,
        %parallel_loop3A_831 = arith.constant 2 : i32
        %parallel_loop3A_832 = arith.index_cast %parallel_loop3A_590 : i32 to index
        %parallel_loop3A_833 = arith.index_cast %parallel_loop3A_831 : i32 to index
        %parallel_loop3A_834 = arith.index_cast %parallel_loop3A_606 : i32 to index
        %parallel_loop3A_835 = arith.constant 96 : index
        %parallel_loop3A_836 = tpu.vector_load %arg11[%parallel_loop3A_832, %parallel_loop3A_833, %parallel_loop3A_834, %parallel_loop3A_835] {strides = array<i32>} : memref<4x4x8x128xf32, #tpu.memory_space<vmem>>, vector<16xf32>,
        tpu.vector_store %arg11[%parallel_loop3A_832, %parallel_loop3A_833, %parallel_loop3A_834, %parallel_loop3A_835], %parallel_loop3A_830 {strides = array<i32>} : memref<4x4x8x128xf32, #tpu.memory_space<vmem>>, vector<16xf32>,
        %parallel_loop3A_837 = arith.constant 368 : i32
        %parallel_loop3A_838 = vector.broadcast %parallel_loop3A_837 : i32 to vector<16xi32>
        %parallel_loop3A_839 = arith.addi %iota3A, %parallel_loop3A_838 : vector<16xi32>
        %parallel_loop3A_840 = tpu.vector_load_idx %arg9[%parallel_loop3A_839, %parallel_loop3A_566] : memref<512x32xf32, #tpu.memory_space<vmem>>[vector<16xi32>, vector<16xi32>], vector<16xf32>,
        %parallel_loop3A_841 = arith.constant 2 : i32
        %parallel_loop3A_842 = arith.index_cast %parallel_loop3A_590 : i32 to index
        %parallel_loop3A_843 = arith.index_cast %parallel_loop3A_841 : i32 to index
        %parallel_loop3A_844 = arith.index_cast %parallel_loop3A_606 : i32 to index
        %parallel_loop3A_845 = arith.constant 112 : index
        %parallel_loop3A_846 = tpu.vector_load %arg11[%parallel_loop3A_842, %parallel_loop3A_843, %parallel_loop3A_844, %parallel_loop3A_845] {strides = array<i32>} : memref<4x4x8x128xf32, #tpu.memory_space<vmem>>, vector<16xf32>,
        tpu.vector_store %arg11[%parallel_loop3A_842, %parallel_loop3A_843, %parallel_loop3A_844, %parallel_loop3A_845], %parallel_loop3A_840 {strides = array<i32>} : memref<4x4x8x128xf32, #tpu.memory_space<vmem>>, vector<16xf32>,
        %parallel_loop3A_847 = arith.constant 384 : i32
        %parallel_loop3A_848 = vector.broadcast %parallel_loop3A_847 : i32 to vector<16xi32>
        %parallel_loop3A_849 = arith.addi %iota3A, %parallel_loop3A_848 : vector<16xi32>
        %parallel_loop3A_850 = tpu.vector_load_idx %arg9[%parallel_loop3A_849, %parallel_loop3A_566] : memref<512x32xf32, #tpu.memory_space<vmem>>[vector<16xi32>, vector<16xi32>], vector<16xf32>,
        %parallel_loop3A_851 = arith.constant 3 : i32
        %parallel_loop3A_852 = arith.index_cast %parallel_loop3A_590 : i32 to index
        %parallel_loop3A_853 = arith.index_cast %parallel_loop3A_851 : i32 to index
        %parallel_loop3A_854 = arith.index_cast %parallel_loop3A_606 : i32 to index
        %parallel_loop3A_855 = arith.constant 0 : index
        %parallel_loop3A_856 = tpu.vector_load %arg11[%parallel_loop3A_852, %parallel_loop3A_853, %parallel_loop3A_854, %parallel_loop3A_855] {strides = array<i32>} : memref<4x4x8x128xf32, #tpu.memory_space<vmem>>, vector<16xf32>,
        tpu.vector_store %arg11[%parallel_loop3A_852, %parallel_loop3A_853, %parallel_loop3A_854, %parallel_loop3A_855], %parallel_loop3A_850 {strides = array<i32>} : memref<4x4x8x128xf32, #tpu.memory_space<vmem>>, vector<16xf32>,
        %parallel_loop3A_857 = arith.constant 400 : i32
        %parallel_loop3A_858 = vector.broadcast %parallel_loop3A_857 : i32 to vector<16xi32>
        %parallel_loop3A_859 = arith.addi %iota3A, %parallel_loop3A_858 : vector<16xi32>
        %parallel_loop3A_860 = tpu.vector_load_idx %arg9[%parallel_loop3A_859, %parallel_loop3A_566] : memref<512x32xf32, #tpu.memory_space<vmem>>[vector<16xi32>, vector<16xi32>], vector<16xf32>,
        %parallel_loop3A_861 = arith.constant 3 : i32
        %parallel_loop3A_862 = arith.index_cast %parallel_loop3A_590 : i32 to index
        %parallel_loop3A_863 = arith.index_cast %parallel_loop3A_861 : i32 to index
        %parallel_loop3A_864 = arith.index_cast %parallel_loop3A_606 : i32 to index
        %parallel_loop3A_865 = arith.constant 16 : index
        %parallel_loop3A_866 = tpu.vector_load %arg11[%parallel_loop3A_862, %parallel_loop3A_863, %parallel_loop3A_864, %parallel_loop3A_865] {strides = array<i32>} : memref<4x4x8x128xf32, #tpu.memory_space<vmem>>, vector<16xf32>,
        tpu.vector_store %arg11[%parallel_loop3A_862, %parallel_loop3A_863, %parallel_loop3A_864, %parallel_loop3A_865], %parallel_loop3A_860 {strides = array<i32>} : memref<4x4x8x128xf32, #tpu.memory_space<vmem>>, vector<16xf32>,
        %parallel_loop3A_867 = arith.constant 416 : i32
        %parallel_loop3A_868 = vector.broadcast %parallel_loop3A_867 : i32 to vector<16xi32>
        %parallel_loop3A_869 = arith.addi %iota3A, %parallel_loop3A_868 : vector<16xi32>
        %parallel_loop3A_870 = tpu.vector_load_idx %arg9[%parallel_loop3A_869, %parallel_loop3A_566] : memref<512x32xf32, #tpu.memory_space<vmem>>[vector<16xi32>, vector<16xi32>], vector<16xf32>,
        %parallel_loop3A_871 = arith.constant 3 : i32
        %parallel_loop3A_872 = arith.index_cast %parallel_loop3A_590 : i32 to index
        %parallel_loop3A_873 = arith.index_cast %parallel_loop3A_871 : i32 to index
        %parallel_loop3A_874 = arith.index_cast %parallel_loop3A_606 : i32 to index
        %parallel_loop3A_875 = arith.constant 32 : index
        %parallel_loop3A_876 = tpu.vector_load %arg11[%parallel_loop3A_872, %parallel_loop3A_873, %parallel_loop3A_874, %parallel_loop3A_875] {strides = array<i32>} : memref<4x4x8x128xf32, #tpu.memory_space<vmem>>, vector<16xf32>,
        tpu.vector_store %arg11[%parallel_loop3A_872, %parallel_loop3A_873, %parallel_loop3A_874, %parallel_loop3A_875], %parallel_loop3A_870 {strides = array<i32>} : memref<4x4x8x128xf32, #tpu.memory_space<vmem>>, vector<16xf32>,
        %parallel_loop3A_877 = arith.constant 432 : i32
        %parallel_loop3A_878 = vector.broadcast %parallel_loop3A_877 : i32 to vector<16xi32>
        %parallel_loop3A_879 = arith.addi %iota3A, %parallel_loop3A_878 : vector<16xi32>
        %parallel_loop3A_880 = tpu.vector_load_idx %arg9[%parallel_loop3A_879, %parallel_loop3A_566] : memref<512x32xf32, #tpu.memory_space<vmem>>[vector<16xi32>, vector<16xi32>], vector<16xf32>,
        %parallel_loop3A_881 = arith.constant 3 : i32
        %parallel_loop3A_882 = arith.index_cast %parallel_loop3A_590 : i32 to index
        %parallel_loop3A_883 = arith.index_cast %parallel_loop3A_881 : i32 to index
        %parallel_loop3A_884 = arith.index_cast %parallel_loop3A_606 : i32 to index
        %parallel_loop3A_885 = arith.constant 48 : index
        %parallel_loop3A_886 = tpu.vector_load %arg11[%parallel_loop3A_882, %parallel_loop3A_883, %parallel_loop3A_884, %parallel_loop3A_885] {strides = array<i32>} : memref<4x4x8x128xf32, #tpu.memory_space<vmem>>, vector<16xf32>,
        tpu.vector_store %arg11[%parallel_loop3A_882, %parallel_loop3A_883, %parallel_loop3A_884, %parallel_loop3A_885], %parallel_loop3A_880 {strides = array<i32>} : memref<4x4x8x128xf32, #tpu.memory_space<vmem>>, vector<16xf32>,
        %parallel_loop3A_887 = arith.constant 448 : i32
        %parallel_loop3A_888 = vector.broadcast %parallel_loop3A_887 : i32 to vector<16xi32>
        %parallel_loop3A_889 = arith.addi %iota3A, %parallel_loop3A_888 : vector<16xi32>
        %parallel_loop3A_890 = tpu.vector_load_idx %arg9[%parallel_loop3A_889, %parallel_loop3A_566] : memref<512x32xf32, #tpu.memory_space<vmem>>[vector<16xi32>, vector<16xi32>], vector<16xf32>,
        %parallel_loop3A_891 = arith.constant 3 : i32
        %parallel_loop3A_892 = arith.index_cast %parallel_loop3A_590 : i32 to index
        %parallel_loop3A_893 = arith.index_cast %parallel_loop3A_891 : i32 to index
        %parallel_loop3A_894 = arith.index_cast %parallel_loop3A_606 : i32 to index
        %parallel_loop3A_895 = arith.constant 64 : index
        %parallel_loop3A_896 = tpu.vector_load %arg11[%parallel_loop3A_892, %parallel_loop3A_893, %parallel_loop3A_894, %parallel_loop3A_895] {strides = array<i32>} : memref<4x4x8x128xf32, #tpu.memory_space<vmem>>, vector<16xf32>,
        tpu.vector_store %arg11[%parallel_loop3A_892, %parallel_loop3A_893, %parallel_loop3A_894, %parallel_loop3A_895], %parallel_loop3A_890 {strides = array<i32>} : memref<4x4x8x128xf32, #tpu.memory_space<vmem>>, vector<16xf32>,
        %parallel_loop3A_897 = arith.constant 464 : i32
        %parallel_loop3A_898 = vector.broadcast %parallel_loop3A_897 : i32 to vector<16xi32>
        %parallel_loop3A_899 = arith.addi %iota3A, %parallel_loop3A_898 : vector<16xi32>
        %parallel_loop3A_900 = tpu.vector_load_idx %arg9[%parallel_loop3A_899, %parallel_loop3A_566] : memref<512x32xf32, #tpu.memory_space<vmem>>[vector<16xi32>, vector<16xi32>], vector<16xf32>,
        %parallel_loop3A_901 = arith.constant 3 : i32
        %parallel_loop3A_902 = arith.index_cast %parallel_loop3A_590 : i32 to index
        %parallel_loop3A_903 = arith.index_cast %parallel_loop3A_901 : i32 to index
        %parallel_loop3A_904 = arith.index_cast %parallel_loop3A_606 : i32 to index
        %parallel_loop3A_905 = arith.constant 80 : index
        %parallel_loop3A_906 = tpu.vector_load %arg11[%parallel_loop3A_902, %parallel_loop3A_903, %parallel_loop3A_904, %parallel_loop3A_905] {strides = array<i32>} : memref<4x4x8x128xf32, #tpu.memory_space<vmem>>, vector<16xf32>,
        tpu.vector_store %arg11[%parallel_loop3A_902, %parallel_loop3A_903, %parallel_loop3A_904, %parallel_loop3A_905], %parallel_loop3A_900 {strides = array<i32>} : memref<4x4x8x128xf32, #tpu.memory_space<vmem>>, vector<16xf32>,
        %parallel_loop3A_907 = arith.constant 480 : i32
        %parallel_loop3A_908 = vector.broadcast %parallel_loop3A_907 : i32 to vector<16xi32>
        %parallel_loop3A_909 = arith.addi %iota3A, %parallel_loop3A_908 : vector<16xi32>
        %parallel_loop3A_910 = tpu.vector_load_idx %arg9[%parallel_loop3A_909, %parallel_loop3A_566] : memref<512x32xf32, #tpu.memory_space<vmem>>[vector<16xi32>, vector<16xi32>], vector<16xf32>,
        %parallel_loop3A_911 = arith.constant 3 : i32
        %parallel_loop3A_912 = arith.index_cast %parallel_loop3A_590 : i32 to index
        %parallel_loop3A_913 = arith.index_cast %parallel_loop3A_911 : i32 to index
        %parallel_loop3A_914 = arith.index_cast %parallel_loop3A_606 : i32 to index
        %parallel_loop3A_915 = arith.constant 96 : index
        %parallel_loop3A_916 = tpu.vector_load %arg11[%parallel_loop3A_912, %parallel_loop3A_913, %parallel_loop3A_914, %parallel_loop3A_915] {strides = array<i32>} : memref<4x4x8x128xf32, #tpu.memory_space<vmem>>, vector<16xf32>,
        tpu.vector_store %arg11[%parallel_loop3A_912, %parallel_loop3A_913, %parallel_loop3A_914, %parallel_loop3A_915], %parallel_loop3A_910 {strides = array<i32>} : memref<4x4x8x128xf32, #tpu.memory_space<vmem>>, vector<16xf32>,
        %parallel_loop3A_917 = arith.constant 496 : i32
        %parallel_loop3A_918 = vector.broadcast %parallel_loop3A_917 : i32 to vector<16xi32>
        %parallel_loop3A_919 = arith.addi %iota3A, %parallel_loop3A_918 : vector<16xi32>
        %parallel_loop3A_920 = tpu.vector_load_idx %arg9[%parallel_loop3A_919, %parallel_loop3A_566] : memref<512x32xf32, #tpu.memory_space<vmem>>[vector<16xi32>, vector<16xi32>], vector<16xf32>,
        %parallel_loop3A_921 = arith.constant 3 : i32
        %parallel_loop3A_922 = arith.index_cast %parallel_loop3A_590 : i32 to index
        %parallel_loop3A_923 = arith.index_cast %parallel_loop3A_921 : i32 to index
        %parallel_loop3A_924 = arith.index_cast %parallel_loop3A_606 : i32 to index
        %parallel_loop3A_925 = arith.constant 112 : index
        %parallel_loop3A_926 = tpu.vector_load %arg11[%parallel_loop3A_922, %parallel_loop3A_923, %parallel_loop3A_924, %parallel_loop3A_925] {strides = array<i32>} : memref<4x4x8x128xf32, #tpu.memory_space<vmem>>, vector<16xf32>,
        tpu.vector_store %arg11[%parallel_loop3A_922, %parallel_loop3A_923, %parallel_loop3A_924, %parallel_loop3A_925], %parallel_loop3A_920 {strides = array<i32>} : memref<4x4x8x128xf32, #tpu.memory_space<vmem>>, vector<16xf32>,
      } {sc.loop_unroll_factor = 4 : i64, sc.parallel_access}
      %mul3A_437 = arith.constant 25 : i32
      %mul3A_438 = arith.muli %select_n3A_30, %mul3A_437 : i32
      %jit3A_439 = arith.constant 2 : i32
      %div3A_440 = arith.divsi %add3A_230, %jit3A_439 : i32
      %sign3A_441 = arith.constant 0 : i32
      %sign3A_442 = arith.cmpi sgt, %add3A_230, %sign3A_441 : i32
      %sign3A_443 = arith.extui %sign3A_442 : i1 to i32
      %sign3A_444 = arith.constant 0 : i32
      %sign3A_445 = arith.cmpi slt, %add3A_230, %sign3A_444 : i32
      %sign3A_446 = arith.extui %sign3A_445 : i1 to i32
      %sign3A_447 = arith.subi %sign3A_443, %sign3A_446 : i32
      %sign3A_448 = arith.constant 0 : i32
      %sign3A_449 = arith.cmpi sgt, %jit3A_439, %sign3A_448 : i32
      %sign3A_450 = arith.extui %sign3A_449 : i1 to i32
      %sign3A_451 = arith.constant 0 : i32
      %sign3A_452 = arith.cmpi slt, %jit3A_439, %sign3A_451 : i32
      %sign3A_453 = arith.extui %sign3A_452 : i1 to i32
      %sign3A_454 = arith.subi %sign3A_450, %sign3A_453 : i32
      %ne3A_455 = arith.cmpi ne, %sign3A_447, %sign3A_454 : i32
      %rem3A_456 = arith.remsi %add3A_230, %jit3A_439 : i32
      %ne3A_457 = arith.constant 0 : i32
      %ne3A_458 = arith.cmpi ne, %rem3A_456, %ne3A_457 : i32
      %and3A_459 = arith.andi %ne3A_455, %ne3A_458 : i1
      %sub3A_460 = arith.constant 1 : i32
      %sub3A_461 = arith.subi %div3A_440, %sub3A_460 : i32
      %select_n3A_462 = arith.select %and3A_459, %sub3A_461, %div3A_440 : i32
      %add3A_463 = arith.addi %mul3A_438, %select_n3A_462 : i32
      %jit3A_464 = arith.constant 2 : i32
      %eq3A_465 = arith.constant 0 : i32
      %eq3A_466 = arith.cmpi eq, %jit3A_464, %eq3A_465 : i32
      %jit3A_467 = arith.constant 1 : i32
      %select_n3A_468 = arith.select %eq3A_466, %jit3A_467, %jit3A_464 : i32
      %rem3A_469 = arith.remsi %add3A_230, %select_n3A_468 : i32
      %ne3A_470 = arith.constant 0 : i32
      %ne3A_471 = arith.cmpi ne, %rem3A_469, %ne3A_470 : i32
      %lt3A_472 = arith.constant 0 : i32
      %lt3A_473 = arith.cmpi slt, %rem3A_469, %lt3A_472 : i32
      %lt3A_474 = arith.constant 0 : i32
      %lt3A_475 = arith.cmpi slt, %select_n3A_468, %lt3A_474 : i32
      %ne3A_476 = arith.xori %lt3A_473, %lt3A_475 : i1
      %and3A_477 = arith.andi %ne3A_476, %ne3A_471 : i1
      %add3A_478 = arith.addi %rem3A_469, %select_n3A_468 : i32
      %select_n3A_479 = arith.select %and3A_477, %add3A_478, %rem3A_469 : i32
      %mul3A_480 = arith.constant 8 : i32
      %mul3A_481 = arith.muli %select_n3A, %mul3A_480 : i32
      %mul3A_482 = arith.constant 4 : i32
      %mul3A_483 = arith.muli %select_n3A_479, %mul3A_482 : i32
      %add3A_484 = arith.addi %mul3A_481, %mul3A_483 : i32
      %dma_start3A_485 = arith.constant 0 : i32
      %dma_start3A_486 = arith.constant 0 : i32
      %dma_start3A_487 = arith.constant 0 : i32
      %dma_start3A_488 = arith.constant 0 : i32
      %dma_start3A_489 = arith.constant 0 : i32
      %dma_start3A_490 = tpu.memref_slice %arg11[%dma_start3A_485, %dma_start3A_487, %dma_start3A_488, %dma_start3A_489] : memref<4x4x8x128xf32, #tpu.memory_space<vmem>> -> memref<1x4x8x128xf32, #tpu.memory_space<vmem>>
      %dma_start3A_491 = tpu.memref_squeeze %dma_start3A_490 : memref<1x4x8x128xf32, #tpu.memory_space<vmem>> -> memref<4x8x128xf32, #tpu.memory_space<vmem>>
      %dma_start3A_492 = arith.constant 0 : i32
      %dma_start3A_493 = arith.constant 0 : i32
      %dma_start3A_494 = tpu.memref_slice %arg4[%add3A_463, %dma_start3A_486, %add3A_484, %dma_start3A_492, %dma_start3A_493] : memref<50x4x128x8x128xf32, #tpu.memory_space<hbm>> -> memref<1x1x4x8x128xf32, #tpu.memory_space<hbm>>
      %dma_start3A_495 = tpu.memref_squeeze %dma_start3A_494 : memref<1x1x4x8x128xf32, #tpu.memory_space<hbm>> -> memref<4x8x128xf32, #tpu.memory_space<hbm>>
      %dma_start3A_496 = arith.constant 0 : i32
      %dma_start3A_497 = arith.constant 0 : i32
      %dma_start3A_498 = tpu.memref_slice %arg4[%add3A_463, %dma_start3A_486, %add3A_484, %dma_start3A_496, %dma_start3A_497] : memref<50x4x128x8x128xf32, #tpu.memory_space<hbm>> -> memref<1x1x4x8x128xf32, #tpu.memory_space<hbm>>
      %dma_start3A_499 = tpu.memref_squeeze %dma_start3A_498 : memref<1x1x4x8x128xf32, #tpu.memory_space<hbm>> -> memref<4x8x128xf32, #tpu.memory_space<hbm>>
      %dma_start3A_500 = arith.constant 0 : i32
      %dma_start3A_501 = arith.constant 0 : i32
      %dma_start3A_502 = arith.constant 0 : i32
      %dma_start3A_503 = tpu.memref_slice %arg11[%dma_start3A_485, %dma_start3A_500, %dma_start3A_501, %dma_start3A_502] : memref<4x4x8x128xf32, #tpu.memory_space<vmem>> -> memref<1x4x8x128xf32, #tpu.memory_space<vmem>>
      %dma_start3A_504 = tpu.memref_squeeze %dma_start3A_503 : memref<1x4x8x128xf32, #tpu.memory_space<vmem>> -> memref<4x8x128xf32, #tpu.memory_space<vmem>>
      tpu.enqueue_dma source(%dma_start3A_504 : memref<4x8x128xf32, #tpu.memory_space<vmem>>) target(%dma_start3A_499 : memref<4x8x128xf32, #tpu.memory_space<hbm>>) target_semaphore(%arg15 : memref<!tpu.dma_semaphore, #tpu.memory_space<semaphore_mem>>)
      %dma_start3A_505 = arith.constant 1 : i32
      %dma_start3A_506 = arith.constant 1 : i32
      %dma_start3A_507 = arith.constant 0 : i32
      %dma_start3A_508 = arith.constant 0 : i32
      %dma_start3A_509 = arith.constant 0 : i32
      %dma_start3A_510 = tpu.memref_slice %arg11[%dma_start3A_505, %dma_start3A_507, %dma_start3A_508, %dma_start3A_509] : memref<4x4x8x128xf32, #tpu.memory_space<vmem>> -> memref<1x4x8x128xf32, #tpu.memory_space<vmem>>
      %dma_start3A_511 = tpu.memref_squeeze %dma_start3A_510 : memref<1x4x8x128xf32, #tpu.memory_space<vmem>> -> memref<4x8x128xf32, #tpu.memory_space<vmem>>
      %dma_start3A_512 = arith.constant 0 : i32
      %dma_start3A_513 = arith.constant 0 : i32
      %dma_start3A_514 = tpu.memref_slice %arg4[%add3A_463, %dma_start3A_506, %add3A_484, %dma_start3A_512, %dma_start3A_513] : memref<50x4x128x8x128xf32, #tpu.memory_space<hbm>> -> memref<1x1x4x8x128xf32, #tpu.memory_space<hbm>>
      %dma_start3A_515 = tpu.memref_squeeze %dma_start3A_514 : memref<1x1x4x8x128xf32, #tpu.memory_space<hbm>> -> memref<4x8x128xf32, #tpu.memory_space<hbm>>
      %dma_start3A_516 = arith.constant 0 : i32
      %dma_start3A_517 = arith.constant 0 : i32
      %dma_start3A_518 = tpu.memref_slice %arg4[%add3A_463, %dma_start3A_506, %add3A_484, %dma_start3A_516, %dma_start3A_517] : memref<50x4x128x8x128xf32, #tpu.memory_space<hbm>> -> memref<1x1x4x8x128xf32, #tpu.memory_space<hbm>>
      %dma_start3A_519 = tpu.memref_squeeze %dma_start3A_518 : memref<1x1x4x8x128xf32, #tpu.memory_space<hbm>> -> memref<4x8x128xf32, #tpu.memory_space<hbm>>
      %dma_start3A_520 = arith.constant 0 : i32
      %dma_start3A_521 = arith.constant 0 : i32
      %dma_start3A_522 = arith.constant 0 : i32
      %dma_start3A_523 = tpu.memref_slice %arg11[%dma_start3A_505, %dma_start3A_520, %dma_start3A_521, %dma_start3A_522] : memref<4x4x8x128xf32, #tpu.memory_space<vmem>> -> memref<1x4x8x128xf32, #tpu.memory_space<vmem>>
      %dma_start3A_524 = tpu.memref_squeeze %dma_start3A_523 : memref<1x4x8x128xf32, #tpu.memory_space<vmem>> -> memref<4x8x128xf32, #tpu.memory_space<vmem>>
      tpu.enqueue_dma source(%dma_start3A_524 : memref<4x8x128xf32, #tpu.memory_space<vmem>>) target(%dma_start3A_519 : memref<4x8x128xf32, #tpu.memory_space<hbm>>) target_semaphore(%arg15 : memref<!tpu.dma_semaphore, #tpu.memory_space<semaphore_mem>>)
      %dma_start3A_525 = arith.constant 2 : i32
      %dma_start3A_526 = arith.constant 2 : i32
      %dma_start3A_527 = arith.constant 0 : i32
      %dma_start3A_528 = arith.constant 0 : i32
      %dma_start3A_529 = arith.constant 0 : i32
      %dma_start3A_530 = tpu.memref_slice %arg11[%dma_start3A_525, %dma_start3A_527, %dma_start3A_528, %dma_start3A_529] : memref<4x4x8x128xf32, #tpu.memory_space<vmem>> -> memref<1x4x8x128xf32, #tpu.memory_space<vmem>>
      %dma_start3A_531 = tpu.memref_squeeze %dma_start3A_530 : memref<1x4x8x128xf32, #tpu.memory_space<vmem>> -> memref<4x8x128xf32, #tpu.memory_space<vmem>>
      %dma_start3A_532 = arith.constant 0 : i32
      %dma_start3A_533 = arith.constant 0 : i32
      %dma_start3A_534 = tpu.memref_slice %arg4[%add3A_463, %dma_start3A_526, %add3A_484, %dma_start3A_532, %dma_start3A_533] : memref<50x4x128x8x128xf32, #tpu.memory_space<hbm>> -> memref<1x1x4x8x128xf32, #tpu.memory_space<hbm>>
      %dma_start3A_535 = tpu.memref_squeeze %dma_start3A_534 : memref<1x1x4x8x128xf32, #tpu.memory_space<hbm>> -> memref<4x8x128xf32, #tpu.memory_space<hbm>>
      %dma_start3A_536 = arith.constant 0 : i32
      %dma_start3A_537 = arith.constant 0 : i32
      %dma_start3A_538 = tpu.memref_slice %arg4[%add3A_463, %dma_start3A_526, %add3A_484, %dma_start3A_536, %dma_start3A_537] : memref<50x4x128x8x128xf32, #tpu.memory_space<hbm>> -> memref<1x1x4x8x128xf32, #tpu.memory_space<hbm>>
      %dma_start3A_539 = tpu.memref_squeeze %dma_start3A_538 : memref<1x1x4x8x128xf32, #tpu.memory_space<hbm>> -> memref<4x8x128xf32, #tpu.memory_space<hbm>>
      %dma_start3A_540 = arith.constant 0 : i32
      %dma_start3A_541 = arith.constant 0 : i32
      %dma_start3A_542 = arith.constant 0 : i32
      %dma_start3A_543 = tpu.memref_slice %arg11[%dma_start3A_525, %dma_start3A_540, %dma_start3A_541, %dma_start3A_542] : memref<4x4x8x128xf32, #tpu.memory_space<vmem>> -> memref<1x4x8x128xf32, #tpu.memory_space<vmem>>
      %dma_start3A_544 = tpu.memref_squeeze %dma_start3A_543 : memref<1x4x8x128xf32, #tpu.memory_space<vmem>> -> memref<4x8x128xf32, #tpu.memory_space<vmem>>
      tpu.enqueue_dma source(%dma_start3A_544 : memref<4x8x128xf32, #tpu.memory_space<vmem>>) target(%dma_start3A_539 : memref<4x8x128xf32, #tpu.memory_space<hbm>>) target_semaphore(%arg15 : memref<!tpu.dma_semaphore, #tpu.memory_space<semaphore_mem>>)
      %dma_start3A_545 = arith.constant 3 : i32
      %dma_start3A_546 = arith.constant 3 : i32
      %dma_start3A_547 = arith.constant 0 : i32
      %dma_start3A_548 = arith.constant 0 : i32
      %dma_start3A_549 = arith.constant 0 : i32
      %dma_start3A_550 = tpu.memref_slice %arg11[%dma_start3A_545, %dma_start3A_547, %dma_start3A_548, %dma_start3A_549] : memref<4x4x8x128xf32, #tpu.memory_space<vmem>> -> memref<1x4x8x128xf32, #tpu.memory_space<vmem>>
      %dma_start3A_551 = tpu.memref_squeeze %dma_start3A_550 : memref<1x4x8x128xf32, #tpu.memory_space<vmem>> -> memref<4x8x128xf32, #tpu.memory_space<vmem>>
      %dma_start3A_552 = arith.constant 0 : i32
      %dma_start3A_553 = arith.constant 0 : i32
      %dma_start3A_554 = tpu.memref_slice %arg4[%add3A_463, %dma_start3A_546, %add3A_484, %dma_start3A_552, %dma_start3A_553] : memref<50x4x128x8x128xf32, #tpu.memory_space<hbm>> -> memref<1x1x4x8x128xf32, #tpu.memory_space<hbm>>
      %dma_start3A_555 = tpu.memref_squeeze %dma_start3A_554 : memref<1x1x4x8x128xf32, #tpu.memory_space<hbm>> -> memref<4x8x128xf32, #tpu.memory_space<hbm>>
      %dma_start3A_556 = arith.constant 0 : i32
      %dma_start3A_557 = arith.constant 0 : i32
      %dma_start3A_558 = tpu.memref_slice %arg4[%add3A_463, %dma_start3A_546, %add3A_484, %dma_start3A_556, %dma_start3A_557] : memref<50x4x128x8x128xf32, #tpu.memory_space<hbm>> -> memref<1x1x4x8x128xf32, #tpu.memory_space<hbm>>
      %dma_start3A_559 = tpu.memref_squeeze %dma_start3A_558 : memref<1x1x4x8x128xf32, #tpu.memory_space<hbm>> -> memref<4x8x128xf32, #tpu.memory_space<hbm>>
      %dma_start3A_560 = arith.constant 0 : i32
      %dma_start3A_561 = arith.constant 0 : i32
      %dma_start3A_562 = arith.constant 0 : i32
      %dma_start3A_563 = tpu.memref_slice %arg11[%dma_start3A_545, %dma_start3A_560, %dma_start3A_561, %dma_start3A_562] : memref<4x4x8x128xf32, #tpu.memory_space<vmem>> -> memref<1x4x8x128xf32, #tpu.memory_space<vmem>>
      %dma_start3A_564 = tpu.memref_squeeze %dma_start3A_563 : memref<1x4x8x128xf32, #tpu.memory_space<vmem>> -> memref<4x8x128xf32, #tpu.memory_space<vmem>>
      tpu.enqueue_dma source(%dma_start3A_564 : memref<4x8x128xf32, #tpu.memory_space<vmem>>) target(%dma_start3A_559 : memref<4x8x128xf32, #tpu.memory_space<hbm>>) target_semaphore(%arg15 : memref<!tpu.dma_semaphore, #tpu.memory_space<semaphore_mem>>)
    }
    %scan3A_50 = arith.constant 25 : i32
    %mul3A_51 = arith.constant 25 : i32
    %mul3A_52 = arith.muli %select_n3A_30, %mul3A_51 : i32
    %add3A_53 = arith.constant 24 : i32
    %add3A_54 = arith.addi %mul3A_52, %add3A_53 : i32
    %mul3A_55 = arith.constant 8 : i32
    %mul3A_56 = arith.muli %select_n3A, %mul3A_55 : i32
    %add3A_57 = arith.constant 0 : i32
    %add3A_58 = arith.addi %mul3A_56, %add3A_57 : i32
    %dma_wait3A = arith.constant 0 : i32
    %dma_wait3A_59 = arith.constant 0 : i32
    %dma_wait3A_60 = arith.constant 0 : i32
    %dma_wait3A_61 = arith.constant 0 : i32
    %dma_wait3A_62 = arith.constant 0 : i32
    %dma_wait3A_63 = tpu.memref_slice %arg10[%dma_wait3A, %dma_wait3A_60, %dma_wait3A_61, %dma_wait3A_62] : memref<4x4x8x128xf32, #tpu.memory_space<vmem>> -> memref<1x4x8x128xf32, #tpu.memory_space<vmem>>
    %dma_wait3A_64 = tpu.memref_squeeze %dma_wait3A_63 : memref<1x4x8x128xf32, #tpu.memory_space<vmem>> -> memref<4x8x128xf32, #tpu.memory_space<vmem>>
    %dma_wait3A_65 = arith.constant 0 : i32
    %dma_wait3A_66 = arith.constant 0 : i32
    %dma_wait3A_67 = tpu.memref_slice %arg4[%add3A_54, %dma_wait3A_59, %add3A_58, %dma_wait3A_65, %dma_wait3A_66] : memref<50x4x128x8x128xf32, #tpu.memory_space<hbm>> -> memref<1x1x4x8x128xf32, #tpu.memory_space<hbm>>
    %dma_wait3A_68 = tpu.memref_squeeze %dma_wait3A_67 : memref<1x1x4x8x128xf32, #tpu.memory_space<hbm>> -> memref<4x8x128xf32, #tpu.memory_space<hbm>>
    %dma_wait3A_69 = arith.constant 0 : i32
    %dma_wait3A_70 = arith.constant 0 : i32
    %dma_wait3A_71 = tpu.memref_slice %arg4[%add3A_54, %dma_wait3A_59, %add3A_58, %dma_wait3A_69, %dma_wait3A_70] : memref<50x4x128x8x128xf32, #tpu.memory_space<hbm>> -> memref<1x1x4x8x128xf32, #tpu.memory_space<hbm>>
    %dma_wait3A_72 = tpu.memref_squeeze %dma_wait3A_71 : memref<1x1x4x8x128xf32, #tpu.memory_space<hbm>> -> memref<4x8x128xf32, #tpu.memory_space<hbm>>
    %dma_wait3A_73 = arith.constant 0 : i32
    %dma_wait3A_74 = arith.constant 0 : i32
    %dma_wait3A_75 = arith.constant 0 : i32
    %dma_wait3A_76 = tpu.memref_slice %arg10[%dma_wait3A, %dma_wait3A_73, %dma_wait3A_74, %dma_wait3A_75] : memref<4x4x8x128xf32, #tpu.memory_space<vmem>> -> memref<1x4x8x128xf32, #tpu.memory_space<vmem>>
    %dma_wait3A_77 = tpu.memref_squeeze %dma_wait3A_76 : memref<1x4x8x128xf32, #tpu.memory_space<vmem>> -> memref<4x8x128xf32, #tpu.memory_space<vmem>>
    tpu.wait_dma2 semaphore(%arg14 : memref<!tpu.dma_semaphore, #tpu.memory_space<semaphore_mem>>) src(%dma_wait3A_77 : memref<4x8x128xf32, #tpu.memory_space<vmem>>) dst(%dma_wait3A_72 : memref<4x8x128xf32, #tpu.memory_space<hbm>>)
    %dma_wait3A_78 = arith.constant 1 : i32
    %dma_wait3A_79 = arith.constant 1 : i32
    %dma_wait3A_80 = arith.constant 0 : i32
    %dma_wait3A_81 = arith.constant 0 : i32
    %dma_wait3A_82 = arith.constant 0 : i32
    %dma_wait3A_83 = tpu.memref_slice %arg10[%dma_wait3A_78, %dma_wait3A_80, %dma_wait3A_81, %dma_wait3A_82] : memref<4x4x8x128xf32, #tpu.memory_space<vmem>> -> memref<1x4x8x128xf32, #tpu.memory_space<vmem>>
    %dma_wait3A_84 = tpu.memref_squeeze %dma_wait3A_83 : memref<1x4x8x128xf32, #tpu.memory_space<vmem>> -> memref<4x8x128xf32, #tpu.memory_space<vmem>>
    %dma_wait3A_85 = arith.constant 0 : i32
    %dma_wait3A_86 = arith.constant 0 : i32
    %dma_wait3A_87 = tpu.memref_slice %arg4[%add3A_54, %dma_wait3A_79, %add3A_58, %dma_wait3A_85, %dma_wait3A_86] : memref<50x4x128x8x128xf32, #tpu.memory_space<hbm>> -> memref<1x1x4x8x128xf32, #tpu.memory_space<hbm>>
    %dma_wait3A_88 = tpu.memref_squeeze %dma_wait3A_87 : memref<1x1x4x8x128xf32, #tpu.memory_space<hbm>> -> memref<4x8x128xf32, #tpu.memory_space<hbm>>
    %dma_wait3A_89 = arith.constant 0 : i32
    %dma_wait3A_90 = arith.constant 0 : i32
    %dma_wait3A_91 = tpu.memref_slice %arg4[%add3A_54, %dma_wait3A_79, %add3A_58, %dma_wait3A_89, %dma_wait3A_90] : memref<50x4x128x8x128xf32, #tpu.memory_space<hbm>> -> memref<1x1x4x8x128xf32, #tpu.memory_space<hbm>>
    %dma_wait3A_92 = tpu.memref_squeeze %dma_wait3A_91 : memref<1x1x4x8x128xf32, #tpu.memory_space<hbm>> -> memref<4x8x128xf32, #tpu.memory_space<hbm>>
    %dma_wait3A_93 = arith.constant 0 : i32
    %dma_wait3A_94 = arith.constant 0 : i32
    %dma_wait3A_95 = arith.constant 0 : i32
    %dma_wait3A_96 = tpu.memref_slice %arg10[%dma_wait3A_78, %dma_wait3A_93, %dma_wait3A_94, %dma_wait3A_95] : memref<4x4x8x128xf32, #tpu.memory_space<vmem>> -> memref<1x4x8x128xf32, #tpu.memory_space<vmem>>
    %dma_wait3A_97 = tpu.memref_squeeze %dma_wait3A_96 : memref<1x4x8x128xf32, #tpu.memory_space<vmem>> -> memref<4x8x128xf32, #tpu.memory_space<vmem>>
    tpu.wait_dma2 semaphore(%arg14 : memref<!tpu.dma_semaphore, #tpu.memory_space<semaphore_mem>>) src(%dma_wait3A_97 : memref<4x8x128xf32, #tpu.memory_space<vmem>>) dst(%dma_wait3A_92 : memref<4x8x128xf32, #tpu.memory_space<hbm>>)
    %dma_wait3A_98 = arith.constant 2 : i32
    %dma_wait3A_99 = arith.constant 2 : i32
    %dma_wait3A_100 = arith.constant 0 : i32
    %dma_wait3A_101 = arith.constant 0 : i32
    %dma_wait3A_102 = arith.constant 0 : i32
    %dma_wait3A_103 = tpu.memref_slice %arg10[%dma_wait3A_98, %dma_wait3A_100, %dma_wait3A_101, %dma_wait3A_102] : memref<4x4x8x128xf32, #tpu.memory_space<vmem>> -> memref<1x4x8x128xf32, #tpu.memory_space<vmem>>
    %dma_wait3A_104 = tpu.memref_squeeze %dma_wait3A_103 : memref<1x4x8x128xf32, #tpu.memory_space<vmem>> -> memref<4x8x128xf32, #tpu.memory_space<vmem>>
    %dma_wait3A_105 = arith.constant 0 : i32
    %dma_wait3A_106 = arith.constant 0 : i32
    %dma_wait3A_107 = tpu.memref_slice %arg4[%add3A_54, %dma_wait3A_99, %add3A_58, %dma_wait3A_105, %dma_wait3A_106] : memref<50x4x128x8x128xf32, #tpu.memory_space<hbm>> -> memref<1x1x4x8x128xf32, #tpu.memory_space<hbm>>
    %dma_wait3A_108 = tpu.memref_squeeze %dma_wait3A_107 : memref<1x1x4x8x128xf32, #tpu.memory_space<hbm>> -> memref<4x8x128xf32, #tpu.memory_space<hbm>>
    %dma_wait3A_109 = arith.constant 0 : i32
    %dma_wait3A_110 = arith.constant 0 : i32
    %dma_wait3A_111 = tpu.memref_slice %arg4[%add3A_54, %dma_wait3A_99, %add3A_58, %dma_wait3A_109, %dma_wait3A_110] : memref<50x4x128x8x128xf32, #tpu.memory_space<hbm>> -> memref<1x1x4x8x128xf32, #tpu.memory_space<hbm>>
    %dma_wait3A_112 = tpu.memref_squeeze %dma_wait3A_111 : memref<1x1x4x8x128xf32, #tpu.memory_space<hbm>> -> memref<4x8x128xf32, #tpu.memory_space<hbm>>
    %dma_wait3A_113 = arith.constant 0 : i32
    %dma_wait3A_114 = arith.constant 0 : i32
    %dma_wait3A_115 = arith.constant 0 : i32
    %dma_wait3A_116 = tpu.memref_slice %arg10[%dma_wait3A_98, %dma_wait3A_113, %dma_wait3A_114, %dma_wait3A_115] : memref<4x4x8x128xf32, #tpu.memory_space<vmem>> -> memref<1x4x8x128xf32, #tpu.memory_space<vmem>>
    %dma_wait3A_117 = tpu.memref_squeeze %dma_wait3A_116 : memref<1x4x8x128xf32, #tpu.memory_space<vmem>> -> memref<4x8x128xf32, #tpu.memory_space<vmem>>
    tpu.wait_dma2 semaphore(%arg14 : memref<!tpu.dma_semaphore, #tpu.memory_space<semaphore_mem>>) src(%dma_wait3A_117 : memref<4x8x128xf32, #tpu.memory_space<vmem>>) dst(%dma_wait3A_112 : memref<4x8x128xf32, #tpu.memory_space<hbm>>)
    %dma_wait3A_118 = arith.constant 3 : i32
    %dma_wait3A_119 = arith.constant 3 : i32
    %dma_wait3A_120 = arith.constant 0 : i32
    %dma_wait3A_121 = arith.constant 0 : i32
    %dma_wait3A_122 = arith.constant 0 : i32
    %dma_wait3A_123 = tpu.memref_slice %arg10[%dma_wait3A_118, %dma_wait3A_120, %dma_wait3A_121, %dma_wait3A_122] : memref<4x4x8x128xf32, #tpu.memory_space<vmem>> -> memref<1x4x8x128xf32, #tpu.memory_space<vmem>>
    %dma_wait3A_124 = tpu.memref_squeeze %dma_wait3A_123 : memref<1x4x8x128xf32, #tpu.memory_space<vmem>> -> memref<4x8x128xf32, #tpu.memory_space<vmem>>
    %dma_wait3A_125 = arith.constant 0 : i32
    %dma_wait3A_126 = arith.constant 0 : i32
    %dma_wait3A_127 = tpu.memref_slice %arg4[%add3A_54, %dma_wait3A_119, %add3A_58, %dma_wait3A_125, %dma_wait3A_126] : memref<50x4x128x8x128xf32, #tpu.memory_space<hbm>> -> memref<1x1x4x8x128xf32, #tpu.memory_space<hbm>>
    %dma_wait3A_128 = tpu.memref_squeeze %dma_wait3A_127 : memref<1x1x4x8x128xf32, #tpu.memory_space<hbm>> -> memref<4x8x128xf32, #tpu.memory_space<hbm>>
    %dma_wait3A_129 = arith.constant 0 : i32
    %dma_wait3A_130 = arith.constant 0 : i32
    %dma_wait3A_131 = tpu.memref_slice %arg4[%add3A_54, %dma_wait3A_119, %add3A_58, %dma_wait3A_129, %dma_wait3A_130] : memref<50x4x128x8x128xf32, #tpu.memory_space<hbm>> -> memref<1x1x4x8x128xf32, #tpu.memory_space<hbm>>
    %dma_wait3A_132 = tpu.memref_squeeze %dma_wait3A_131 : memref<1x1x4x8x128xf32, #tpu.memory_space<hbm>> -> memref<4x8x128xf32, #tpu.memory_space<hbm>>
    %dma_wait3A_133 = arith.constant 0 : i32
    %dma_wait3A_134 = arith.constant 0 : i32
    %dma_wait3A_135 = arith.constant 0 : i32
    %dma_wait3A_136 = tpu.memref_slice %arg10[%dma_wait3A_118, %dma_wait3A_133, %dma_wait3A_134, %dma_wait3A_135] : memref<4x4x8x128xf32, #tpu.memory_space<vmem>> -> memref<1x4x8x128xf32, #tpu.memory_space<vmem>>
    %dma_wait3A_137 = tpu.memref_squeeze %dma_wait3A_136 : memref<1x4x8x128xf32, #tpu.memory_space<vmem>> -> memref<4x8x128xf32, #tpu.memory_space<vmem>>
    tpu.wait_dma2 semaphore(%arg14 : memref<!tpu.dma_semaphore, #tpu.memory_space<semaphore_mem>>) src(%dma_wait3A_137 : memref<4x8x128xf32, #tpu.memory_space<vmem>>) dst(%dma_wait3A_132 : memref<4x8x128xf32, #tpu.memory_space<hbm>>)
    %mul3A_138 = arith.constant 25 : i32
    %mul3A_139 = arith.muli %select_n3A_30, %mul3A_138 : i32
    %add3A_140 = arith.constant 24 : i32
    %add3A_141 = arith.addi %mul3A_139, %add3A_140 : i32
    %mul3A_142 = arith.constant 8 : i32
    %mul3A_143 = arith.muli %select_n3A, %mul3A_142 : i32
    %add3A_144 = arith.constant 4 : i32
    %add3A_145 = arith.addi %mul3A_143, %add3A_144 : i32
    %dma_wait3A_146 = arith.constant 0 : i32
    %dma_wait3A_147 = arith.constant 0 : i32
    %dma_wait3A_148 = arith.constant 0 : i32
    %dma_wait3A_149 = arith.constant 0 : i32
    %dma_wait3A_150 = arith.constant 0 : i32
    %dma_wait3A_151 = tpu.memref_slice %arg11[%dma_wait3A_146, %dma_wait3A_148, %dma_wait3A_149, %dma_wait3A_150] : memref<4x4x8x128xf32, #tpu.memory_space<vmem>> -> memref<1x4x8x128xf32, #tpu.memory_space<vmem>>
    %dma_wait3A_152 = tpu.memref_squeeze %dma_wait3A_151 : memref<1x4x8x128xf32, #tpu.memory_space<vmem>> -> memref<4x8x128xf32, #tpu.memory_space<vmem>>
    %dma_wait3A_153 = arith.constant 0 : i32
    %dma_wait3A_154 = arith.constant 0 : i32
    %dma_wait3A_155 = tpu.memref_slice %arg4[%add3A_141, %dma_wait3A_147, %add3A_145, %dma_wait3A_153, %dma_wait3A_154] : memref<50x4x128x8x128xf32, #tpu.memory_space<hbm>> -> memref<1x1x4x8x128xf32, #tpu.memory_space<hbm>>
    %dma_wait3A_156 = tpu.memref_squeeze %dma_wait3A_155 : memref<1x1x4x8x128xf32, #tpu.memory_space<hbm>> -> memref<4x8x128xf32, #tpu.memory_space<hbm>>
    %dma_wait3A_157 = arith.constant 0 : i32
    %dma_wait3A_158 = arith.constant 0 : i32
    %dma_wait3A_159 = tpu.memref_slice %arg4[%add3A_141, %dma_wait3A_147, %add3A_145, %dma_wait3A_157, %dma_wait3A_158] : memref<50x4x128x8x128xf32, #tpu.memory_space<hbm>> -> memref<1x1x4x8x128xf32, #tpu.memory_space<hbm>>
    %dma_wait3A_160 = tpu.memref_squeeze %dma_wait3A_159 : memref<1x1x4x8x128xf32, #tpu.memory_space<hbm>> -> memref<4x8x128xf32, #tpu.memory_space<hbm>>
    %dma_wait3A_161 = arith.constant 0 : i32
    %dma_wait3A_162 = arith.constant 0 : i32
    %dma_wait3A_163 = arith.constant 0 : i32
    %dma_wait3A_164 = tpu.memref_slice %arg11[%dma_wait3A_146, %dma_wait3A_161, %dma_wait3A_162, %dma_wait3A_163] : memref<4x4x8x128xf32, #tpu.memory_space<vmem>> -> memref<1x4x8x128xf32, #tpu.memory_space<vmem>>
    %dma_wait3A_165 = tpu.memref_squeeze %dma_wait3A_164 : memref<1x4x8x128xf32, #tpu.memory_space<vmem>> -> memref<4x8x128xf32, #tpu.memory_space<vmem>>
    tpu.wait_dma2 semaphore(%arg15 : memref<!tpu.dma_semaphore, #tpu.memory_space<semaphore_mem>>) src(%dma_wait3A_165 : memref<4x8x128xf32, #tpu.memory_space<vmem>>) dst(%dma_wait3A_160 : memref<4x8x128xf32, #tpu.memory_space<hbm>>)
    %dma_wait3A_166 = arith.constant 1 : i32
    %dma_wait3A_167 = arith.constant 1 : i32
    %dma_wait3A_168 = arith.constant 0 : i32
    %dma_wait3A_169 = arith.constant 0 : i32
    %dma_wait3A_170 = arith.constant 0 : i32
    %dma_wait3A_171 = tpu.memref_slice %arg11[%dma_wait3A_166, %dma_wait3A_168, %dma_wait3A_169, %dma_wait3A_170] : memref<4x4x8x128xf32, #tpu.memory_space<vmem>> -> memref<1x4x8x128xf32, #tpu.memory_space<vmem>>
    %dma_wait3A_172 = tpu.memref_squeeze %dma_wait3A_171 : memref<1x4x8x128xf32, #tpu.memory_space<vmem>> -> memref<4x8x128xf32, #tpu.memory_space<vmem>>
    %dma_wait3A_173 = arith.constant 0 : i32
    %dma_wait3A_174 = arith.constant 0 : i32
    %dma_wait3A_175 = tpu.memref_slice %arg4[%add3A_141, %dma_wait3A_167, %add3A_145, %dma_wait3A_173, %dma_wait3A_174] : memref<50x4x128x8x128xf32, #tpu.memory_space<hbm>> -> memref<1x1x4x8x128xf32, #tpu.memory_space<hbm>>
    %dma_wait3A_176 = tpu.memref_squeeze %dma_wait3A_175 : memref<1x1x4x8x128xf32, #tpu.memory_space<hbm>> -> memref<4x8x128xf32, #tpu.memory_space<hbm>>
    %dma_wait3A_177 = arith.constant 0 : i32
    %dma_wait3A_178 = arith.constant 0 : i32
    %dma_wait3A_179 = tpu.memref_slice %arg4[%add3A_141, %dma_wait3A_167, %add3A_145, %dma_wait3A_177, %dma_wait3A_178] : memref<50x4x128x8x128xf32, #tpu.memory_space<hbm>> -> memref<1x1x4x8x128xf32, #tpu.memory_space<hbm>>
    %dma_wait3A_180 = tpu.memref_squeeze %dma_wait3A_179 : memref<1x1x4x8x128xf32, #tpu.memory_space<hbm>> -> memref<4x8x128xf32, #tpu.memory_space<hbm>>
    %dma_wait3A_181 = arith.constant 0 : i32
    %dma_wait3A_182 = arith.constant 0 : i32
    %dma_wait3A_183 = arith.constant 0 : i32
    %dma_wait3A_184 = tpu.memref_slice %arg11[%dma_wait3A_166, %dma_wait3A_181, %dma_wait3A_182, %dma_wait3A_183] : memref<4x4x8x128xf32, #tpu.memory_space<vmem>> -> memref<1x4x8x128xf32, #tpu.memory_space<vmem>>
    %dma_wait3A_185 = tpu.memref_squeeze %dma_wait3A_184 : memref<1x4x8x128xf32, #tpu.memory_space<vmem>> -> memref<4x8x128xf32, #tpu.memory_space<vmem>>
    tpu.wait_dma2 semaphore(%arg15 : memref<!tpu.dma_semaphore, #tpu.memory_space<semaphore_mem>>) src(%dma_wait3A_185 : memref<4x8x128xf32, #tpu.memory_space<vmem>>) dst(%dma_wait3A_180 : memref<4x8x128xf32, #tpu.memory_space<hbm>>)
    %dma_wait3A_186 = arith.constant 2 : i32
    %dma_wait3A_187 = arith.constant 2 : i32
    %dma_wait3A_188 = arith.constant 0 : i32
    %dma_wait3A_189 = arith.constant 0 : i32
    %dma_wait3A_190 = arith.constant 0 : i32
    %dma_wait3A_191 = tpu.memref_slice %arg11[%dma_wait3A_186, %dma_wait3A_188, %dma_wait3A_189, %dma_wait3A_190] : memref<4x4x8x128xf32, #tpu.memory_space<vmem>> -> memref<1x4x8x128xf32, #tpu.memory_space<vmem>>
    %dma_wait3A_192 = tpu.memref_squeeze %dma_wait3A_191 : memref<1x4x8x128xf32, #tpu.memory_space<vmem>> -> memref<4x8x128xf32, #tpu.memory_space<vmem>>
    %dma_wait3A_193 = arith.constant 0 : i32
    %dma_wait3A_194 = arith.constant 0 : i32
    %dma_wait3A_195 = tpu.memref_slice %arg4[%add3A_141, %dma_wait3A_187, %add3A_145, %dma_wait3A_193, %dma_wait3A_194] : memref<50x4x128x8x128xf32, #tpu.memory_space<hbm>> -> memref<1x1x4x8x128xf32, #tpu.memory_space<hbm>>
    %dma_wait3A_196 = tpu.memref_squeeze %dma_wait3A_195 : memref<1x1x4x8x128xf32, #tpu.memory_space<hbm>> -> memref<4x8x128xf32, #tpu.memory_space<hbm>>
    %dma_wait3A_197 = arith.constant 0 : i32
    %dma_wait3A_198 = arith.constant 0 : i32
    %dma_wait3A_199 = tpu.memref_slice %arg4[%add3A_141, %dma_wait3A_187, %add3A_145, %dma_wait3A_197, %dma_wait3A_198] : memref<50x4x128x8x128xf32, #tpu.memory_space<hbm>> -> memref<1x1x4x8x128xf32, #tpu.memory_space<hbm>>
    %dma_wait3A_200 = tpu.memref_squeeze %dma_wait3A_199 : memref<1x1x4x8x128xf32, #tpu.memory_space<hbm>> -> memref<4x8x128xf32, #tpu.memory_space<hbm>>
    %dma_wait3A_201 = arith.constant 0 : i32
    %dma_wait3A_202 = arith.constant 0 : i32
    %dma_wait3A_203 = arith.constant 0 : i32
    %dma_wait3A_204 = tpu.memref_slice %arg11[%dma_wait3A_186, %dma_wait3A_201, %dma_wait3A_202, %dma_wait3A_203] : memref<4x4x8x128xf32, #tpu.memory_space<vmem>> -> memref<1x4x8x128xf32, #tpu.memory_space<vmem>>
    %dma_wait3A_205 = tpu.memref_squeeze %dma_wait3A_204 : memref<1x4x8x128xf32, #tpu.memory_space<vmem>> -> memref<4x8x128xf32, #tpu.memory_space<vmem>>
    tpu.wait_dma2 semaphore(%arg15 : memref<!tpu.dma_semaphore, #tpu.memory_space<semaphore_mem>>) src(%dma_wait3A_205 : memref<4x8x128xf32, #tpu.memory_space<vmem>>) dst(%dma_wait3A_200 : memref<4x8x128xf32, #tpu.memory_space<hbm>>)
    %dma_wait3A_206 = arith.constant 3 : i32
    %dma_wait3A_207 = arith.constant 3 : i32
    %dma_wait3A_208 = arith.constant 0 : i32
    %dma_wait3A_209 = arith.constant 0 : i32
    %dma_wait3A_210 = arith.constant 0 : i32
    %dma_wait3A_211 = tpu.memref_slice %arg11[%dma_wait3A_206, %dma_wait3A_208, %dma_wait3A_209, %dma_wait3A_210] : memref<4x4x8x128xf32, #tpu.memory_space<vmem>> -> memref<1x4x8x128xf32, #tpu.memory_space<vmem>>
    %dma_wait3A_212 = tpu.memref_squeeze %dma_wait3A_211 : memref<1x4x8x128xf32, #tpu.memory_space<vmem>> -> memref<4x8x128xf32, #tpu.memory_space<vmem>>
    %dma_wait3A_213 = arith.constant 0 : i32
    %dma_wait3A_214 = arith.constant 0 : i32
    %dma_wait3A_215 = tpu.memref_slice %arg4[%add3A_141, %dma_wait3A_207, %add3A_145, %dma_wait3A_213, %dma_wait3A_214] : memref<50x4x128x8x128xf32, #tpu.memory_space<hbm>> -> memref<1x1x4x8x128xf32, #tpu.memory_space<hbm>>
    %dma_wait3A_216 = tpu.memref_squeeze %dma_wait3A_215 : memref<1x1x4x8x128xf32, #tpu.memory_space<hbm>> -> memref<4x8x128xf32, #tpu.memory_space<hbm>>
    %dma_wait3A_217 = arith.constant 0 : i32
    %dma_wait3A_218 = arith.constant 0 : i32
    %dma_wait3A_219 = tpu.memref_slice %arg4[%add3A_141, %dma_wait3A_207, %add3A_145, %dma_wait3A_217, %dma_wait3A_218] : memref<50x4x128x8x128xf32, #tpu.memory_space<hbm>> -> memref<1x1x4x8x128xf32, #tpu.memory_space<hbm>>
    %dma_wait3A_220 = tpu.memref_squeeze %dma_wait3A_219 : memref<1x1x4x8x128xf32, #tpu.memory_space<hbm>> -> memref<4x8x128xf32, #tpu.memory_space<hbm>>
    %dma_wait3A_221 = arith.constant 0 : i32
    %dma_wait3A_222 = arith.constant 0 : i32
    %dma_wait3A_223 = arith.constant 0 : i32
    %dma_wait3A_224 = tpu.memref_slice %arg11[%dma_wait3A_206, %dma_wait3A_221, %dma_wait3A_222, %dma_wait3A_223] : memref<4x4x8x128xf32, #tpu.memory_space<vmem>> -> memref<1x4x8x128xf32, #tpu.memory_space<vmem>>
    %dma_wait3A_225 = tpu.memref_squeeze %dma_wait3A_224 : memref<1x4x8x128xf32, #tpu.memory_space<vmem>> -> memref<4x8x128xf32, #tpu.memory_space<vmem>>
    tpu.wait_dma2 semaphore(%arg15 : memref<!tpu.dma_semaphore, #tpu.memory_space<semaphore_mem>>) src(%dma_wait3A_225 : memref<4x8x128xf32, #tpu.memory_space<vmem>>) dst(%dma_wait3A_220 : memref<4x8x128xf32, #tpu.memory_space<hbm>>)
    return
  }
}

</mosaic_0001>

<sc_bundles>
// kernel: _gather_embed.3.cloned.1.call-start
scs
__scs_entry_jumppad:
0x0: {  	(pc) =	sbr.rel $0x88, $3  }
0x1: {  	(tag) =	ssettag $0x0;
	lr =	simm.s32 $0x1  }
0x2: {  	[smem:$0x3F9F] =	sst lr;
	_ =	strace $0xD0000000  }
0x3: {  	_ = 	snop  }
0x4: {  	_ = 	snop  }
0x5: {  	_ = 	snop  }
0x6: {  	_ = 	snop  }
0x7: {  	_ = 	snop  }
__scs_overlays_trampoline_lowered:
0x8: {  	[smem:$0x3FAE] =	sst s0  }
0x9: {  	[smem:$0x3FAF] =	sst s1  }
0xa: {  	[smem:$0x3FB0] =	sst s2  }
0xb: {  	[smem:$0x3FB1] =	sst s3  }
0xc: {  	[smem:$0x3FB2] =	sst s4  }
0xd: {  	[smem:$0x3FB3] =	sst s5  }
0xe: {  	[smem:$0x3FB4] =	sst s6  }
0xf: {  	[smem:$0x3FB5] =	sst s7  }
0x10: {  	[smem:$0x3FB6] =	sst s8  }
0x11: {  	[smem:$0x3FB7] =	sst s9;
	s0 =	simm.s32 @!p0 $0x0  }
0x12: {  	s1 =	sld [smem:$0x3F9D];
	s0 =	simm.s32 @p0 $0x1  }
0x13: {  	[smem:$0x3FB8] =	sst s0;
	s0 =	simm.s32 @!p1 $0x0  }
0x14: {  	s2 =	sld [smem:$0x3F9C];
	s0 =	simm.s32 @p1 $0x1  }
0x15: {  	[smem:$0x3FB9] =	sst s0;
	s0 =	simm.s32 @!p2 $0x0  }
0x16: {  	s3 =	sld [smem:$0x3FDB];
	s0 =	simm.s32 @p2 $0x1  }
0x17: {  	s4 =	simm.s32 $0x1BF5;
	[smem:$0x3FBB] =	sst s0  }
0x18: {  	s0 =	sld [smem:$0x3F9E];
	_ =	swait.ge [sflag:s4], $0x0  }
0x19: {  	s7 =	sld [smem:$0x3F9F]  }
0x1a: {  	s8 =	sadd.s32 $0xFFFFE003, lr  }
0x1b: {  	s9 =	sadd.s32 $0xFFFFFEF7, lr;
	s5 =	simm.s32 $0xFFFFFFFF;
	p2 =	slt.u32 s8, $0xFFFFF086  }
0x1c: {  	p1 =	slt.u32 s9, $0xF7A;
	s5 =	simm.s32 @!p2 $0x0  }
0x1d: {  	s5 =	simm.s32 @p1 $0x1;
	p0 =	seq.s32 s7, s2  }
0x1e: {  	s7 =	smul.u32 @!p0 $0xF7A, s2;
	p2 =	seq.s32 @!p0 s5, $0x0  }
0x1f: {  	s9 =	smul.u32 $0xF7A, s1;
	s8 =	simm.s32 @!p0 $0x1BF5;
	p2 =	por !p2, p0  }
0x20: {  	[sflag:s8] =	ssyncset.s32 @!p0 $0xFFFFF086;
	s6 =	sadd.s32 @!p0 s3, s7;
	s7 =	simm.s32 @!p0 $0x108  }
0x21: {  	s3 =	sadd.s32 s3, s9;
	s6 =	sadd.s32 @!p0 $0x88, s6;
	s7 =	simm.s32 @p2 $0x1082  }
0x22: {  	[simem:s7], [sflag:s8] =	dma.local @!p0 [hbm:s6], $0xF7A  }
0x23: {  	s9 =	sor.u32 $0xD0000000, s2;
	s6 =	simm.s32 $0x108;
	_ =	swait.ge @!p0 [sflag:s8], $0x0  }
0x24: {  	s3 =	sadd.s32 $0x88, s3;
	s6 =	simm.s32 @!p1 $0x1082;
	[sflag:s4] =	ssyncset.s32 $0xFFFFF086  }
0x25: {  	[simem:s6], [sflag:s4] =	dma.local [hbm:s3], $0xF7A  }
0x26: {  	[smem:$0x3F9F] =	sst s1;
	(tag) =	ssettag s2;
	_ =	strace s9  }
0x27: {  	s1 =	sld [smem:$0x3FAF]  }
0x28: {  	s2 =	sld [smem:$0x3FB0]  }
0x29: {  	s4 =	sld [smem:$0x3FB2]  }
0x2a: {  	p0 =	seq.s32 s5, $0x0;
	s5 =	sld [smem:$0x3FB3]  }
0x2b: {  	s6 =	sld [smem:$0x3FB4]  }
0x2c: {  	s7 =	sld [smem:$0x3FB5]  }
0x2d: {  	s3 =	simm.s32 $0x108;
	s8 =	sld [smem:$0x3FB6]  }
0x2e: {  	s3 =	simm.s32 @!p0 $0x1082;
	s9 =	sld [smem:$0x3FB7]  }
0x2f: {  	lr =	sadd.s32 s0, s3;
	s0 =	sld [smem:$0x3FAE]  }
0x30: {  	s3 =	sld [smem:$0x3FB1]  }
0x31: {  	[smem:$0x3FBA] =	sst s10  }
0x32: {  	s10 =	sld [smem:$0x3FB8];
	_ =	sdelay $0x3  }
0x33: {  	p0 =	seq.s32 s10, $0x1;
	s10 =	sld [smem:$0x3FBA];
	_ =	sdelay $0x3  }
0x34: {  	[smem:$0x3FBA] =	sst s10  }
0x35: {  	s10 =	sld [smem:$0x3FB9];
	_ =	sdelay $0x3  }
0x36: {  	p1 =	seq.s32 s10, $0x1;
	s10 =	sld [smem:$0x3FBA];
	_ =	sdelay $0x3  }
0x37: {  	[smem:$0x3FBA] =	sst s10  }
0x38: {  	s10 =	sld [smem:$0x3FBB]  }
0x39: {  	_ = 	snop;
	(pc) =	sbr.ind lr, $3  }
0x3a: {  	_ = 	snop  }
0x3b: {  	_ = 	snop  }
0x3c: {  	p2 =	seq.s32 s10, $0x1;
	s10 =	sld [smem:$0x3FBA]  }
0x3d: {  	_ =	shalt  }
0x3e: {  	_ =	shalt  }
0x3f: {  	_ =	shalt  }
0x40: {  	_ =	shalt  }
0x41: {  	_ =	shalt  }
0x42: {  	_ =	shalt  }
0x43: {  	_ =	shalt  }
0x44: {  	_ =	shalt  }
0x45: {  	_ =	shalt  }
0x46: {  	_ =	shalt  }
0x47: {  	_ =	shalt  }
0x48: {  	_ =	shalt  }
0x49: {  	_ =	shalt  }
0x4a: {  	_ =	shalt  }
0x4b: {  	_ =	shalt  }
0x4c: {  	_ =	shalt  }
0x4d: {  	_ =	shalt  }
0x4e: {  	_ =	shalt  }
0x4f: {  	_ =	shalt  }
0x50: {  	_ =	shalt  }
0x51: {  	_ =	shalt  }
0x52: {  	_ =	shalt  }
0x53: {  	_ =	shalt  }
0x54: {  	_ =	shalt  }
0x55: {  	_ =	shalt  }
0x56: {  	_ =	shalt  }
0x57: {  	_ =	shalt  }
0x58: {  	_ =	shalt  }
0x59: {  	_ =	shalt  }
0x5a: {  	_ =	shalt  }
0x5b: {  	_ =	shalt  }
0x5c: {  	_ =	shalt  }
0x5d: {  	_ =	shalt  }
0x5e: {  	_ =	shalt  }
0x5f: {  	_ =	shalt  }
0x60: {  	_ =	shalt  }
0x61: {  	_ =	shalt  }
0x62: {  	_ =	shalt  }
0x63: {  	_ =	shalt  }
0x64: {  	_ =	shalt  }
0x65: {  	_ =	shalt  }
0x66: {  	_ =	shalt  }
0x67: {  	_ =	shalt  }
0x68: {  	_ =	shalt  }
0x69: {  	_ =	shalt  }
0x6a: {  	_ =	shalt  }
0x6b: {  	_ =	shalt  }
0x6c: {  	_ =	shalt  }
0x6d: {  	_ =	shalt  }
0x6e: {  	_ =	shalt  }
0x6f: {  	_ =	shalt  }
0x70: {  	_ =	shalt  }
0x71: {  	_ =	shalt  }
0x72: {  	_ =	shalt  }
0x73: {  	_ =	shalt  }
0x74: {  	_ =	shalt  }
0x75: {  	_ =	shalt  }
0x76: {  	_ =	shalt  }
0x77: {  	_ =	shalt  }
0x78: {  	_ =	shalt  }
0x79: {  	_ =	shalt  }
0x7a: {  	_ =	shalt  }
0x7b: {  	_ =	shalt  }
0x7c: {  	_ =	shalt  }
0x7d: {  	_ =	shalt  }
0x7e: {  	_ =	shalt  }
0x7f: {  	_ =	shalt  }
0x80: {  	_ =	shalt  }
0x81: {  	_ =	shalt  }
0x82: {  	_ =	shalt  }
0x83: {  	_ =	shalt  }
0x84: {  	_ =	shalt  }
0x85: {  	_ =	shalt  }
0x86: {  	_ =	shalt  }
0x87: {  	_ =	shalt  }
.Lfunc_end0:
.L_simem_size_0:
called_computation_lowered:
.L_overlay_start_0:
0x88: {  	s2 =	sld [smem:$0x3FD9]  }
0x89: {  	s3 =	sld [smem:$0x3FFE];
	_ =	sdelay $0x1  }
0x8a: {  	s1 =	srdreg.scid  }
0x8b: {  	s0 =	sand.u32 $0x1, s1  }
0x8c: {  	s17 =	sshll.u32 s0, $0xA;
	s2 =	sadd.s32 s3, s2  }
0x8d: {  	s2 =	sadd.s32 s2, s17  }
0x8e: {  	[smem:$0x3FC6] =	sst s2  }
0x8f: {  	_ = 	snop  }
0x90: {  	s2 =	sld [smem:$0x3FC9]  }
0x91: {  	s18 =	sld [smem:$0x3FD0];
	(tm) =	ssettm $0x1  }
0x92: {  	s4 =	sld [smem:$0x3FFB];
	_ =	sdelay $0x3  }
0x93: {  	_ =	strace s4  }
0x94: {  	s4 =	sld [smem:$0x3FFC];
	_ =	sdelay $0x3  }
0x95: {  	_ =	strace s4  }
0x96: {  	s4 =	sld [smem:$0x3FFD];
	_ =	sdelay $0x3  }
0x97: {  	_ =	strace s4  }
0x98: {  	_ =	strace $0x8FFFFFFF  }
0x99: {  	s19 =	sld [smem:$0x3FDB];
	_ =	sdelay $0x1  }
0x9a: {  	s5 =	simm.s32 $_scs_section_size  }
0x9b: {  	s6 =	simm.s32 $_size__tile_overlayer_lowered;
	s7 =	simm.s32 $_tile_overlayer_lowered  }
0x9c: {  	s22 =	simm.s32 $0x1BFF;
	s21 =	sshll.u32 s7, $0x1;
	s4 =	sadd.s32 s5, s19  }
0x9d: {  	s8 =	simm.s32 $0x0;
	s20 =	sshll.u32 s6, $0x1;
	s6 =	sadd.s32 s21, s4  }
0x9e: {  	[timem:s8], [sflag:s22] =	dma.local [hbm:s6], s20  }
0x9f: {  	_ =	swait.ge [sflag:s22], s20  }
0xa0: {  	s5 =	ssub.s32 $0x0, s20;
	[sflag:s22] =	ssyncset.done $0x0  }
0xa1: {  	[sflag:s22] =	ssyncadd.s32 s5;
	_ =	sdelay $0x1  }
0xa2: {  	s23 =	simm.s32 $0x1B8B  }
0xa3: {  	_ =	swait.ge [sflag:s23], $0x1  }
0xa4: {  	[sflag:s23] =	ssyncset.done $0x0  }
0xa5: {  	s25 =	simm.s32 $0x1B8E;
	s24 =	sld [smem:$0x3FFE];
	[sflag:s23] =	ssyncadd.s32 $0xFFFFFFFF  }
0xa6: {  	s26 =	simm.s32 $execute0_lowered;
	[smem:$0x3FD2] =	sst s25  }
0xa7: {  	s6 =	sshll.u32 s26, $0x1;
	_ =	strace $0x80000046;
	[dreg:$0x1] =	wrdreg $0xFFFFFFFF  }
0xa8: {  	s28 =	simm.s32 $_size_execute0_lowered;
	s4 =	sadd.s32 s4, s6;
	[dreg:$0x0] =	wrdreg $0x0  }
0xa9: {  	s6 =	sshll.u32 s28, $0x1;
	[dreg:$0x2] =	wrdreg s4  }
0xaa: {  	[dreg:$0x3] =	wrdreg s6  }
0xab: {  	[dreg:$0x4] =	wrdreg $0xC0  }
0xac: {  	_ =	task [dreg:s8], $0x5FFFF  }
0xad: {  	[dreg:$0x1] =	wrdreg $0xFFFFFFFF  }
0xae: {  	[dreg:$0x0] =	wrdreg $0x60  }
0xaf: {  	[dreg:$0x2] =	wrdreg s2  }
0xb0: {  	[dreg:$0x3] =	wrdreg s24  }
0xb1: {  	[dreg:$0x4] =	wrdreg s18  }
0xb2: {  	[dreg:$0x5] =	wrdreg $0x9  }
0xb3: {  	_ =	task.clear_ibuf [dreg:s8], $0x6FFFF;
	_ =	strace $0x90000046  }
0xb4: {  	s29 =	simm.s32 $0x9;
	_ =	strace $0x80000048  }
0xb5: {  	_ =	swait.ge [sflag:s29], $0x1  }
0xb6: {  	[sflag:s29] =	ssyncadd.s32 $0xFFFFFFFF  }
0xb7: {  	_ =	strace $0x90000048  }
0xb8: {  	_ =	sfence  }
0xb9: {  	s30 =	sld [smem:$0x0];
	_ =	sdelay $0x2  }
0xba: {  	s31 =	sshll.u32 s1, $0xD;
	s1 =	sshrl.u32 s1, $0x2  }
0xbb: {  	s3 =	sand.u32 $0x4000, s31;
	s1 =	sadd.s32 s1, s30  }
0xbc: {  	s0 =	sor.u32 s3, s0;
	s1 =	sshll.u32 s1, $0x11  }
0xbd: {  	s0 =	sor.u32 s1, s0  }
0xbe: {  	s0 =	sadd.s32 $0x8F2B, s0  }
0xbf: {  	[sflag:s0] =	ssyncadd.remote.s32 $0x1  }
0xc0: {  	_ =	sfence.sel $0xFFFF  }
0xc1: {  	[dreg:$0x0] =	wrdreg $0xFFFFFFFF;
	(pc) =	sbr.abs _section_cstart, $3  }
0xc2: {  	[dreg:$0x1] =	wrdreg $0xFFFFFFFF  }
0xc3: {  	_ =	task.clear_ibuf [dreg:s8], $0x2FFFF;
	_ =	strace $0x9FFFFFFF  }
0xc4: {  	(tm) =	ssettm $0x7FFFFFFF  }
0xc5: {  	_ =	shalt  }
tec
execute0_lowered:
.L_overlay_start_1:
0x0: {  	(tag) =	ssettag $0x1  }
0x1: {  	s0 =	srdreg.scid  }
0x2: {  	s5 =	stileid.u32;
	s8 =	rddreg [dreg:$0x0];
	v1 =	vlaneseq.u32;
	s0 =	sand.u32 $0x1, s0  }
0x3: {  	s26 =	rddreg [dreg:$0x1];
	v0 =	vmul.u32 $0x20, v1;
	s1 =	sor.u32 s0, s5  }
0x4: {  	s2 =	rddreg [dreg:$0x2];
	p0 =	seq.s32 s0, $0x1;
	p1 =	seq.s32 s1, $0x0  }
0x5: {  	s4 =	simm.s32 $0x1;
	s3 =	simm.s32 $0x0;
	v1 =	vmul.u32 $0x32, v1;
	v2 =	vor.u32 $0x200, v0;
	p1 =	por !p1, !p0  }
0x6: {  	s14 =	simm.s32 $0x200;
	s16 =	simm.s32 $0xCC00;
	v3 =	vor.u32 $0x400, v0;
	v4 =	vor.u32 $0x600, v0;
	v5 =	vor.u32 $0x800, v0;
	p1 =	por !p1, !p1  }
0x7: {  	s18 =	simm.s32 $0x10C00;
	s0 =	ssub.s32 $0x2, s0;
	v6 =	vor.u32 $0xA00, v0;
	v7 =	vor.u32 $0xC00, v0;
	v8 =	vor.u32 $0xE00, v0;
	s4 =	simm.s32 @!p1 $0x0  }
0x8: {  	s23 =	simm.s32 $0x2;
	s28 =	sshrl.u32 s0, $0x1;
	v9 =	vor.u32 $0x1000, v0;
	v10 =	vor.u32 $0x1200, v0;
	v11 =	vor.u32 $0x1400, v0;
	s7 =	ssub.s32 s5, s4  }
0x9: {  	[smem:$0x7FF] =	sst s3;
	v12 =	vor.u32 $0x1600, v0;
	v13 =	vor.u32 $0x1800, v0;
	v14 =	vor.u32 $0x1A00, v0;
	s0 =	ssub.s32 s0, s28;
	s6 =	smul.u32 $0xC800, s7  }
0xa: {  	s24 =	simm.s32 $0x4;
	_ =	strace $0x80000047;
	v15 =	vor.u32 $0x1C00, v0;
	v16 =	vor.u32 $0x1E00, v0;
	v17 =	vor.u32 $0x2000, v0;
	s0 =	smax.u32 s0, $0x1  }
0xb: {  	v18 =	vor.u32 $0x2200, v0;
	v19 =	vor.u32 $0x2400, v0;
	v20 =	vor.u32 $0x2600, v0;
	[dreg:$0x5] =	wrdreg s0;
	s29 =	sshrl.u32 s6, $0x3;
	s6 =	simm.s32 $0x19  }
0xc: {  	v21 =	vor.u32 $0x2800, v0;
	v22 =	vor.u32 $0x2A00, v0;
	v23 =	vor.u32 $0x2C00, v0;
	s4 =	sadd.s32 $0x3D09400, s26;
	s1 =	sadd.s32 s8, s29;
	s6 =	simm.s32 @!p0 $0x0  }
0xd: {  	v24 =	vor.u32 $0x2E00, v0;
	v25 =	vor.u32 $0x3000, v0;
	v26 =	vor.u32 $0x3200, v0;
	s5 =	simm.s32 $0x1;
	[dreg:$0x4] =	wrdreg s1;
	s30 =	sor.u32 $0x6400, s6  }
0xe: {  	v27 =	vor.u32 $0x3400, v0;
	v28 =	vor.u32 $0x3600, v0;
	v29 =	vor.u32 $0x3800, v0;
	s7 =	sshll.u32 s7, $0xD;
	s31 =	sadd.s32 $0x641, s6;
	[dreg:$0x6] =	wrdreg s30  }
0xf: {  	v30 =	vor.u32 $0x3A00, v0;
	v31 =	vor.u32 $0x3C00, v0;
	v32 =	vor.u32 $0x3E00, v0;
	s9 =	sor.u32 $0x1000, s7;
	s1 =	simm.s32 $0x0;
	[dreg:$0x7] =	wrdreg s31  }
.LBB2_1:
0x10: {  	[dreg:$0x8] =	wrdreg s1  }
0x11: {  	v33 =	vadd.s32 s6, v1;
	s0 =	sadd.s32 $0x960, s6;
	s26 =	rddreg [dreg:$0x4];
	s8 =	simm.s32 $0x5  }
0x12: {  	[tilespmem:s3], [sflag:$0x5] =	stream.linear.gather [hbm4b:s26+s3], $0xC800, $0x38;
	v34 =	vadd.s32 s0, v1;
	[tilespmem:$0x1CC00] =	vst v63  }
0x13: {  	s28 =	sadd.s32 $0x320, s6;
	_ =	swait.ge [sflag:s8], $0xC800  }
0x14: {  	s29 =	sadd.s32 $0x640, s6;
	v35 =	vadd.s32 s28, v1;
	[sflag:s8] =	ssyncset.done $0x0  }
0x15: {  	s30 =	sadd.s32 $0xC80, s6;
	v36 =	vadd.s32 s29, v1;
	[sflag:s8] =	ssyncadd.s32 $0xFFFF3800  }
0x16: {  	v39 =	vadd.s32 s30, v1;
	s31 =	sadd.s32 $0x960, s30;
	v38 =	vld.idx.msk [tilespmem:v33+s3+$0x0], $0xffff  }
0x17: {  	v41 =	vadd.s32 s31, v1;
	v40 =	vld.idx.msk [tilespmem:v34+s3+$0x0], $0xffff;
	_ =	sdelay $0x1  }
0x18: {  	s10 =	sadd.s32 $0x320, s30;
	v33 =	vld.idx.msk [tilespmem:v35+s3+$0x0], $0xffff  }
0x19: {  	s1 =	sadd.s32 $0xC80, s30;
	s12 =	sadd.s32 $0x640, s30;
	v37 =	vadd.s32 s10, v1;
	v34 =	vld.idx.msk [tilespmem:v36+s3+$0x0], $0xffff  }
0x1a: {  	s0 =	simm.s32 $0xC820;
	s11 =	sadd.s32 $0x320, s1;
	s13 =	sadd.s32 $0x960, s1;
	v35 =	vld.idx.msk [tilespmem:v39+s3+$0x0], $0xffff;
	v39 =	vadd.s32 s12, v1;
	v42 =	vshll.u32 v38, $0x2  }
0x1b: {  	s10 =	simm.s32 $0xC820;
	s8 =	simm.s32 $0x8;
	s12 =	sadd.s32 $0x640, s1;
	v36 =	vld.idx.msk [tilespmem:v41+s3+$0x0], $0xffff;
	v38 =	vadd.s32 s1, v1;
	[tilespmem:s0+$0xFFFFFFE0] =	vst v42;
	v40 =	vshll.u32 v40, $0x2  }
.LBB2_2:
0x1c: {  	s8 =	sadd.s32 $0x4, s8  }
0x1d: {  	v41 =	vadd.s32 s11, v1;
	v42 =	vadd.s32 s12, v1;
	v43 =	vadd.s32 s13, v1;
	[tilespmem:s0+$0x10] =	vst v40;
	s10 =	sadd.s32 $0x40, s10;
	p0 =	slt.u32 s8, $0x1C  }
.Ltmp0:
0x1e: {  	v40 =	vshll.u32 v33, $0x2;
	v33 =	vld.idx.msk [tilespmem:v37+s3+$0x0], $0xffff;
	v37 =	vmov v41;
	(pc) =	sbr.rel @p0 .LBB2_2-.Ltmp0, $4  }
0x1f: {  	[tilespmem:s0+$0xFFFFFFF0] =	vst v40;
	v40 =	vshll.u32 v34, $0x2;
	v34 =	vld.idx.msk [tilespmem:v39+s3+$0x0], $0xffff;
	v39 =	vmov v42  }
0x20: {  	[tilespmem:s0+$0x0] =	vst v40;
	s0 =	smov.u32 s10  }
0x21: {  	s1 =	sadd.s32 $0xC80, s1;
	v40 =	vshll.u32 v35, $0x2;
	v35 =	vld.idx.msk [tilespmem:v38+s3+$0x0], $0xffff  }
0x22: {  	s11 =	sadd.s32 $0x320, s1;
	s12 =	sadd.s32 $0x640, s1;
	s13 =	sadd.s32 $0x960, s1;
	v38 =	vadd.s32 s1, v1;
	[tilespmem:s10+$0xFFFFFFE0] =	vst v40;
	v40 =	vshll.u32 v36, $0x2;
	v36 =	vld.idx.msk [tilespmem:v43+s3+$0x0], $0xffff  }
0x23: {  	_ =	sdelay $0x1  }
0x24: {  	v41 =	vadd.s32 s13, v1  }
0x25: {  	v42 =	vadd.s32 s11, v1  }
0x26: {  	v43 =	vadd.s32 s12, v1;
	v37 =	vld.idx.msk [tilespmem:v37+s3+$0x0], $0xffff  }
0x27: {  	[tilespmem:s0+$0x10] =	vst v40;
	v33 =	vshll.u32 v33, $0x2;
	v39 =	vld.idx.msk [tilespmem:v39+s3+$0x0], $0xffff  }
0x28: {  	v52 =	vld.idx.msk [tilespmem:v38+s3+$0x0], $0xffff;
	[tilespmem:s0+$0xFFFFFFF0] =	vst v33;
	v51 =	vshll.u32 v34, $0x2  }
0x29: {  	s1 =	sadd.s32 $0x40, s10;
	[tilespmem:s0+$0x0] =	vst v51;
	v53 =	vshll.u32 v35, $0x2;
	v54 =	vld.idx.msk [tilespmem:v41+s3+$0x0], $0xffff  }
0x2a: {  	[tilespmem:s1+$0xFFFFFFE0] =	vst v53;
	v55 =	vshll.u32 v36, $0x2;
	v56 =	vld.idx.msk [tilespmem:v42+s3+$0x0], $0xffff  }
0x2b: {  	[tilespmem:s1+$0x10] =	vst v55;
	v57 =	vshll.u32 v37, $0x2;
	v58 =	vld.idx.msk [tilespmem:v43+s3+$0x0], $0xffff  }
0x2c: {  	v59 =	vshll.u32 v39, $0x2;
	[tilespmem:s1+$0xFFFFFFF0] =	vst v57  }
0x2d: {  	s30 =	sadd.s32 $0x40, s1;
	v60 =	vshll.u32 v52, $0x2;
	[tilespmem:s1+$0x0] =	vst v59  }
0x2e: {  	[tilespmem:s30+$0xFFFFFFE0] =	vst v60;
	v61 =	vshll.u32 v54, $0x2  }
0x2f: {  	v62 =	vshll.u32 v56, $0x2;
	[tilespmem:s30+$0x10] =	vst v61  }
0x30: {  	v63 =	vshll.u32 v58, $0x2;
	[tilespmem:s30+$0xFFFFFFF0] =	vst v62  }
0x31: {  	s31 =	simm.s32 $0xC800;
	[tilespmem:s30+$0x0] =	vst v63  }
0x32: {  	[tilespmem:s16], [sflag:$0x1] =	stream.indirect.gather [hbm4b:s4+s14], $0x20, s31, s14, $0xb8;
	[tilespmem:$0x1CC00] =	vst v63  }
0x33: {  	s12 =	rddreg [dreg:$0x7]  }
0x34: {  	s1 =	simm.s32 $0x0;
	s11 =	rddreg [dreg:$0x6]  }
.LBB2_4:
0x35: {  	v33 =	vadd.s32 s11, v1;
	s0 =	sadd.s32 $0x960, s11  }
0x36: {  	v34 =	vadd.s32 s0, v1  }
0x37: {  	s30 =	sadd.s32 $0x320, s11  }
0x38: {  	s8 =	sadd.s32 $0x640, s11;
	v35 =	vadd.s32 s30, v1  }
0x39: {  	s13 =	sadd.s32 $0xC80, s11;
	v36 =	vadd.s32 s8, v1  }
0x3a: {  	v39 =	vadd.s32 s13, v1;
	s31 =	sadd.s32 $0x960, s13;
	v38 =	vld.idx.msk [tilespmem:v33+s3+$0x0], $0xffff  }
0x3b: {  	v41 =	vadd.s32 s31, v1;
	v40 =	vld.idx.msk [tilespmem:v34+s3+$0x0], $0xffff;
	_ =	sdelay $0x1  }
0x3c: {  	s15 =	sadd.s32 $0x320, s13;
	v33 =	vld.idx.msk [tilespmem:v35+s3+$0x0], $0xffff  }
0x3d: {  	s10 =	sadd.s32 s6, s1;
	s8 =	sadd.s32 $0xC80, s13;
	s19 =	sadd.s32 $0x640, s13;
	v37 =	vadd.s32 s15, v1;
	v34 =	vld.idx.msk [tilespmem:v36+s3+$0x0], $0xffff  }
0x3e: {  	s0 =	simm.s32 $0xCA20;
	s13 =	simm.s32 $0x8;
	s17 =	sadd.s32 $0x320, s8;
	v35 =	vld.idx.msk [tilespmem:v39+s3+$0x0], $0xffff;
	v39 =	vadd.s32 s19, v1;
	v42 =	vshll.u32 v38, $0x2  }
0x3f: {  	s20 =	sadd.s32 $0x960, s8;
	s15 =	simm.s32 $0xCA20;
	s19 =	sadd.s32 $0x640, s8;
	v36 =	vld.idx.msk [tilespmem:v41+s3+$0x0], $0xffff;
	v38 =	vadd.s32 s8, v1;
	[tilespmem:s0+$0xFFFFFFE0] =	vst v42;
	v40 =	vshll.u32 v40, $0x2  }
.LBB2_5:
0x40: {  	s13 =	sadd.s32 $0x4, s13  }
0x41: {  	v41 =	vadd.s32 s17, v1;
	v42 =	vadd.s32 s19, v1;
	v43 =	vadd.s32 s20, v1;
	[tilespmem:s0+$0x10] =	vst v40;
	s15 =	sadd.s32 $0x40, s15;
	p0 =	slt.u32 s13, $0x1C  }
.Ltmp1:
0x42: {  	v40 =	vshll.u32 v33, $0x2;
	v33 =	vld.idx.msk [tilespmem:v37+s3+$0x0], $0xffff;
	v37 =	vmov v41;
	(pc) =	sbr.rel @p0 .LBB2_5-.Ltmp1, $4  }
0x43: {  	[tilespmem:s0+$0xFFFFFFF0] =	vst v40;
	v40 =	vshll.u32 v34, $0x2;
	v34 =	vld.idx.msk [tilespmem:v39+s3+$0x0], $0xffff;
	v39 =	vmov v42  }
0x44: {  	[tilespmem:s0+$0x0] =	vst v40;
	s0 =	smov.u32 s15  }
0x45: {  	s8 =	sadd.s32 $0xC80, s8;
	v40 =	vshll.u32 v35, $0x2;
	v35 =	vld.idx.msk [tilespmem:v38+s3+$0x0], $0xffff  }
0x46: {  	s17 =	sadd.s32 $0x320, s8;
	s19 =	sadd.s32 $0x640, s8;
	s20 =	sadd.s32 $0x960, s8;
	v38 =	vadd.s32 s8, v1;
	[tilespmem:s15+$0xFFFFFFE0] =	vst v40;
	v40 =	vshll.u32 v36, $0x2;
	v36 =	vld.idx.msk [tilespmem:v43+s3+$0x0], $0xffff  }
0x47: {  	_ =	sdelay $0x1  }
0x48: {  	v41 =	vadd.s32 s20, v1  }
0x49: {  	v42 =	vadd.s32 s17, v1  }
0x4a: {  	v43 =	vadd.s32 s19, v1;
	v37 =	vld.idx.msk [tilespmem:v37+s3+$0x0], $0xffff  }
0x4b: {  	[tilespmem:s0+$0x10] =	vst v40;
	v33 =	vshll.u32 v33, $0x2;
	v39 =	vld.idx.msk [tilespmem:v39+s3+$0x0], $0xffff  }
0x4c: {  	v63 =	vld.idx.msk [tilespmem:v38+s3+$0x0], $0xffff;
	[tilespmem:s0+$0xFFFFFFF0] =	vst v33;
	v62 =	vshll.u32 v34, $0x2  }
0x4d: {  	s8 =	sadd.s32 $0x40, s15;
	[tilespmem:s0+$0x0] =	vst v62;
	v38 =	vshll.u32 v35, $0x2;
	v40 =	vld.idx.msk [tilespmem:v41+s3+$0x0], $0xffff  }
0x4e: {  	[tilespmem:s8+$0xFFFFFFE0] =	vst v38;
	v41 =	vshll.u32 v36, $0x2;
	v44 =	vld.idx.msk [tilespmem:v42+s3+$0x0], $0xffff  }
0x4f: {  	v45 =	vshll.u32 v37, $0x2;
	v46 =	vld.idx.msk [tilespmem:v43+s3+$0x0], $0xffff;
	[tilespmem:s8+$0x10] =	vst v41  }
0x50: {  	v47 =	vshll.u32 v39, $0x2;
	[tilespmem:s8+$0xFFFFFFF0] =	vst v45  }
0x51: {  	s15 =	sadd.s32 $0x40, s8;
	v48 =	vshll.u32 v63, $0x2;
	[tilespmem:s8+$0x0] =	vst v47  }
0x52: {  	[tilespmem:s15+$0xFFFFFFE0] =	vst v48;
	v49 =	vshll.u32 v40, $0x2  }
0x53: {  	v50 =	vshll.u32 v44, $0x2;
	[tilespmem:s15+$0x10] =	vst v49  }
0x54: {  	v51 =	vshll.u32 v46, $0x2;
	[tilespmem:s15+$0xFFFFFFF0] =	vst v50  }
0x55: {  	s17 =	simm.s32 $0xCA00;
	[tilespmem:s15+$0x0] =	vst v51  }
0x56: {  	[tilespmem:s18], [sflag:$0x2] =	stream.indirect.gather [hbm4b:s4+s14], $0x20, s17, s14, $0xb8;
	[tilespmem:$0x1CC00] =	vst v63  }
0x57: {  	_ =	swait.ge [sflag:s5], $0x4000  }
0x58: {  	p0 =	seq.s32 s1, $0x0;
	[sflag:s5] =	ssyncset.done $0x0  }
0x59: {  	s0 =	simm.s32 @!p0 $0x3;
	[sflag:s5] =	ssyncadd.s32 $0xFFFFC000  }
0x5a: {  	_ =	swait.ge @!p0 [sflag:s0], $0x1000  }
0x5b: {  	[sflag:s0] =	ssyncset.done @!p0 $0x0  }
0x5c: {  	s19 =	simm.s32 $0x3;
	[sflag:s0] =	ssyncadd.s32 @!p0 $0xFFFFF000  }
0x5d: {  	s13 =	simm.s32 $0x1;
	v52 =	vmov s19;
	_ =	swait.ge @!p0 [sflag:s0], $0x1000  }
0x5e: {  	s20 =	simm.s32 $0x2;
	v53 =	vmov s13;
	v33 =	vand.u32 $0x1F, v52;
	[sflag:s0] =	ssyncset.done @!p0 $0x0  }
0x5f: {  	s21 =	simm.s32 $0x0;
	v54 =	vmov s20;
	v34 =	vand.u32 $0x1D, v53;
	v42 =	vbroadcast v33, $0x0;
	[sflag:s0] =	ssyncadd.s32 @!p0 $0xFFFFF000  }
0x60: {  	v55 =	vmov s21;
	v33 =	vand.u32 $0x1E, v54;
	v40 =	vbroadcast v34, $0x0;
	_ =	swait.ge @!p0 [sflag:s0], $0x1000  }
0x61: {  	v57 =	vand.u32 $0x1C, v55;
	v39 =	vbroadcast v33, $0x0;
	v56 =	vor.u32 v0, v42;
	[sflag:s0] =	ssyncset.done @!p0 $0x0  }
0x62: {  	v38 =	vbroadcast v57, $0x0;
	v58 =	vor.u32 v0, v40;
	[sflag:s0] =	ssyncadd.s32 @!p0 $0xFFFFF000  }
0x63: {  	v59 =	vor.u32 v0, v39;
	_ =	swait.ge @!p0 [sflag:s0], $0x1000  }
0x64: {  	v60 =	vor.u32 v0, v38;
	[sflag:s0] =	ssyncset.done @!p0 $0x0  }
0x65: {  	[sflag:s0] =	ssyncadd.s32 @!p0 $0xFFFFF000  }
0x66: {  	v35 =	vld.idx.msk [tilespmem:v56+s16+$0x0], $0xffff  }
0x67: {  	v61 =	vor.u32 v2, v42;
	v34 =	vld.idx.msk [tilespmem:v58+s16+$0x0], $0xffff  }
0x68: {  	s22 =	simm.s32 $0x180;
	s25 =	sand.u32 $0x3000, s21;
	v62 =	vor.u32 v2, v40;
	v33 =	vld.idx.msk [tilespmem:v59+s16+$0x0], $0xffff  }
0x69: {  	s26 =	simm.s32 $0x80;
	s8 =	sor.u32 $0x14C00, s25;
	v63 =	vor.u32 v2, v39;
	s0 =	sand.u32 $0x380, s22;
	v36 =	vld.idx.msk [tilespmem:v60+s16+$0x0], $0xffff  }
0x6a: {  	s28 =	simm.s32 $0x100;
	s13 =	sand.u32 $0x280, s26;
	v44 =	vor.u32 v2, v38;
	s21 =	sor.u32 s0, s8  }
0x6b: {  	s29 =	simm.s32 $0x0;
	s17 =	sor.u32 s13, s8;
	s0 =	sand.u32 $0x300, s28;
	[tilespmem:s21+$0x0] =	vst v35  }
0x6c: {  	s15 =	sand.u32 $0x200, s29;
	s31 =	sor.u32 s0, s8;
	[tilespmem:s17+$0x0] =	vst v34;
	v35 =	vld.idx.msk [tilespmem:v61+s16+$0x0], $0xffff  }
0x6d: {  	v48 =	vor.u32 v3, v42;
	s15 =	sor.u32 s15, s8;
	[tilespmem:s31+$0x0] =	vst v33;
	v49 =	vld.idx.msk [tilespmem:v62+s16+$0x0], $0xffff  }
0x6e: {  	v50 =	vor.u32 v3, v40;
	[tilespmem:s15+$0x0] =	vst v36;
	v33 =	vld.idx.msk [tilespmem:v63+s16+$0x0], $0xffff  }
0x6f: {  	v52 =	vor.u32 v3, v39;
	v51 =	vld.idx.msk [tilespmem:v44+s16+$0x0], $0xffff  }
0x70: {  	v53 =	vor.u32 v3, v38  }
0x71: {  	[tilespmem:s21+$0x10] =	vst v35  }
0x72: {  	[tilespmem:s17+$0x10] =	vst v49;
	v34 =	vld.idx.msk [tilespmem:v48+s16+$0x0], $0xffff  }
0x73: {  	v54 =	vor.u32 v4, v42;
	[tilespmem:s31+$0x10] =	vst v33;
	v36 =	vld.idx.msk [tilespmem:v50+s16+$0x0], $0xffff  }
0x74: {  	v55 =	vor.u32 v4, v40;
	[tilespmem:s15+$0x10] =	vst v51;
	v33 =	vld.idx.msk [tilespmem:v52+s16+$0x0], $0xffff  }
0x75: {  	v56 =	vor.u32 v4, v39;
	v41 =	vld.idx.msk [tilespmem:v53+s16+$0x0], $0xffff  }
0x76: {  	v57 =	vor.u32 v4, v38  }
0x77: {  	[tilespmem:s21+$0x20] =	vst v34  }
0x78: {  	[tilespmem:s17+$0x20] =	vst v36;
	v34 =	vld.idx.msk [tilespmem:v54+s16+$0x0], $0xffff  }
0x79: {  	v58 =	vor.u32 v5, v42;
	[tilespmem:s31+$0x20] =	vst v33;
	v36 =	vld.idx.msk [tilespmem:v55+s16+$0x0], $0xffff  }
0x7a: {  	v59 =	vor.u32 v5, v40;
	[tilespmem:s15+$0x20] =	vst v41;
	v33 =	vld.idx.msk [tilespmem:v56+s16+$0x0], $0xffff  }
0x7b: {  	v60 =	vor.u32 v5, v39;
	v41 =	vld.idx.msk [tilespmem:v57+s16+$0x0], $0xffff  }
0x7c: {  	v61 =	vor.u32 v5, v38  }
0x7d: {  	[tilespmem:s21+$0x30] =	vst v34  }
0x7e: {  	[tilespmem:s17+$0x30] =	vst v36;
	v34 =	vld.idx.msk [tilespmem:v58+s16+$0x0], $0xffff  }
0x7f: {  	v62 =	vor.u32 v6, v42;
	[tilespmem:s31+$0x30] =	vst v33;
	v36 =	vld.idx.msk [tilespmem:v59+s16+$0x0], $0xffff  }
0x80: {  	v63 =	vor.u32 v6, v40;
	[tilespmem:s15+$0x30] =	vst v41;
	v33 =	vld.idx.msk [tilespmem:v60+s16+$0x0], $0xffff  }
0x81: {  	v48 =	vor.u32 v6, v39;
	v41 =	vld.idx.msk [tilespmem:v61+s16+$0x0], $0xffff  }
0x82: {  	v49 =	vor.u32 v6, v38  }
0x83: {  	[tilespmem:s21+$0x40] =	vst v34  }
0x84: {  	[tilespmem:s17+$0x40] =	vst v36;
	v34 =	vld.idx.msk [tilespmem:v62+s16+$0x0], $0xffff  }
0x85: {  	v50 =	vor.u32 v7, v42;
	[tilespmem:s31+$0x40] =	vst v33;
	v36 =	vld.idx.msk [tilespmem:v63+s16+$0x0], $0xffff  }
0x86: {  	v51 =	vor.u32 v7, v40;
	[tilespmem:s15+$0x40] =	vst v41;
	v33 =	vld.idx.msk [tilespmem:v48+s16+$0x0], $0xffff  }
0x87: {  	v52 =	vor.u32 v7, v39;
	v41 =	vld.idx.msk [tilespmem:v49+s16+$0x0], $0xffff  }
0x88: {  	v53 =	vor.u32 v7, v38  }
0x89: {  	[tilespmem:s21+$0x50] =	vst v34  }
0x8a: {  	[tilespmem:s17+$0x50] =	vst v36;
	v34 =	vld.idx.msk [tilespmem:v50+s16+$0x0], $0xffff  }
0x8b: {  	v54 =	vor.u32 v8, v42;
	[tilespmem:s31+$0x50] =	vst v33;
	v36 =	vld.idx.msk [tilespmem:v51+s16+$0x0], $0xffff  }
0x8c: {  	v55 =	vor.u32 v8, v40;
	[tilespmem:s15+$0x50] =	vst v41;
	v33 =	vld.idx.msk [tilespmem:v52+s16+$0x0], $0xffff  }
0x8d: {  	v56 =	vor.u32 v8, v39;
	v41 =	vld.idx.msk [tilespmem:v53+s16+$0x0], $0xffff  }
0x8e: {  	v57 =	vor.u32 v8, v38  }
0x8f: {  	[tilespmem:s21+$0x60] =	vst v34  }
0x90: {  	[tilespmem:s17+$0x60] =	vst v36;
	v34 =	vld.idx.msk [tilespmem:v54+s16+$0x0], $0xffff  }
0x91: {  	v58 =	vor.u32 v9, v42;
	[tilespmem:s31+$0x60] =	vst v33;
	v36 =	vld.idx.msk [tilespmem:v55+s16+$0x0], $0xffff  }
0x92: {  	v59 =	vor.u32 v9, v40;
	[tilespmem:s15+$0x60] =	vst v41;
	v33 =	vld.idx.msk [tilespmem:v56+s16+$0x0], $0xffff  }
0x93: {  	v60 =	vor.u32 v9, v39;
	v41 =	vld.idx.msk [tilespmem:v57+s16+$0x0], $0xffff  }
0x94: {  	v61 =	vor.u32 v9, v38  }
0x95: {  	[tilespmem:s21+$0x70] =	vst v34  }
0x96: {  	[tilespmem:s17+$0x70] =	vst v36;
	v34 =	vld.idx.msk [tilespmem:v58+s16+$0x0], $0xffff  }
0x97: {  	v62 =	vor.u32 v10, v42;
	[tilespmem:s31+$0x70] =	vst v33;
	v36 =	vld.idx.msk [tilespmem:v59+s16+$0x0], $0xffff  }
0x98: {  	v63 =	vor.u32 v10, v40;
	[tilespmem:s15+$0x70] =	vst v41;
	v33 =	vld.idx.msk [tilespmem:v60+s16+$0x0], $0xffff  }
0x99: {  	v48 =	vor.u32 v10, v39;
	v41 =	vld.idx.msk [tilespmem:v61+s16+$0x0], $0xffff  }
0x9a: {  	v49 =	vor.u32 v10, v38  }
0x9b: {  	[tilespmem:s21+$0x400] =	vst v34  }
0x9c: {  	[tilespmem:s17+$0x400] =	vst v36;
	v34 =	vld.idx.msk [tilespmem:v62+s16+$0x0], $0xffff  }
0x9d: {  	v50 =	vor.u32 v11, v42;
	[tilespmem:s31+$0x400] =	vst v33;
	v36 =	vld.idx.msk [tilespmem:v63+s16+$0x0], $0xffff  }
0x9e: {  	v51 =	vor.u32 v11, v40;
	[tilespmem:s15+$0x400] =	vst v41;
	v33 =	vld.idx.msk [tilespmem:v48+s16+$0x0], $0xffff  }
0x9f: {  	v52 =	vor.u32 v11, v39;
	v41 =	vld.idx.msk [tilespmem:v49+s16+$0x0], $0xffff  }
0xa0: {  	v53 =	vor.u32 v11, v38  }
0xa1: {  	[tilespmem:s21+$0x410] =	vst v34  }
0xa2: {  	[tilespmem:s17+$0x410] =	vst v36;
	v34 =	vld.idx.msk [tilespmem:v50+s16+$0x0], $0xffff  }
0xa3: {  	v54 =	vor.u32 v12, v42;
	[tilespmem:s31+$0x410] =	vst v33;
	v36 =	vld.idx.msk [tilespmem:v51+s16+$0x0], $0xffff  }
0xa4: {  	v55 =	vor.u32 v12, v40;
	[tilespmem:s15+$0x410] =	vst v41;
	v33 =	vld.idx.msk [tilespmem:v52+s16+$0x0], $0xffff  }
0xa5: {  	v56 =	vor.u32 v12, v39;
	v41 =	vld.idx.msk [tilespmem:v53+s16+$0x0], $0xffff  }
0xa6: {  	v57 =	vor.u32 v12, v38  }
0xa7: {  	[tilespmem:s21+$0x420] =	vst v34  }
0xa8: {  	[tilespmem:s17+$0x420] =	vst v36;
	v34 =	vld.idx.msk [tilespmem:v54+s16+$0x0], $0xffff  }
0xa9: {  	v58 =	vor.u32 v13, v42;
	[tilespmem:s31+$0x420] =	vst v33;
	v36 =	vld.idx.msk [tilespmem:v55+s16+$0x0], $0xffff  }
0xaa: {  	v59 =	vor.u32 v13, v40;
	[tilespmem:s15+$0x420] =	vst v41;
	v33 =	vld.idx.msk [tilespmem:v56+s16+$0x0], $0xffff  }
0xab: {  	v60 =	vor.u32 v13, v39;
	v41 =	vld.idx.msk [tilespmem:v57+s16+$0x0], $0xffff  }
0xac: {  	v61 =	vor.u32 v13, v38  }
0xad: {  	[tilespmem:s21+$0x430] =	vst v34  }
0xae: {  	[tilespmem:s17+$0x430] =	vst v36;
	v34 =	vld.idx.msk [tilespmem:v58+s16+$0x0], $0xffff  }
0xaf: {  	v62 =	vor.u32 v14, v42;
	[tilespmem:s31+$0x430] =	vst v33;
	v36 =	vld.idx.msk [tilespmem:v59+s16+$0x0], $0xffff  }
0xb0: {  	v63 =	vor.u32 v14, v40;
	[tilespmem:s15+$0x430] =	vst v41;
	v33 =	vld.idx.msk [tilespmem:v60+s16+$0x0], $0xffff  }
0xb1: {  	v48 =	vor.u32 v14, v39;
	v41 =	vld.idx.msk [tilespmem:v61+s16+$0x0], $0xffff  }
0xb2: {  	v49 =	vor.u32 v14, v38  }
0xb3: {  	[tilespmem:s21+$0x440] =	vst v34  }
0xb4: {  	[tilespmem:s17+$0x440] =	vst v36;
	v34 =	vld.idx.msk [tilespmem:v62+s16+$0x0], $0xffff  }
0xb5: {  	v50 =	vor.u32 v15, v42;
	[tilespmem:s31+$0x440] =	vst v33;
	v36 =	vld.idx.msk [tilespmem:v63+s16+$0x0], $0xffff  }
0xb6: {  	v51 =	vor.u32 v15, v40;
	[tilespmem:s15+$0x440] =	vst v41;
	v33 =	vld.idx.msk [tilespmem:v48+s16+$0x0], $0xffff  }
0xb7: {  	v52 =	vor.u32 v15, v39;
	v41 =	vld.idx.msk [tilespmem:v49+s16+$0x0], $0xffff  }
0xb8: {  	v53 =	vor.u32 v15, v38  }
0xb9: {  	[tilespmem:s21+$0x450] =	vst v34  }
0xba: {  	[tilespmem:s17+$0x450] =	vst v36;
	v34 =	vld.idx.msk [tilespmem:v50+s16+$0x0], $0xffff  }
0xbb: {  	v54 =	vor.u32 v16, v42;
	[tilespmem:s31+$0x450] =	vst v33;
	v36 =	vld.idx.msk [tilespmem:v51+s16+$0x0], $0xffff  }
0xbc: {  	v55 =	vor.u32 v16, v40;
	[tilespmem:s15+$0x450] =	vst v41;
	v33 =	vld.idx.msk [tilespmem:v52+s16+$0x0], $0xffff  }
0xbd: {  	v56 =	vor.u32 v16, v39;
	v41 =	vld.idx.msk [tilespmem:v53+s16+$0x0], $0xffff  }
0xbe: {  	v57 =	vor.u32 v16, v38  }
0xbf: {  	[tilespmem:s21+$0x460] =	vst v34  }
0xc0: {  	[tilespmem:s17+$0x460] =	vst v36;
	v34 =	vld.idx.msk [tilespmem:v54+s16+$0x0], $0xffff  }
0xc1: {  	s22 =	simm.s32 $0x7;
	v58 =	vor.u32 v17, v42;
	[tilespmem:s31+$0x460] =	vst v33;
	v36 =	vld.idx.msk [tilespmem:v55+s16+$0x0], $0xffff  }
0xc2: {  	[tilespmem:s15+$0x460] =	vst v41;
	v33 =	vld.idx.msk [tilespmem:v56+s16+$0x0], $0xffff;
	v56 =	vmov s22  }
0xc3: {  	s19 =	simm.s32 $0x5;
	v59 =	vor.u32 v17, v40;
	v61 =	vld.idx.msk [tilespmem:v57+s16+$0x0], $0xffff;
	v57 =	vand.u32 $0x1F, v56  }
0xc4: {  	v60 =	vmov s19;
	v62 =	vor.u32 v17, v39;
	v37 =	vbroadcast v57, $0x0  }
0xc5: {  	v45 =	vor.u32 v17, v38;
	v41 =	vand.u32 $0x1D, v60;
	[tilespmem:s21+$0x470] =	vst v34  }
0xc6: {  	v60 =	vor.u32 v0, v37;
	v34 =	vbroadcast v41, $0x0;
	v35 =	vld.idx.msk [tilespmem:v58+s16+$0x0], $0xffff  }
0xc7: {  	s20 =	simm.s32 $0x6;
	v63 =	vor.u32 v18, v42;
	[tilespmem:s17+$0x470] =	vst v36  }
0xc8: {  	v46 =	vmov s20;
	[tilespmem:s31+$0x470] =	vst v33;
	v47 =	vld.idx.msk [tilespmem:v59+s16+$0x0], $0xffff;
	v41 =	vor.u32 v0, v34  }
0xc9: {  	v52 =	vand.u32 $0x1E, v46;
	v54 =	vor.u32 v18, v40;
	[tilespmem:s15+$0x470] =	vst v61;
	v53 =	vld.idx.msk [tilespmem:v62+s16+$0x0], $0xffff  }
0xca: {  	v55 =	vor.u32 v18, v39;
	v33 =	vbroadcast v52, $0x0;
	v45 =	vld.idx.msk [tilespmem:v45+s16+$0x0], $0xffff  }
0xcb: {  	v48 =	vor.u32 v18, v38;
	v43 =	vld.idx.msk [tilespmem:v60+s16+$0x0], $0xffff;
	[tilespmem:s21+$0x800] =	vst v35  }
0xcc: {  	v49 =	vor.u32 v0, v33;
	v36 =	vld.idx.msk [tilespmem:v63+s16+$0x0], $0xffff  }
0xcd: {  	s25 =	simm.s32 $0x4;
	v58 =	vor.u32 v19, v42;
	[tilespmem:s17+$0x800] =	vst v47;
	v50 =	vld.idx.msk [tilespmem:v41+s16+$0x0], $0xffff  }
0xce: {  	s19 =	simm.s32 $0x800;
	v59 =	vmov s25;
	v60 =	vor.u32 v2, v37;
	[tilespmem:s31+$0x800] =	vst v53;
	v44 =	vld.idx.msk [tilespmem:v54+s16+$0x0], $0xffff  }
0xcf: {  	s26 =	simm.s32 $0x9;
	s20 =	simm.s32 $0x380;
	s28 =	sand.u32 $0x3000, s19;
	v62 =	vor.u32 v19, v40;
	[tilespmem:s15+$0x800] =	vst v45;
	v35 =	vand.u32 $0x1C, v59;
	v61 =	vld.idx.msk [tilespmem:v55+s16+$0x0], $0xffff  }
0xd0: {  	s29 =	sor.u32 $0x14C00, s28;
	v51 =	vor.u32 v19, v39;
	s25 =	sand.u32 $0x380, s20;
	v63 =	vld.idx.msk [tilespmem:v48+s16+$0x0], $0xffff;
	v55 =	vmov s26;
	v35 =	vbroadcast v35, $0x0  }
0xd1: {  	v57 =	vor.u32 v19, v38;
	s30 =	sor.u32 s25, s29;
	v49 =	vld.idx.msk [tilespmem:v49+s16+$0x0], $0xffff;
	v56 =	vand.u32 $0x1D, v55;
	[tilespmem:s21+$0x810] =	vst v36  }
0xd2: {  	v52 =	vor.u32 v0, v35;
	[tilespmem:s30+$0x0] =	vst v43;
	v36 =	vbroadcast v56, $0x0;
	v41 =	vld.idx.msk [tilespmem:v58+s16+$0x0], $0xffff  }
0xd3: {  	v43 =	vld.idx.msk [tilespmem:v60+s16+$0x0], $0xffff;
	[tilespmem:s17+$0x810] =	vst v44;
	v58 =	vor.u32 v20, v42  }
0xd4: {  	[tilespmem:s31+$0x810] =	vst v61;
	v46 =	vld.idx.msk [tilespmem:v62+s16+$0x0], $0xffff;
	v59 =	vor.u32 v0, v36  }
0xd5: {  	v53 =	vor.u32 v20, v40;
	s26 =	simm.s32 $0x280;
	[tilespmem:s15+$0x810] =	vst v63;
	v51 =	vld.idx.msk [tilespmem:v51+s16+$0x0], $0xffff  }
0xd6: {  	v55 =	vor.u32 v2, v33;
	s13 =	sand.u32 $0x280, s26;
	v48 =	vld.idx.msk [tilespmem:v57+s16+$0x0], $0xffff  }
0xd7: {  	s28 =	simm.s32 $0x300;
	v54 =	vor.u32 v2, v34;
	s13 =	sor.u32 s13, s29;
	v52 =	vld.idx.msk [tilespmem:v52+s16+$0x0], $0xffff;
	[tilespmem:s21+$0x820] =	vst v41  }
0xd8: {  	s0 =	sand.u32 $0x300, s28;
	[tilespmem:s13+$0x0] =	vst v50;
	v57 =	vor.u32 v3, v37;
	v44 =	vld.idx.msk [tilespmem:v58+s16+$0x0], $0xffff  }
0xd9: {  	s0 =	sor.u32 s0, s29;
	v61 =	vor.u32 v2, v35;
	[tilespmem:s17+$0x820] =	vst v46;
	v41 =	vld.idx.msk [tilespmem:v59+s16+$0x0], $0xffff  }
0xda: {  	s22 =	simm.s32 $0x200;
	v63 =	vor.u32 v20, v39;
	[tilespmem:s0+$0x0] =	vst v49;
	v47 =	vld.idx.msk [tilespmem:v53+s16+$0x0], $0xffff  }
0xdb: {  	s22 =	sand.u32 $0x200, s22;
	[tilespmem:s30+$0x10] =	vst v43;
	v58 =	vld.idx.msk [tilespmem:v55+s16+$0x0], $0xffff;
	v59 =	vor.u32 v20, v38  }
0xdc: {  	s8 =	sor.u32 s22, s29;
	v62 =	vor.u32 v21, v42;
	[tilespmem:s31+$0x820] =	vst v51;
	v53 =	vld.idx.msk [tilespmem:v54+s16+$0x0], $0xffff  }
0xdd: {  	v60 =	vor.u32 v3, v34;
	v49 =	vld.idx.msk [tilespmem:v57+s16+$0x0], $0xffff;
	[tilespmem:s8+$0x0] =	vst v52  }
0xde: {  	[tilespmem:s15+$0x820] =	vst v48;
	v45 =	vld.idx.msk [tilespmem:v61+s16+$0x0], $0xffff;
	v61 =	vor.u32 v3, v33  }
0xdf: {  	v57 =	vor.u32 v21, v40;
	v43 =	vld.idx.msk [tilespmem:v63+s16+$0x0], $0xffff;
	[tilespmem:s21+$0x830] =	vst v44  }
0xe0: {  	v50 =	vld.idx.msk [tilespmem:v59+s16+$0x0], $0xffff;
	[tilespmem:s0+$0x10] =	vst v58;
	v58 =	vor.u32 v4, v37  }
0xe1: {  	[tilespmem:s13+$0x10] =	vst v53;
	v59 =	vor.u32 v21, v39;
	v46 =	vld.idx.msk [tilespmem:v62+s16+$0x0], $0xffff  }
0xe2: {  	[tilespmem:s30+$0x20] =	vst v49;
	v62 =	vor.u32 v3, v35;
	v54 =	vld.idx.msk [tilespmem:v60+s16+$0x0], $0xffff  }
0xe3: {  	v63 =	vor.u32 v22, v42;
	[tilespmem:s17+$0x830] =	vst v47;
	v44 =	vld.idx.msk [tilespmem:v61+s16+$0x0], $0xffff  }
0xe4: {  	[tilespmem:s31+$0x830] =	vst v43;
	v60 =	vor.u32 v4, v34;
	v49 =	vld.idx.msk [tilespmem:v57+s16+$0x0], $0xffff  }
0xe5: {  	[tilespmem:s8+$0x10] =	vst v45;
	v61 =	vor.u32 v4, v33;
	v52 =	vld.idx.msk [tilespmem:v58+s16+$0x0], $0xffff  }
0xe6: {  	v58 =	vor.u32 v21, v38;
	v45 =	vld.idx.msk [tilespmem:v59+s16+$0x0], $0xffff;
	[tilespmem:s15+$0x830] =	vst v50  }
0xe7: {  	v59 =	vor.u32 v5, v37;
	v51 =	vld.idx.msk [tilespmem:v62+s16+$0x0], $0xffff;
	[tilespmem:s21+$0x840] =	vst v46  }
0xe8: {  	[tilespmem:s13+$0x20] =	vst v54;
	v62 =	vld.idx.msk [tilespmem:v63+s16+$0x0], $0xffff;
	v63 =	vor.u32 v4, v35  }
0xe9: {  	[tilespmem:s0+$0x20] =	vst v44;
	v54 =	vld.idx.msk [tilespmem:v60+s16+$0x0], $0xffff;
	v60 =	vor.u32 v22, v40  }
0xea: {  	v57 =	vor.u32 v23, v42;
	[tilespmem:s17+$0x840] =	vst v49;
	v46 =	vld.idx.msk [tilespmem:v61+s16+$0x0], $0xffff  }
0xeb: {  	v61 =	vor.u32 v5, v34;
	[tilespmem:s30+$0x30] =	vst v52;
	v52 =	vld.idx.msk [tilespmem:v58+s16+$0x0], $0xffff  }
0xec: {  	v58 =	vor.u32 v22, v39;
	[tilespmem:s8+$0x20] =	vst v51;
	v44 =	vld.idx.msk [tilespmem:v59+s16+$0x0], $0xffff  }
0xed: {  	v48 =	vld.idx.msk [tilespmem:v63+s16+$0x0], $0xffff;
	[tilespmem:s21+$0x850] =	vst v62;
	v62 =	vor.u32 v5, v33  }
0xee: {  	[tilespmem:s31+$0x840] =	vst v45;
	v59 =	vor.u32 v6, v37;
	v51 =	vld.idx.msk [tilespmem:v60+s16+$0x0], $0xffff  }
0xef: {  	[tilespmem:s13+$0x30] =	vst v54;
	v60 =	vor.u32 v22, v38;
	v43 =	vld.idx.msk [tilespmem:v57+s16+$0x0], $0xffff  }
0xf0: {  	v63 =	vor.u32 v5, v35;
	[tilespmem:s0+$0x30] =	vst v46;
	v54 =	vld.idx.msk [tilespmem:v61+s16+$0x0], $0xffff  }
0xf1: {  	v57 =	vor.u32 v24, v42;
	[tilespmem:s30+$0x40] =	vst v44;
	v44 =	vld.idx.msk [tilespmem:v58+s16+$0x0], $0xffff  }
0xf2: {  	v61 =	vor.u32 v6, v34;
	[tilespmem:s15+$0x840] =	vst v52;
	v47 =	vld.idx.msk [tilespmem:v62+s16+$0x0], $0xffff  }
0xf3: {  	[tilespmem:s8+$0x30] =	vst v48;
	v46 =	vld.idx.msk [tilespmem:v59+s16+$0x0], $0xffff;
	v59 =	vor.u32 v23, v40  }
0xf4: {  	v62 =	vor.u32 v6, v33;
	v48 =	vld.idx.msk [tilespmem:v60+s16+$0x0], $0xffff;
	[tilespmem:s17+$0x850] =	vst v51  }
0xf5: {  	v60 =	vor.u32 v7, v37;
	v50 =	vld.idx.msk [tilespmem:v63+s16+$0x0], $0xffff;
	[tilespmem:s21+$0x860] =	vst v43  }
0xf6: {  	[tilespmem:s13+$0x40] =	vst v54;
	v63 =	vld.idx.msk [tilespmem:v57+s16+$0x0], $0xffff;
	v57 =	vor.u32 v6, v35  }
0xf7: {  	v54 =	vld.idx.msk [tilespmem:v61+s16+$0x0], $0xffff;
	v61 =	vor.u32 v23, v39;
	[tilespmem:s0+$0x40] =	vst v47  }
0xf8: {  	v58 =	vor.u32 v25, v42;
	[tilespmem:s30+$0x50] =	vst v46;
	v46 =	vld.idx.msk [tilespmem:v59+s16+$0x0], $0xffff  }
0xf9: {  	[tilespmem:s31+$0x850] =	vst v44;
	v43 =	vld.idx.msk [tilespmem:v62+s16+$0x0], $0xffff;
	v62 =	vor.u32 v7, v34  }
0xfa: {  	[tilespmem:s8+$0x40] =	vst v50;
	v47 =	vld.idx.msk [tilespmem:v60+s16+$0x0], $0xffff;
	v60 =	vor.u32 v23, v38  }
0xfb: {  	v49 =	vld.idx.msk [tilespmem:v57+s16+$0x0], $0xffff;
	[tilespmem:s21+$0x870] =	vst v63;
	v63 =	vor.u32 v7, v33  }
0xfc: {  	[tilespmem:s15+$0x850] =	vst v48;
	v50 =	vld.idx.msk [tilespmem:v61+s16+$0x0], $0xffff;
	v61 =	vor.u32 v8, v37  }
0xfd: {  	[tilespmem:s13+$0x50] =	vst v54;
	v57 =	vld.idx.msk [tilespmem:v58+s16+$0x0], $0xffff;
	v58 =	vor.u32 v7, v35  }
0xfe: {  	v59 =	vor.u32 v26, v42;
	v54 =	vld.idx.msk [tilespmem:v62+s16+$0x0], $0xffff;
	[tilespmem:s0+$0x50] =	vst v43  }
0xff: {  	v62 =	vor.u32 v24, v40;
	[tilespmem:s30+$0x60] =	vst v47;
	v47 =	vld.idx.msk [tilespmem:v60+s16+$0x0], $0xffff  }
0x100: {  	[tilespmem:s17+$0x860] =	vst v46;
	v45 =	vld.idx.msk [tilespmem:v63+s16+$0x0], $0xffff;
	v63 =	vor.u32 v8, v34  }
0x101: {  	v60 =	vor.u32 v24, v39;
	[tilespmem:s8+$0x50] =	vst v49;
	v43 =	vld.idx.msk [tilespmem:v61+s16+$0x0], $0xffff  }
0x102: {  	v52 =	vld.idx.msk [tilespmem:v58+s16+$0x0], $0xffff;
	[tilespmem:s21+$0xC00] =	vst v57;
	v57 =	vor.u32 v8, v33  }
0x103: {  	v61 =	vor.u32 v9, v37;
	[tilespmem:s31+$0x860] =	vst v50;
	v44 =	vld.idx.msk [tilespmem:v59+s16+$0x0], $0xffff  }
0x104: {  	v58 =	vor.u32 v8, v35;
	[tilespmem:s13+$0x60] =	vst v54;
	v49 =	vld.idx.msk [tilespmem:v62+s16+$0x0], $0xffff  }
0x105: {  	v59 =	vor.u32 v27, v42;
	v54 =	vld.idx.msk [tilespmem:v63+s16+$0x0], $0xffff;
	[tilespmem:s0+$0x60] =	vst v45  }
0x106: {  	v62 =	vor.u32 v24, v38;
	[tilespmem:s30+$0x70] =	vst v43;
	v43 =	vld.idx.msk [tilespmem:v60+s16+$0x0], $0xffff  }
0x107: {  	[tilespmem:s15+$0x860] =	vst v47;
	v63 =	vor.u32 v9, v34;
	v51 =	vld.idx.msk [tilespmem:v57+s16+$0x0], $0xffff  }
0x108: {  	v60 =	vor.u32 v25, v40;
	[tilespmem:s8+$0x60] =	vst v52;
	v45 =	vld.idx.msk [tilespmem:v61+s16+$0x0], $0xffff  }
0x109: {  	v57 =	vor.u32 v9, v33;
	v48 =	vld.idx.msk [tilespmem:v58+s16+$0x0], $0xffff;
	[tilespmem:s21+$0xC10] =	vst v44  }
0x10a: {  	v61 =	vor.u32 v10, v37;
	v46 =	vld.idx.msk [tilespmem:v59+s16+$0x0], $0xffff;
	[tilespmem:s17+$0x870] =	vst v49  }
0x10b: {  	v58 =	vor.u32 v9, v35;
	v52 =	vld.idx.msk [tilespmem:v62+s16+$0x0], $0xffff;
	[tilespmem:s13+$0x70] =	vst v54  }
0x10c: {  	v59 =	vor.u32 v28, v42;
	v54 =	vld.idx.msk [tilespmem:v63+s16+$0x0], $0xffff;
	[tilespmem:s0+$0x70] =	vst v51  }
0x10d: {  	v62 =	vor.u32 v25, v39;
	[tilespmem:s30+$0x400] =	vst v45;
	v45 =	vld.idx.msk [tilespmem:v60+s16+$0x0], $0xffff  }
0x10e: {  	[tilespmem:s31+$0x870] =	vst v43;
	v63 =	vor.u32 v10, v34;
	v44 =	vld.idx.msk [tilespmem:v57+s16+$0x0], $0xffff  }
0x10f: {  	v60 =	vor.u32 v25, v38;
	[tilespmem:s8+$0x70] =	vst v48;
	v51 =	vld.idx.msk [tilespmem:v61+s16+$0x0], $0xffff  }
0x110: {  	v57 =	vor.u32 v10, v33;
	v50 =	vld.idx.msk [tilespmem:v58+s16+$0x0], $0xffff;
	[tilespmem:s21+$0xC20] =	vst v46  }
0x111: {  	v61 =	vor.u32 v11, v37;
	v47 =	vld.idx.msk [tilespmem:v59+s16+$0x0], $0xffff;
	[tilespmem:s15+$0x870] =	vst v52  }
0x112: {  	v58 =	vor.u32 v10, v35;
	v48 =	vld.idx.msk [tilespmem:v62+s16+$0x0], $0xffff;
	[tilespmem:s13+$0x400] =	vst v54  }
0x113: {  	v62 =	vor.u32 v26, v40;
	v54 =	vld.idx.msk [tilespmem:v63+s16+$0x0], $0xffff;
	[tilespmem:s0+$0x400] =	vst v44  }
0x114: {  	v59 =	vor.u32 v29, v42;
	[tilespmem:s30+$0x410] =	vst v51;
	v51 =	vld.idx.msk [tilespmem:v60+s16+$0x0], $0xffff  }
0x115: {  	[tilespmem:s17+$0xC00] =	vst v45;
	v63 =	vor.u32 v11, v34;
	v46 =	vld.idx.msk [tilespmem:v57+s16+$0x0], $0xffff  }
0x116: {  	v60 =	vor.u32 v26, v39;
	[tilespmem:s8+$0x400] =	vst v50;
	v44 =	vld.idx.msk [tilespmem:v61+s16+$0x0], $0xffff  }
0x117: {  	v57 =	vor.u32 v11, v33;
	v49 =	vld.idx.msk [tilespmem:v58+s16+$0x0], $0xffff;
	[tilespmem:s21+$0xC30] =	vst v47  }
0x118: {  	v61 =	vor.u32 v12, v37;
	v50 =	vld.idx.msk [tilespmem:v62+s16+$0x0], $0xffff;
	[tilespmem:s31+$0xC00] =	vst v48  }
0x119: {  	v62 =	vor.u32 v26, v38;
	v43 =	vld.idx.msk [tilespmem:v59+s16+$0x0], $0xffff;
	[tilespmem:s13+$0x410] =	vst v54  }
0x11a: {  	v58 =	vor.u32 v11, v35;
	v54 =	vld.idx.msk [tilespmem:v63+s16+$0x0], $0xffff;
	[tilespmem:s0+$0x410] =	vst v46  }
0x11b: {  	v59 =	vor.u32 v30, v42;
	[tilespmem:s30+$0x420] =	vst v44;
	v44 =	vld.idx.msk [tilespmem:v60+s16+$0x0], $0xffff  }
0x11c: {  	[tilespmem:s15+$0xC00] =	vst v51;
	v63 =	vor.u32 v12, v34;
	v47 =	vld.idx.msk [tilespmem:v57+s16+$0x0], $0xffff  }
0x11d: {  	v60 =	vor.u32 v27, v40;
	[tilespmem:s8+$0x410] =	vst v49;
	v46 =	vld.idx.msk [tilespmem:v61+s16+$0x0], $0xffff  }
0x11e: {  	v57 =	vor.u32 v12, v33;
	v49 =	vld.idx.msk [tilespmem:v62+s16+$0x0], $0xffff;
	[tilespmem:s17+$0xC10] =	vst v50  }
0x11f: {  	v61 =	vor.u32 v13, v37;
	v52 =	vld.idx.msk [tilespmem:v58+s16+$0x0], $0xffff;
	[tilespmem:s21+$0xC40] =	vst v43  }
0x120: {  	v62 =	vor.u32 v27, v39;
	v45 =	vld.idx.msk [tilespmem:v59+s16+$0x0], $0xffff;
	[tilespmem:s13+$0x420] =	vst v54  }
0x121: {  	v58 =	vor.u32 v12, v35;
	v54 =	vld.idx.msk [tilespmem:v63+s16+$0x0], $0xffff;
	[tilespmem:s0+$0x420] =	vst v47  }
0x122: {  	v59 =	vor.u32 v31, v42;
	[tilespmem:s30+$0x430] =	vst v46;
	v46 =	vld.idx.msk [tilespmem:v60+s16+$0x0], $0xffff  }
0x123: {  	[tilespmem:s31+$0xC10] =	vst v44;
	v63 =	vor.u32 v13, v34;
	v43 =	vld.idx.msk [tilespmem:v57+s16+$0x0], $0xffff  }
0x124: {  	v60 =	vor.u32 v27, v38;
	[tilespmem:s15+$0xC10] =	vst v49;
	v47 =	vld.idx.msk [tilespmem:v61+s16+$0x0], $0xffff  }
0x125: {  	[tilespmem:s8+$0x420] =	vst v52;
	v57 =	vor.u32 v13, v33;
	v52 =	vld.idx.msk [tilespmem:v62+s16+$0x0], $0xffff  }
0x126: {  	v61 =	vor.u32 v14, v37;
	v48 =	vld.idx.msk [tilespmem:v58+s16+$0x0], $0xffff;
	[tilespmem:s21+$0xC50] =	vst v45  }
0x127: {  	v58 =	vor.u32 v13, v35;
	v50 =	vld.idx.msk [tilespmem:v59+s16+$0x0], $0xffff;
	[tilespmem:s13+$0x430] =	vst v54  }
0x128: {  	v59 =	vor.u32 v32, v42;
	v54 =	vld.idx.msk [tilespmem:v63+s16+$0x0], $0xffff;
	[tilespmem:s0+$0x430] =	vst v43  }
0x129: {  	v63 =	vor.u32 v28, v40;
	[tilespmem:s30+$0x440] =	vst v47;
	v47 =	vld.idx.msk [tilespmem:v60+s16+$0x0], $0xffff  }
0x12a: {  	s29 =	simm.s32 $0xA;
	[tilespmem:s17+$0xC20] =	vst v46;
	v45 =	vld.idx.msk [tilespmem:v57+s16+$0x0], $0xffff;
	v57 =	vor.u32 v14, v34  }
0x12b: {  	v62 =	vmov s29;
	[tilespmem:s8+$0x430] =	vst v48;
	v43 =	vld.idx.msk [tilespmem:v61+s16+$0x0], $0xffff;
	v61 =	vor.u32 v28, v39  }
0x12c: {  	v42 =	vand.u32 $0x1E, v62;
	v51 =	vld.idx.msk [tilespmem:v58+s16+$0x0], $0xffff;
	[tilespmem:s21+$0xC60] =	vst v50;
	v58 =	vor.u32 v14, v33  }
0x12d: {  	v62 =	vor.u32 v15, v37;
	v42 =	vbroadcast v42, $0x0;
	[tilespmem:s31+$0xC20] =	vst v52;
	v44 =	vld.idx.msk [tilespmem:v59+s16+$0x0], $0xffff  }
0x12e: {  	v59 =	vor.u32 v14, v35;
	[tilespmem:s13+$0x440] =	vst v54;
	v46 =	vld.idx.msk [tilespmem:v63+s16+$0x0], $0xffff  }
0x12f: {  	v60 =	vor.u32 v0, v42;
	[tilespmem:s15+$0xC20] =	vst v47;
	v54 =	vld.idx.msk [tilespmem:v57+s16+$0x0], $0xffff  }
0x130: {  	v63 =	vor.u32 v28, v38;
	[tilespmem:s0+$0x440] =	vst v45;
	v61 =	vld.idx.msk [tilespmem:v61+s16+$0x0], $0xffff  }
0x131: {  	v56 =	vor.u32 v15, v34;
	[tilespmem:s30+$0x450] =	vst v43;
	v50 =	vld.idx.msk [tilespmem:v58+s16+$0x0], $0xffff  }
0x132: {  	[tilespmem:s8+$0x440] =	vst v51;
	v48 =	vld.idx.msk [tilespmem:v62+s16+$0x0], $0xffff;
	v62 =	vor.u32 v29, v40  }
0x133: {  	v49 =	vld.idx.msk [tilespmem:v59+s16+$0x0], $0xffff;
	[tilespmem:s21+$0xC70] =	vst v44;
	v59 =	vor.u32 v15, v33  }
0x134: {  	v45 =	vld.idx.msk [tilespmem:v60+s16+$0x0], $0xffff;
	v60 =	vor.u32 v15, v35;
	[tilespmem:s17+$0xC30] =	vst v46  }
0x135: {  	v57 =	vor.u32 v16, v37;
	v51 =	vld.idx.msk [tilespmem:v63+s16+$0x0], $0xffff;
	[tilespmem:s13+$0x450] =	vst v54  }
0x136: {  	v63 =	vor.u32 v29, v39;
	[tilespmem:s31+$0xC30] =	vst v61;
	v54 =	vld.idx.msk [tilespmem:v56+s16+$0x0], $0xffff  }
0x137: {  	v58 =	vor.u32 v29, v38;
	[tilespmem:s0+$0x450] =	vst v50;
	v47 =	vld.idx.msk [tilespmem:v62+s16+$0x0], $0xffff  }
0x138: {  	[tilespmem:s8+$0x450] =	vst v49;
	v44 =	vld.idx.msk [tilespmem:v59+s16+$0x0], $0xffff;
	v59 =	vor.u32 v16, v34  }
0x139: {  	[tilespmem:s30+$0x460] =	vst v48;
	v62 =	vor.u32 v30, v40;
	v52 =	vld.idx.msk [tilespmem:v60+s16+$0x0], $0xffff  }
0x13a: {  	v50 =	vld.idx.msk [tilespmem:v57+s16+$0x0], $0xffff;
	v60 =	vor.u32 v16, v33;
	[tilespmem:s15+$0xC30] =	vst v51  }
0x13b: {  	v61 =	vor.u32 v16, v35;
	v48 =	vld.idx.msk [tilespmem:v63+s16+$0x0], $0xffff;
	[tilespmem:s13+$0x460] =	vst v54  }
0x13c: {  	v63 =	vor.u32 v17, v37;
	v49 =	vld.idx.msk [tilespmem:v58+s16+$0x0], $0xffff;
	[tilespmem:s17+$0xC40] =	vst v47  }
0x13d: {  	v53 =	vor.u32 v30, v39;
	v54 =	vld.idx.msk [tilespmem:v59+s16+$0x0], $0xffff;
	[tilespmem:s0+$0x460] =	vst v44  }
0x13e: {  	v57 =	vld.idx.msk [tilespmem:v62+s16+$0x0], $0xffff;
	[tilespmem:s8+$0x460] =	vst v52;
	v52 =	vor.u32 v30, v38  }
0x13f: {  	v46 =	vld.idx.msk [tilespmem:v60+s16+$0x0], $0xffff;
	v60 =	vor.u32 v17, v34  }
0x140: {  	[tilespmem:s30+$0x470] =	vst v50;
	v43 =	vld.idx.msk [tilespmem:v61+s16+$0x0], $0xffff;
	v61 =	vor.u32 v17, v33  }
0x141: {  	[tilespmem:s31+$0xC40] =	vst v48;
	v44 =	vld.idx.msk [tilespmem:v63+s16+$0x0], $0xffff;
	v63 =	vor.u32 v31, v40  }
0x142: {  	v62 =	vor.u32 v17, v35;
	v53 =	vld.idx.msk [tilespmem:v53+s16+$0x0], $0xffff;
	[tilespmem:s15+$0xC40] =	vst v49  }
0x143: {  	v58 =	vor.u32 v31, v39;
	[tilespmem:s13+$0x470] =	vst v54;
	v54 =	vld.idx.msk [tilespmem:v52+s16+$0x0], $0xffff  }
0x144: {  	v56 =	vor.u32 v18, v37;
	v52 =	vld.idx.msk [tilespmem:v60+s16+$0x0], $0xffff;
	[tilespmem:s0+$0x470] =	vst v46  }
0x145: {  	v55 =	vor.u32 v31, v38;
	[tilespmem:s17+$0xC50] =	vst v57;
	v50 =	vld.idx.msk [tilespmem:v61+s16+$0x0], $0xffff  }
0x146: {  	v48 =	vor.u32 v18, v34;
	[tilespmem:s8+$0x470] =	vst v43;
	v49 =	vld.idx.msk [tilespmem:v63+s16+$0x0], $0xffff  }
0x147: {  	v47 =	vor.u32 v18, v33;
	v51 =	vld.idx.msk [tilespmem:v62+s16+$0x0], $0xffff;
	[tilespmem:s31+$0xC50] =	vst v53  }
0x148: {  	s22 =	simm.s32 $0xC;
	s25 =	simm.s32 $0xB;
	s21 =	simm.s32 $0x8;
	v46 =	vor.u32 v18, v35;
	[tilespmem:s30+$0x800] =	vst v44;
	v53 =	vld.idx.msk [tilespmem:v58+s16+$0x0], $0xffff  }
.LBB2_7:
0x149: {  	p1 =	slt.u32 s22, $0x1C;
	v43 =	vmov s25;
	v44 =	vld.idx.msk [tilespmem:v56+s16+$0x0], $0xffff;
	[tilespmem:s15+$0xC50] =	vst v54;
	v54 =	vor.u32 v32, v40;
	v40 =	vmovc v34;
	v34 =	vmov v36  }
0x14a: {  	v36 =	vand.u32 $0x1F, v43;
	[tilespmem:s13+$0x800] =	vst v52;
	v43 =	vld.idx.msk [tilespmem:v55+s16+$0x0], $0xffff;
	v52 =	vor.u32 v32, v39;
	v39 =	vmovc v33;
	v33 =	vmov v42  }
0x14b: {  	v42 =	vbroadcast v36, $0x0;
	v48 =	vld.idx.msk [tilespmem:v48+s16+$0x0], $0xffff;
	[tilespmem:s0+$0x800] =	vst v50;
	v36 =	vor.u32 v19, v37  }
0x14c: {  	v50 =	vor.u32 v32, v38;
	v38 =	vmov v35;
	[tilespmem:s8+$0x800] =	vst v51;
	v47 =	vld.idx.msk [tilespmem:v47+s16+$0x0], $0xffff  }
0x14d: {  	v35 =	vmov s21;
	s21 =	smov.u32 s22;
	v51 =	vor.u32 v0, v42;
	v46 =	vld.idx.msk [tilespmem:v46+s16+$0x0], $0xffff;
	[tilespmem:s17+$0xC60] =	vst v49  }
0x14e: {  	s25 =	sadd.s32 $0x1, s22;
	v35 =	vand.u32 $0x1C, v35;
	v49 =	vor.u32 v19, v40;
	v54 =	vld.idx.msk [tilespmem:v54+s16+$0x0], $0xffff;
	[tilespmem:s31+$0xC60] =	vst v53  }
0x14f: {  	v55 =	vor.u32 v19, v39;
	v35 =	vbroadcast v35, $0x0;
	v53 =	vmov s25;
	[tilespmem:s30+$0x810] =	vst v44;
	v44 =	vld.idx.msk [tilespmem:v52+s16+$0x0], $0xffff  }
0x150: {  	v52 =	vand.u32 $0x1D, v53;
	v53 =	vor.u32 v19, v38;
	v56 =	vld.idx.msk [tilespmem:v36+s16+$0x0], $0xffff;
	[tilespmem:s15+$0xC60] =	vst v43  }
0x151: {  	v36 =	vbroadcast v52, $0x0;
	v43 =	vor.u32 v0, v35;
	[tilespmem:s13+$0x810] =	vst v48;
	v48 =	vld.idx.msk [tilespmem:v50+s16+$0x0], $0xffff  }
0x152: {  	v50 =	vld.idx.msk [tilespmem:v51+s16+$0x0], $0xffff;
	[tilespmem:s0+$0x810] =	vst v47;
	v47 =	vor.u32 v20, v37  }
0x153: {  	v51 =	vor.u32 v0, v36;
	[tilespmem:s8+$0x810] =	vst v46;
	v46 =	vld.idx.msk [tilespmem:v49+s16+$0x0], $0xffff  }
0x154: {  	s19 =	sadd.s32 $0x800, s19;
	v49 =	vor.u32 v2, v42;
	v52 =	vld.idx.msk [tilespmem:v55+s16+$0x0], $0xffff;
	[tilespmem:s17+$0xC70] =	vst v54;
	s17 =	smov.u32 s13  }
0x155: {  	s20 =	sadd.s32 $0x200, s20;
	s13 =	sand.u32 $0x3000, s19;
	v54 =	vor.u32 v20, v40;
	v53 =	vld.idx.msk [tilespmem:v53+s16+$0x0], $0xffff;
	[tilespmem:s31+$0xC70] =	vst v44;
	s31 =	smov.u32 s0  }
0x156: {  	s0 =	sadd.s32 $0xFFFFFE80, s20;
	s26 =	sor.u32 $0x14C00, s13;
	v44 =	vor.u32 v2, v34;
	s13 =	sand.u32 $0x380, s20;
	v43 =	vld.idx.msk [tilespmem:v43+s16+$0x0], $0xffff;
	[tilespmem:s30+$0x820] =	vst v56  }
0x157: {  	s28 =	sadd.s32 $0xFFFFFF00, s20;
	s29 =	sadd.s32 $0xFFFFFF80, s20;
	v55 =	vor.u32 v2, v33;
	s25 =	sor.u32 s13, s26;
	v47 =	vld.idx.msk [tilespmem:v47+s16+$0x0], $0xffff;
	[tilespmem:s15+$0xC70] =	vst v48  }
0x158: {  	s0 =	sand.u32 $0x200, s0;
	s13 =	sand.u32 $0x280, s28;
	s15 =	sand.u32 $0x300, s29;
	v48 =	vld.idx.msk [tilespmem:v51+s16+$0x0], $0xffff;
	v51 =	vor.u32 v2, v35;
	[tilespmem:s25+$0x0] =	vst v50  }
0x159: {  	s28 =	sor.u32 s0, s26;
	s13 =	sor.u32 s13, s26;
	s0 =	sor.u32 s15, s26;
	v49 =	vld.idx.msk [tilespmem:v49+s16+$0x0], $0xffff;
	[tilespmem:s17+$0x820] =	vst v46;
	v46 =	vor.u32 v21, v37  }
0x15a: {  	s15 =	smov.u32 s8;
	s8 =	smov.u32 s28;
	[tilespmem:s13+$0x0] =	vst v41;
	v50 =	vld.idx.msk [tilespmem:v54+s16+$0x0], $0xffff;
	v54 =	vor.u32 v20, v39  }
0x15b: {  	v44 =	vld.idx.msk [tilespmem:v44+s16+$0x0], $0xffff;
	[tilespmem:s0+$0x0] =	vst v45;
	v45 =	vor.u32 v3, v42  }
0x15c: {  	[tilespmem:s8+$0x0] =	vst v43;
	v43 =	vld.idx.msk [tilespmem:v55+s16+$0x0], $0xffff;
	v55 =	vor.u32 v20, v38  }
0x15d: {  	v56 =	vor.u32 v3, v34;
	v51 =	vld.idx.msk [tilespmem:v51+s16+$0x0], $0xffff;
	[tilespmem:s30+$0x830] =	vst v47  }
0x15e: {  	v47 =	vor.u32 v3, v33;
	v41 =	vmov v48;
	[tilespmem:s31+$0x820] =	vst v52;
	v46 =	vld.idx.msk [tilespmem:v46+s16+$0x0], $0xffff  }
0x15f: {  	v48 =	vor.u32 v3, v35;
	[tilespmem:s25+$0x10] =	vst v49;
	v49 =	vld.idx.msk [tilespmem:v54+s16+$0x0], $0xffff  }
0x160: {  	v52 =	vor.u32 v22, v37;
	v45 =	vld.idx.msk [tilespmem:v45+s16+$0x0], $0xffff;
	[tilespmem:s15+$0x820] =	vst v53  }
0x161: {  	v53 =	vor.u32 v21, v40;
	[tilespmem:s13+$0x10] =	vst v44;
	v44 =	vld.idx.msk [tilespmem:v55+s16+$0x0], $0xffff  }
0x162: {  	v54 =	vld.idx.msk [tilespmem:v56+s16+$0x0], $0xffff;
	[tilespmem:s0+$0x10] =	vst v43;
	v43 =	vor.u32 v4, v42  }
0x163: {  	[tilespmem:s8+$0x10] =	vst v51;
	v47 =	vld.idx.msk [tilespmem:v47+s16+$0x0], $0xffff;
	v51 =	vor.u32 v21, v39  }
0x164: {  	v55 =	vor.u32 v4, v34;
	v48 =	vld.idx.msk [tilespmem:v48+s16+$0x0], $0xffff;
	[tilespmem:s30+$0x840] =	vst v46  }
0x165: {  	v46 =	vor.u32 v4, v33;
	[tilespmem:s17+$0x830] =	vst v50;
	v50 =	vld.idx.msk [tilespmem:v52+s16+$0x0], $0xffff  }
0x166: {  	v52 =	vor.u32 v4, v35;
	[tilespmem:s25+$0x20] =	vst v45;
	v45 =	vld.idx.msk [tilespmem:v53+s16+$0x0], $0xffff  }
0x167: {  	v43 =	vld.idx.msk [tilespmem:v43+s16+$0x0], $0xffff;
	[tilespmem:s31+$0x830] =	vst v49;
	v49 =	vor.u32 v23, v37  }
0x168: {  	v53 =	vor.u32 v21, v38;
	[tilespmem:s13+$0x20] =	vst v54;
	v51 =	vld.idx.msk [tilespmem:v51+s16+$0x0], $0xffff  }
0x169: {  	v54 =	vld.idx.msk [tilespmem:v55+s16+$0x0], $0xffff;
	[tilespmem:s0+$0x20] =	vst v47;
	v47 =	vor.u32 v5, v42  }
0x16a: {  	[tilespmem:s8+$0x20] =	vst v48;
	v46 =	vld.idx.msk [tilespmem:v46+s16+$0x0], $0xffff;
	v48 =	vor.u32 v22, v40  }
0x16b: {  	v55 =	vor.u32 v5, v34;
	v52 =	vld.idx.msk [tilespmem:v52+s16+$0x0], $0xffff;
	[tilespmem:s30+$0x850] =	vst v50  }
0x16c: {  	v50 =	vor.u32 v5, v33;
	[tilespmem:s15+$0x830] =	vst v44;
	v44 =	vld.idx.msk [tilespmem:v49+s16+$0x0], $0xffff  }
0x16d: {  	v49 =	vor.u32 v5, v35;
	[tilespmem:s25+$0x30] =	vst v43;
	v43 =	vld.idx.msk [tilespmem:v53+s16+$0x0], $0xffff  }
0x16e: {  	v47 =	vld.idx.msk [tilespmem:v47+s16+$0x0], $0xffff;
	[tilespmem:s17+$0x840] =	vst v45;
	v45 =	vor.u32 v24, v37  }
0x16f: {  	v53 =	vor.u32 v22, v39;
	[tilespmem:s13+$0x30] =	vst v54;
	v48 =	vld.idx.msk [tilespmem:v48+s16+$0x0], $0xffff  }
0x170: {  	v54 =	vld.idx.msk [tilespmem:v55+s16+$0x0], $0xffff;
	[tilespmem:s0+$0x30] =	vst v46;
	v46 =	vor.u32 v6, v42  }
0x171: {  	[tilespmem:s8+$0x30] =	vst v52;
	v50 =	vld.idx.msk [tilespmem:v50+s16+$0x0], $0xffff;
	v52 =	vor.u32 v22, v38  }
0x172: {  	v55 =	vor.u32 v6, v34;
	v49 =	vld.idx.msk [tilespmem:v49+s16+$0x0], $0xffff;
	[tilespmem:s30+$0x860] =	vst v44  }
0x173: {  	v44 =	vor.u32 v6, v33;
	[tilespmem:s31+$0x840] =	vst v51;
	v45 =	vld.idx.msk [tilespmem:v45+s16+$0x0], $0xffff  }
0x174: {  	v51 =	vor.u32 v6, v35;
	[tilespmem:s25+$0x40] =	vst v47;
	v47 =	vld.idx.msk [tilespmem:v53+s16+$0x0], $0xffff  }
0x175: {  	v46 =	vld.idx.msk [tilespmem:v46+s16+$0x0], $0xffff;
	[tilespmem:s15+$0x840] =	vst v43;
	v43 =	vor.u32 v25, v37  }
0x176: {  	v53 =	vor.u32 v23, v40;
	[tilespmem:s13+$0x40] =	vst v54;
	v52 =	vld.idx.msk [tilespmem:v52+s16+$0x0], $0xffff  }
0x177: {  	v54 =	vld.idx.msk [tilespmem:v55+s16+$0x0], $0xffff;
	[tilespmem:s0+$0x40] =	vst v50;
	v50 =	vor.u32 v7, v42  }
0x178: {  	[tilespmem:s8+$0x40] =	vst v49;
	v44 =	vld.idx.msk [tilespmem:v44+s16+$0x0], $0xffff;
	v49 =	vor.u32 v23, v39  }
0x179: {  	v55 =	vor.u32 v7, v34;
	v51 =	vld.idx.msk [tilespmem:v51+s16+$0x0], $0xffff;
	[tilespmem:s30+$0x870] =	vst v45  }
0x17a: {  	v45 =	vor.u32 v7, v33;
	[tilespmem:s17+$0x850] =	vst v48;
	v43 =	vld.idx.msk [tilespmem:v43+s16+$0x0], $0xffff  }
0x17b: {  	v48 =	vor.u32 v7, v35;
	[tilespmem:s25+$0x50] =	vst v46;
	v46 =	vld.idx.msk [tilespmem:v53+s16+$0x0], $0xffff  }
0x17c: {  	v50 =	vld.idx.msk [tilespmem:v50+s16+$0x0], $0xffff;
	[tilespmem:s31+$0x850] =	vst v47;
	v47 =	vor.u32 v26, v37  }
0x17d: {  	v53 =	vor.u32 v23, v38;
	[tilespmem:s13+$0x50] =	vst v54;
	v49 =	vld.idx.msk [tilespmem:v49+s16+$0x0], $0xffff  }
0x17e: {  	v54 =	vld.idx.msk [tilespmem:v55+s16+$0x0], $0xffff;
	[tilespmem:s0+$0x50] =	vst v44;
	v44 =	vor.u32 v8, v42  }
0x17f: {  	[tilespmem:s8+$0x50] =	vst v51;
	v45 =	vld.idx.msk [tilespmem:v45+s16+$0x0], $0xffff;
	v51 =	vor.u32 v24, v40  }
0x180: {  	v55 =	vor.u32 v8, v34;
	v48 =	vld.idx.msk [tilespmem:v48+s16+$0x0], $0xffff;
	[tilespmem:s30+$0xC00] =	vst v43  }
0x181: {  	v43 =	vor.u32 v8, v33;
	[tilespmem:s15+$0x850] =	vst v52;
	v47 =	vld.idx.msk [tilespmem:v47+s16+$0x0], $0xffff  }
0x182: {  	v52 =	vor.u32 v8, v35;
	[tilespmem:s25+$0x60] =	vst v50;
	v50 =	vld.idx.msk [tilespmem:v53+s16+$0x0], $0xffff  }
0x183: {  	v44 =	vld.idx.msk [tilespmem:v44+s16+$0x0], $0xffff;
	[tilespmem:s17+$0x860] =	vst v46;
	v46 =	vor.u32 v27, v37  }
0x184: {  	v53 =	vor.u32 v24, v39;
	[tilespmem:s13+$0x60] =	vst v54;
	v51 =	vld.idx.msk [tilespmem:v51+s16+$0x0], $0xffff  }
0x185: {  	v54 =	vld.idx.msk [tilespmem:v55+s16+$0x0], $0xffff;
	[tilespmem:s0+$0x60] =	vst v45;
	v45 =	vor.u32 v9, v42  }
0x186: {  	[tilespmem:s8+$0x60] =	vst v48;
	v43 =	vld.idx.msk [tilespmem:v43+s16+$0x0], $0xffff;
	v48 =	vor.u32 v24, v38  }
0x187: {  	v55 =	vor.u32 v9, v34;
	v52 =	vld.idx.msk [tilespmem:v52+s16+$0x0], $0xffff;
	[tilespmem:s30+$0xC10] =	vst v47  }
0x188: {  	v47 =	vor.u32 v9, v33;
	[tilespmem:s31+$0x860] =	vst v49;
	v46 =	vld.idx.msk [tilespmem:v46+s16+$0x0], $0xffff  }
0x189: {  	v49 =	vor.u32 v9, v35;
	[tilespmem:s25+$0x70] =	vst v44;
	v44 =	vld.idx.msk [tilespmem:v53+s16+$0x0], $0xffff  }
0x18a: {  	v45 =	vld.idx.msk [tilespmem:v45+s16+$0x0], $0xffff;
	[tilespmem:s15+$0x860] =	vst v50;
	v50 =	vor.u32 v28, v37  }
0x18b: {  	v53 =	vor.u32 v25, v40;
	[tilespmem:s13+$0x70] =	vst v54;
	v48 =	vld.idx.msk [tilespmem:v48+s16+$0x0], $0xffff  }
0x18c: {  	v54 =	vld.idx.msk [tilespmem:v55+s16+$0x0], $0xffff;
	[tilespmem:s0+$0x70] =	vst v43;
	v43 =	vor.u32 v10, v42  }
0x18d: {  	[tilespmem:s8+$0x70] =	vst v52;
	v47 =	vld.idx.msk [tilespmem:v47+s16+$0x0], $0xffff;
	v52 =	vor.u32 v25, v39  }
0x18e: {  	v55 =	vor.u32 v10, v34;
	v49 =	vld.idx.msk [tilespmem:v49+s16+$0x0], $0xffff;
	[tilespmem:s30+$0xC20] =	vst v46  }
0x18f: {  	v46 =	vor.u32 v10, v33;
	[tilespmem:s17+$0x870] =	vst v51;
	v50 =	vld.idx.msk [tilespmem:v50+s16+$0x0], $0xffff  }
0x190: {  	v51 =	vor.u32 v10, v35;
	[tilespmem:s25+$0x400] =	vst v45;
	v45 =	vld.idx.msk [tilespmem:v53+s16+$0x0], $0xffff  }
0x191: {  	v43 =	vld.idx.msk [tilespmem:v43+s16+$0x0], $0xffff;
	[tilespmem:s31+$0x870] =	vst v44;
	v44 =	vor.u32 v29, v37  }
0x192: {  	v53 =	vor.u32 v25, v38;
	[tilespmem:s13+$0x400] =	vst v54;
	v52 =	vld.idx.msk [tilespmem:v52+s16+$0x0], $0xffff  }
0x193: {  	v54 =	vld.idx.msk [tilespmem:v55+s16+$0x0], $0xffff;
	[tilespmem:s0+$0x400] =	vst v47;
	v47 =	vor.u32 v11, v42  }
0x194: {  	[tilespmem:s8+$0x400] =	vst v49;
	v46 =	vld.idx.msk [tilespmem:v46+s16+$0x0], $0xffff;
	v49 =	vor.u32 v26, v40  }
0x195: {  	v55 =	vor.u32 v11, v34;
	v51 =	vld.idx.msk [tilespmem:v51+s16+$0x0], $0xffff;
	[tilespmem:s30+$0xC30] =	vst v50  }
0x196: {  	v50 =	vor.u32 v11, v33;
	[tilespmem:s15+$0x870] =	vst v48;
	v44 =	vld.idx.msk [tilespmem:v44+s16+$0x0], $0xffff  }
0x197: {  	v48 =	vor.u32 v11, v35;
	[tilespmem:s25+$0x410] =	vst v43;
	v43 =	vld.idx.msk [tilespmem:v53+s16+$0x0], $0xffff  }
0x198: {  	v47 =	vld.idx.msk [tilespmem:v47+s16+$0x0], $0xffff;
	[tilespmem:s17+$0xC00] =	vst v45;
	v45 =	vor.u32 v30, v37  }
0x199: {  	v53 =	vor.u32 v26, v39;
	[tilespmem:s13+$0x410] =	vst v54;
	v49 =	vld.idx.msk [tilespmem:v49+s16+$0x0], $0xffff  }
0x19a: {  	v54 =	vld.idx.msk [tilespmem:v55+s16+$0x0], $0xffff;
	[tilespmem:s0+$0x410] =	vst v46;
	v46 =	vor.u32 v12, v42  }
0x19b: {  	[tilespmem:s8+$0x410] =	vst v51;
	v50 =	vld.idx.msk [tilespmem:v50+s16+$0x0], $0xffff;
	v51 =	vor.u32 v26, v38  }
0x19c: {  	v55 =	vor.u32 v12, v34;
	v48 =	vld.idx.msk [tilespmem:v48+s16+$0x0], $0xffff;
	[tilespmem:s30+$0xC40] =	vst v44  }
0x19d: {  	v44 =	vor.u32 v12, v33;
	[tilespmem:s31+$0xC00] =	vst v52;
	v45 =	vld.idx.msk [tilespmem:v45+s16+$0x0], $0xffff  }
0x19e: {  	v52 =	vor.u32 v12, v35;
	[tilespmem:s25+$0x420] =	vst v47;
	v47 =	vld.idx.msk [tilespmem:v53+s16+$0x0], $0xffff  }
0x19f: {  	v46 =	vld.idx.msk [tilespmem:v46+s16+$0x0], $0xffff;
	[tilespmem:s15+$0xC00] =	vst v43;
	v43 =	vor.u32 v31, v37  }
0x1a0: {  	v53 =	vor.u32 v27, v40;
	[tilespmem:s13+$0x420] =	vst v54;
	v51 =	vld.idx.msk [tilespmem:v51+s16+$0x0], $0xffff  }
0x1a1: {  	v54 =	vld.idx.msk [tilespmem:v55+s16+$0x0], $0xffff;
	[tilespmem:s0+$0x420] =	vst v50;
	v50 =	vor.u32 v13, v42  }
0x1a2: {  	[tilespmem:s8+$0x420] =	vst v48;
	v44 =	vld.idx.msk [tilespmem:v44+s16+$0x0], $0xffff;
	v48 =	vor.u32 v27, v39  }
0x1a3: {  	v55 =	vor.u32 v13, v34;
	v52 =	vld.idx.msk [tilespmem:v52+s16+$0x0], $0xffff;
	[tilespmem:s30+$0xC50] =	vst v45  }
0x1a4: {  	v45 =	vor.u32 v13, v33;
	[tilespmem:s17+$0xC10] =	vst v49;
	v43 =	vld.idx.msk [tilespmem:v43+s16+$0x0], $0xffff  }
0x1a5: {  	v49 =	vor.u32 v13, v35;
	[tilespmem:s25+$0x430] =	vst v46;
	v46 =	vld.idx.msk [tilespmem:v53+s16+$0x0], $0xffff  }
0x1a6: {  	v50 =	vld.idx.msk [tilespmem:v50+s16+$0x0], $0xffff;
	[tilespmem:s31+$0xC10] =	vst v47;
	v47 =	vor.u32 v32, v37;
	v37 =	vmov v42  }
0x1a7: {  	v53 =	vor.u32 v27, v38;
	[tilespmem:s13+$0x430] =	vst v54;
	v48 =	vld.idx.msk [tilespmem:v48+s16+$0x0], $0xffff  }
0x1a8: {  	s26 =	sadd.s32 $0x2, s22;
	v54 =	vld.idx.msk [tilespmem:v55+s16+$0x0], $0xffff;
	[tilespmem:s0+$0x430] =	vst v44;
	v44 =	vor.u32 v14, v37  }
0x1a9: {  	v42 =	vmov s26;
	[tilespmem:s8+$0x430] =	vst v52;
	v45 =	vld.idx.msk [tilespmem:v45+s16+$0x0], $0xffff;
	v52 =	vor.u32 v28, v40  }
0x1aa: {  	v42 =	vand.u32 $0x1E, v42;
	v55 =	vor.u32 v14, v34;
	v49 =	vld.idx.msk [tilespmem:v49+s16+$0x0], $0xffff;
	[tilespmem:s30+$0xC60] =	vst v43  }
0x1ab: {  	v42 =	vbroadcast v42, $0x0;
	v43 =	vor.u32 v14, v33;
	[tilespmem:s15+$0xC10] =	vst v51;
	v47 =	vld.idx.msk [tilespmem:v47+s16+$0x0], $0xffff  }
0x1ac: {  	v51 =	vor.u32 v14, v35;
	[tilespmem:s25+$0x440] =	vst v50;
	v50 =	vld.idx.msk [tilespmem:v53+s16+$0x0], $0xffff  }
0x1ad: {  	v53 =	vor.u32 v0, v42;
	v44 =	vld.idx.msk [tilespmem:v44+s16+$0x0], $0xffff;
	[tilespmem:s17+$0xC20] =	vst v46  }
0x1ae: {  	[tilespmem:s13+$0x440] =	vst v54;
	v46 =	vld.idx.msk [tilespmem:v52+s16+$0x0], $0xffff;
	v52 =	vor.u32 v28, v39  }
0x1af: {  	v54 =	vld.idx.msk [tilespmem:v55+s16+$0x0], $0xffff;
	[tilespmem:s0+$0x440] =	vst v45;
	v55 =	vor.u32 v15, v37  }
0x1b0: {  	[tilespmem:s8+$0x440] =	vst v49;
	v43 =	vld.idx.msk [tilespmem:v43+s16+$0x0], $0xffff;
	v49 =	vor.u32 v28, v38  }
0x1b1: {  	v56 =	vor.u32 v15, v34;
	v51 =	vld.idx.msk [tilespmem:v51+s16+$0x0], $0xffff;
	[tilespmem:s30+$0xC70] =	vst v47;
	s30 =	smov.u32 s25  }
0x1b2: {  	v47 =	vor.u32 v15, v33;
	v45 =	vld.idx.msk [tilespmem:v53+s16+$0x0], $0xffff;
	[tilespmem:s31+$0xC20] =	vst v48  }
0x1b3: {  	v48 =	vor.u32 v15, v35;
	[tilespmem:s30+$0x450] =	vst v44;
	v44 =	vld.idx.msk [tilespmem:v52+s16+$0x0], $0xffff  }
0x1b4: {  	v52 =	vld.idx.msk [tilespmem:v55+s16+$0x0], $0xffff;
	[tilespmem:s15+$0xC20] =	vst v50;
	v50 =	vor.u32 v29, v40  }
0x1b5: {  	v53 =	vor.u32 v29, v39;
	[tilespmem:s13+$0x450] =	vst v54;
	v49 =	vld.idx.msk [tilespmem:v49+s16+$0x0], $0xffff  }
0x1b6: {  	v54 =	vld.idx.msk [tilespmem:v56+s16+$0x0], $0xffff;
	[tilespmem:s0+$0x450] =	vst v43;
	v43 =	vor.u32 v16, v37  }
0x1b7: {  	[tilespmem:s8+$0x450] =	vst v51;
	v47 =	vld.idx.msk [tilespmem:v47+s16+$0x0], $0xffff;
	v51 =	vor.u32 v29, v38  }
0x1b8: {  	v55 =	vor.u32 v16, v34;
	v48 =	vld.idx.msk [tilespmem:v48+s16+$0x0], $0xffff;
	[tilespmem:s17+$0xC30] =	vst v46  }
0x1b9: {  	v46 =	vor.u32 v16, v33;
	v50 =	vld.idx.msk [tilespmem:v50+s16+$0x0], $0xffff;
	[tilespmem:s31+$0xC30] =	vst v44  }
0x1ba: {  	v44 =	vor.u32 v16, v35;
	[tilespmem:s30+$0x460] =	vst v52;
	v52 =	vld.idx.msk [tilespmem:v53+s16+$0x0], $0xffff  }
0x1bb: {  	v43 =	vld.idx.msk [tilespmem:v43+s16+$0x0], $0xffff;
	[tilespmem:s15+$0xC30] =	vst v49;
	v49 =	vor.u32 v30, v40  }
0x1bc: {  	v53 =	vor.u32 v30, v39;
	[tilespmem:s13+$0x460] =	vst v54;
	v51 =	vld.idx.msk [tilespmem:v51+s16+$0x0], $0xffff  }
0x1bd: {  	v54 =	vld.idx.msk [tilespmem:v55+s16+$0x0], $0xffff;
	[tilespmem:s0+$0x460] =	vst v47;
	v47 =	vor.u32 v17, v37  }
0x1be: {  	[tilespmem:s8+$0x460] =	vst v48;
	v46 =	vld.idx.msk [tilespmem:v46+s16+$0x0], $0xffff;
	v48 =	vor.u32 v30, v38  }
0x1bf: {  	v55 =	vor.u32 v17, v34;
	v44 =	vld.idx.msk [tilespmem:v44+s16+$0x0], $0xffff;
	[tilespmem:s17+$0xC40] =	vst v50  }
0x1c0: {  	v50 =	vor.u32 v17, v33;
	v49 =	vld.idx.msk [tilespmem:v49+s16+$0x0], $0xffff;
	[tilespmem:s31+$0xC40] =	vst v52  }
0x1c1: {  	v57 =	vor.u32 v17, v35;
	[tilespmem:s30+$0x470] =	vst v43;
	v43 =	vld.idx.msk [tilespmem:v53+s16+$0x0], $0xffff  }
0x1c2: {  	v58 =	vor.u32 v31, v40;
	v53 =	vld.idx.msk [tilespmem:v47+s16+$0x0], $0xffff;
	[tilespmem:s15+$0xC40] =	vst v51  }
0x1c3: {  	v59 =	vor.u32 v31, v39;
	[tilespmem:s13+$0x470] =	vst v54;
	v54 =	vld.idx.msk [tilespmem:v48+s16+$0x0], $0xffff  }
.Ltmp2:
0x1c4: {  	v56 =	vor.u32 v18, v37;
	v52 =	vld.idx.msk [tilespmem:v55+s16+$0x0], $0xffff;
	[tilespmem:s0+$0x470] =	vst v46;
	(pc) =	sbr.rel @p1 .LBB2_7-.Ltmp2, $4  }
0x1c5: {  	v55 =	vor.u32 v31, v38;
	[tilespmem:s8+$0x470] =	vst v44;
	v50 =	vld.idx.msk [tilespmem:v50+s16+$0x0], $0xffff  }
0x1c6: {  	v48 =	vor.u32 v18, v34;
	v51 =	vld.idx.msk [tilespmem:v57+s16+$0x0], $0xffff;
	[tilespmem:s17+$0xC50] =	vst v49  }
0x1c7: {  	v47 =	vor.u32 v18, v33;
	v49 =	vld.idx.msk [tilespmem:v58+s16+$0x0], $0xffff;
	[tilespmem:s31+$0xC50] =	vst v43  }
0x1c8: {  	s22 =	sadd.s32 $0x4, s22;
	s25 =	sadd.s32 $0x3, s21;
	v46 =	vor.u32 v18, v35;
	[tilespmem:s30+$0x800] =	vst v53;
	v53 =	vld.idx.msk [tilespmem:v59+s16+$0x0], $0xffff  }
0x1c9: {  	v43 =	vmov s25  }
0x1ca: {  	v43 =	vand.u32 $0x1F, v43  }
0x1cb: {  	v62 =	vmov s21;
	v44 =	vbroadcast v43, $0x0  }
0x1cc: {  	v43 =	vand.u32 $0x1C, v62  }
0x1cd: {  	v43 =	vbroadcast v43, $0x0;
	v57 =	vor.u32 v0, v44  }
0x1ce: {  	[tilespmem:s15+$0xC50] =	vst v54  }
0x1cf: {  	v63 =	vld.idx.msk [tilespmem:v56+s16+$0x0], $0xffff;
	[tilespmem:s13+$0x800] =	vst v52;
	v58 =	vor.u32 v0, v43  }
0x1d0: {  	[tilespmem:s0+$0x800] =	vst v50  }
0x1d1: {  	s19 =	sadd.s32 $0x800, s19;
	s20 =	sadd.s32 $0x200, s20;
	v59 =	vld.idx.msk [tilespmem:v55+s16+$0x0], $0xffff;
	[tilespmem:s8+$0x800] =	vst v51  }
0x1d2: {  	s19 =	sand.u32 $0x3000, s19;
	s28 =	sadd.s32 $0xFFFFFF00, s20;
	v62 =	vor.u32 v2, v36;
	[tilespmem:s17+$0xC60] =	vst v49;
	v60 =	vld.idx.msk [tilespmem:v57+s16+$0x0], $0xffff  }
0x1d3: {  	v48 =	vld.idx.msk [tilespmem:v48+s16+$0x0], $0xffff;
	s29 =	sadd.s32 $0xFFFFFF80, s20;
	s22 =	sor.u32 $0x14C00, s19;
	s21 =	sand.u32 $0x280, s28;
	v61 =	vor.u32 v2, v44;
	[tilespmem:s31+$0xC60] =	vst v53  }
0x1d4: {  	s25 =	sand.u32 $0x300, s29;
	s28 =	sor.u32 s21, s22;
	[tilespmem:s30+$0x810] =	vst v63;
	v63 =	vor.u32 v2, v42;
	v52 =	vld.idx.msk [tilespmem:v58+s16+$0x0], $0xffff  }
0x1d5: {  	s26 =	sand.u32 $0x380, s20;
	v47 =	vld.idx.msk [tilespmem:v47+s16+$0x0], $0xffff;
	s29 =	sor.u32 s25, s22;
	[tilespmem:s28+$0x0] =	vst v41;
	v56 =	vor.u32 v2, v43  }
0x1d6: {  	v40 =	vor.u32 v32, v40;
	s19 =	sor.u32 s26, s22;
	s26 =	sadd.s32 $0xFFFFFE80, s20;
	v46 =	vld.idx.msk [tilespmem:v46+s16+$0x0], $0xffff;
	[tilespmem:s29+$0x0] =	vst v45  }
0x1d7: {  	v39 =	vor.u32 v32, v39;
	s26 =	sand.u32 $0x200, s26;
	v41 =	vld.idx.msk [tilespmem:v62+s16+$0x0], $0xffff;
	[tilespmem:s19+$0x0] =	vst v60  }
0x1d8: {  	s22 =	sor.u32 s26, s22;
	[tilespmem:s15+$0xC60] =	vst v59;
	v59 =	vor.u32 v3, v36;
	v49 =	vld.idx.msk [tilespmem:v61+s16+$0x0], $0xffff  }
0x1d9: {  	v57 =	vor.u32 v3, v44;
	v58 =	vld.idx.msk [tilespmem:v63+s16+$0x0], $0xffff;
	[tilespmem:s22+$0x0] =	vst v52  }
0x1da: {  	[tilespmem:s13+$0x810] =	vst v48;
	v61 =	vor.u32 v3, v42;
	v60 =	vld.idx.msk [tilespmem:v56+s16+$0x0], $0xffff  }
0x1db: {  	v40 =	vld.idx.msk [tilespmem:v40+s16+$0x0], $0xffff;
	[tilespmem:s0+$0x810] =	vst v47;
	v62 =	vor.u32 v3, v43  }
0x1dc: {  	v38 =	vor.u32 v32, v38;
	v39 =	vld.idx.msk [tilespmem:v39+s16+$0x0], $0xffff;
	[tilespmem:s28+$0x10] =	vst v41  }
0x1dd: {  	v63 =	vor.u32 v19, v37;
	v41 =	vld.idx.msk [tilespmem:v59+s16+$0x0], $0xffff;
	[tilespmem:s19+$0x10] =	vst v49  }
0x1de: {  	[tilespmem:s29+$0x10] =	vst v58;
	v56 =	vor.u32 v4, v36;
	v45 =	vld.idx.msk [tilespmem:v57+s16+$0x0], $0xffff  }
0x1df: {  	v54 =	vor.u32 v4, v44;
	v55 =	vld.idx.msk [tilespmem:v61+s16+$0x0], $0xffff;
	[tilespmem:s22+$0x10] =	vst v60  }
0x1e0: {  	[tilespmem:s8+$0x810] =	vst v46;
	v58 =	vor.u32 v4, v42;
	v57 =	vld.idx.msk [tilespmem:v62+s16+$0x0], $0xffff  }
0x1e1: {  	v38 =	vld.idx.msk [tilespmem:v38+s16+$0x0], $0xffff;
	[tilespmem:s17+$0xC70] =	vst v40;
	v59 =	vor.u32 v4, v43  }
0x1e2: {  	[tilespmem:s28+$0x20] =	vst v41;
	v49 =	vld.idx.msk [tilespmem:v63+s16+$0x0], $0xffff  }
0x1e3: {  	v60 =	vor.u32 v19, v34;
	v41 =	vld.idx.msk [tilespmem:v56+s16+$0x0], $0xffff;
	[tilespmem:s19+$0x20] =	vst v45  }
0x1e4: {  	v63 =	vor.u32 v5, v36;
	[tilespmem:s29+$0x20] =	vst v55;
	v51 =	vld.idx.msk [tilespmem:v54+s16+$0x0], $0xffff  }
0x1e5: {  	v61 =	vor.u32 v5, v44;
	v62 =	vld.idx.msk [tilespmem:v58+s16+$0x0], $0xffff;
	[tilespmem:s22+$0x20] =	vst v57  }
0x1e6: {  	[tilespmem:s31+$0xC70] =	vst v39;
	v55 =	vor.u32 v5, v42;
	v54 =	vld.idx.msk [tilespmem:v59+s16+$0x0], $0xffff  }
0x1e7: {  	[tilespmem:s15+$0xC70] =	vst v38;
	v56 =	vor.u32 v5, v43  }
0x1e8: {  	v45 =	vld.idx.msk [tilespmem:v60+s16+$0x0], $0xffff;
	v58 =	vor.u32 v19, v33;
	[tilespmem:s28+$0x30] =	vst v41  }
0x1e9: {  	v57 =	vor.u32 v20, v37;
	v41 =	vld.idx.msk [tilespmem:v63+s16+$0x0], $0xffff;
	[tilespmem:s19+$0x30] =	vst v51  }
0x1ea: {  	[tilespmem:s29+$0x30] =	vst v62;
	v48 =	vld.idx.msk [tilespmem:v61+s16+$0x0], $0xffff;
	v61 =	vor.u32 v6, v36  }
0x1eb: {  	v59 =	vor.u32 v6, v44;
	v60 =	vld.idx.msk [tilespmem:v55+s16+$0x0], $0xffff;
	[tilespmem:s22+$0x30] =	vst v54  }
0x1ec: {  	[tilespmem:s30+$0x820] =	vst v49;
	v63 =	vor.u32 v6, v42;
	v62 =	vld.idx.msk [tilespmem:v56+s16+$0x0], $0xffff  }
0x1ed: {  	[tilespmem:s13+$0x820] =	vst v45;
	v55 =	vor.u32 v6, v43;
	v51 =	vld.idx.msk [tilespmem:v58+s16+$0x0], $0xffff  }
0x1ee: {  	[tilespmem:s28+$0x40] =	vst v41;
	v54 =	vld.idx.msk [tilespmem:v57+s16+$0x0], $0xffff;
	v56 =	vor.u32 v19, v35  }
0x1ef: {  	v57 =	vor.u32 v21, v37;
	[tilespmem:s19+$0x40] =	vst v48;
	v40 =	vld.idx.msk [tilespmem:v61+s16+$0x0], $0xffff  }
0x1f0: {  	[tilespmem:s29+$0x40] =	vst v60;
	v60 =	vor.u32 v7, v36;
	v46 =	vld.idx.msk [tilespmem:v59+s16+$0x0], $0xffff  }
0x1f1: {  	v58 =	vor.u32 v7, v44;
	[tilespmem:s22+$0x40] =	vst v62;
	v59 =	vld.idx.msk [tilespmem:v63+s16+$0x0], $0xffff  }
0x1f2: {  	[tilespmem:s0+$0x820] =	vst v51;
	v61 =	vor.u32 v7, v42;
	v45 =	vld.idx.msk [tilespmem:v55+s16+$0x0], $0xffff  }
0x1f3: {  	[tilespmem:s30+$0x830] =	vst v54;
	v62 =	vld.idx.msk [tilespmem:v56+s16+$0x0], $0xffff;
	v63 =	vor.u32 v7, v43  }
0x1f4: {  	v54 =	vor.u32 v20, v34;
	v48 =	vld.idx.msk [tilespmem:v57+s16+$0x0], $0xffff;
	[tilespmem:s28+$0x50] =	vst v40  }
0x1f5: {  	v55 =	vor.u32 v20, v33;
	[tilespmem:s19+$0x50] =	vst v46;
	v40 =	vld.idx.msk [tilespmem:v60+s16+$0x0], $0xffff  }
0x1f6: {  	[tilespmem:s29+$0x50] =	vst v59;
	v39 =	vld.idx.msk [tilespmem:v58+s16+$0x0], $0xffff;
	v58 =	vor.u32 v8, v36  }
0x1f7: {  	v56 =	vor.u32 v8, v44;
	[tilespmem:s22+$0x50] =	vst v45;
	v57 =	vld.idx.msk [tilespmem:v61+s16+$0x0], $0xffff  }
0x1f8: {  	[tilespmem:s8+$0x820] =	vst v62;
	v60 =	vor.u32 v8, v42;
	v59 =	vld.idx.msk [tilespmem:v63+s16+$0x0], $0xffff  }
0x1f9: {  	[tilespmem:s30+$0x840] =	vst v48;
	v62 =	vor.u32 v8, v43;
	v61 =	vld.idx.msk [tilespmem:v54+s16+$0x0], $0xffff  }
0x1fa: {  	v46 =	vld.idx.msk [tilespmem:v55+s16+$0x0], $0xffff;
	v54 =	vor.u32 v20, v35;
	[tilespmem:s28+$0x60] =	vst v40  }
0x1fb: {  	v63 =	vor.u32 v22, v37;
	[tilespmem:s19+$0x60] =	vst v39;
	v40 =	vld.idx.msk [tilespmem:v58+s16+$0x0], $0xffff  }
0x1fc: {  	[tilespmem:s29+$0x60] =	vst v57;
	v57 =	vor.u32 v9, v36;
	v38 =	vld.idx.msk [tilespmem:v56+s16+$0x0], $0xffff  }
0x1fd: {  	v55 =	vor.u32 v9, v44;
	[tilespmem:s22+$0x60] =	vst v59;
	v56 =	vld.idx.msk [tilespmem:v60+s16+$0x0], $0xffff  }
0x1fe: {  	[tilespmem:s13+$0x830] =	vst v61;
	v58 =	vor.u32 v9, v42;
	v48 =	vld.idx.msk [tilespmem:v62+s16+$0x0], $0xffff  }
0x1ff: {  	[tilespmem:s0+$0x830] =	vst v46;
	v39 =	vld.idx.msk [tilespmem:v54+s16+$0x0], $0xffff;
	v60 =	vor.u32 v9, v43  }
0x200: {  	v61 =	vor.u32 v21, v34;
	v59 =	vld.idx.msk [tilespmem:v63+s16+$0x0], $0xffff;
	[tilespmem:s28+$0x70] =	vst v40  }
0x201: {  	v62 =	vor.u32 v23, v37;
	[tilespmem:s19+$0x70] =	vst v38;
	v40 =	vld.idx.msk [tilespmem:v57+s16+$0x0], $0xffff  }
0x202: {  	[tilespmem:s29+$0x70] =	vst v56;
	v41 =	vld.idx.msk [tilespmem:v55+s16+$0x0], $0xffff;
	v55 =	vor.u32 v10, v36  }
0x203: {  	v63 =	vor.u32 v10, v44;
	[tilespmem:s22+$0x70] =	vst v48;
	v54 =	vld.idx.msk [tilespmem:v58+s16+$0x0], $0xffff  }
0x204: {  	[tilespmem:s8+$0x830] =	vst v39;
	v56 =	vor.u32 v10, v42;
	v46 =	vld.idx.msk [tilespmem:v60+s16+$0x0], $0xffff  }
0x205: {  	[tilespmem:s30+$0x850] =	vst v59;
	v57 =	vld.idx.msk [tilespmem:v61+s16+$0x0], $0xffff;
	v58 =	vor.u32 v10, v43  }
0x206: {  	v59 =	vor.u32 v21, v33;
	v38 =	vld.idx.msk [tilespmem:v62+s16+$0x0], $0xffff;
	[tilespmem:s28+$0x400] =	vst v40  }
0x207: {  	v60 =	vor.u32 v21, v35;
	[tilespmem:s19+$0x400] =	vst v41;
	v40 =	vld.idx.msk [tilespmem:v55+s16+$0x0], $0xffff  }
0x208: {  	[tilespmem:s29+$0x400] =	vst v54;
	v45 =	vld.idx.msk [tilespmem:v63+s16+$0x0], $0xffff;
	v63 =	vor.u32 v11, v36  }
0x209: {  	v61 =	vor.u32 v11, v44;
	[tilespmem:s22+$0x400] =	vst v46;
	v62 =	vld.idx.msk [tilespmem:v56+s16+$0x0], $0xffff  }
0x20a: {  	[tilespmem:s13+$0x840] =	vst v57;
	v54 =	vor.u32 v11, v42;
	v39 =	vld.idx.msk [tilespmem:v58+s16+$0x0], $0xffff  }
0x20b: {  	v55 =	vld.idx.msk [tilespmem:v59+s16+$0x0], $0xffff;
	[tilespmem:s30+$0x860] =	vst v38;
	v56 =	vor.u32 v11, v43  }
0x20c: {  	v57 =	vor.u32 v24, v37;
	v41 =	vld.idx.msk [tilespmem:v60+s16+$0x0], $0xffff;
	[tilespmem:s28+$0x410] =	vst v40  }
0x20d: {  	v58 =	vor.u32 v22, v34;
	[tilespmem:s19+$0x410] =	vst v45;
	v40 =	vld.idx.msk [tilespmem:v63+s16+$0x0], $0xffff  }
0x20e: {  	[tilespmem:s29+$0x410] =	vst v62;
	v47 =	vld.idx.msk [tilespmem:v61+s16+$0x0], $0xffff;
	v61 =	vor.u32 v12, v36  }
0x20f: {  	v59 =	vor.u32 v12, v44;
	[tilespmem:s22+$0x410] =	vst v39;
	v60 =	vld.idx.msk [tilespmem:v54+s16+$0x0], $0xffff  }
0x210: {  	[tilespmem:s0+$0x840] =	vst v55;
	v62 =	vor.u32 v12, v42;
	v38 =	vld.idx.msk [tilespmem:v56+s16+$0x0], $0xffff  }
0x211: {  	v63 =	vld.idx.msk [tilespmem:v57+s16+$0x0], $0xffff;
	[tilespmem:s8+$0x840] =	vst v41;
	v54 =	vor.u32 v12, v43  }
0x212: {  	v55 =	vor.u32 v22, v33;
	v45 =	vld.idx.msk [tilespmem:v58+s16+$0x0], $0xffff;
	[tilespmem:s28+$0x420] =	vst v40  }
0x213: {  	v56 =	vor.u32 v25, v37;
	[tilespmem:s19+$0x420] =	vst v47;
	v40 =	vld.idx.msk [tilespmem:v61+s16+$0x0], $0xffff  }
0x214: {  	[tilespmem:s29+$0x420] =	vst v60;
	v46 =	vld.idx.msk [tilespmem:v59+s16+$0x0], $0xffff;
	v59 =	vor.u32 v13, v36  }
0x215: {  	v57 =	vor.u32 v13, v44;
	[tilespmem:s22+$0x420] =	vst v38;
	v58 =	vld.idx.msk [tilespmem:v62+s16+$0x0], $0xffff  }
0x216: {  	[tilespmem:s30+$0x870] =	vst v63;
	v60 =	vor.u32 v13, v42;
	v41 =	vld.idx.msk [tilespmem:v54+s16+$0x0], $0xffff  }
0x217: {  	v61 =	vld.idx.msk [tilespmem:v55+s16+$0x0], $0xffff;
	[tilespmem:s13+$0x850] =	vst v45;
	v62 =	vor.u32 v13, v43  }
0x218: {  	v63 =	vor.u32 v22, v35;
	v47 =	vld.idx.msk [tilespmem:v56+s16+$0x0], $0xffff;
	[tilespmem:s28+$0x430] =	vst v40  }
0x219: {  	v54 =	vor.u32 v23, v34;
	[tilespmem:s19+$0x430] =	vst v46;
	v40 =	vld.idx.msk [tilespmem:v59+s16+$0x0], $0xffff  }
0x21a: {  	[tilespmem:s29+$0x430] =	vst v58;
	v39 =	vld.idx.msk [tilespmem:v57+s16+$0x0], $0xffff;
	v57 =	vor.u32 v14, v36  }
0x21b: {  	v55 =	vor.u32 v14, v44;
	[tilespmem:s22+$0x430] =	vst v41;
	v56 =	vld.idx.msk [tilespmem:v60+s16+$0x0], $0xffff  }
0x21c: {  	[tilespmem:s0+$0x850] =	vst v61;
	v58 =	vor.u32 v14, v42;
	v45 =	vld.idx.msk [tilespmem:v62+s16+$0x0], $0xffff  }
0x21d: {  	v59 =	vld.idx.msk [tilespmem:v63+s16+$0x0], $0xffff;
	[tilespmem:s30+$0xC00] =	vst v47;
	v60 =	vor.u32 v14, v43  }
0x21e: {  	v61 =	vor.u32 v26, v37;
	v46 =	vld.idx.msk [tilespmem:v54+s16+$0x0], $0xffff;
	[tilespmem:s28+$0x440] =	vst v40  }
0x21f: {  	v62 =	vor.u32 v23, v33;
	[tilespmem:s19+$0x440] =	vst v39;
	v40 =	vld.idx.msk [tilespmem:v57+s16+$0x0], $0xffff  }
0x220: {  	[tilespmem:s29+$0x440] =	vst v56;
	v38 =	vld.idx.msk [tilespmem:v55+s16+$0x0], $0xffff;
	v55 =	vor.u32 v15, v36  }
0x221: {  	v63 =	vor.u32 v15, v44;
	[tilespmem:s22+$0x440] =	vst v45;
	v54 =	vld.idx.msk [tilespmem:v58+s16+$0x0], $0xffff  }
0x222: {  	[tilespmem:s8+$0x850] =	vst v59;
	v56 =	vor.u32 v15, v42;
	v47 =	vld.idx.msk [tilespmem:v60+s16+$0x0], $0xffff  }
0x223: {  	v57 =	vld.idx.msk [tilespmem:v61+s16+$0x0], $0xffff;
	[tilespmem:s13+$0x860] =	vst v46;
	v58 =	vor.u32 v15, v43  }
0x224: {  	v59 =	vor.u32 v23, v35;
	v39 =	vld.idx.msk [tilespmem:v62+s16+$0x0], $0xffff;
	[tilespmem:s28+$0x450] =	vst v40  }
0x225: {  	v60 =	vor.u32 v27, v37;
	[tilespmem:s19+$0x450] =	vst v38;
	v40 =	vld.idx.msk [tilespmem:v55+s16+$0x0], $0xffff  }
0x226: {  	[tilespmem:s29+$0x450] =	vst v54;
	v41 =	vld.idx.msk [tilespmem:v63+s16+$0x0], $0xffff;
	v63 =	vor.u32 v16, v36  }
0x227: {  	v61 =	vor.u32 v16, v44;
	[tilespmem:s22+$0x450] =	vst v47;
	v62 =	vld.idx.msk [tilespmem:v56+s16+$0x0], $0xffff  }
0x228: {  	[tilespmem:s30+$0xC10] =	vst v57;
	v54 =	vor.u32 v16, v42;
	v46 =	vld.idx.msk [tilespmem:v58+s16+$0x0], $0xffff  }
0x229: {  	v55 =	vld.idx.msk [tilespmem:v59+s16+$0x0], $0xffff;
	[tilespmem:s0+$0x860] =	vst v39;
	v56 =	vor.u32 v16, v43  }
0x22a: {  	v57 =	vor.u32 v24, v34;
	v38 =	vld.idx.msk [tilespmem:v60+s16+$0x0], $0xffff;
	[tilespmem:s28+$0x460] =	vst v40  }
0x22b: {  	v58 =	vor.u32 v24, v33;
	[tilespmem:s19+$0x460] =	vst v41;
	v40 =	vld.idx.msk [tilespmem:v63+s16+$0x0], $0xffff  }
0x22c: {  	[tilespmem:s29+$0x460] =	vst v62;
	v45 =	vld.idx.msk [tilespmem:v61+s16+$0x0], $0xffff;
	v61 =	vor.u32 v17, v36  }
0x22d: {  	v59 =	vor.u32 v17, v44;
	[tilespmem:s22+$0x460] =	vst v46;
	v60 =	vld.idx.msk [tilespmem:v54+s16+$0x0], $0xffff  }
0x22e: {  	[tilespmem:s8+$0x860] =	vst v55;
	v62 =	vor.u32 v17, v42;
	v39 =	vld.idx.msk [tilespmem:v56+s16+$0x0], $0xffff  }
0x22f: {  	v63 =	vld.idx.msk [tilespmem:v57+s16+$0x0], $0xffff;
	[tilespmem:s30+$0xC20] =	vst v38;
	v54 =	vor.u32 v17, v43  }
0x230: {  	v55 =	vor.u32 v28, v37;
	v41 =	vld.idx.msk [tilespmem:v58+s16+$0x0], $0xffff;
	[tilespmem:s28+$0x470] =	vst v40  }
0x231: {  	v56 =	vor.u32 v24, v35;
	[tilespmem:s19+$0x470] =	vst v45;
	v40 =	vld.idx.msk [tilespmem:v61+s16+$0x0], $0xffff  }
0x232: {  	[tilespmem:s29+$0x470] =	vst v60;
	v47 =	vld.idx.msk [tilespmem:v59+s16+$0x0], $0xffff;
	v59 =	vor.u32 v18, v36  }
0x233: {  	v57 =	vor.u32 v18, v44;
	[tilespmem:s22+$0x470] =	vst v39;
	v58 =	vld.idx.msk [tilespmem:v62+s16+$0x0], $0xffff  }
0x234: {  	[tilespmem:s13+$0x870] =	vst v63;
	v60 =	vor.u32 v18, v42;
	v38 =	vld.idx.msk [tilespmem:v54+s16+$0x0], $0xffff  }
0x235: {  	v61 =	vld.idx.msk [tilespmem:v55+s16+$0x0], $0xffff;
	[tilespmem:s0+$0x870] =	vst v41;
	v62 =	vor.u32 v18, v43  }
0x236: {  	v63 =	vor.u32 v25, v34;
	v45 =	vld.idx.msk [tilespmem:v56+s16+$0x0], $0xffff;
	[tilespmem:s28+$0x800] =	vst v40  }
0x237: {  	v54 =	vor.u32 v29, v37;
	[tilespmem:s19+$0x800] =	vst v47;
	v40 =	vld.idx.msk [tilespmem:v59+s16+$0x0], $0xffff  }
0x238: {  	[tilespmem:s29+$0x800] =	vst v58;
	v46 =	vld.idx.msk [tilespmem:v57+s16+$0x0], $0xffff;
	v57 =	vor.u32 v19, v36  }
0x239: {  	v55 =	vor.u32 v19, v44;
	[tilespmem:s22+$0x800] =	vst v38;
	v56 =	vld.idx.msk [tilespmem:v60+s16+$0x0], $0xffff  }
0x23a: {  	[tilespmem:s30+$0xC30] =	vst v61;
	v58 =	vor.u32 v19, v42;
	v41 =	vld.idx.msk [tilespmem:v62+s16+$0x0], $0xffff  }
0x23b: {  	v59 =	vld.idx.msk [tilespmem:v63+s16+$0x0], $0xffff;
	[tilespmem:s8+$0x870] =	vst v45;
	v60 =	vor.u32 v19, v43  }
0x23c: {  	v61 =	vor.u32 v25, v33;
	v47 =	vld.idx.msk [tilespmem:v54+s16+$0x0], $0xffff;
	[tilespmem:s28+$0x810] =	vst v40  }
0x23d: {  	v62 =	vor.u32 v25, v35;
	[tilespmem:s19+$0x810] =	vst v46;
	v40 =	vld.idx.msk [tilespmem:v57+s16+$0x0], $0xffff  }
0x23e: {  	[tilespmem:s29+$0x810] =	vst v56;
	v39 =	vld.idx.msk [tilespmem:v55+s16+$0x0], $0xffff;
	v55 =	vor.u32 v20, v36  }
0x23f: {  	v63 =	vor.u32 v20, v44;
	[tilespmem:s22+$0x810] =	vst v41;
	v54 =	vld.idx.msk [tilespmem:v58+s16+$0x0], $0xffff  }
0x240: {  	[tilespmem:s13+$0xC00] =	vst v59;
	v56 =	vor.u32 v20, v42;
	v45 =	vld.idx.msk [tilespmem:v60+s16+$0x0], $0xffff  }
0x241: {  	v57 =	vld.idx.msk [tilespmem:v61+s16+$0x0], $0xffff;
	[tilespmem:s30+$0xC40] =	vst v47;
	v58 =	vor.u32 v20, v43  }
0x242: {  	v59 =	vor.u32 v30, v37;
	v46 =	vld.idx.msk [tilespmem:v62+s16+$0x0], $0xffff;
	[tilespmem:s28+$0x820] =	vst v40  }
0x243: {  	v60 =	vor.u32 v26, v34;
	[tilespmem:s19+$0x820] =	vst v39;
	v48 =	vld.idx.msk [tilespmem:v55+s16+$0x0], $0xffff  }
0x244: {  	v62 =	vor.u32 v21, v36;
	[tilespmem:s29+$0x820] =	vst v54;
	v38 =	vld.idx.msk [tilespmem:v63+s16+$0x0], $0xffff  }
0x245: {  	v61 =	vor.u32 v21, v44;
	v41 =	vld.idx.msk [tilespmem:v56+s16+$0x0], $0xffff;
	[tilespmem:s22+$0x820] =	vst v45  }
0x246: {  	[tilespmem:s0+$0xC00] =	vst v57;
	v63 =	vor.u32 v21, v42;
	v47 =	vld.idx.msk [tilespmem:v58+s16+$0x0], $0xffff  }
0x247: {  	v54 =	vld.idx.msk [tilespmem:v59+s16+$0x0], $0xffff;
	[tilespmem:s8+$0xC00] =	vst v46;
	v55 =	vor.u32 v21, v43  }
0x248: {  	v57 =	vor.u32 v31, v37;
	v39 =	vld.idx.msk [tilespmem:v60+s16+$0x0], $0xffff;
	[tilespmem:s28+$0x830] =	vst v48  }
0x249: {  	v56 =	vor.u32 v26, v33;
	[tilespmem:s19+$0x830] =	vst v38;
	v45 =	vld.idx.msk [tilespmem:v62+s16+$0x0], $0xffff  }
0x24a: {  	v59 =	vor.u32 v22, v36;
	[tilespmem:s29+$0x830] =	vst v41;
	v40 =	vld.idx.msk [tilespmem:v61+s16+$0x0], $0xffff  }
0x24b: {  	v58 =	vor.u32 v22, v44;
	v41 =	vld.idx.msk [tilespmem:v63+s16+$0x0], $0xffff;
	[tilespmem:s22+$0x830] =	vst v47  }
0x24c: {  	v60 =	vor.u32 v22, v42;
	[tilespmem:s30+$0xC50] =	vst v54;
	v46 =	vld.idx.msk [tilespmem:v55+s16+$0x0], $0xffff  }
0x24d: {  	[tilespmem:s13+$0xC10] =	vst v39;
	v62 =	vor.u32 v22, v43;
	v38 =	vld.idx.msk [tilespmem:v57+s16+$0x0], $0xffff  }
0x24e: {  	v61 =	vld.idx.msk [tilespmem:v56+s16+$0x0], $0xffff;
	v63 =	vor.u32 v26, v35;
	[tilespmem:s28+$0x840] =	vst v45  }
0x24f: {  	v52 =	vor.u32 v27, v34;
	[tilespmem:s19+$0x840] =	vst v40;
	v49 =	vld.idx.msk [tilespmem:v59+s16+$0x0], $0xffff  }
0x250: {  	v54 =	vor.u32 v23, v36;
	[tilespmem:s29+$0x840] =	vst v41;
	v48 =	vld.idx.msk [tilespmem:v58+s16+$0x0], $0xffff  }
0x251: {  	v53 =	vor.u32 v23, v44;
	v41 =	vld.idx.msk [tilespmem:v60+s16+$0x0], $0xffff;
	[tilespmem:s22+$0x840] =	vst v46  }
0x252: {  	v55 =	vor.u32 v23, v42;
	[tilespmem:s30+$0xC60] =	vst v38;
	v39 =	vld.idx.msk [tilespmem:v62+s16+$0x0], $0xffff  }
0x253: {  	v57 =	vor.u32 v23, v43;
	[tilespmem:s0+$0xC10] =	vst v61;
	v56 =	vld.idx.msk [tilespmem:v63+s16+$0x0], $0xffff  }
0x254: {  	v40 =	vld.idx.msk [tilespmem:v52+s16+$0x0], $0xffff;
	v58 =	vor.u32 v32, v37;
	[tilespmem:s28+$0x850] =	vst v49  }
0x255: {  	v59 =	vor.u32 v27, v33;
	[tilespmem:s19+$0x850] =	vst v48;
	v46 =	vld.idx.msk [tilespmem:v54+s16+$0x0], $0xffff  }
0x256: {  	v61 =	vor.u32 v24, v36;
	[tilespmem:s29+$0x850] =	vst v41;
	v45 =	vld.idx.msk [tilespmem:v53+s16+$0x0], $0xffff  }
0x257: {  	v60 =	vor.u32 v24, v44;
	v41 =	vld.idx.msk [tilespmem:v55+s16+$0x0], $0xffff;
	[tilespmem:s22+$0x850] =	vst v39  }
0x258: {  	v62 =	vor.u32 v24, v42;
	[tilespmem:s8+$0xC10] =	vst v56;
	v38 =	vld.idx.msk [tilespmem:v57+s16+$0x0], $0xffff  }
0x259: {  	v63 =	vor.u32 v24, v43;
	[tilespmem:s13+$0xC20] =	vst v40;
	v37 =	vld.idx.msk [tilespmem:v58+s16+$0x0], $0xffff  }
0x25a: {  	v52 =	vor.u32 v27, v35;
	v48 =	vld.idx.msk [tilespmem:v59+s16+$0x0], $0xffff;
	[tilespmem:s28+$0x860] =	vst v46  }
0x25b: {  	v53 =	vor.u32 v28, v34;
	[tilespmem:s19+$0x860] =	vst v45;
	v47 =	vld.idx.msk [tilespmem:v61+s16+$0x0], $0xffff  }
0x25c: {  	v55 =	vor.u32 v25, v36;
	[tilespmem:s29+$0x860] =	vst v41;
	v49 =	vld.idx.msk [tilespmem:v60+s16+$0x0], $0xffff  }
0x25d: {  	v54 =	vor.u32 v25, v44;
	v39 =	vld.idx.msk [tilespmem:v62+s16+$0x0], $0xffff;
	[tilespmem:s22+$0x860] =	vst v38  }
0x25e: {  	v57 =	vor.u32 v25, v42;
	[tilespmem:s30+$0xC70] =	vst v37;
	v56 =	vld.idx.msk [tilespmem:v63+s16+$0x0], $0xffff  }
0x25f: {  	v58 =	vld.idx.msk [tilespmem:v52+s16+$0x0], $0xffff;
	v59 =	vor.u32 v25, v43;
	[tilespmem:s0+$0xC20] =	vst v48  }
0x260: {  	v45 =	vld.idx.msk [tilespmem:v53+s16+$0x0], $0xffff;
	v60 =	vor.u32 v28, v33;
	[tilespmem:s28+$0x870] =	vst v47  }
0x261: {  	v61 =	vor.u32 v28, v35;
	[tilespmem:s19+$0x870] =	vst v49;
	v38 =	vld.idx.msk [tilespmem:v55+s16+$0x0], $0xffff  }
0x262: {  	v63 =	vor.u32 v26, v36;
	[tilespmem:s29+$0x870] =	vst v39;
	v46 =	vld.idx.msk [tilespmem:v54+s16+$0x0], $0xffff  }
0x263: {  	v62 =	vor.u32 v26, v44;
	v39 =	vld.idx.msk [tilespmem:v57+s16+$0x0], $0xffff;
	[tilespmem:s22+$0x870] =	vst v56  }
0x264: {  	v52 =	vor.u32 v26, v42;
	[tilespmem:s8+$0xC20] =	vst v58;
	v37 =	vld.idx.msk [tilespmem:v59+s16+$0x0], $0xffff  }
0x265: {  	[tilespmem:s13+$0xC30] =	vst v45;
	v53 =	vld.idx.msk [tilespmem:v60+s16+$0x0], $0xffff;
	v54 =	vor.u32 v26, v43  }
0x266: {  	v55 =	vor.u32 v29, v34;
	v49 =	vld.idx.msk [tilespmem:v61+s16+$0x0], $0xffff;
	[tilespmem:s28+$0xC00] =	vst v38  }
0x267: {  	v56 =	vor.u32 v29, v33;
	[tilespmem:s19+$0xC00] =	vst v46;
	v40 =	vld.idx.msk [tilespmem:v63+s16+$0x0], $0xffff  }
0x268: {  	v58 =	vor.u32 v27, v36;
	[tilespmem:s29+$0xC00] =	vst v39;
	v47 =	vld.idx.msk [tilespmem:v62+s16+$0x0], $0xffff  }
0x269: {  	v57 =	vor.u32 v27, v44;
	v39 =	vld.idx.msk [tilespmem:v52+s16+$0x0], $0xffff;
	[tilespmem:s22+$0xC00] =	vst v37  }
0x26a: {  	v60 =	vor.u32 v27, v42;
	[tilespmem:s0+$0xC30] =	vst v53;
	v59 =	vld.idx.msk [tilespmem:v54+s16+$0x0], $0xffff  }
0x26b: {  	v61 =	vld.idx.msk [tilespmem:v55+s16+$0x0], $0xffff;
	[tilespmem:s8+$0xC30] =	vst v49;
	v62 =	vor.u32 v27, v43  }
0x26c: {  	v63 =	vor.u32 v29, v35;
	v46 =	vld.idx.msk [tilespmem:v56+s16+$0x0], $0xffff;
	[tilespmem:s28+$0xC10] =	vst v40  }
0x26d: {  	v52 =	vor.u32 v30, v34;
	[tilespmem:s19+$0xC10] =	vst v47;
	v37 =	vld.idx.msk [tilespmem:v58+s16+$0x0], $0xffff  }
0x26e: {  	v54 =	vor.u32 v28, v36;
	[tilespmem:s29+$0xC10] =	vst v39;
	v38 =	vld.idx.msk [tilespmem:v57+s16+$0x0], $0xffff  }
0x26f: {  	v53 =	vor.u32 v28, v44;
	v39 =	vld.idx.msk [tilespmem:v60+s16+$0x0], $0xffff;
	[tilespmem:s22+$0xC10] =	vst v59  }
0x270: {  	v55 =	vor.u32 v28, v42;
	[tilespmem:s13+$0xC40] =	vst v61;
	v41 =	vld.idx.msk [tilespmem:v62+s16+$0x0], $0xffff  }
0x271: {  	v56 =	vld.idx.msk [tilespmem:v63+s16+$0x0], $0xffff;
	[tilespmem:s0+$0xC40] =	vst v46;
	v57 =	vor.u32 v28, v43  }
0x272: {  	v58 =	vor.u32 v30, v33;
	v47 =	vld.idx.msk [tilespmem:v52+s16+$0x0], $0xffff;
	[tilespmem:s28+$0xC20] =	vst v37  }
0x273: {  	v59 =	vor.u32 v30, v35;
	[tilespmem:s19+$0xC20] =	vst v38;
	v45 =	vld.idx.msk [tilespmem:v54+s16+$0x0], $0xffff  }
0x274: {  	v61 =	vor.u32 v29, v36;
	[tilespmem:s29+$0xC20] =	vst v39;
	v40 =	vld.idx.msk [tilespmem:v53+s16+$0x0], $0xffff  }
0x275: {  	v60 =	vor.u32 v29, v44;
	v39 =	vld.idx.msk [tilespmem:v55+s16+$0x0], $0xffff;
	[tilespmem:s22+$0xC20] =	vst v41  }
0x276: {  	v62 =	vor.u32 v29, v42;
	[tilespmem:s8+$0xC40] =	vst v56;
	v46 =	vld.idx.msk [tilespmem:v57+s16+$0x0], $0xffff  }
0x277: {  	v52 =	vor.u32 v29, v43;
	v63 =	vld.idx.msk [tilespmem:v58+s16+$0x0], $0xffff;
	[tilespmem:s13+$0xC50] =	vst v47  }
0x278: {  	v38 =	vld.idx.msk [tilespmem:v59+s16+$0x0], $0xffff;
	v53 =	vor.u32 v31, v34;
	[tilespmem:s28+$0xC30] =	vst v45  }
0x279: {  	v54 =	vor.u32 v31, v33;
	[tilespmem:s19+$0xC30] =	vst v40;
	v41 =	vld.idx.msk [tilespmem:v61+s16+$0x0], $0xffff  }
0x27a: {  	v56 =	vor.u32 v30, v36;
	[tilespmem:s29+$0xC30] =	vst v39;
	v37 =	vld.idx.msk [tilespmem:v60+s16+$0x0], $0xffff  }
0x27b: {  	v55 =	vor.u32 v30, v44;
	v39 =	vld.idx.msk [tilespmem:v62+s16+$0x0], $0xffff;
	[tilespmem:s22+$0xC30] =	vst v46  }
0x27c: {  	v57 =	vor.u32 v30, v42;
	[tilespmem:s0+$0xC50] =	vst v63;
	v47 =	vld.idx.msk [tilespmem:v52+s16+$0x0], $0xffff  }
0x27d: {  	v59 =	vor.u32 v30, v43;
	[tilespmem:s8+$0xC50] =	vst v38;
	v58 =	vld.idx.msk [tilespmem:v53+s16+$0x0], $0xffff  }
0x27e: {  	v40 =	vld.idx.msk [tilespmem:v54+s16+$0x0], $0xffff;
	v60 =	vor.u32 v31, v35;
	[tilespmem:s28+$0xC40] =	vst v41  }
0x27f: {  	v61 =	vor.u32 v32, v34;
	[tilespmem:s19+$0xC40] =	vst v37;
	v63 =	vld.idx.msk [tilespmem:v56+s16+$0x0], $0xffff  }
0x280: {  	v52 =	vor.u32 v31, v36;
	[tilespmem:s29+$0xC40] =	vst v39;
	v37 =	vld.idx.msk [tilespmem:v55+s16+$0x0], $0xffff  }
0x281: {  	v62 =	vor.u32 v31, v44;
	v39 =	vld.idx.msk [tilespmem:v57+s16+$0x0], $0xffff;
	[tilespmem:s22+$0xC40] =	vst v47  }
0x282: {  	v53 =	vor.u32 v31, v42;
	[tilespmem:s13+$0xC60] =	vst v58;
	v38 =	vld.idx.msk [tilespmem:v59+s16+$0x0], $0xffff  }
0x283: {  	[tilespmem:s0+$0xC60] =	vst v40;
	v54 =	vld.idx.msk [tilespmem:v60+s16+$0x0], $0xffff;
	v55 =	vor.u32 v31, v43  }
0x284: {  	v56 =	vor.u32 v32, v33;
	v34 =	vld.idx.msk [tilespmem:v61+s16+$0x0], $0xffff;
	[tilespmem:s28+$0xC50] =	vst v63  }
0x285: {  	v57 =	vor.u32 v32, v35;
	[tilespmem:s19+$0xC50] =	vst v37;
	v59 =	vld.idx.msk [tilespmem:v52+s16+$0x0], $0xffff  }
0x286: {  	v60 =	vor.u32 v32, v36;
	[tilespmem:s29+$0xC50] =	vst v39;
	v37 =	vld.idx.msk [tilespmem:v62+s16+$0x0], $0xffff  }
0x287: {  	v58 =	vor.u32 v32, v44;
	v39 =	vld.idx.msk [tilespmem:v53+s16+$0x0], $0xffff;
	[tilespmem:s22+$0xC50] =	vst v38  }
0x288: {  	v61 =	vor.u32 v32, v42;
	[tilespmem:s8+$0xC60] =	vst v54;
	v38 =	vld.idx.msk [tilespmem:v55+s16+$0x0], $0xffff  }
0x289: {  	v33 =	vld.idx.msk [tilespmem:v56+s16+$0x0], $0xffff;
	[tilespmem:s13+$0xC70] =	vst v34;
	v62 =	vor.u32 v32, v43  }
0x28a: {  	v35 =	vld.idx.msk [tilespmem:v57+s16+$0x0], $0xffff;
	[tilespmem:s28+$0xC60] =	vst v59  }
0x28b: {  	[tilespmem:s19+$0xC60] =	vst v37;
	v36 =	vld.idx.msk [tilespmem:v60+s16+$0x0], $0xffff  }
0x28c: {  	[tilespmem:s29+$0xC60] =	vst v39;
	v37 =	vld.idx.msk [tilespmem:v58+s16+$0x0], $0xffff  }
0x28d: {  	v39 =	vld.idx.msk [tilespmem:v61+s16+$0x0], $0xffff;
	[tilespmem:s22+$0xC60] =	vst v38  }
0x28e: {  	[tilespmem:s0+$0xC70] =	vst v33;
	v63 =	vld.idx.msk [tilespmem:v62+s16+$0x0], $0xffff  }
0x28f: {  	[tilespmem:s8+$0xC70] =	vst v35  }
0x290: {  	s10 =	sshll.u32 s10, $0x13;
	[tilespmem:s28+$0xC70] =	vst v36  }
0x291: {  	s20 =	sadd.s32 s7, s10;
	[tilespmem:s19+$0xC70] =	vst v37  }
0x292: {  	s21 =	sshrl.u32 s20, $0x3;
	[tilespmem:s29+$0xC70] =	vst v39  }
0x293: {  	s25 =	simm.s32 $0x14C00;
	s26 =	sadd.s32 $0x20000, s20;
	s8 =	sadd.s32 s2, s21;
	[tilespmem:s22+$0xC70] =	vst v63  }
0x294: {  	[hbm4b:s8+s3] =	stream.linear.scatter [tilespmem:s25], [sflag:$0x3], $0x1000, $0x38;
	[tilespmem:$0x1CC00] =	vst v63  }
0x295: {  	p1 =	sne.s32 s1, $0x18;
	s8 =	sshrl.u32 s26, $0x3  }
0x296: {  	s28 =	simm.s32 $0x15C00;
	s29 =	sadd.s32 $0x40000, s20;
	s8 =	sadd.s32 s2, s8  }
0x297: {  	[hbm4b:s8+s3] =	stream.linear.scatter [tilespmem:s28], [sflag:$0x3], $0x1000, $0x38;
	[tilespmem:$0x1CC00] =	vst v63  }
.Ltmp3:
0x298: {  	s0 =	sadd.s32 $0x60000, s20;
	s8 =	sshrl.u32 s29, $0x3;
	(pc) =	sbr.rel @p1 .LBB2_9-.Ltmp3, $4  }
0x299: {  	s30 =	simm.s32 $0x16C00;
	s0 =	sshrl.u32 s0, $0x3;
	s8 =	sadd.s32 s2, s8  }
0x29a: {  	[hbm4b:s8+s3] =	stream.linear.scatter [tilespmem:s30], [sflag:$0x3], $0x1000, $0x38;
	[tilespmem:$0x1CC00] =	vst v63  }
0x29b: {  	s31 =	simm.s32 $0x17C00;
	s0 =	sadd.s32 s2, s0  }
0x29c: {  	[hbm4b:s0+s3] =	stream.linear.scatter [tilespmem:s31], [sflag:$0x3], $0x1000, $0x38;
	[tilespmem:$0x1CC00] =	vst v63  }
.Ltmp4:
0x29d: {  	(pc) =	sbr.rel .LBB2_12-.Ltmp4, $4  }
0x29e: {  	_ = 	snop  }
0x29f: {  	_ =	swait.ge [sflag:s23], $0x4000  }
0x2a0: {  	[sflag:s23] =	ssyncset.done $0x0  }
0x2a1: {  	[sflag:s23] =	ssyncadd.s32 $0xFFFFC000  }
.LBB2_9:
0x2a2: {  	v33 =	vadd.s32 s12, v1;
	s8 =	sadd.s32 $0x320, s12  }
0x2a3: {  	v34 =	vadd.s32 s8, v1  }
0x2a4: {  	s29 =	sadd.s32 $0xFFFFF9C0, s12  }
0x2a5: {  	s13 =	sadd.s32 $0xFFFFFCE0, s12;
	v35 =	vadd.s32 s29, v1  }
0x2a6: {  	s30 =	sadd.s32 $0xC80, s12;
	v36 =	vadd.s32 s13, v1  }
0x2a7: {  	v39 =	vadd.s32 s30, v1;
	s31 =	sadd.s32 $0x320, s30;
	v38 =	vld.idx.msk [tilespmem:v33+s3+$0x0], $0xffff  }
0x2a8: {  	v41 =	vadd.s32 s31, v1;
	v40 =	vld.idx.msk [tilespmem:v34+s3+$0x0], $0xffff;
	_ =	sdelay $0x1  }
0x2a9: {  	s15 =	sadd.s32 $0xFFFFF9C0, s30;
	v34 =	vld.idx.msk [tilespmem:v35+s3+$0x0], $0xffff  }
0x2aa: {  	s8 =	sadd.s32 $0xC80, s30;
	s19 =	sadd.s32 $0xFFFFFCE0, s30;
	v37 =	vadd.s32 s15, v1;
	v33 =	vld.idx.msk [tilespmem:v36+s3+$0x0], $0xffff  }
0x2ab: {  	s0 =	simm.s32 $0xC820;
	s13 =	simm.s32 $0x8;
	s17 =	sadd.s32 $0xFFFFF9C0, s8;
	v35 =	vld.idx.msk [tilespmem:v39+s3+$0x0], $0xffff;
	v42 =	vshll.u32 v38, $0x2;
	v38 =	vadd.s32 s19, v1  }
0x2ac: {  	s20 =	sadd.s32 $0x320, s8;
	s15 =	simm.s32 $0xC820;
	v39 =	vadd.s32 s8, v1;
	v36 =	vld.idx.msk [tilespmem:v41+s3+$0x0], $0xffff;
	s19 =	sadd.s32 $0xFFFFFCE0, s8;
	[tilespmem:s0+$0x0] =	vst v42;
	v40 =	vshll.u32 v40, $0x2  }
.LBB2_10:
0x2ad: {  	s13 =	sadd.s32 $0x4, s13  }
0x2ae: {  	v41 =	vadd.s32 s17, v1;
	v42 =	vadd.s32 s19, v1;
	v43 =	vadd.s32 s20, v1;
	[tilespmem:s0+$0x10] =	vst v40;
	s15 =	sadd.s32 $0x40, s15;
	p1 =	slt.u32 s13, $0x1C  }
.Ltmp5:
0x2af: {  	v40 =	vshll.u32 v34, $0x2;
	v34 =	vld.idx.msk [tilespmem:v37+s3+$0x0], $0xffff;
	v37 =	vmov v41;
	(pc) =	sbr.rel @p1 .LBB2_10-.Ltmp5, $4  }
0x2b0: {  	[tilespmem:s0+$0xFFFFFFE0] =	vst v40;
	v40 =	vshll.u32 v33, $0x2;
	v33 =	vld.idx.msk [tilespmem:v38+s3+$0x0], $0xffff;
	v38 =	vmov v42  }
0x2b1: {  	[tilespmem:s0+$0xFFFFFFF0] =	vst v40;
	s0 =	smov.u32 s15  }
0x2b2: {  	s8 =	sadd.s32 $0xC80, s8;
	v40 =	vshll.u32 v35, $0x2;
	v35 =	vld.idx.msk [tilespmem:v39+s3+$0x0], $0xffff  }
0x2b3: {  	s17 =	sadd.s32 $0xFFFFF9C0, s8;
	s19 =	sadd.s32 $0xFFFFFCE0, s8;
	s20 =	sadd.s32 $0x320, s8;
	v39 =	vadd.s32 s8, v1;
	[tilespmem:s15+$0x0] =	vst v40;
	v40 =	vshll.u32 v36, $0x2;
	v36 =	vld.idx.msk [tilespmem:v43+s3+$0x0], $0xffff  }
0x2b4: {  	_ =	sdelay $0x1  }
0x2b5: {  	v41 =	vadd.s32 s20, v1  }
0x2b6: {  	v42 =	vadd.s32 s17, v1  }
0x2b7: {  	v43 =	vadd.s32 s19, v1;
	v37 =	vld.idx.msk [tilespmem:v37+s3+$0x0], $0xffff  }
0x2b8: {  	[tilespmem:s0+$0x10] =	vst v40;
	v34 =	vshll.u32 v34, $0x2;
	v38 =	vld.idx.msk [tilespmem:v38+s3+$0x0], $0xffff  }
0x2b9: {  	v52 =	vld.idx.msk [tilespmem:v39+s3+$0x0], $0xffff;
	[tilespmem:s0+$0xFFFFFFE0] =	vst v34;
	v33 =	vshll.u32 v33, $0x2  }
0x2ba: {  	s8 =	sadd.s32 $0x40, s15;
	[tilespmem:s0+$0xFFFFFFF0] =	vst v33;
	v53 =	vshll.u32 v35, $0x2;
	v54 =	vld.idx.msk [tilespmem:v41+s3+$0x0], $0xffff  }
0x2bb: {  	[tilespmem:s8+$0x0] =	vst v53;
	v55 =	vshll.u32 v36, $0x2;
	v56 =	vld.idx.msk [tilespmem:v42+s3+$0x0], $0xffff  }
0x2bc: {  	[tilespmem:s8+$0x10] =	vst v55;
	v57 =	vshll.u32 v37, $0x2;
	v58 =	vld.idx.msk [tilespmem:v43+s3+$0x0], $0xffff  }
0x2bd: {  	v59 =	vshll.u32 v38, $0x2;
	[tilespmem:s8+$0xFFFFFFE0] =	vst v57  }
0x2be: {  	s30 =	sadd.s32 $0x40, s8;
	v60 =	vshll.u32 v52, $0x2;
	[tilespmem:s8+$0xFFFFFFF0] =	vst v59  }
0x2bf: {  	[tilespmem:s30+$0x0] =	vst v60;
	v61 =	vshll.u32 v54, $0x2  }
0x2c0: {  	v62 =	vshll.u32 v56, $0x2;
	[tilespmem:s30+$0x10] =	vst v61  }
0x2c1: {  	v63 =	vshll.u32 v58, $0x2;
	[tilespmem:s30+$0xFFFFFFE0] =	vst v62  }
.Ltmp6:
0x2c2: {  	s31 =	simm.s32 $0xC800;
	[tilespmem:s30+$0xFFFFFFF0] =	vst v63;
	(pc) =	sbr.rel @p0 .LBB2_13-.Ltmp6, $4  }
0x2c3: {  	[tilespmem:s16], [sflag:$0x1] =	stream.indirect.gather [hbm4b:s4+s14], $0x20, s31, s14, $0xb8;
	[tilespmem:$0x1CC00] =	vst v63  }
0x2c4: {  	_ =	swait.ge [sflag:s23], $0x4000  }
0x2c5: {  	[sflag:s23] =	ssyncset.done $0x0  }
0x2c6: {  	[sflag:s23] =	ssyncadd.s32 $0xFFFFC000  }
.LBB2_12:
0x2c7: {  	_ =	swait.ge [sflag:s24], $0x1000  }
0x2c8: {  	[sflag:s24] =	ssyncset.done $0x0  }
0x2c9: {  	[sflag:s24] =	ssyncadd.s32 $0xFFFFF000  }
0x2ca: {  	_ =	swait.ge [sflag:s24], $0x1000  }
0x2cb: {  	[sflag:s24] =	ssyncset.done $0x0  }
0x2cc: {  	[sflag:s24] =	ssyncadd.s32 $0xFFFFF000  }
0x2cd: {  	_ =	swait.ge [sflag:s24], $0x1000  }
0x2ce: {  	[sflag:s24] =	ssyncset.done $0x0  }
0x2cf: {  	[sflag:s24] =	ssyncadd.s32 $0xFFFFF000  }
0x2d0: {  	_ =	swait.ge [sflag:s24], $0x1000  }
0x2d1: {  	[sflag:s24] =	ssyncset.done $0x0  }
0x2d2: {  	[sflag:s24] =	ssyncadd.s32 $0xFFFFF000  }
.LBB2_13:
0x2d3: {  	s0 =	simm.s32 $0x3  }
0x2d4: {  	s8 =	simm.s32 $0x1;
	v33 =	vmov s0  }
0x2d5: {  	s25 =	simm.s32 $0x2;
	v34 =	vmov s8;
	v33 =	vand.u32 $0x1F, v33  }
0x2d6: {  	s26 =	simm.s32 $0x0;
	v43 =	vmov s25;
	v34 =	vand.u32 $0x1D, v34;
	v42 =	vbroadcast v33, $0x0  }
0x2d7: {  	v44 =	vmov s26;
	v40 =	vbroadcast v34, $0x0;
	v33 =	vand.u32 $0x1E, v43  }
0x2d8: {  	v45 =	vand.u32 $0x1C, v44;
	v39 =	vbroadcast v33, $0x0;
	v35 =	vor.u32 v0, v42  }
0x2d9: {  	v38 =	vbroadcast v45, $0x0;
	v46 =	vor.u32 v0, v40  }
0x2da: {  	v47 =	vor.u32 v0, v39  }
0x2db: {  	v36 =	vor.u32 v0, v38;
	_ =	sdelay $0x1  }
0x2dc: {  	v35 =	vld.idx.msk [tilespmem:v35+s18+$0x0], $0xffff  }
0x2dd: {  	v37 =	vor.u32 v2, v42;
	v34 =	vld.idx.msk [tilespmem:v46+s18+$0x0], $0xffff  }
0x2de: {  	s28 =	simm.s32 $0x180;
	s8 =	sand.u32 $0x3000, s26;
	v41 =	vor.u32 v2, v40;
	v33 =	vld.idx.msk [tilespmem:v47+s18+$0x0], $0xffff  }
0x2df: {  	s13 =	simm.s32 $0x80;
	s0 =	sand.u32 $0x380, s28;
	s8 =	sor.u32 $0x18C00, s8;
	v43 =	vor.u32 v2, v39;
	v36 =	vld.idx.msk [tilespmem:v36+s18+$0x0], $0xffff  }
0x2e0: {  	s29 =	simm.s32 $0x100;
	s13 =	sand.u32 $0x280, s13;
	s21 =	sor.u32 s0, s8;
	v44 =	vor.u32 v2, v38  }
0x2e1: {  	s15 =	simm.s32 $0x0;
	s0 =	sand.u32 $0x300, s29;
	s17 =	sor.u32 s13, s8;
	[tilespmem:s21+$0x0] =	vst v35  }
0x2e2: {  	s15 =	sand.u32 $0x200, s15;
	s31 =	sor.u32 s0, s8;
	[tilespmem:s17+$0x0] =	vst v34;
	v35 =	vld.idx.msk [tilespmem:v37+s18+$0x0], $0xffff  }
0x2e3: {  	s15 =	sor.u32 s15, s8;
	v48 =	vor.u32 v3, v42;
	v49 =	vld.idx.msk [tilespmem:v41+s18+$0x0], $0xffff;
	[tilespmem:s31+$0x0] =	vst v33  }
0x2e4: {  	v50 =	vor.u32 v3, v40;
	[tilespmem:s15+$0x0] =	vst v36;
	v33 =	vld.idx.msk [tilespmem:v43+s18+$0x0], $0xffff  }
0x2e5: {  	v52 =	vor.u32 v3, v39;
	v51 =	vld.idx.msk [tilespmem:v44+s18+$0x0], $0xffff  }
0x2e6: {  	v53 =	vor.u32 v3, v38  }
0x2e7: {  	[tilespmem:s21+$0x10] =	vst v35  }
0x2e8: {  	[tilespmem:s17+$0x10] =	vst v49;
	v34 =	vld.idx.msk [tilespmem:v48+s18+$0x0], $0xffff  }
0x2e9: {  	v54 =	vor.u32 v4, v42;
	v36 =	vld.idx.msk [tilespmem:v50+s18+$0x0], $0xffff;
	[tilespmem:s31+$0x10] =	vst v33  }
0x2ea: {  	v55 =	vor.u32 v4, v40;
	[tilespmem:s15+$0x10] =	vst v51;
	v33 =	vld.idx.msk [tilespmem:v52+s18+$0x0], $0xffff  }
0x2eb: {  	v56 =	vor.u32 v4, v39;
	v41 =	vld.idx.msk [tilespmem:v53+s18+$0x0], $0xffff  }
0x2ec: {  	v57 =	vor.u32 v4, v38  }
0x2ed: {  	[tilespmem:s21+$0x20] =	vst v34  }
0x2ee: {  	[tilespmem:s17+$0x20] =	vst v36;
	v34 =	vld.idx.msk [tilespmem:v54+s18+$0x0], $0xffff  }
0x2ef: {  	v58 =	vor.u32 v5, v42;
	v36 =	vld.idx.msk [tilespmem:v55+s18+$0x0], $0xffff;
	[tilespmem:s31+$0x20] =	vst v33  }
0x2f0: {  	v59 =	vor.u32 v5, v40;
	[tilespmem:s15+$0x20] =	vst v41;
	v33 =	vld.idx.msk [tilespmem:v56+s18+$0x0], $0xffff  }
0x2f1: {  	v60 =	vor.u32 v5, v39;
	v41 =	vld.idx.msk [tilespmem:v57+s18+$0x0], $0xffff  }
0x2f2: {  	v61 =	vor.u32 v5, v38  }
0x2f3: {  	[tilespmem:s21+$0x30] =	vst v34  }
0x2f4: {  	[tilespmem:s17+$0x30] =	vst v36;
	v34 =	vld.idx.msk [tilespmem:v58+s18+$0x0], $0xffff  }
0x2f5: {  	v62 =	vor.u32 v6, v42;
	v36 =	vld.idx.msk [tilespmem:v59+s18+$0x0], $0xffff;
	[tilespmem:s31+$0x30] =	vst v33  }
0x2f6: {  	v63 =	vor.u32 v6, v40;
	[tilespmem:s15+$0x30] =	vst v41;
	v33 =	vld.idx.msk [tilespmem:v60+s18+$0x0], $0xffff  }
0x2f7: {  	v48 =	vor.u32 v6, v39;
	v41 =	vld.idx.msk [tilespmem:v61+s18+$0x0], $0xffff  }
0x2f8: {  	v49 =	vor.u32 v6, v38  }
0x2f9: {  	[tilespmem:s21+$0x40] =	vst v34  }
0x2fa: {  	[tilespmem:s17+$0x40] =	vst v36;
	v34 =	vld.idx.msk [tilespmem:v62+s18+$0x0], $0xffff  }
0x2fb: {  	v50 =	vor.u32 v7, v42;
	v36 =	vld.idx.msk [tilespmem:v63+s18+$0x0], $0xffff;
	[tilespmem:s31+$0x40] =	vst v33  }
0x2fc: {  	v51 =	vor.u32 v7, v40;
	[tilespmem:s15+$0x40] =	vst v41;
	v33 =	vld.idx.msk [tilespmem:v48+s18+$0x0], $0xffff  }
0x2fd: {  	v52 =	vor.u32 v7, v39;
	v41 =	vld.idx.msk [tilespmem:v49+s18+$0x0], $0xffff  }
0x2fe: {  	v53 =	vor.u32 v7, v38  }
0x2ff: {  	[tilespmem:s21+$0x50] =	vst v34  }
0x300: {  	[tilespmem:s17+$0x50] =	vst v36;
	v34 =	vld.idx.msk [tilespmem:v50+s18+$0x0], $0xffff  }
0x301: {  	v54 =	vor.u32 v8, v42;
	v36 =	vld.idx.msk [tilespmem:v51+s18+$0x0], $0xffff;
	[tilespmem:s31+$0x50] =	vst v33  }
0x302: {  	v55 =	vor.u32 v8, v40;
	[tilespmem:s15+$0x50] =	vst v41;
	v33 =	vld.idx.msk [tilespmem:v52+s18+$0x0], $0xffff  }
0x303: {  	v56 =	vor.u32 v8, v39;
	v41 =	vld.idx.msk [tilespmem:v53+s18+$0x0], $0xffff  }
0x304: {  	v57 =	vor.u32 v8, v38  }
0x305: {  	[tilespmem:s21+$0x60] =	vst v34  }
0x306: {  	[tilespmem:s17+$0x60] =	vst v36;
	v34 =	vld.idx.msk [tilespmem:v54+s18+$0x0], $0xffff  }
0x307: {  	v58 =	vor.u32 v9, v42;
	v36 =	vld.idx.msk [tilespmem:v55+s18+$0x0], $0xffff;
	[tilespmem:s31+$0x60] =	vst v33  }
0x308: {  	v59 =	vor.u32 v9, v40;
	[tilespmem:s15+$0x60] =	vst v41;
	v33 =	vld.idx.msk [tilespmem:v56+s18+$0x0], $0xffff  }
0x309: {  	v60 =	vor.u32 v9, v39;
	v41 =	vld.idx.msk [tilespmem:v57+s18+$0x0], $0xffff  }
0x30a: {  	v61 =	vor.u32 v9, v38  }
0x30b: {  	[tilespmem:s21+$0x70] =	vst v34  }
0x30c: {  	[tilespmem:s17+$0x70] =	vst v36;
	v34 =	vld.idx.msk [tilespmem:v58+s18+$0x0], $0xffff  }
0x30d: {  	v62 =	vor.u32 v10, v42;
	v36 =	vld.idx.msk [tilespmem:v59+s18+$0x0], $0xffff;
	[tilespmem:s31+$0x70] =	vst v33  }
0x30e: {  	v63 =	vor.u32 v10, v40;
	[tilespmem:s15+$0x70] =	vst v41;
	v33 =	vld.idx.msk [tilespmem:v60+s18+$0x0], $0xffff  }
0x30f: {  	v48 =	vor.u32 v10, v39;
	v41 =	vld.idx.msk [tilespmem:v61+s18+$0x0], $0xffff  }
0x310: {  	v49 =	vor.u32 v10, v38  }
0x311: {  	[tilespmem:s21+$0x400] =	vst v34  }
0x312: {  	[tilespmem:s17+$0x400] =	vst v36;
	v34 =	vld.idx.msk [tilespmem:v62+s18+$0x0], $0xffff  }
0x313: {  	v50 =	vor.u32 v11, v42;
	v36 =	vld.idx.msk [tilespmem:v63+s18+$0x0], $0xffff;
	[tilespmem:s31+$0x400] =	vst v33  }
0x314: {  	v51 =	vor.u32 v11, v40;
	[tilespmem:s15+$0x400] =	vst v41;
	v33 =	vld.idx.msk [tilespmem:v48+s18+$0x0], $0xffff  }
0x315: {  	v52 =	vor.u32 v11, v39;
	v41 =	vld.idx.msk [tilespmem:v49+s18+$0x0], $0xffff  }
0x316: {  	v53 =	vor.u32 v11, v38  }
0x317: {  	[tilespmem:s21+$0x410] =	vst v34  }
0x318: {  	[tilespmem:s17+$0x410] =	vst v36;
	v34 =	vld.idx.msk [tilespmem:v50+s18+$0x0], $0xffff  }
0x319: {  	v54 =	vor.u32 v12, v42;
	v36 =	vld.idx.msk [tilespmem:v51+s18+$0x0], $0xffff;
	[tilespmem:s31+$0x410] =	vst v33  }
0x31a: {  	v55 =	vor.u32 v12, v40;
	[tilespmem:s15+$0x410] =	vst v41;
	v33 =	vld.idx.msk [tilespmem:v52+s18+$0x0], $0xffff  }
0x31b: {  	v56 =	vor.u32 v12, v39;
	v41 =	vld.idx.msk [tilespmem:v53+s18+$0x0], $0xffff  }
0x31c: {  	v57 =	vor.u32 v12, v38  }
0x31d: {  	[tilespmem:s21+$0x420] =	vst v34  }
0x31e: {  	[tilespmem:s17+$0x420] =	vst v36;
	v34 =	vld.idx.msk [tilespmem:v54+s18+$0x0], $0xffff  }
0x31f: {  	v58 =	vor.u32 v13, v42;
	v36 =	vld.idx.msk [tilespmem:v55+s18+$0x0], $0xffff;
	[tilespmem:s31+$0x420] =	vst v33  }
0x320: {  	v59 =	vor.u32 v13, v40;
	[tilespmem:s15+$0x420] =	vst v41;
	v33 =	vld.idx.msk [tilespmem:v56+s18+$0x0], $0xffff  }
0x321: {  	v60 =	vor.u32 v13, v39;
	v41 =	vld.idx.msk [tilespmem:v57+s18+$0x0], $0xffff  }
0x322: {  	v61 =	vor.u32 v13, v38  }
0x323: {  	[tilespmem:s21+$0x430] =	vst v34  }
0x324: {  	[tilespmem:s17+$0x430] =	vst v36;
	v34 =	vld.idx.msk [tilespmem:v58+s18+$0x0], $0xffff  }
0x325: {  	v62 =	vor.u32 v14, v42;
	v36 =	vld.idx.msk [tilespmem:v59+s18+$0x0], $0xffff;
	[tilespmem:s31+$0x430] =	vst v33  }
0x326: {  	v63 =	vor.u32 v14, v40;
	[tilespmem:s15+$0x430] =	vst v41;
	v33 =	vld.idx.msk [tilespmem:v60+s18+$0x0], $0xffff  }
0x327: {  	v48 =	vor.u32 v14, v39;
	v41 =	vld.idx.msk [tilespmem:v61+s18+$0x0], $0xffff  }
0x328: {  	v49 =	vor.u32 v14, v38  }
0x329: {  	[tilespmem:s21+$0x440] =	vst v34  }
0x32a: {  	[tilespmem:s17+$0x440] =	vst v36;
	v34 =	vld.idx.msk [tilespmem:v62+s18+$0x0], $0xffff  }
0x32b: {  	v50 =	vor.u32 v15, v42;
	v36 =	vld.idx.msk [tilespmem:v63+s18+$0x0], $0xffff;
	[tilespmem:s31+$0x440] =	vst v33  }
0x32c: {  	v51 =	vor.u32 v15, v40;
	[tilespmem:s15+$0x440] =	vst v41;
	v33 =	vld.idx.msk [tilespmem:v48+s18+$0x0], $0xffff  }
0x32d: {  	v52 =	vor.u32 v15, v39;
	v41 =	vld.idx.msk [tilespmem:v49+s18+$0x0], $0xffff  }
0x32e: {  	v53 =	vor.u32 v15, v38  }
0x32f: {  	[tilespmem:s21+$0x450] =	vst v34  }
0x330: {  	[tilespmem:s17+$0x450] =	vst v36;
	v34 =	vld.idx.msk [tilespmem:v50+s18+$0x0], $0xffff  }
0x331: {  	v54 =	vor.u32 v16, v42;
	v36 =	vld.idx.msk [tilespmem:v51+s18+$0x0], $0xffff;
	[tilespmem:s31+$0x450] =	vst v33  }
0x332: {  	v55 =	vor.u32 v16, v40;
	[tilespmem:s15+$0x450] =	vst v41;
	v33 =	vld.idx.msk [tilespmem:v52+s18+$0x0], $0xffff  }
0x333: {  	v56 =	vor.u32 v16, v39;
	v41 =	vld.idx.msk [tilespmem:v53+s18+$0x0], $0xffff  }
0x334: {  	v57 =	vor.u32 v16, v38  }
0x335: {  	[tilespmem:s21+$0x460] =	vst v34  }
0x336: {  	[tilespmem:s17+$0x460] =	vst v36;
	v34 =	vld.idx.msk [tilespmem:v54+s18+$0x0], $0xffff  }
0x337: {  	s22 =	simm.s32 $0x7;
	v58 =	vor.u32 v17, v42;
	v36 =	vld.idx.msk [tilespmem:v55+s18+$0x0], $0xffff;
	[tilespmem:s31+$0x460] =	vst v33  }
0x338: {  	[tilespmem:s15+$0x460] =	vst v41;
	v33 =	vld.idx.msk [tilespmem:v56+s18+$0x0], $0xffff;
	v56 =	vmov s22  }
0x339: {  	s19 =	simm.s32 $0x5;
	v59 =	vor.u32 v17, v40;
	v61 =	vld.idx.msk [tilespmem:v57+s18+$0x0], $0xffff;
	v57 =	vand.u32 $0x1F, v56  }
0x33a: {  	v45 =	vor.u32 v17, v38;
	v60 =	vmov s19;
	v37 =	vbroadcast v57, $0x0  }
0x33b: {  	v62 =	vor.u32 v17, v39;
	v41 =	vand.u32 $0x1D, v60;
	[tilespmem:s21+$0x470] =	vst v34  }
0x33c: {  	v34 =	vbroadcast v41, $0x0;
	v60 =	vor.u32 v0, v37;
	v35 =	vld.idx.msk [tilespmem:v58+s18+$0x0], $0xffff  }
0x33d: {  	s20 =	simm.s32 $0x6;
	v63 =	vor.u32 v18, v42;
	[tilespmem:s17+$0x470] =	vst v36  }
0x33e: {  	v46 =	vmov s20;
	[tilespmem:s15+$0x470] =	vst v61;
	v47 =	vld.idx.msk [tilespmem:v59+s18+$0x0], $0xffff;
	v41 =	vor.u32 v0, v34  }
0x33f: {  	v52 =	vand.u32 $0x1E, v46;
	v54 =	vor.u32 v18, v40;
	[tilespmem:s31+$0x470] =	vst v33;
	v45 =	vld.idx.msk [tilespmem:v45+s18+$0x0], $0xffff  }
0x340: {  	v48 =	vor.u32 v18, v38;
	v33 =	vbroadcast v52, $0x0;
	v53 =	vld.idx.msk [tilespmem:v62+s18+$0x0], $0xffff  }
0x341: {  	v55 =	vor.u32 v18, v39;
	v43 =	vld.idx.msk [tilespmem:v60+s18+$0x0], $0xffff;
	[tilespmem:s21+$0x800] =	vst v35  }
0x342: {  	v49 =	vor.u32 v0, v33;
	v36 =	vld.idx.msk [tilespmem:v63+s18+$0x0], $0xffff  }
0x343: {  	s25 =	simm.s32 $0x4;
	v58 =	vor.u32 v19, v42;
	[tilespmem:s17+$0x800] =	vst v47;
	v50 =	vld.idx.msk [tilespmem:v41+s18+$0x0], $0xffff  }
0x344: {  	s19 =	simm.s32 $0x800;
	v59 =	vmov s25;
	v60 =	vor.u32 v2, v37;
	[tilespmem:s15+$0x800] =	vst v45;
	v44 =	vld.idx.msk [tilespmem:v54+s18+$0x0], $0xffff  }
0x345: {  	s26 =	simm.s32 $0x9;
	s20 =	simm.s32 $0x380;
	s28 =	sand.u32 $0x3000, s19;
	v62 =	vor.u32 v19, v40;
	v35 =	vand.u32 $0x1C, v59;
	[tilespmem:s31+$0x800] =	vst v53;
	v63 =	vld.idx.msk [tilespmem:v48+s18+$0x0], $0xffff  }
0x346: {  	s29 =	sor.u32 $0x18C00, s28;
	v57 =	vor.u32 v19, v38;
	s25 =	sand.u32 $0x380, s20;
	v35 =	vbroadcast v35, $0x0;
	v61 =	vld.idx.msk [tilespmem:v55+s18+$0x0], $0xffff;
	v55 =	vmov s26  }
0x347: {  	v51 =	vor.u32 v19, v39;
	s30 =	sor.u32 s25, s29;
	v49 =	vld.idx.msk [tilespmem:v49+s18+$0x0], $0xffff;
	v56 =	vand.u32 $0x1D, v55;
	[tilespmem:s21+$0x810] =	vst v36  }
0x348: {  	v52 =	vor.u32 v0, v35;
	[tilespmem:s30+$0x0] =	vst v43;
	v36 =	vbroadcast v56, $0x0;
	v41 =	vld.idx.msk [tilespmem:v58+s18+$0x0], $0xffff  }
0x349: {  	v43 =	vld.idx.msk [tilespmem:v60+s18+$0x0], $0xffff;
	[tilespmem:s17+$0x810] =	vst v44;
	v58 =	vor.u32 v20, v42  }
0x34a: {  	[tilespmem:s15+$0x810] =	vst v63;
	v46 =	vld.idx.msk [tilespmem:v62+s18+$0x0], $0xffff;
	v59 =	vor.u32 v0, v36  }
0x34b: {  	v53 =	vor.u32 v20, v40;
	s26 =	simm.s32 $0x280;
	[tilespmem:s31+$0x810] =	vst v61;
	v48 =	vld.idx.msk [tilespmem:v57+s18+$0x0], $0xffff  }
0x34c: {  	v55 =	vor.u32 v2, v33;
	s13 =	sand.u32 $0x280, s26;
	v51 =	vld.idx.msk [tilespmem:v51+s18+$0x0], $0xffff  }
0x34d: {  	s28 =	simm.s32 $0x300;
	v54 =	vor.u32 v2, v34;
	s13 =	sor.u32 s13, s29;
	v52 =	vld.idx.msk [tilespmem:v52+s18+$0x0], $0xffff;
	[tilespmem:s21+$0x820] =	vst v41  }
0x34e: {  	s0 =	sand.u32 $0x300, s28;
	[tilespmem:s13+$0x0] =	vst v50;
	v57 =	vor.u32 v3, v37;
	v44 =	vld.idx.msk [tilespmem:v58+s18+$0x0], $0xffff  }
0x34f: {  	s0 =	sor.u32 s0, s29;
	v61 =	vor.u32 v2, v35;
	[tilespmem:s17+$0x820] =	vst v46;
	v41 =	vld.idx.msk [tilespmem:v59+s18+$0x0], $0xffff  }
0x350: {  	s22 =	simm.s32 $0x200;
	v63 =	vor.u32 v20, v39;
	[tilespmem:s0+$0x0] =	vst v49;
	v47 =	vld.idx.msk [tilespmem:v53+s18+$0x0], $0xffff  }
0x351: {  	s22 =	sand.u32 $0x200, s22;
	[tilespmem:s30+$0x10] =	vst v43;
	v58 =	vld.idx.msk [tilespmem:v55+s18+$0x0], $0xffff;
	v59 =	vor.u32 v20, v38  }
0x352: {  	s8 =	sor.u32 s22, s29;
	v62 =	vor.u32 v21, v42;
	[tilespmem:s15+$0x820] =	vst v48;
	v53 =	vld.idx.msk [tilespmem:v54+s18+$0x0], $0xffff  }
0x353: {  	v60 =	vor.u32 v3, v34;
	v49 =	vld.idx.msk [tilespmem:v57+s18+$0x0], $0xffff;
	[tilespmem:s8+$0x0] =	vst v52  }
0x354: {  	[tilespmem:s31+$0x820] =	vst v51;
	v45 =	vld.idx.msk [tilespmem:v61+s18+$0x0], $0xffff;
	v61 =	vor.u32 v3, v33  }
0x355: {  	v57 =	vor.u32 v21, v40;
	v43 =	vld.idx.msk [tilespmem:v63+s18+$0x0], $0xffff;
	[tilespmem:s21+$0x830] =	vst v44  }
0x356: {  	v50 =	vld.idx.msk [tilespmem:v59+s18+$0x0], $0xffff;
	[tilespmem:s0+$0x10] =	vst v58;
	v58 =	vor.u32 v4, v37  }
0x357: {  	[tilespmem:s13+$0x10] =	vst v53;
	v59 =	vor.u32 v21, v39;
	v46 =	vld.idx.msk [tilespmem:v62+s18+$0x0], $0xffff  }
0x358: {  	[tilespmem:s30+$0x20] =	vst v49;
	v62 =	vor.u32 v3, v35;
	v54 =	vld.idx.msk [tilespmem:v60+s18+$0x0], $0xffff  }
0x359: {  	v63 =	vor.u32 v22, v42;
	[tilespmem:s17+$0x830] =	vst v47;
	v44 =	vld.idx.msk [tilespmem:v61+s18+$0x0], $0xffff  }
0x35a: {  	[tilespmem:s8+$0x10] =	vst v45;
	v60 =	vor.u32 v4, v34;
	v49 =	vld.idx.msk [tilespmem:v57+s18+$0x0], $0xffff  }
0x35b: {  	v61 =	vor.u32 v4, v33;
	[tilespmem:s31+$0x830] =	vst v43;
	v52 =	vld.idx.msk [tilespmem:v58+s18+$0x0], $0xffff  }
0x35c: {  	v58 =	vor.u32 v21, v38;
	v45 =	vld.idx.msk [tilespmem:v59+s18+$0x0], $0xffff;
	[tilespmem:s15+$0x830] =	vst v50  }
0x35d: {  	v59 =	vor.u32 v5, v37;
	v51 =	vld.idx.msk [tilespmem:v62+s18+$0x0], $0xffff;
	[tilespmem:s21+$0x840] =	vst v46  }
0x35e: {  	[tilespmem:s13+$0x20] =	vst v54;
	v62 =	vld.idx.msk [tilespmem:v63+s18+$0x0], $0xffff;
	v63 =	vor.u32 v4, v35  }
0x35f: {  	[tilespmem:s0+$0x20] =	vst v44;
	v54 =	vld.idx.msk [tilespmem:v60+s18+$0x0], $0xffff;
	v60 =	vor.u32 v22, v40  }
0x360: {  	v57 =	vor.u32 v23, v42;
	[tilespmem:s17+$0x840] =	vst v49;
	v46 =	vld.idx.msk [tilespmem:v61+s18+$0x0], $0xffff  }
0x361: {  	v61 =	vor.u32 v5, v34;
	[tilespmem:s30+$0x30] =	vst v52;
	v52 =	vld.idx.msk [tilespmem:v58+s18+$0x0], $0xffff  }
0x362: {  	v58 =	vor.u32 v22, v39;
	[tilespmem:s8+$0x20] =	vst v51;
	v44 =	vld.idx.msk [tilespmem:v59+s18+$0x0], $0xffff  }
0x363: {  	v48 =	vld.idx.msk [tilespmem:v63+s18+$0x0], $0xffff;
	[tilespmem:s21+$0x850] =	vst v62;
	v62 =	vor.u32 v5, v33  }
0x364: {  	[tilespmem:s31+$0x840] =	vst v45;
	v59 =	vor.u32 v6, v37;
	v51 =	vld.idx.msk [tilespmem:v60+s18+$0x0], $0xffff  }
0x365: {  	[tilespmem:s13+$0x30] =	vst v54;
	v60 =	vor.u32 v22, v38;
	v43 =	vld.idx.msk [tilespmem:v57+s18+$0x0], $0xffff  }
0x366: {  	v63 =	vor.u32 v5, v35;
	[tilespmem:s0+$0x30] =	vst v46;
	v54 =	vld.idx.msk [tilespmem:v61+s18+$0x0], $0xffff  }
0x367: {  	v57 =	vor.u32 v24, v42;
	[tilespmem:s30+$0x40] =	vst v44;
	v44 =	vld.idx.msk [tilespmem:v58+s18+$0x0], $0xffff  }
0x368: {  	v61 =	vor.u32 v6, v34;
	[tilespmem:s15+$0x840] =	vst v52;
	v47 =	vld.idx.msk [tilespmem:v62+s18+$0x0], $0xffff  }
0x369: {  	[tilespmem:s8+$0x30] =	vst v48;
	v46 =	vld.idx.msk [tilespmem:v59+s18+$0x0], $0xffff;
	v59 =	vor.u32 v23, v40  }
0x36a: {  	v62 =	vor.u32 v6, v33;
	v48 =	vld.idx.msk [tilespmem:v60+s18+$0x0], $0xffff;
	[tilespmem:s17+$0x850] =	vst v51  }
0x36b: {  	v60 =	vor.u32 v7, v37;
	v50 =	vld.idx.msk [tilespmem:v63+s18+$0x0], $0xffff;
	[tilespmem:s21+$0x860] =	vst v43  }
0x36c: {  	[tilespmem:s13+$0x40] =	vst v54;
	v63 =	vld.idx.msk [tilespmem:v57+s18+$0x0], $0xffff;
	v57 =	vor.u32 v6, v35  }
0x36d: {  	v54 =	vld.idx.msk [tilespmem:v61+s18+$0x0], $0xffff;
	v61 =	vor.u32 v23, v39;
	[tilespmem:s0+$0x40] =	vst v47  }
0x36e: {  	v58 =	vor.u32 v25, v42;
	[tilespmem:s30+$0x50] =	vst v46;
	v46 =	vld.idx.msk [tilespmem:v59+s18+$0x0], $0xffff  }
0x36f: {  	[tilespmem:s31+$0x850] =	vst v44;
	v43 =	vld.idx.msk [tilespmem:v62+s18+$0x0], $0xffff;
	v62 =	vor.u32 v7, v34  }
0x370: {  	[tilespmem:s8+$0x40] =	vst v50;
	v47 =	vld.idx.msk [tilespmem:v60+s18+$0x0], $0xffff;
	v60 =	vor.u32 v23, v38  }
0x371: {  	v49 =	vld.idx.msk [tilespmem:v57+s18+$0x0], $0xffff;
	[tilespmem:s21+$0x870] =	vst v63;
	v63 =	vor.u32 v7, v33  }
0x372: {  	[tilespmem:s15+$0x850] =	vst v48;
	v50 =	vld.idx.msk [tilespmem:v61+s18+$0x0], $0xffff;
	v61 =	vor.u32 v8, v37  }
0x373: {  	[tilespmem:s13+$0x50] =	vst v54;
	v57 =	vld.idx.msk [tilespmem:v58+s18+$0x0], $0xffff;
	v58 =	vor.u32 v7, v35  }
0x374: {  	v59 =	vor.u32 v26, v42;
	v54 =	vld.idx.msk [tilespmem:v62+s18+$0x0], $0xffff;
	[tilespmem:s0+$0x50] =	vst v43  }
0x375: {  	v62 =	vor.u32 v24, v40;
	[tilespmem:s30+$0x60] =	vst v47;
	v47 =	vld.idx.msk [tilespmem:v60+s18+$0x0], $0xffff  }
0x376: {  	[tilespmem:s17+$0x860] =	vst v46;
	v45 =	vld.idx.msk [tilespmem:v63+s18+$0x0], $0xffff;
	v63 =	vor.u32 v8, v34  }
0x377: {  	v60 =	vor.u32 v24, v39;
	[tilespmem:s8+$0x50] =	vst v49;
	v43 =	vld.idx.msk [tilespmem:v61+s18+$0x0], $0xffff  }
0x378: {  	v52 =	vld.idx.msk [tilespmem:v58+s18+$0x0], $0xffff;
	[tilespmem:s21+$0xC00] =	vst v57;
	v57 =	vor.u32 v8, v33  }
0x379: {  	v61 =	vor.u32 v9, v37;
	[tilespmem:s31+$0x860] =	vst v50;
	v44 =	vld.idx.msk [tilespmem:v59+s18+$0x0], $0xffff  }
0x37a: {  	v58 =	vor.u32 v8, v35;
	[tilespmem:s13+$0x60] =	vst v54;
	v49 =	vld.idx.msk [tilespmem:v62+s18+$0x0], $0xffff  }
0x37b: {  	v59 =	vor.u32 v27, v42;
	v54 =	vld.idx.msk [tilespmem:v63+s18+$0x0], $0xffff;
	[tilespmem:s0+$0x60] =	vst v45  }
0x37c: {  	v62 =	vor.u32 v24, v38;
	[tilespmem:s30+$0x70] =	vst v43;
	v43 =	vld.idx.msk [tilespmem:v60+s18+$0x0], $0xffff  }
0x37d: {  	[tilespmem:s15+$0x860] =	vst v47;
	v63 =	vor.u32 v9, v34;
	v51 =	vld.idx.msk [tilespmem:v57+s18+$0x0], $0xffff  }
0x37e: {  	v60 =	vor.u32 v25, v40;
	[tilespmem:s8+$0x60] =	vst v52;
	v45 =	vld.idx.msk [tilespmem:v61+s18+$0x0], $0xffff  }
0x37f: {  	v57 =	vor.u32 v9, v33;
	v48 =	vld.idx.msk [tilespmem:v58+s18+$0x0], $0xffff;
	[tilespmem:s21+$0xC10] =	vst v44  }
0x380: {  	v61 =	vor.u32 v10, v37;
	v46 =	vld.idx.msk [tilespmem:v59+s18+$0x0], $0xffff;
	[tilespmem:s17+$0x870] =	vst v49  }
0x381: {  	v58 =	vor.u32 v9, v35;
	v52 =	vld.idx.msk [tilespmem:v62+s18+$0x0], $0xffff;
	[tilespmem:s13+$0x70] =	vst v54  }
0x382: {  	v59 =	vor.u32 v28, v42;
	v54 =	vld.idx.msk [tilespmem:v63+s18+$0x0], $0xffff;
	[tilespmem:s0+$0x70] =	vst v51  }
0x383: {  	v62 =	vor.u32 v25, v39;
	[tilespmem:s30+$0x400] =	vst v45;
	v45 =	vld.idx.msk [tilespmem:v60+s18+$0x0], $0xffff  }
0x384: {  	[tilespmem:s31+$0x870] =	vst v43;
	v63 =	vor.u32 v10, v34;
	v44 =	vld.idx.msk [tilespmem:v57+s18+$0x0], $0xffff  }
0x385: {  	v60 =	vor.u32 v25, v38;
	[tilespmem:s8+$0x70] =	vst v48;
	v51 =	vld.idx.msk [tilespmem:v61+s18+$0x0], $0xffff  }
0x386: {  	v57 =	vor.u32 v10, v33;
	v50 =	vld.idx.msk [tilespmem:v58+s18+$0x0], $0xffff;
	[tilespmem:s21+$0xC20] =	vst v46  }
0x387: {  	v61 =	vor.u32 v11, v37;
	v47 =	vld.idx.msk [tilespmem:v59+s18+$0x0], $0xffff;
	[tilespmem:s15+$0x870] =	vst v52  }
0x388: {  	v58 =	vor.u32 v10, v35;
	v48 =	vld.idx.msk [tilespmem:v62+s18+$0x0], $0xffff;
	[tilespmem:s13+$0x400] =	vst v54  }
0x389: {  	v62 =	vor.u32 v26, v40;
	v54 =	vld.idx.msk [tilespmem:v63+s18+$0x0], $0xffff;
	[tilespmem:s0+$0x400] =	vst v44  }
0x38a: {  	v59 =	vor.u32 v29, v42;
	[tilespmem:s30+$0x410] =	vst v51;
	v51 =	vld.idx.msk [tilespmem:v60+s18+$0x0], $0xffff  }
0x38b: {  	[tilespmem:s17+$0xC00] =	vst v45;
	v63 =	vor.u32 v11, v34;
	v46 =	vld.idx.msk [tilespmem:v57+s18+$0x0], $0xffff  }
0x38c: {  	v60 =	vor.u32 v26, v39;
	[tilespmem:s8+$0x400] =	vst v50;
	v44 =	vld.idx.msk [tilespmem:v61+s18+$0x0], $0xffff  }
0x38d: {  	v57 =	vor.u32 v11, v33;
	v49 =	vld.idx.msk [tilespmem:v58+s18+$0x0], $0xffff;
	[tilespmem:s21+$0xC30] =	vst v47  }
0x38e: {  	v61 =	vor.u32 v12, v37;
	v50 =	vld.idx.msk [tilespmem:v62+s18+$0x0], $0xffff;
	[tilespmem:s31+$0xC00] =	vst v48  }
0x38f: {  	v62 =	vor.u32 v26, v38;
	v43 =	vld.idx.msk [tilespmem:v59+s18+$0x0], $0xffff;
	[tilespmem:s13+$0x410] =	vst v54  }
0x390: {  	v58 =	vor.u32 v11, v35;
	v54 =	vld.idx.msk [tilespmem:v63+s18+$0x0], $0xffff;
	[tilespmem:s0+$0x410] =	vst v46  }
0x391: {  	v59 =	vor.u32 v30, v42;
	[tilespmem:s30+$0x420] =	vst v44;
	v44 =	vld.idx.msk [tilespmem:v60+s18+$0x0], $0xffff  }
0x392: {  	[tilespmem:s15+$0xC00] =	vst v51;
	v63 =	vor.u32 v12, v34;
	v47 =	vld.idx.msk [tilespmem:v57+s18+$0x0], $0xffff  }
0x393: {  	v60 =	vor.u32 v27, v40;
	[tilespmem:s8+$0x410] =	vst v49;
	v46 =	vld.idx.msk [tilespmem:v61+s18+$0x0], $0xffff  }
0x394: {  	v57 =	vor.u32 v12, v33;
	v49 =	vld.idx.msk [tilespmem:v62+s18+$0x0], $0xffff;
	[tilespmem:s17+$0xC10] =	vst v50  }
0x395: {  	v61 =	vor.u32 v13, v37;
	v52 =	vld.idx.msk [tilespmem:v58+s18+$0x0], $0xffff;
	[tilespmem:s21+$0xC40] =	vst v43  }
0x396: {  	v62 =	vor.u32 v27, v39;
	v45 =	vld.idx.msk [tilespmem:v59+s18+$0x0], $0xffff;
	[tilespmem:s13+$0x420] =	vst v54  }
0x397: {  	v58 =	vor.u32 v12, v35;
	v54 =	vld.idx.msk [tilespmem:v63+s18+$0x0], $0xffff;
	[tilespmem:s0+$0x420] =	vst v47  }
0x398: {  	v59 =	vor.u32 v31, v42;
	[tilespmem:s30+$0x430] =	vst v46;
	v46 =	vld.idx.msk [tilespmem:v60+s18+$0x0], $0xffff  }
0x399: {  	[tilespmem:s31+$0xC10] =	vst v44;
	v63 =	vor.u32 v13, v34;
	v43 =	vld.idx.msk [tilespmem:v57+s18+$0x0], $0xffff  }
0x39a: {  	v60 =	vor.u32 v27, v38;
	[tilespmem:s15+$0xC10] =	vst v49;
	v47 =	vld.idx.msk [tilespmem:v61+s18+$0x0], $0xffff  }
0x39b: {  	[tilespmem:s8+$0x420] =	vst v52;
	v57 =	vor.u32 v13, v33;
	v52 =	vld.idx.msk [tilespmem:v62+s18+$0x0], $0xffff  }
0x39c: {  	v61 =	vor.u32 v14, v37;
	v48 =	vld.idx.msk [tilespmem:v58+s18+$0x0], $0xffff;
	[tilespmem:s21+$0xC50] =	vst v45  }
0x39d: {  	v58 =	vor.u32 v13, v35;
	v50 =	vld.idx.msk [tilespmem:v59+s18+$0x0], $0xffff;
	[tilespmem:s13+$0x430] =	vst v54  }
0x39e: {  	v59 =	vor.u32 v32, v42;
	v54 =	vld.idx.msk [tilespmem:v63+s18+$0x0], $0xffff;
	[tilespmem:s0+$0x430] =	vst v43  }
0x39f: {  	v63 =	vor.u32 v28, v40;
	[tilespmem:s30+$0x440] =	vst v47;
	v47 =	vld.idx.msk [tilespmem:v60+s18+$0x0], $0xffff  }
0x3a0: {  	s29 =	simm.s32 $0xA;
	[tilespmem:s17+$0xC20] =	vst v46;
	v45 =	vld.idx.msk [tilespmem:v57+s18+$0x0], $0xffff;
	v57 =	vor.u32 v14, v34  }
0x3a1: {  	v62 =	vmov s29;
	[tilespmem:s8+$0x430] =	vst v48;
	v43 =	vld.idx.msk [tilespmem:v61+s18+$0x0], $0xffff;
	v61 =	vor.u32 v28, v39  }
0x3a2: {  	v42 =	vand.u32 $0x1E, v62;
	v51 =	vld.idx.msk [tilespmem:v58+s18+$0x0], $0xffff;
	[tilespmem:s21+$0xC60] =	vst v50;
	v58 =	vor.u32 v14, v33  }
0x3a3: {  	v62 =	vor.u32 v15, v37;
	v42 =	vbroadcast v42, $0x0;
	[tilespmem:s31+$0xC20] =	vst v52;
	v44 =	vld.idx.msk [tilespmem:v59+s18+$0x0], $0xffff  }
0x3a4: {  	v59 =	vor.u32 v14, v35;
	[tilespmem:s13+$0x440] =	vst v54;
	v46 =	vld.idx.msk [tilespmem:v63+s18+$0x0], $0xffff  }
0x3a5: {  	v60 =	vor.u32 v0, v42;
	[tilespmem:s15+$0xC20] =	vst v47;
	v54 =	vld.idx.msk [tilespmem:v57+s18+$0x0], $0xffff  }
0x3a6: {  	v63 =	vor.u32 v28, v38;
	[tilespmem:s0+$0x440] =	vst v45;
	v61 =	vld.idx.msk [tilespmem:v61+s18+$0x0], $0xffff  }
0x3a7: {  	v56 =	vor.u32 v15, v34;
	[tilespmem:s30+$0x450] =	vst v43;
	v50 =	vld.idx.msk [tilespmem:v58+s18+$0x0], $0xffff  }
0x3a8: {  	[tilespmem:s8+$0x440] =	vst v51;
	v48 =	vld.idx.msk [tilespmem:v62+s18+$0x0], $0xffff;
	v62 =	vor.u32 v29, v40  }
0x3a9: {  	v49 =	vld.idx.msk [tilespmem:v59+s18+$0x0], $0xffff;
	[tilespmem:s21+$0xC70] =	vst v44;
	v59 =	vor.u32 v15, v33  }
0x3aa: {  	v45 =	vld.idx.msk [tilespmem:v60+s18+$0x0], $0xffff;
	v60 =	vor.u32 v15, v35;
	[tilespmem:s17+$0xC30] =	vst v46  }
0x3ab: {  	v57 =	vor.u32 v16, v37;
	v51 =	vld.idx.msk [tilespmem:v63+s18+$0x0], $0xffff;
	[tilespmem:s13+$0x450] =	vst v54  }
0x3ac: {  	v63 =	vor.u32 v29, v39;
	[tilespmem:s31+$0xC30] =	vst v61;
	v54 =	vld.idx.msk [tilespmem:v56+s18+$0x0], $0xffff  }
0x3ad: {  	v58 =	vor.u32 v29, v38;
	[tilespmem:s0+$0x450] =	vst v50;
	v47 =	vld.idx.msk [tilespmem:v62+s18+$0x0], $0xffff  }
0x3ae: {  	[tilespmem:s8+$0x450] =	vst v49;
	v44 =	vld.idx.msk [tilespmem:v59+s18+$0x0], $0xffff;
	v59 =	vor.u32 v16, v34  }
0x3af: {  	[tilespmem:s30+$0x460] =	vst v48;
	v62 =	vor.u32 v30, v40;
	v52 =	vld.idx.msk [tilespmem:v60+s18+$0x0], $0xffff  }
0x3b0: {  	v50 =	vld.idx.msk [tilespmem:v57+s18+$0x0], $0xffff;
	v60 =	vor.u32 v16, v33;
	[tilespmem:s15+$0xC30] =	vst v51  }
0x3b1: {  	v61 =	vor.u32 v16, v35;
	v48 =	vld.idx.msk [tilespmem:v63+s18+$0x0], $0xffff;
	[tilespmem:s13+$0x460] =	vst v54  }
0x3b2: {  	v63 =	vor.u32 v17, v37;
	v49 =	vld.idx.msk [tilespmem:v58+s18+$0x0], $0xffff;
	[tilespmem:s17+$0xC40] =	vst v47  }
0x3b3: {  	v53 =	vor.u32 v30, v39;
	v54 =	vld.idx.msk [tilespmem:v59+s18+$0x0], $0xffff;
	[tilespmem:s0+$0x460] =	vst v44  }
0x3b4: {  	v57 =	vld.idx.msk [tilespmem:v62+s18+$0x0], $0xffff;
	[tilespmem:s8+$0x460] =	vst v52;
	v52 =	vor.u32 v30, v38  }
0x3b5: {  	v46 =	vld.idx.msk [tilespmem:v60+s18+$0x0], $0xffff;
	v60 =	vor.u32 v17, v34  }
0x3b6: {  	[tilespmem:s30+$0x470] =	vst v50;
	v43 =	vld.idx.msk [tilespmem:v61+s18+$0x0], $0xffff;
	v61 =	vor.u32 v17, v33  }
0x3b7: {  	[tilespmem:s31+$0xC40] =	vst v48;
	v44 =	vld.idx.msk [tilespmem:v63+s18+$0x0], $0xffff;
	v63 =	vor.u32 v31, v40  }
0x3b8: {  	v62 =	vor.u32 v17, v35;
	v53 =	vld.idx.msk [tilespmem:v53+s18+$0x0], $0xffff;
	[tilespmem:s15+$0xC40] =	vst v49  }
0x3b9: {  	v58 =	vor.u32 v31, v39;
	[tilespmem:s13+$0x470] =	vst v54;
	v54 =	vld.idx.msk [tilespmem:v52+s18+$0x0], $0xffff  }
0x3ba: {  	v56 =	vor.u32 v18, v37;
	v52 =	vld.idx.msk [tilespmem:v60+s18+$0x0], $0xffff;
	[tilespmem:s0+$0x470] =	vst v46  }
0x3bb: {  	v55 =	vor.u32 v31, v38;
	[tilespmem:s17+$0xC50] =	vst v57;
	v50 =	vld.idx.msk [tilespmem:v61+s18+$0x0], $0xffff  }
0x3bc: {  	v48 =	vor.u32 v18, v34;
	[tilespmem:s8+$0x470] =	vst v43;
	v49 =	vld.idx.msk [tilespmem:v63+s18+$0x0], $0xffff  }
0x3bd: {  	v47 =	vor.u32 v18, v33;
	v51 =	vld.idx.msk [tilespmem:v62+s18+$0x0], $0xffff;
	[tilespmem:s31+$0xC50] =	vst v53  }
0x3be: {  	s22 =	simm.s32 $0xC;
	s25 =	simm.s32 $0xB;
	s21 =	simm.s32 $0x8;
	v46 =	vor.u32 v18, v35;
	[tilespmem:s30+$0x800] =	vst v44;
	v53 =	vld.idx.msk [tilespmem:v58+s18+$0x0], $0xffff  }
.LBB2_14:
0x3bf: {  	p0 =	slt.u32 s22, $0x1C;
	v43 =	vmov s25;
	v44 =	vld.idx.msk [tilespmem:v56+s18+$0x0], $0xffff;
	[tilespmem:s15+$0xC50] =	vst v54;
	v54 =	vor.u32 v32, v40;
	v40 =	vmovc v34;
	v34 =	vmov v36  }
0x3c0: {  	v36 =	vand.u32 $0x1F, v43;
	[tilespmem:s13+$0x800] =	vst v52;
	v43 =	vld.idx.msk [tilespmem:v55+s18+$0x0], $0xffff;
	v52 =	vor.u32 v32, v39;
	v39 =	vmovc v33;
	v33 =	vmov v42  }
0x3c1: {  	v42 =	vbroadcast v36, $0x0;
	v48 =	vld.idx.msk [tilespmem:v48+s18+$0x0], $0xffff;
	[tilespmem:s0+$0x800] =	vst v50;
	v36 =	vor.u32 v19, v37  }
0x3c2: {  	v50 =	vor.u32 v32, v38;
	v38 =	vmov v35;
	[tilespmem:s8+$0x800] =	vst v51;
	v47 =	vld.idx.msk [tilespmem:v47+s18+$0x0], $0xffff  }
0x3c3: {  	v35 =	vmov s21;
	s21 =	smov.u32 s22;
	v51 =	vor.u32 v0, v42;
	v46 =	vld.idx.msk [tilespmem:v46+s18+$0x0], $0xffff;
	[tilespmem:s17+$0xC60] =	vst v49  }
0x3c4: {  	s25 =	sadd.s32 $0x1, s22;
	v35 =	vand.u32 $0x1C, v35;
	v49 =	vor.u32 v19, v40;
	v54 =	vld.idx.msk [tilespmem:v54+s18+$0x0], $0xffff;
	[tilespmem:s31+$0xC60] =	vst v53  }
0x3c5: {  	v55 =	vor.u32 v19, v39;
	v35 =	vbroadcast v35, $0x0;
	v53 =	vmov s25;
	[tilespmem:s30+$0x810] =	vst v44;
	v44 =	vld.idx.msk [tilespmem:v52+s18+$0x0], $0xffff  }
0x3c6: {  	v52 =	vand.u32 $0x1D, v53;
	v53 =	vor.u32 v19, v38;
	v56 =	vld.idx.msk [tilespmem:v36+s18+$0x0], $0xffff;
	[tilespmem:s15+$0xC60] =	vst v43  }
0x3c7: {  	v36 =	vbroadcast v52, $0x0;
	v43 =	vor.u32 v0, v35;
	[tilespmem:s13+$0x810] =	vst v48;
	v48 =	vld.idx.msk [tilespmem:v50+s18+$0x0], $0xffff  }
0x3c8: {  	v50 =	vld.idx.msk [tilespmem:v51+s18+$0x0], $0xffff;
	[tilespmem:s0+$0x810] =	vst v47;
	v47 =	vor.u32 v20, v37  }
0x3c9: {  	v51 =	vor.u32 v0, v36;
	[tilespmem:s8+$0x810] =	vst v46;
	v46 =	vld.idx.msk [tilespmem:v49+s18+$0x0], $0xffff  }
0x3ca: {  	s19 =	sadd.s32 $0x800, s19;
	v49 =	vor.u32 v2, v42;
	v52 =	vld.idx.msk [tilespmem:v55+s18+$0x0], $0xffff;
	[tilespmem:s17+$0xC70] =	vst v54;
	s17 =	smov.u32 s13  }
0x3cb: {  	s20 =	sadd.s32 $0x200, s20;
	s13 =	sand.u32 $0x3000, s19;
	v54 =	vor.u32 v20, v40;
	v53 =	vld.idx.msk [tilespmem:v53+s18+$0x0], $0xffff;
	[tilespmem:s31+$0xC70] =	vst v44;
	s31 =	smov.u32 s0  }
0x3cc: {  	s0 =	sadd.s32 $0xFFFFFE80, s20;
	s26 =	sor.u32 $0x18C00, s13;
	v44 =	vor.u32 v2, v34;
	s13 =	sand.u32 $0x380, s20;
	v43 =	vld.idx.msk [tilespmem:v43+s18+$0x0], $0xffff;
	[tilespmem:s30+$0x820] =	vst v56  }
0x3cd: {  	s28 =	sadd.s32 $0xFFFFFF00, s20;
	s29 =	sadd.s32 $0xFFFFFF80, s20;
	v55 =	vor.u32 v2, v33;
	s25 =	sor.u32 s13, s26;
	v47 =	vld.idx.msk [tilespmem:v47+s18+$0x0], $0xffff;
	[tilespmem:s15+$0xC70] =	vst v48  }
0x3ce: {  	s0 =	sand.u32 $0x200, s0;
	s13 =	sand.u32 $0x280, s28;
	s15 =	sand.u32 $0x300, s29;
	v48 =	vld.idx.msk [tilespmem:v51+s18+$0x0], $0xffff;
	v51 =	vor.u32 v2, v35;
	[tilespmem:s25+$0x0] =	vst v50  }
0x3cf: {  	s28 =	sor.u32 s0, s26;
	s13 =	sor.u32 s13, s26;
	s0 =	sor.u32 s15, s26;
	v49 =	vld.idx.msk [tilespmem:v49+s18+$0x0], $0xffff;
	[tilespmem:s17+$0x820] =	vst v46;
	v46 =	vor.u32 v21, v37  }
0x3d0: {  	s15 =	smov.u32 s8;
	s8 =	smov.u32 s28;
	[tilespmem:s13+$0x0] =	vst v41;
	v50 =	vld.idx.msk [tilespmem:v54+s18+$0x0], $0xffff;
	v54 =	vor.u32 v20, v39  }
0x3d1: {  	v44 =	vld.idx.msk [tilespmem:v44+s18+$0x0], $0xffff;
	[tilespmem:s0+$0x0] =	vst v45;
	v45 =	vor.u32 v3, v42  }
0x3d2: {  	[tilespmem:s8+$0x0] =	vst v43;
	v43 =	vld.idx.msk [tilespmem:v55+s18+$0x0], $0xffff;
	v55 =	vor.u32 v20, v38  }
0x3d3: {  	v56 =	vor.u32 v3, v34;
	v51 =	vld.idx.msk [tilespmem:v51+s18+$0x0], $0xffff;
	[tilespmem:s30+$0x830] =	vst v47  }
0x3d4: {  	v47 =	vor.u32 v3, v33;
	v41 =	vmov v48;
	[tilespmem:s31+$0x820] =	vst v52;
	v46 =	vld.idx.msk [tilespmem:v46+s18+$0x0], $0xffff  }
0x3d5: {  	v48 =	vor.u32 v3, v35;
	[tilespmem:s25+$0x10] =	vst v49;
	v49 =	vld.idx.msk [tilespmem:v54+s18+$0x0], $0xffff  }
0x3d6: {  	v52 =	vor.u32 v22, v37;
	v45 =	vld.idx.msk [tilespmem:v45+s18+$0x0], $0xffff;
	[tilespmem:s15+$0x820] =	vst v53  }
0x3d7: {  	v53 =	vor.u32 v21, v40;
	[tilespmem:s13+$0x10] =	vst v44;
	v44 =	vld.idx.msk [tilespmem:v55+s18+$0x0], $0xffff  }
0x3d8: {  	v54 =	vld.idx.msk [tilespmem:v56+s18+$0x0], $0xffff;
	[tilespmem:s0+$0x10] =	vst v43;
	v43 =	vor.u32 v4, v42  }
0x3d9: {  	[tilespmem:s8+$0x10] =	vst v51;
	v47 =	vld.idx.msk [tilespmem:v47+s18+$0x0], $0xffff;
	v51 =	vor.u32 v21, v39  }
0x3da: {  	v55 =	vor.u32 v4, v34;
	v48 =	vld.idx.msk [tilespmem:v48+s18+$0x0], $0xffff;
	[tilespmem:s30+$0x840] =	vst v46  }
0x3db: {  	v46 =	vor.u32 v4, v33;
	[tilespmem:s17+$0x830] =	vst v50;
	v50 =	vld.idx.msk [tilespmem:v52+s18+$0x0], $0xffff  }
0x3dc: {  	v52 =	vor.u32 v4, v35;
	[tilespmem:s25+$0x20] =	vst v45;
	v45 =	vld.idx.msk [tilespmem:v53+s18+$0x0], $0xffff  }
0x3dd: {  	v43 =	vld.idx.msk [tilespmem:v43+s18+$0x0], $0xffff;
	[tilespmem:s31+$0x830] =	vst v49;
	v49 =	vor.u32 v23, v37  }
0x3de: {  	v53 =	vor.u32 v21, v38;
	[tilespmem:s13+$0x20] =	vst v54;
	v51 =	vld.idx.msk [tilespmem:v51+s18+$0x0], $0xffff  }
0x3df: {  	v54 =	vld.idx.msk [tilespmem:v55+s18+$0x0], $0xffff;
	[tilespmem:s0+$0x20] =	vst v47;
	v47 =	vor.u32 v5, v42  }
0x3e0: {  	[tilespmem:s8+$0x20] =	vst v48;
	v46 =	vld.idx.msk [tilespmem:v46+s18+$0x0], $0xffff;
	v48 =	vor.u32 v22, v40  }
0x3e1: {  	v55 =	vor.u32 v5, v34;
	v52 =	vld.idx.msk [tilespmem:v52+s18+$0x0], $0xffff;
	[tilespmem:s30+$0x850] =	vst v50  }
0x3e2: {  	v50 =	vor.u32 v5, v33;
	[tilespmem:s15+$0x830] =	vst v44;
	v44 =	vld.idx.msk [tilespmem:v49+s18+$0x0], $0xffff  }
0x3e3: {  	v49 =	vor.u32 v5, v35;
	[tilespmem:s25+$0x30] =	vst v43;
	v43 =	vld.idx.msk [tilespmem:v53+s18+$0x0], $0xffff  }
0x3e4: {  	v47 =	vld.idx.msk [tilespmem:v47+s18+$0x0], $0xffff;
	[tilespmem:s17+$0x840] =	vst v45;
	v45 =	vor.u32 v24, v37  }
0x3e5: {  	v53 =	vor.u32 v22, v39;
	[tilespmem:s13+$0x30] =	vst v54;
	v48 =	vld.idx.msk [tilespmem:v48+s18+$0x0], $0xffff  }
0x3e6: {  	v54 =	vld.idx.msk [tilespmem:v55+s18+$0x0], $0xffff;
	[tilespmem:s0+$0x30] =	vst v46;
	v46 =	vor.u32 v6, v42  }
0x3e7: {  	[tilespmem:s8+$0x30] =	vst v52;
	v50 =	vld.idx.msk [tilespmem:v50+s18+$0x0], $0xffff;
	v52 =	vor.u32 v22, v38  }
0x3e8: {  	v55 =	vor.u32 v6, v34;
	v49 =	vld.idx.msk [tilespmem:v49+s18+$0x0], $0xffff;
	[tilespmem:s30+$0x860] =	vst v44  }
0x3e9: {  	v44 =	vor.u32 v6, v33;
	[tilespmem:s31+$0x840] =	vst v51;
	v45 =	vld.idx.msk [tilespmem:v45+s18+$0x0], $0xffff  }
0x3ea: {  	v51 =	vor.u32 v6, v35;
	[tilespmem:s25+$0x40] =	vst v47;
	v47 =	vld.idx.msk [tilespmem:v53+s18+$0x0], $0xffff  }
0x3eb: {  	v46 =	vld.idx.msk [tilespmem:v46+s18+$0x0], $0xffff;
	[tilespmem:s15+$0x840] =	vst v43;
	v43 =	vor.u32 v25, v37  }
0x3ec: {  	v53 =	vor.u32 v23, v40;
	[tilespmem:s13+$0x40] =	vst v54;
	v52 =	vld.idx.msk [tilespmem:v52+s18+$0x0], $0xffff  }
0x3ed: {  	v54 =	vld.idx.msk [tilespmem:v55+s18+$0x0], $0xffff;
	[tilespmem:s0+$0x40] =	vst v50;
	v50 =	vor.u32 v7, v42  }
0x3ee: {  	[tilespmem:s8+$0x40] =	vst v49;
	v44 =	vld.idx.msk [tilespmem:v44+s18+$0x0], $0xffff;
	v49 =	vor.u32 v23, v39  }
0x3ef: {  	v55 =	vor.u32 v7, v34;
	v51 =	vld.idx.msk [tilespmem:v51+s18+$0x0], $0xffff;
	[tilespmem:s30+$0x870] =	vst v45  }
0x3f0: {  	v45 =	vor.u32 v7, v33;
	[tilespmem:s17+$0x850] =	vst v48;
	v43 =	vld.idx.msk [tilespmem:v43+s18+$0x0], $0xffff  }
0x3f1: {  	v48 =	vor.u32 v7, v35;
	[tilespmem:s25+$0x50] =	vst v46;
	v46 =	vld.idx.msk [tilespmem:v53+s18+$0x0], $0xffff  }
0x3f2: {  	v50 =	vld.idx.msk [tilespmem:v50+s18+$0x0], $0xffff;
	[tilespmem:s31+$0x850] =	vst v47;
	v47 =	vor.u32 v26, v37  }
0x3f3: {  	v53 =	vor.u32 v23, v38;
	[tilespmem:s13+$0x50] =	vst v54;
	v49 =	vld.idx.msk [tilespmem:v49+s18+$0x0], $0xffff  }
0x3f4: {  	v54 =	vld.idx.msk [tilespmem:v55+s18+$0x0], $0xffff;
	[tilespmem:s0+$0x50] =	vst v44;
	v44 =	vor.u32 v8, v42  }
0x3f5: {  	[tilespmem:s8+$0x50] =	vst v51;
	v45 =	vld.idx.msk [tilespmem:v45+s18+$0x0], $0xffff;
	v51 =	vor.u32 v24, v40  }
0x3f6: {  	v55 =	vor.u32 v8, v34;
	v48 =	vld.idx.msk [tilespmem:v48+s18+$0x0], $0xffff;
	[tilespmem:s30+$0xC00] =	vst v43  }
0x3f7: {  	v43 =	vor.u32 v8, v33;
	[tilespmem:s15+$0x850] =	vst v52;
	v47 =	vld.idx.msk [tilespmem:v47+s18+$0x0], $0xffff  }
0x3f8: {  	v52 =	vor.u32 v8, v35;
	[tilespmem:s25+$0x60] =	vst v50;
	v50 =	vld.idx.msk [tilespmem:v53+s18+$0x0], $0xffff  }
0x3f9: {  	v44 =	vld.idx.msk [tilespmem:v44+s18+$0x0], $0xffff;
	[tilespmem:s17+$0x860] =	vst v46;
	v46 =	vor.u32 v27, v37  }
0x3fa: {  	v53 =	vor.u32 v24, v39;
	[tilespmem:s13+$0x60] =	vst v54;
	v51 =	vld.idx.msk [tilespmem:v51+s18+$0x0], $0xffff  }
0x3fb: {  	v54 =	vld.idx.msk [tilespmem:v55+s18+$0x0], $0xffff;
	[tilespmem:s0+$0x60] =	vst v45;
	v45 =	vor.u32 v9, v42  }
0x3fc: {  	[tilespmem:s8+$0x60] =	vst v48;
	v43 =	vld.idx.msk [tilespmem:v43+s18+$0x0], $0xffff;
	v48 =	vor.u32 v24, v38  }
0x3fd: {  	v55 =	vor.u32 v9, v34;
	v52 =	vld.idx.msk [tilespmem:v52+s18+$0x0], $0xffff;
	[tilespmem:s30+$0xC10] =	vst v47  }
0x3fe: {  	v47 =	vor.u32 v9, v33;
	[tilespmem:s31+$0x860] =	vst v49;
	v46 =	vld.idx.msk [tilespmem:v46+s18+$0x0], $0xffff  }
0x3ff: {  	v49 =	vor.u32 v9, v35;
	[tilespmem:s25+$0x70] =	vst v44;
	v44 =	vld.idx.msk [tilespmem:v53+s18+$0x0], $0xffff  }
0x400: {  	v45 =	vld.idx.msk [tilespmem:v45+s18+$0x0], $0xffff;
	[tilespmem:s15+$0x860] =	vst v50;
	v50 =	vor.u32 v28, v37  }
0x401: {  	v53 =	vor.u32 v25, v40;
	[tilespmem:s13+$0x70] =	vst v54;
	v48 =	vld.idx.msk [tilespmem:v48+s18+$0x0], $0xffff  }
0x402: {  	v54 =	vld.idx.msk [tilespmem:v55+s18+$0x0], $0xffff;
	[tilespmem:s0+$0x70] =	vst v43;
	v43 =	vor.u32 v10, v42  }
0x403: {  	[tilespmem:s8+$0x70] =	vst v52;
	v47 =	vld.idx.msk [tilespmem:v47+s18+$0x0], $0xffff;
	v52 =	vor.u32 v25, v39  }
0x404: {  	v55 =	vor.u32 v10, v34;
	v49 =	vld.idx.msk [tilespmem:v49+s18+$0x0], $0xffff;
	[tilespmem:s30+$0xC20] =	vst v46  }
0x405: {  	v46 =	vor.u32 v10, v33;
	[tilespmem:s17+$0x870] =	vst v51;
	v50 =	vld.idx.msk [tilespmem:v50+s18+$0x0], $0xffff  }
0x406: {  	v51 =	vor.u32 v10, v35;
	[tilespmem:s25+$0x400] =	vst v45;
	v45 =	vld.idx.msk [tilespmem:v53+s18+$0x0], $0xffff  }
0x407: {  	v43 =	vld.idx.msk [tilespmem:v43+s18+$0x0], $0xffff;
	[tilespmem:s31+$0x870] =	vst v44;
	v44 =	vor.u32 v29, v37  }
0x408: {  	v53 =	vor.u32 v25, v38;
	[tilespmem:s13+$0x400] =	vst v54;
	v52 =	vld.idx.msk [tilespmem:v52+s18+$0x0], $0xffff  }
0x409: {  	v54 =	vld.idx.msk [tilespmem:v55+s18+$0x0], $0xffff;
	[tilespmem:s0+$0x400] =	vst v47;
	v47 =	vor.u32 v11, v42  }
0x40a: {  	[tilespmem:s8+$0x400] =	vst v49;
	v46 =	vld.idx.msk [tilespmem:v46+s18+$0x0], $0xffff;
	v49 =	vor.u32 v26, v40  }
0x40b: {  	v55 =	vor.u32 v11, v34;
	v51 =	vld.idx.msk [tilespmem:v51+s18+$0x0], $0xffff;
	[tilespmem:s30+$0xC30] =	vst v50  }
0x40c: {  	v50 =	vor.u32 v11, v33;
	[tilespmem:s15+$0x870] =	vst v48;
	v44 =	vld.idx.msk [tilespmem:v44+s18+$0x0], $0xffff  }
0x40d: {  	v48 =	vor.u32 v11, v35;
	[tilespmem:s25+$0x410] =	vst v43;
	v43 =	vld.idx.msk [tilespmem:v53+s18+$0x0], $0xffff  }
0x40e: {  	v47 =	vld.idx.msk [tilespmem:v47+s18+$0x0], $0xffff;
	[tilespmem:s17+$0xC00] =	vst v45;
	v45 =	vor.u32 v30, v37  }
0x40f: {  	v53 =	vor.u32 v26, v39;
	[tilespmem:s13+$0x410] =	vst v54;
	v49 =	vld.idx.msk [tilespmem:v49+s18+$0x0], $0xffff  }
0x410: {  	v54 =	vld.idx.msk [tilespmem:v55+s18+$0x0], $0xffff;
	[tilespmem:s0+$0x410] =	vst v46;
	v46 =	vor.u32 v12, v42  }
0x411: {  	[tilespmem:s8+$0x410] =	vst v51;
	v50 =	vld.idx.msk [tilespmem:v50+s18+$0x0], $0xffff;
	v51 =	vor.u32 v26, v38  }
0x412: {  	v55 =	vor.u32 v12, v34;
	v48 =	vld.idx.msk [tilespmem:v48+s18+$0x0], $0xffff;
	[tilespmem:s30+$0xC40] =	vst v44  }
0x413: {  	v44 =	vor.u32 v12, v33;
	[tilespmem:s31+$0xC00] =	vst v52;
	v45 =	vld.idx.msk [tilespmem:v45+s18+$0x0], $0xffff  }
0x414: {  	v52 =	vor.u32 v12, v35;
	[tilespmem:s25+$0x420] =	vst v47;
	v47 =	vld.idx.msk [tilespmem:v53+s18+$0x0], $0xffff  }
0x415: {  	v46 =	vld.idx.msk [tilespmem:v46+s18+$0x0], $0xffff;
	[tilespmem:s15+$0xC00] =	vst v43;
	v43 =	vor.u32 v31, v37  }
0x416: {  	v53 =	vor.u32 v27, v40;
	[tilespmem:s13+$0x420] =	vst v54;
	v51 =	vld.idx.msk [tilespmem:v51+s18+$0x0], $0xffff  }
0x417: {  	v54 =	vld.idx.msk [tilespmem:v55+s18+$0x0], $0xffff;
	[tilespmem:s0+$0x420] =	vst v50;
	v50 =	vor.u32 v13, v42  }
0x418: {  	[tilespmem:s8+$0x420] =	vst v48;
	v44 =	vld.idx.msk [tilespmem:v44+s18+$0x0], $0xffff;
	v48 =	vor.u32 v27, v39  }
0x419: {  	v55 =	vor.u32 v13, v34;
	v52 =	vld.idx.msk [tilespmem:v52+s18+$0x0], $0xffff;
	[tilespmem:s30+$0xC50] =	vst v45  }
0x41a: {  	v45 =	vor.u32 v13, v33;
	[tilespmem:s17+$0xC10] =	vst v49;
	v43 =	vld.idx.msk [tilespmem:v43+s18+$0x0], $0xffff  }
0x41b: {  	v49 =	vor.u32 v13, v35;
	[tilespmem:s25+$0x430] =	vst v46;
	v46 =	vld.idx.msk [tilespmem:v53+s18+$0x0], $0xffff  }
0x41c: {  	v50 =	vld.idx.msk [tilespmem:v50+s18+$0x0], $0xffff;
	[tilespmem:s31+$0xC10] =	vst v47;
	v47 =	vor.u32 v32, v37;
	v37 =	vmov v42  }
0x41d: {  	v53 =	vor.u32 v27, v38;
	[tilespmem:s13+$0x430] =	vst v54;
	v48 =	vld.idx.msk [tilespmem:v48+s18+$0x0], $0xffff  }
0x41e: {  	s26 =	sadd.s32 $0x2, s22;
	v54 =	vld.idx.msk [tilespmem:v55+s18+$0x0], $0xffff;
	[tilespmem:s0+$0x430] =	vst v44;
	v44 =	vor.u32 v14, v37  }
0x41f: {  	v42 =	vmov s26;
	[tilespmem:s8+$0x430] =	vst v52;
	v45 =	vld.idx.msk [tilespmem:v45+s18+$0x0], $0xffff;
	v52 =	vor.u32 v28, v40  }
0x420: {  	v42 =	vand.u32 $0x1E, v42;
	v55 =	vor.u32 v14, v34;
	v49 =	vld.idx.msk [tilespmem:v49+s18+$0x0], $0xffff;
	[tilespmem:s30+$0xC60] =	vst v43  }
0x421: {  	v42 =	vbroadcast v42, $0x0;
	v43 =	vor.u32 v14, v33;
	[tilespmem:s15+$0xC10] =	vst v51;
	v47 =	vld.idx.msk [tilespmem:v47+s18+$0x0], $0xffff  }
0x422: {  	v51 =	vor.u32 v14, v35;
	[tilespmem:s25+$0x440] =	vst v50;
	v50 =	vld.idx.msk [tilespmem:v53+s18+$0x0], $0xffff  }
0x423: {  	v53 =	vor.u32 v0, v42;
	v44 =	vld.idx.msk [tilespmem:v44+s18+$0x0], $0xffff;
	[tilespmem:s17+$0xC20] =	vst v46  }
0x424: {  	[tilespmem:s13+$0x440] =	vst v54;
	v46 =	vld.idx.msk [tilespmem:v52+s18+$0x0], $0xffff;
	v52 =	vor.u32 v28, v39  }
0x425: {  	v54 =	vld.idx.msk [tilespmem:v55+s18+$0x0], $0xffff;
	[tilespmem:s0+$0x440] =	vst v45;
	v55 =	vor.u32 v15, v37  }
0x426: {  	[tilespmem:s8+$0x440] =	vst v49;
	v43 =	vld.idx.msk [tilespmem:v43+s18+$0x0], $0xffff;
	v49 =	vor.u32 v28, v38  }
0x427: {  	v56 =	vor.u32 v15, v34;
	v51 =	vld.idx.msk [tilespmem:v51+s18+$0x0], $0xffff;
	[tilespmem:s30+$0xC70] =	vst v47;
	s30 =	smov.u32 s25  }
0x428: {  	v47 =	vor.u32 v15, v33;
	v45 =	vld.idx.msk [tilespmem:v53+s18+$0x0], $0xffff;
	[tilespmem:s31+$0xC20] =	vst v48  }
0x429: {  	v48 =	vor.u32 v15, v35;
	[tilespmem:s30+$0x450] =	vst v44;
	v44 =	vld.idx.msk [tilespmem:v52+s18+$0x0], $0xffff  }
0x42a: {  	v52 =	vld.idx.msk [tilespmem:v55+s18+$0x0], $0xffff;
	[tilespmem:s15+$0xC20] =	vst v50;
	v50 =	vor.u32 v29, v40  }
0x42b: {  	v53 =	vor.u32 v29, v39;
	[tilespmem:s13+$0x450] =	vst v54;
	v49 =	vld.idx.msk [tilespmem:v49+s18+$0x0], $0xffff  }
0x42c: {  	v54 =	vld.idx.msk [tilespmem:v56+s18+$0x0], $0xffff;
	[tilespmem:s0+$0x450] =	vst v43;
	v43 =	vor.u32 v16, v37  }
0x42d: {  	[tilespmem:s8+$0x450] =	vst v51;
	v47 =	vld.idx.msk [tilespmem:v47+s18+$0x0], $0xffff;
	v51 =	vor.u32 v29, v38  }
0x42e: {  	v55 =	vor.u32 v16, v34;
	v48 =	vld.idx.msk [tilespmem:v48+s18+$0x0], $0xffff;
	[tilespmem:s17+$0xC30] =	vst v46  }
0x42f: {  	v46 =	vor.u32 v16, v33;
	v50 =	vld.idx.msk [tilespmem:v50+s18+$0x0], $0xffff;
	[tilespmem:s31+$0xC30] =	vst v44  }
0x430: {  	v44 =	vor.u32 v16, v35;
	[tilespmem:s30+$0x460] =	vst v52;
	v52 =	vld.idx.msk [tilespmem:v53+s18+$0x0], $0xffff  }
0x431: {  	v43 =	vld.idx.msk [tilespmem:v43+s18+$0x0], $0xffff;
	[tilespmem:s15+$0xC30] =	vst v49;
	v49 =	vor.u32 v30, v40  }
0x432: {  	v53 =	vor.u32 v30, v39;
	[tilespmem:s13+$0x460] =	vst v54;
	v51 =	vld.idx.msk [tilespmem:v51+s18+$0x0], $0xffff  }
0x433: {  	v54 =	vld.idx.msk [tilespmem:v55+s18+$0x0], $0xffff;
	[tilespmem:s0+$0x460] =	vst v47;
	v47 =	vor.u32 v17, v37  }
0x434: {  	[tilespmem:s8+$0x460] =	vst v48;
	v46 =	vld.idx.msk [tilespmem:v46+s18+$0x0], $0xffff;
	v48 =	vor.u32 v30, v38  }
0x435: {  	v55 =	vor.u32 v17, v34;
	v44 =	vld.idx.msk [tilespmem:v44+s18+$0x0], $0xffff;
	[tilespmem:s17+$0xC40] =	vst v50  }
0x436: {  	v50 =	vor.u32 v17, v33;
	v49 =	vld.idx.msk [tilespmem:v49+s18+$0x0], $0xffff;
	[tilespmem:s31+$0xC40] =	vst v52  }
0x437: {  	v57 =	vor.u32 v17, v35;
	[tilespmem:s30+$0x470] =	vst v43;
	v43 =	vld.idx.msk [tilespmem:v53+s18+$0x0], $0xffff  }
0x438: {  	v58 =	vor.u32 v31, v40;
	v53 =	vld.idx.msk [tilespmem:v47+s18+$0x0], $0xffff;
	[tilespmem:s15+$0xC40] =	vst v51  }
0x439: {  	v59 =	vor.u32 v31, v39;
	[tilespmem:s13+$0x470] =	vst v54;
	v54 =	vld.idx.msk [tilespmem:v48+s18+$0x0], $0xffff  }
.Ltmp7:
0x43a: {  	v56 =	vor.u32 v18, v37;
	v52 =	vld.idx.msk [tilespmem:v55+s18+$0x0], $0xffff;
	[tilespmem:s0+$0x470] =	vst v46;
	(pc) =	sbr.rel @p0 .LBB2_14-.Ltmp7, $4  }
0x43b: {  	v55 =	vor.u32 v31, v38;
	[tilespmem:s8+$0x470] =	vst v44;
	v50 =	vld.idx.msk [tilespmem:v50+s18+$0x0], $0xffff  }
0x43c: {  	v48 =	vor.u32 v18, v34;
	v51 =	vld.idx.msk [tilespmem:v57+s18+$0x0], $0xffff;
	[tilespmem:s17+$0xC50] =	vst v49  }
0x43d: {  	v47 =	vor.u32 v18, v33;
	v49 =	vld.idx.msk [tilespmem:v58+s18+$0x0], $0xffff;
	[tilespmem:s31+$0xC50] =	vst v43  }
0x43e: {  	s22 =	sadd.s32 $0x4, s22;
	s25 =	sadd.s32 $0x3, s21;
	v46 =	vor.u32 v18, v35;
	[tilespmem:s30+$0x800] =	vst v53;
	v53 =	vld.idx.msk [tilespmem:v59+s18+$0x0], $0xffff  }
0x43f: {  	v43 =	vmov s25  }
0x440: {  	v43 =	vand.u32 $0x1F, v43  }
0x441: {  	v62 =	vmov s21;
	v44 =	vbroadcast v43, $0x0  }
0x442: {  	v43 =	vand.u32 $0x1C, v62  }
0x443: {  	v43 =	vbroadcast v43, $0x0;
	v57 =	vor.u32 v0, v44  }
0x444: {  	[tilespmem:s15+$0xC50] =	vst v54  }
0x445: {  	v63 =	vld.idx.msk [tilespmem:v56+s18+$0x0], $0xffff;
	[tilespmem:s13+$0x800] =	vst v52;
	v58 =	vor.u32 v0, v43  }
0x446: {  	[tilespmem:s0+$0x800] =	vst v50  }
0x447: {  	s19 =	sadd.s32 $0x800, s19;
	s20 =	sadd.s32 $0x200, s20;
	v59 =	vld.idx.msk [tilespmem:v55+s18+$0x0], $0xffff;
	[tilespmem:s8+$0x800] =	vst v51  }
0x448: {  	s19 =	sand.u32 $0x3000, s19;
	s28 =	sadd.s32 $0xFFFFFF00, s20;
	v62 =	vor.u32 v2, v36;
	[tilespmem:s17+$0xC60] =	vst v49;
	v60 =	vld.idx.msk [tilespmem:v57+s18+$0x0], $0xffff  }
0x449: {  	v48 =	vld.idx.msk [tilespmem:v48+s18+$0x0], $0xffff;
	s29 =	sadd.s32 $0xFFFFFF80, s20;
	s22 =	sor.u32 $0x18C00, s19;
	s21 =	sand.u32 $0x280, s28;
	v61 =	vor.u32 v2, v44;
	[tilespmem:s31+$0xC60] =	vst v53  }
0x44a: {  	s25 =	sand.u32 $0x300, s29;
	s28 =	sor.u32 s21, s22;
	[tilespmem:s30+$0x810] =	vst v63;
	v63 =	vor.u32 v2, v42;
	v52 =	vld.idx.msk [tilespmem:v58+s18+$0x0], $0xffff  }
0x44b: {  	s26 =	sand.u32 $0x380, s20;
	v47 =	vld.idx.msk [tilespmem:v47+s18+$0x0], $0xffff;
	s29 =	sor.u32 s25, s22;
	[tilespmem:s28+$0x0] =	vst v41;
	v56 =	vor.u32 v2, v43  }
0x44c: {  	v40 =	vor.u32 v32, v40;
	s19 =	sor.u32 s26, s22;
	s26 =	sadd.s32 $0xFFFFFE80, s20;
	v46 =	vld.idx.msk [tilespmem:v46+s18+$0x0], $0xffff;
	[tilespmem:s29+$0x0] =	vst v45  }
0x44d: {  	v39 =	vor.u32 v32, v39;
	s26 =	sand.u32 $0x200, s26;
	v41 =	vld.idx.msk [tilespmem:v62+s18+$0x0], $0xffff;
	[tilespmem:s19+$0x0] =	vst v60  }
0x44e: {  	s22 =	sor.u32 s26, s22;
	[tilespmem:s15+$0xC60] =	vst v59;
	v59 =	vor.u32 v3, v36;
	v49 =	vld.idx.msk [tilespmem:v61+s18+$0x0], $0xffff  }
0x44f: {  	v57 =	vor.u32 v3, v44;
	v58 =	vld.idx.msk [tilespmem:v63+s18+$0x0], $0xffff;
	[tilespmem:s22+$0x0] =	vst v52  }
0x450: {  	[tilespmem:s13+$0x810] =	vst v48;
	v61 =	vor.u32 v3, v42;
	v60 =	vld.idx.msk [tilespmem:v56+s18+$0x0], $0xffff  }
0x451: {  	v40 =	vld.idx.msk [tilespmem:v40+s18+$0x0], $0xffff;
	[tilespmem:s0+$0x810] =	vst v47;
	v62 =	vor.u32 v3, v43  }
0x452: {  	v38 =	vor.u32 v32, v38;
	v39 =	vld.idx.msk [tilespmem:v39+s18+$0x0], $0xffff;
	[tilespmem:s28+$0x10] =	vst v41  }
0x453: {  	v63 =	vor.u32 v19, v37;
	v41 =	vld.idx.msk [tilespmem:v59+s18+$0x0], $0xffff;
	[tilespmem:s19+$0x10] =	vst v49  }
0x454: {  	[tilespmem:s29+$0x10] =	vst v58;
	v56 =	vor.u32 v4, v36;
	v45 =	vld.idx.msk [tilespmem:v57+s18+$0x0], $0xffff  }
0x455: {  	v54 =	vor.u32 v4, v44;
	v55 =	vld.idx.msk [tilespmem:v61+s18+$0x0], $0xffff;
	[tilespmem:s22+$0x10] =	vst v60  }
0x456: {  	[tilespmem:s8+$0x810] =	vst v46;
	v58 =	vor.u32 v4, v42;
	v57 =	vld.idx.msk [tilespmem:v62+s18+$0x0], $0xffff  }
0x457: {  	v38 =	vld.idx.msk [tilespmem:v38+s18+$0x0], $0xffff;
	[tilespmem:s17+$0xC70] =	vst v40;
	v59 =	vor.u32 v4, v43  }
0x458: {  	[tilespmem:s28+$0x20] =	vst v41;
	v49 =	vld.idx.msk [tilespmem:v63+s18+$0x0], $0xffff  }
0x459: {  	v60 =	vor.u32 v19, v34;
	v41 =	vld.idx.msk [tilespmem:v56+s18+$0x0], $0xffff;
	[tilespmem:s19+$0x20] =	vst v45  }
0x45a: {  	v63 =	vor.u32 v5, v36;
	[tilespmem:s29+$0x20] =	vst v55;
	v51 =	vld.idx.msk [tilespmem:v54+s18+$0x0], $0xffff  }
0x45b: {  	v61 =	vor.u32 v5, v44;
	v62 =	vld.idx.msk [tilespmem:v58+s18+$0x0], $0xffff;
	[tilespmem:s22+$0x20] =	vst v57  }
0x45c: {  	[tilespmem:s31+$0xC70] =	vst v39;
	v55 =	vor.u32 v5, v42;
	v54 =	vld.idx.msk [tilespmem:v59+s18+$0x0], $0xffff  }
0x45d: {  	[tilespmem:s15+$0xC70] =	vst v38;
	v56 =	vor.u32 v5, v43  }
0x45e: {  	v45 =	vld.idx.msk [tilespmem:v60+s18+$0x0], $0xffff;
	v58 =	vor.u32 v19, v33;
	[tilespmem:s28+$0x30] =	vst v41  }
0x45f: {  	v57 =	vor.u32 v20, v37;
	v41 =	vld.idx.msk [tilespmem:v63+s18+$0x0], $0xffff;
	[tilespmem:s19+$0x30] =	vst v51  }
0x460: {  	[tilespmem:s29+$0x30] =	vst v62;
	v48 =	vld.idx.msk [tilespmem:v61+s18+$0x0], $0xffff;
	v61 =	vor.u32 v6, v36  }
0x461: {  	v59 =	vor.u32 v6, v44;
	v60 =	vld.idx.msk [tilespmem:v55+s18+$0x0], $0xffff;
	[tilespmem:s22+$0x30] =	vst v54  }
0x462: {  	[tilespmem:s30+$0x820] =	vst v49;
	v63 =	vor.u32 v6, v42;
	v62 =	vld.idx.msk [tilespmem:v56+s18+$0x0], $0xffff  }
0x463: {  	[tilespmem:s13+$0x820] =	vst v45;
	v55 =	vor.u32 v6, v43;
	v51 =	vld.idx.msk [tilespmem:v58+s18+$0x0], $0xffff  }
0x464: {  	[tilespmem:s28+$0x40] =	vst v41;
	v54 =	vld.idx.msk [tilespmem:v57+s18+$0x0], $0xffff;
	v56 =	vor.u32 v19, v35  }
0x465: {  	v57 =	vor.u32 v21, v37;
	[tilespmem:s19+$0x40] =	vst v48;
	v40 =	vld.idx.msk [tilespmem:v61+s18+$0x0], $0xffff  }
0x466: {  	[tilespmem:s29+$0x40] =	vst v60;
	v60 =	vor.u32 v7, v36;
	v46 =	vld.idx.msk [tilespmem:v59+s18+$0x0], $0xffff  }
0x467: {  	v58 =	vor.u32 v7, v44;
	[tilespmem:s22+$0x40] =	vst v62;
	v59 =	vld.idx.msk [tilespmem:v63+s18+$0x0], $0xffff  }
0x468: {  	[tilespmem:s0+$0x820] =	vst v51;
	v61 =	vor.u32 v7, v42;
	v45 =	vld.idx.msk [tilespmem:v55+s18+$0x0], $0xffff  }
0x469: {  	[tilespmem:s30+$0x830] =	vst v54;
	v62 =	vld.idx.msk [tilespmem:v56+s18+$0x0], $0xffff;
	v63 =	vor.u32 v7, v43  }
0x46a: {  	v54 =	vor.u32 v20, v34;
	v48 =	vld.idx.msk [tilespmem:v57+s18+$0x0], $0xffff;
	[tilespmem:s28+$0x50] =	vst v40  }
0x46b: {  	v55 =	vor.u32 v20, v33;
	[tilespmem:s19+$0x50] =	vst v46;
	v40 =	vld.idx.msk [tilespmem:v60+s18+$0x0], $0xffff  }
0x46c: {  	[tilespmem:s29+$0x50] =	vst v59;
	v39 =	vld.idx.msk [tilespmem:v58+s18+$0x0], $0xffff;
	v58 =	vor.u32 v8, v36  }
0x46d: {  	v56 =	vor.u32 v8, v44;
	[tilespmem:s22+$0x50] =	vst v45;
	v57 =	vld.idx.msk [tilespmem:v61+s18+$0x0], $0xffff  }
0x46e: {  	[tilespmem:s8+$0x820] =	vst v62;
	v60 =	vor.u32 v8, v42;
	v59 =	vld.idx.msk [tilespmem:v63+s18+$0x0], $0xffff  }
0x46f: {  	[tilespmem:s30+$0x840] =	vst v48;
	v62 =	vor.u32 v8, v43;
	v61 =	vld.idx.msk [tilespmem:v54+s18+$0x0], $0xffff  }
0x470: {  	v46 =	vld.idx.msk [tilespmem:v55+s18+$0x0], $0xffff;
	v54 =	vor.u32 v20, v35;
	[tilespmem:s28+$0x60] =	vst v40  }
0x471: {  	v63 =	vor.u32 v22, v37;
	[tilespmem:s19+$0x60] =	vst v39;
	v40 =	vld.idx.msk [tilespmem:v58+s18+$0x0], $0xffff  }
0x472: {  	[tilespmem:s29+$0x60] =	vst v57;
	v57 =	vor.u32 v9, v36;
	v38 =	vld.idx.msk [tilespmem:v56+s18+$0x0], $0xffff  }
0x473: {  	v55 =	vor.u32 v9, v44;
	[tilespmem:s22+$0x60] =	vst v59;
	v56 =	vld.idx.msk [tilespmem:v60+s18+$0x0], $0xffff  }
0x474: {  	[tilespmem:s13+$0x830] =	vst v61;
	v58 =	vor.u32 v9, v42;
	v48 =	vld.idx.msk [tilespmem:v62+s18+$0x0], $0xffff  }
0x475: {  	[tilespmem:s0+$0x830] =	vst v46;
	v39 =	vld.idx.msk [tilespmem:v54+s18+$0x0], $0xffff;
	v60 =	vor.u32 v9, v43  }
0x476: {  	v61 =	vor.u32 v21, v34;
	v59 =	vld.idx.msk [tilespmem:v63+s18+$0x0], $0xffff;
	[tilespmem:s28+$0x70] =	vst v40  }
0x477: {  	v62 =	vor.u32 v23, v37;
	[tilespmem:s19+$0x70] =	vst v38;
	v40 =	vld.idx.msk [tilespmem:v57+s18+$0x0], $0xffff  }
0x478: {  	[tilespmem:s29+$0x70] =	vst v56;
	v41 =	vld.idx.msk [tilespmem:v55+s18+$0x0], $0xffff;
	v55 =	vor.u32 v10, v36  }
0x479: {  	v63 =	vor.u32 v10, v44;
	[tilespmem:s22+$0x70] =	vst v48;
	v54 =	vld.idx.msk [tilespmem:v58+s18+$0x0], $0xffff  }
0x47a: {  	[tilespmem:s8+$0x830] =	vst v39;
	v56 =	vor.u32 v10, v42;
	v46 =	vld.idx.msk [tilespmem:v60+s18+$0x0], $0xffff  }
0x47b: {  	[tilespmem:s30+$0x850] =	vst v59;
	v57 =	vld.idx.msk [tilespmem:v61+s18+$0x0], $0xffff;
	v58 =	vor.u32 v10, v43  }
0x47c: {  	v59 =	vor.u32 v21, v33;
	v38 =	vld.idx.msk [tilespmem:v62+s18+$0x0], $0xffff;
	[tilespmem:s28+$0x400] =	vst v40  }
0x47d: {  	v60 =	vor.u32 v21, v35;
	[tilespmem:s19+$0x400] =	vst v41;
	v40 =	vld.idx.msk [tilespmem:v55+s18+$0x0], $0xffff  }
0x47e: {  	[tilespmem:s29+$0x400] =	vst v54;
	v45 =	vld.idx.msk [tilespmem:v63+s18+$0x0], $0xffff;
	v63 =	vor.u32 v11, v36  }
0x47f: {  	v61 =	vor.u32 v11, v44;
	[tilespmem:s22+$0x400] =	vst v46;
	v62 =	vld.idx.msk [tilespmem:v56+s18+$0x0], $0xffff  }
0x480: {  	[tilespmem:s13+$0x840] =	vst v57;
	v54 =	vor.u32 v11, v42;
	v39 =	vld.idx.msk [tilespmem:v58+s18+$0x0], $0xffff  }
0x481: {  	v55 =	vld.idx.msk [tilespmem:v59+s18+$0x0], $0xffff;
	[tilespmem:s30+$0x860] =	vst v38;
	v56 =	vor.u32 v11, v43  }
0x482: {  	v57 =	vor.u32 v24, v37;
	v41 =	vld.idx.msk [tilespmem:v60+s18+$0x0], $0xffff;
	[tilespmem:s28+$0x410] =	vst v40  }
0x483: {  	v58 =	vor.u32 v22, v34;
	[tilespmem:s19+$0x410] =	vst v45;
	v40 =	vld.idx.msk [tilespmem:v63+s18+$0x0], $0xffff  }
0x484: {  	[tilespmem:s29+$0x410] =	vst v62;
	v47 =	vld.idx.msk [tilespmem:v61+s18+$0x0], $0xffff;
	v61 =	vor.u32 v12, v36  }
0x485: {  	v59 =	vor.u32 v12, v44;
	[tilespmem:s22+$0x410] =	vst v39;
	v60 =	vld.idx.msk [tilespmem:v54+s18+$0x0], $0xffff  }
0x486: {  	[tilespmem:s0+$0x840] =	vst v55;
	v62 =	vor.u32 v12, v42;
	v38 =	vld.idx.msk [tilespmem:v56+s18+$0x0], $0xffff  }
0x487: {  	v63 =	vld.idx.msk [tilespmem:v57+s18+$0x0], $0xffff;
	[tilespmem:s8+$0x840] =	vst v41;
	v54 =	vor.u32 v12, v43  }
0x488: {  	v55 =	vor.u32 v22, v33;
	v45 =	vld.idx.msk [tilespmem:v58+s18+$0x0], $0xffff;
	[tilespmem:s28+$0x420] =	vst v40  }
0x489: {  	v56 =	vor.u32 v25, v37;
	[tilespmem:s19+$0x420] =	vst v47;
	v40 =	vld.idx.msk [tilespmem:v61+s18+$0x0], $0xffff  }
0x48a: {  	[tilespmem:s29+$0x420] =	vst v60;
	v46 =	vld.idx.msk [tilespmem:v59+s18+$0x0], $0xffff;
	v59 =	vor.u32 v13, v36  }
0x48b: {  	v57 =	vor.u32 v13, v44;
	[tilespmem:s22+$0x420] =	vst v38;
	v58 =	vld.idx.msk [tilespmem:v62+s18+$0x0], $0xffff  }
0x48c: {  	[tilespmem:s30+$0x870] =	vst v63;
	v60 =	vor.u32 v13, v42;
	v41 =	vld.idx.msk [tilespmem:v54+s18+$0x0], $0xffff  }
0x48d: {  	v61 =	vld.idx.msk [tilespmem:v55+s18+$0x0], $0xffff;
	[tilespmem:s13+$0x850] =	vst v45;
	v62 =	vor.u32 v13, v43  }
0x48e: {  	v63 =	vor.u32 v22, v35;
	v47 =	vld.idx.msk [tilespmem:v56+s18+$0x0], $0xffff;
	[tilespmem:s28+$0x430] =	vst v40  }
0x48f: {  	v54 =	vor.u32 v23, v34;
	[tilespmem:s19+$0x430] =	vst v46;
	v40 =	vld.idx.msk [tilespmem:v59+s18+$0x0], $0xffff  }
0x490: {  	[tilespmem:s29+$0x430] =	vst v58;
	v39 =	vld.idx.msk [tilespmem:v57+s18+$0x0], $0xffff;
	v57 =	vor.u32 v14, v36  }
0x491: {  	v55 =	vor.u32 v14, v44;
	[tilespmem:s22+$0x430] =	vst v41;
	v56 =	vld.idx.msk [tilespmem:v60+s18+$0x0], $0xffff  }
0x492: {  	[tilespmem:s0+$0x850] =	vst v61;
	v58 =	vor.u32 v14, v42;
	v45 =	vld.idx.msk [tilespmem:v62+s18+$0x0], $0xffff  }
0x493: {  	v59 =	vld.idx.msk [tilespmem:v63+s18+$0x0], $0xffff;
	[tilespmem:s30+$0xC00] =	vst v47;
	v60 =	vor.u32 v14, v43  }
0x494: {  	v61 =	vor.u32 v26, v37;
	v46 =	vld.idx.msk [tilespmem:v54+s18+$0x0], $0xffff;
	[tilespmem:s28+$0x440] =	vst v40  }
0x495: {  	v62 =	vor.u32 v23, v33;
	[tilespmem:s19+$0x440] =	vst v39;
	v40 =	vld.idx.msk [tilespmem:v57+s18+$0x0], $0xffff  }
0x496: {  	[tilespmem:s29+$0x440] =	vst v56;
	v38 =	vld.idx.msk [tilespmem:v55+s18+$0x0], $0xffff;
	v55 =	vor.u32 v15, v36  }
0x497: {  	v63 =	vor.u32 v15, v44;
	[tilespmem:s22+$0x440] =	vst v45;
	v54 =	vld.idx.msk [tilespmem:v58+s18+$0x0], $0xffff  }
0x498: {  	[tilespmem:s8+$0x850] =	vst v59;
	v56 =	vor.u32 v15, v42;
	v47 =	vld.idx.msk [tilespmem:v60+s18+$0x0], $0xffff  }
0x499: {  	v57 =	vld.idx.msk [tilespmem:v61+s18+$0x0], $0xffff;
	[tilespmem:s13+$0x860] =	vst v46;
	v58 =	vor.u32 v15, v43  }
0x49a: {  	v59 =	vor.u32 v23, v35;
	v39 =	vld.idx.msk [tilespmem:v62+s18+$0x0], $0xffff;
	[tilespmem:s28+$0x450] =	vst v40  }
0x49b: {  	v60 =	vor.u32 v27, v37;
	[tilespmem:s19+$0x450] =	vst v38;
	v40 =	vld.idx.msk [tilespmem:v55+s18+$0x0], $0xffff  }
0x49c: {  	[tilespmem:s29+$0x450] =	vst v54;
	v41 =	vld.idx.msk [tilespmem:v63+s18+$0x0], $0xffff;
	v63 =	vor.u32 v16, v36  }
0x49d: {  	v61 =	vor.u32 v16, v44;
	[tilespmem:s22+$0x450] =	vst v47;
	v62 =	vld.idx.msk [tilespmem:v56+s18+$0x0], $0xffff  }
0x49e: {  	[tilespmem:s30+$0xC10] =	vst v57;
	v54 =	vor.u32 v16, v42;
	v46 =	vld.idx.msk [tilespmem:v58+s18+$0x0], $0xffff  }
0x49f: {  	v55 =	vld.idx.msk [tilespmem:v59+s18+$0x0], $0xffff;
	[tilespmem:s0+$0x860] =	vst v39;
	v56 =	vor.u32 v16, v43  }
0x4a0: {  	v57 =	vor.u32 v24, v34;
	v38 =	vld.idx.msk [tilespmem:v60+s18+$0x0], $0xffff;
	[tilespmem:s28+$0x460] =	vst v40  }
0x4a1: {  	v58 =	vor.u32 v24, v33;
	[tilespmem:s19+$0x460] =	vst v41;
	v40 =	vld.idx.msk [tilespmem:v63+s18+$0x0], $0xffff  }
0x4a2: {  	[tilespmem:s29+$0x460] =	vst v62;
	v45 =	vld.idx.msk [tilespmem:v61+s18+$0x0], $0xffff;
	v61 =	vor.u32 v17, v36  }
0x4a3: {  	v59 =	vor.u32 v17, v44;
	[tilespmem:s22+$0x460] =	vst v46;
	v60 =	vld.idx.msk [tilespmem:v54+s18+$0x0], $0xffff  }
0x4a4: {  	[tilespmem:s8+$0x860] =	vst v55;
	v62 =	vor.u32 v17, v42;
	v39 =	vld.idx.msk [tilespmem:v56+s18+$0x0], $0xffff  }
0x4a5: {  	v63 =	vld.idx.msk [tilespmem:v57+s18+$0x0], $0xffff;
	[tilespmem:s30+$0xC20] =	vst v38;
	v54 =	vor.u32 v17, v43  }
0x4a6: {  	v55 =	vor.u32 v28, v37;
	v41 =	vld.idx.msk [tilespmem:v58+s18+$0x0], $0xffff;
	[tilespmem:s28+$0x470] =	vst v40  }
0x4a7: {  	v56 =	vor.u32 v24, v35;
	[tilespmem:s19+$0x470] =	vst v45;
	v40 =	vld.idx.msk [tilespmem:v61+s18+$0x0], $0xffff  }
0x4a8: {  	[tilespmem:s29+$0x470] =	vst v60;
	v47 =	vld.idx.msk [tilespmem:v59+s18+$0x0], $0xffff;
	v59 =	vor.u32 v18, v36  }
0x4a9: {  	v57 =	vor.u32 v18, v44;
	[tilespmem:s22+$0x470] =	vst v39;
	v58 =	vld.idx.msk [tilespmem:v62+s18+$0x0], $0xffff  }
0x4aa: {  	[tilespmem:s13+$0x870] =	vst v63;
	v60 =	vor.u32 v18, v42;
	v38 =	vld.idx.msk [tilespmem:v54+s18+$0x0], $0xffff  }
0x4ab: {  	v61 =	vld.idx.msk [tilespmem:v55+s18+$0x0], $0xffff;
	[tilespmem:s0+$0x870] =	vst v41;
	v62 =	vor.u32 v18, v43  }
0x4ac: {  	v63 =	vor.u32 v25, v34;
	v45 =	vld.idx.msk [tilespmem:v56+s18+$0x0], $0xffff;
	[tilespmem:s28+$0x800] =	vst v40  }
0x4ad: {  	v54 =	vor.u32 v29, v37;
	[tilespmem:s19+$0x800] =	vst v47;
	v40 =	vld.idx.msk [tilespmem:v59+s18+$0x0], $0xffff  }
0x4ae: {  	[tilespmem:s29+$0x800] =	vst v58;
	v46 =	vld.idx.msk [tilespmem:v57+s18+$0x0], $0xffff;
	v57 =	vor.u32 v19, v36  }
0x4af: {  	v55 =	vor.u32 v19, v44;
	[tilespmem:s22+$0x800] =	vst v38;
	v56 =	vld.idx.msk [tilespmem:v60+s18+$0x0], $0xffff  }
0x4b0: {  	[tilespmem:s30+$0xC30] =	vst v61;
	v58 =	vor.u32 v19, v42;
	v41 =	vld.idx.msk [tilespmem:v62+s18+$0x0], $0xffff  }
0x4b1: {  	v59 =	vld.idx.msk [tilespmem:v63+s18+$0x0], $0xffff;
	[tilespmem:s8+$0x870] =	vst v45;
	v60 =	vor.u32 v19, v43  }
0x4b2: {  	v61 =	vor.u32 v25, v33;
	v47 =	vld.idx.msk [tilespmem:v54+s18+$0x0], $0xffff;
	[tilespmem:s28+$0x810] =	vst v40  }
0x4b3: {  	v62 =	vor.u32 v25, v35;
	[tilespmem:s19+$0x810] =	vst v46;
	v40 =	vld.idx.msk [tilespmem:v57+s18+$0x0], $0xffff  }
0x4b4: {  	[tilespmem:s29+$0x810] =	vst v56;
	v39 =	vld.idx.msk [tilespmem:v55+s18+$0x0], $0xffff;
	v55 =	vor.u32 v20, v36  }
0x4b5: {  	v63 =	vor.u32 v20, v44;
	[tilespmem:s22+$0x810] =	vst v41;
	v54 =	vld.idx.msk [tilespmem:v58+s18+$0x0], $0xffff  }
0x4b6: {  	[tilespmem:s13+$0xC00] =	vst v59;
	v56 =	vor.u32 v20, v42;
	v45 =	vld.idx.msk [tilespmem:v60+s18+$0x0], $0xffff  }
0x4b7: {  	v57 =	vld.idx.msk [tilespmem:v61+s18+$0x0], $0xffff;
	[tilespmem:s30+$0xC40] =	vst v47;
	v58 =	vor.u32 v20, v43  }
0x4b8: {  	v59 =	vor.u32 v30, v37;
	v46 =	vld.idx.msk [tilespmem:v62+s18+$0x0], $0xffff;
	[tilespmem:s28+$0x820] =	vst v40  }
0x4b9: {  	v60 =	vor.u32 v26, v34;
	[tilespmem:s19+$0x820] =	vst v39;
	v48 =	vld.idx.msk [tilespmem:v55+s18+$0x0], $0xffff  }
0x4ba: {  	v62 =	vor.u32 v21, v36;
	[tilespmem:s29+$0x820] =	vst v54;
	v38 =	vld.idx.msk [tilespmem:v63+s18+$0x0], $0xffff  }
0x4bb: {  	v61 =	vor.u32 v21, v44;
	v41 =	vld.idx.msk [tilespmem:v56+s18+$0x0], $0xffff;
	[tilespmem:s22+$0x820] =	vst v45  }
0x4bc: {  	[tilespmem:s0+$0xC00] =	vst v57;
	v63 =	vor.u32 v21, v42;
	v47 =	vld.idx.msk [tilespmem:v58+s18+$0x0], $0xffff  }
0x4bd: {  	v54 =	vld.idx.msk [tilespmem:v59+s18+$0x0], $0xffff;
	[tilespmem:s8+$0xC00] =	vst v46;
	v55 =	vor.u32 v21, v43  }
0x4be: {  	v57 =	vor.u32 v31, v37;
	v39 =	vld.idx.msk [tilespmem:v60+s18+$0x0], $0xffff;
	[tilespmem:s28+$0x830] =	vst v48  }
0x4bf: {  	v56 =	vor.u32 v26, v33;
	[tilespmem:s19+$0x830] =	vst v38;
	v45 =	vld.idx.msk [tilespmem:v62+s18+$0x0], $0xffff  }
0x4c0: {  	v59 =	vor.u32 v22, v36;
	[tilespmem:s29+$0x830] =	vst v41;
	v40 =	vld.idx.msk [tilespmem:v61+s18+$0x0], $0xffff  }
0x4c1: {  	v58 =	vor.u32 v22, v44;
	v41 =	vld.idx.msk [tilespmem:v63+s18+$0x0], $0xffff;
	[tilespmem:s22+$0x830] =	vst v47  }
0x4c2: {  	v60 =	vor.u32 v22, v42;
	[tilespmem:s30+$0xC50] =	vst v54;
	v46 =	vld.idx.msk [tilespmem:v55+s18+$0x0], $0xffff  }
0x4c3: {  	[tilespmem:s13+$0xC10] =	vst v39;
	v62 =	vor.u32 v22, v43;
	v38 =	vld.idx.msk [tilespmem:v57+s18+$0x0], $0xffff  }
0x4c4: {  	v61 =	vld.idx.msk [tilespmem:v56+s18+$0x0], $0xffff;
	v63 =	vor.u32 v26, v35;
	[tilespmem:s28+$0x840] =	vst v45  }
0x4c5: {  	v52 =	vor.u32 v27, v34;
	[tilespmem:s19+$0x840] =	vst v40;
	v49 =	vld.idx.msk [tilespmem:v59+s18+$0x0], $0xffff  }
0x4c6: {  	v54 =	vor.u32 v23, v36;
	[tilespmem:s29+$0x840] =	vst v41;
	v48 =	vld.idx.msk [tilespmem:v58+s18+$0x0], $0xffff  }
0x4c7: {  	v53 =	vor.u32 v23, v44;
	v41 =	vld.idx.msk [tilespmem:v60+s18+$0x0], $0xffff;
	[tilespmem:s22+$0x840] =	vst v46  }
0x4c8: {  	v55 =	vor.u32 v23, v42;
	[tilespmem:s30+$0xC60] =	vst v38;
	v39 =	vld.idx.msk [tilespmem:v62+s18+$0x0], $0xffff  }
0x4c9: {  	v57 =	vor.u32 v23, v43;
	[tilespmem:s0+$0xC10] =	vst v61;
	v56 =	vld.idx.msk [tilespmem:v63+s18+$0x0], $0xffff  }
0x4ca: {  	v40 =	vld.idx.msk [tilespmem:v52+s18+$0x0], $0xffff;
	v58 =	vor.u32 v32, v37;
	[tilespmem:s28+$0x850] =	vst v49  }
0x4cb: {  	v59 =	vor.u32 v27, v33;
	[tilespmem:s19+$0x850] =	vst v48;
	v46 =	vld.idx.msk [tilespmem:v54+s18+$0x0], $0xffff  }
0x4cc: {  	v61 =	vor.u32 v24, v36;
	[tilespmem:s29+$0x850] =	vst v41;
	v45 =	vld.idx.msk [tilespmem:v53+s18+$0x0], $0xffff  }
0x4cd: {  	v60 =	vor.u32 v24, v44;
	v41 =	vld.idx.msk [tilespmem:v55+s18+$0x0], $0xffff;
	[tilespmem:s22+$0x850] =	vst v39  }
0x4ce: {  	v62 =	vor.u32 v24, v42;
	[tilespmem:s8+$0xC10] =	vst v56;
	v38 =	vld.idx.msk [tilespmem:v57+s18+$0x0], $0xffff  }
0x4cf: {  	v63 =	vor.u32 v24, v43;
	[tilespmem:s13+$0xC20] =	vst v40;
	v37 =	vld.idx.msk [tilespmem:v58+s18+$0x0], $0xffff  }
0x4d0: {  	v52 =	vor.u32 v27, v35;
	v48 =	vld.idx.msk [tilespmem:v59+s18+$0x0], $0xffff;
	[tilespmem:s28+$0x860] =	vst v46  }
0x4d1: {  	v53 =	vor.u32 v28, v34;
	[tilespmem:s19+$0x860] =	vst v45;
	v47 =	vld.idx.msk [tilespmem:v61+s18+$0x0], $0xffff  }
0x4d2: {  	v55 =	vor.u32 v25, v36;
	[tilespmem:s29+$0x860] =	vst v41;
	v49 =	vld.idx.msk [tilespmem:v60+s18+$0x0], $0xffff  }
0x4d3: {  	v54 =	vor.u32 v25, v44;
	v39 =	vld.idx.msk [tilespmem:v62+s18+$0x0], $0xffff;
	[tilespmem:s22+$0x860] =	vst v38  }
0x4d4: {  	v57 =	vor.u32 v25, v42;
	[tilespmem:s30+$0xC70] =	vst v37;
	v56 =	vld.idx.msk [tilespmem:v63+s18+$0x0], $0xffff  }
0x4d5: {  	v58 =	vld.idx.msk [tilespmem:v52+s18+$0x0], $0xffff;
	v59 =	vor.u32 v25, v43;
	[tilespmem:s0+$0xC20] =	vst v48  }
0x4d6: {  	v45 =	vld.idx.msk [tilespmem:v53+s18+$0x0], $0xffff;
	v60 =	vor.u32 v28, v33;
	[tilespmem:s28+$0x870] =	vst v47  }
0x4d7: {  	v61 =	vor.u32 v28, v35;
	[tilespmem:s19+$0x870] =	vst v49;
	v38 =	vld.idx.msk [tilespmem:v55+s18+$0x0], $0xffff  }
0x4d8: {  	v63 =	vor.u32 v26, v36;
	[tilespmem:s29+$0x870] =	vst v39;
	v46 =	vld.idx.msk [tilespmem:v54+s18+$0x0], $0xffff  }
0x4d9: {  	v62 =	vor.u32 v26, v44;
	v39 =	vld.idx.msk [tilespmem:v57+s18+$0x0], $0xffff;
	[tilespmem:s22+$0x870] =	vst v56  }
0x4da: {  	v52 =	vor.u32 v26, v42;
	[tilespmem:s8+$0xC20] =	vst v58;
	v37 =	vld.idx.msk [tilespmem:v59+s18+$0x0], $0xffff  }
0x4db: {  	[tilespmem:s13+$0xC30] =	vst v45;
	v53 =	vld.idx.msk [tilespmem:v60+s18+$0x0], $0xffff;
	v54 =	vor.u32 v26, v43  }
0x4dc: {  	v55 =	vor.u32 v29, v34;
	v49 =	vld.idx.msk [tilespmem:v61+s18+$0x0], $0xffff;
	[tilespmem:s28+$0xC00] =	vst v38  }
0x4dd: {  	v56 =	vor.u32 v29, v33;
	[tilespmem:s19+$0xC00] =	vst v46;
	v40 =	vld.idx.msk [tilespmem:v63+s18+$0x0], $0xffff  }
0x4de: {  	v58 =	vor.u32 v27, v36;
	[tilespmem:s29+$0xC00] =	vst v39;
	v47 =	vld.idx.msk [tilespmem:v62+s18+$0x0], $0xffff  }
0x4df: {  	v57 =	vor.u32 v27, v44;
	v39 =	vld.idx.msk [tilespmem:v52+s18+$0x0], $0xffff;
	[tilespmem:s22+$0xC00] =	vst v37  }
0x4e0: {  	v60 =	vor.u32 v27, v42;
	[tilespmem:s0+$0xC30] =	vst v53;
	v59 =	vld.idx.msk [tilespmem:v54+s18+$0x0], $0xffff  }
0x4e1: {  	v61 =	vld.idx.msk [tilespmem:v55+s18+$0x0], $0xffff;
	[tilespmem:s8+$0xC30] =	vst v49;
	v62 =	vor.u32 v27, v43  }
0x4e2: {  	v63 =	vor.u32 v29, v35;
	v46 =	vld.idx.msk [tilespmem:v56+s18+$0x0], $0xffff;
	[tilespmem:s28+$0xC10] =	vst v40  }
0x4e3: {  	v52 =	vor.u32 v30, v34;
	[tilespmem:s19+$0xC10] =	vst v47;
	v37 =	vld.idx.msk [tilespmem:v58+s18+$0x0], $0xffff  }
0x4e4: {  	v54 =	vor.u32 v28, v36;
	[tilespmem:s29+$0xC10] =	vst v39;
	v38 =	vld.idx.msk [tilespmem:v57+s18+$0x0], $0xffff  }
0x4e5: {  	v53 =	vor.u32 v28, v44;
	v39 =	vld.idx.msk [tilespmem:v60+s18+$0x0], $0xffff;
	[tilespmem:s22+$0xC10] =	vst v59  }
0x4e6: {  	v55 =	vor.u32 v28, v42;
	[tilespmem:s13+$0xC40] =	vst v61;
	v41 =	vld.idx.msk [tilespmem:v62+s18+$0x0], $0xffff  }
0x4e7: {  	v56 =	vld.idx.msk [tilespmem:v63+s18+$0x0], $0xffff;
	[tilespmem:s0+$0xC40] =	vst v46;
	v57 =	vor.u32 v28, v43  }
0x4e8: {  	v58 =	vor.u32 v30, v33;
	v47 =	vld.idx.msk [tilespmem:v52+s18+$0x0], $0xffff;
	[tilespmem:s28+$0xC20] =	vst v37  }
0x4e9: {  	v59 =	vor.u32 v30, v35;
	[tilespmem:s19+$0xC20] =	vst v38;
	v45 =	vld.idx.msk [tilespmem:v54+s18+$0x0], $0xffff  }
0x4ea: {  	v61 =	vor.u32 v29, v36;
	[tilespmem:s29+$0xC20] =	vst v39;
	v40 =	vld.idx.msk [tilespmem:v53+s18+$0x0], $0xffff  }
0x4eb: {  	v60 =	vor.u32 v29, v44;
	v39 =	vld.idx.msk [tilespmem:v55+s18+$0x0], $0xffff;
	[tilespmem:s22+$0xC20] =	vst v41  }
0x4ec: {  	v62 =	vor.u32 v29, v42;
	[tilespmem:s8+$0xC40] =	vst v56;
	v46 =	vld.idx.msk [tilespmem:v57+s18+$0x0], $0xffff  }
0x4ed: {  	v52 =	vor.u32 v29, v43;
	v63 =	vld.idx.msk [tilespmem:v58+s18+$0x0], $0xffff;
	[tilespmem:s13+$0xC50] =	vst v47  }
0x4ee: {  	v38 =	vld.idx.msk [tilespmem:v59+s18+$0x0], $0xffff;
	v53 =	vor.u32 v31, v34;
	[tilespmem:s28+$0xC30] =	vst v45  }
0x4ef: {  	v54 =	vor.u32 v31, v33;
	[tilespmem:s19+$0xC30] =	vst v40;
	v41 =	vld.idx.msk [tilespmem:v61+s18+$0x0], $0xffff  }
0x4f0: {  	v56 =	vor.u32 v30, v36;
	[tilespmem:s29+$0xC30] =	vst v39;
	v37 =	vld.idx.msk [tilespmem:v60+s18+$0x0], $0xffff  }
0x4f1: {  	v55 =	vor.u32 v30, v44;
	v39 =	vld.idx.msk [tilespmem:v62+s18+$0x0], $0xffff;
	[tilespmem:s22+$0xC30] =	vst v46  }
0x4f2: {  	v57 =	vor.u32 v30, v42;
	[tilespmem:s0+$0xC50] =	vst v63;
	v47 =	vld.idx.msk [tilespmem:v52+s18+$0x0], $0xffff  }
0x4f3: {  	v59 =	vor.u32 v30, v43;
	[tilespmem:s8+$0xC50] =	vst v38;
	v58 =	vld.idx.msk [tilespmem:v53+s18+$0x0], $0xffff  }
0x4f4: {  	v40 =	vld.idx.msk [tilespmem:v54+s18+$0x0], $0xffff;
	v60 =	vor.u32 v31, v35;
	[tilespmem:s28+$0xC40] =	vst v41  }
0x4f5: {  	v61 =	vor.u32 v32, v34;
	[tilespmem:s19+$0xC40] =	vst v37;
	v63 =	vld.idx.msk [tilespmem:v56+s18+$0x0], $0xffff  }
0x4f6: {  	v52 =	vor.u32 v31, v36;
	[tilespmem:s29+$0xC40] =	vst v39;
	v37 =	vld.idx.msk [tilespmem:v55+s18+$0x0], $0xffff  }
0x4f7: {  	v62 =	vor.u32 v31, v44;
	v39 =	vld.idx.msk [tilespmem:v57+s18+$0x0], $0xffff;
	[tilespmem:s22+$0xC40] =	vst v47  }
0x4f8: {  	v53 =	vor.u32 v31, v42;
	[tilespmem:s13+$0xC60] =	vst v58;
	v38 =	vld.idx.msk [tilespmem:v59+s18+$0x0], $0xffff  }
0x4f9: {  	[tilespmem:s0+$0xC60] =	vst v40;
	v54 =	vld.idx.msk [tilespmem:v60+s18+$0x0], $0xffff;
	v55 =	vor.u32 v31, v43  }
0x4fa: {  	v56 =	vor.u32 v32, v33;
	v34 =	vld.idx.msk [tilespmem:v61+s18+$0x0], $0xffff;
	[tilespmem:s28+$0xC50] =	vst v63  }
0x4fb: {  	v57 =	vor.u32 v32, v35;
	[tilespmem:s19+$0xC50] =	vst v37;
	v59 =	vld.idx.msk [tilespmem:v52+s18+$0x0], $0xffff  }
0x4fc: {  	v60 =	vor.u32 v32, v36;
	[tilespmem:s29+$0xC50] =	vst v39;
	v37 =	vld.idx.msk [tilespmem:v62+s18+$0x0], $0xffff  }
0x4fd: {  	v58 =	vor.u32 v32, v44;
	v39 =	vld.idx.msk [tilespmem:v53+s18+$0x0], $0xffff;
	[tilespmem:s22+$0xC50] =	vst v38  }
0x4fe: {  	v61 =	vor.u32 v32, v42;
	[tilespmem:s8+$0xC60] =	vst v54;
	v38 =	vld.idx.msk [tilespmem:v55+s18+$0x0], $0xffff  }
0x4ff: {  	v33 =	vld.idx.msk [tilespmem:v56+s18+$0x0], $0xffff;
	[tilespmem:s13+$0xC70] =	vst v34;
	v62 =	vor.u32 v32, v43  }
0x500: {  	v35 =	vld.idx.msk [tilespmem:v57+s18+$0x0], $0xffff;
	[tilespmem:s28+$0xC60] =	vst v59  }
0x501: {  	[tilespmem:s19+$0xC60] =	vst v37;
	v36 =	vld.idx.msk [tilespmem:v60+s18+$0x0], $0xffff  }
0x502: {  	[tilespmem:s29+$0xC60] =	vst v39;
	v37 =	vld.idx.msk [tilespmem:v58+s18+$0x0], $0xffff  }
0x503: {  	v39 =	vld.idx.msk [tilespmem:v61+s18+$0x0], $0xffff;
	[tilespmem:s22+$0xC60] =	vst v38  }
0x504: {  	[tilespmem:s0+$0xC70] =	vst v33;
	v63 =	vld.idx.msk [tilespmem:v62+s18+$0x0], $0xffff  }
0x505: {  	[tilespmem:s8+$0xC70] =	vst v35  }
0x506: {  	[tilespmem:s28+$0xC70] =	vst v36  }
0x507: {  	s20 =	sadd.s32 s9, s10;
	[tilespmem:s19+$0xC70] =	vst v37  }
0x508: {  	s1 =	sadd.s32 $0x1, s1;
	s21 =	sshrl.u32 s20, $0x3;
	[tilespmem:s29+$0xC70] =	vst v39  }
0x509: {  	s25 =	simm.s32 $0x18C00;
	s26 =	sadd.s32 $0x20000, s20;
	s8 =	sadd.s32 s2, s21;
	[tilespmem:s22+$0xC70] =	vst v63  }
0x50a: {  	[hbm4b:s8+s3] =	stream.linear.scatter [tilespmem:s25], [sflag:$0x4], $0x1000, $0x38;
	[tilespmem:$0x1CC00] =	vst v63  }
0x50b: {  	s11 =	sadd.s32 $0x1, s11;
	p0 =	sne.s32 s1, $0x19;
	s8 =	sshrl.u32 s26, $0x3  }
0x50c: {  	s28 =	simm.s32 $0x19C00;
	s29 =	sadd.s32 $0x40000, s20;
	s8 =	sadd.s32 s2, s8  }
0x50d: {  	[hbm4b:s8+s3] =	stream.linear.scatter [tilespmem:s28], [sflag:$0x4], $0x1000, $0x38;
	[tilespmem:$0x1CC00] =	vst v63  }
.Ltmp8:
0x50e: {  	s0 =	sadd.s32 $0x60000, s20;
	s8 =	sshrl.u32 s29, $0x3;
	(pc) =	sbr.rel @p0 .LBB2_4-.Ltmp8, $4  }
0x50f: {  	s30 =	simm.s32 $0x1AC00;
	s0 =	sshrl.u32 s0, $0x3;
	s8 =	sadd.s32 s2, s8  }
0x510: {  	[hbm4b:s8+s3] =	stream.linear.scatter [tilespmem:s30], [sflag:$0x4], $0x1000, $0x38;
	[tilespmem:$0x1CC00] =	vst v63  }
0x511: {  	s12 =	sadd.s32 $0x1, s12;
	s31 =	simm.s32 $0x1BC00;
	s0 =	sadd.s32 s2, s0  }
0x512: {  	[hbm4b:s0+s3] =	stream.linear.scatter [tilespmem:s31], [sflag:$0x4], $0x1000, $0x38;
	[tilespmem:$0x1CC00] =	vst v63  }
0x513: {  	s0 =	simm.s32 $0x3  }
0x514: {  	_ =	swait.ge [sflag:s0], $0x1000  }
0x515: {  	[sflag:s0] =	ssyncset.done $0x0  }
0x516: {  	[sflag:s0] =	ssyncadd.s32 $0xFFFFF000  }
0x517: {  	_ =	swait.ge [sflag:s0], $0x1000  }
0x518: {  	[sflag:s0] =	ssyncset.done $0x0  }
0x519: {  	[sflag:s0] =	ssyncadd.s32 $0xFFFFF000  }
0x51a: {  	_ =	swait.ge [sflag:s0], $0x1000  }
0x51b: {  	[sflag:s0] =	ssyncset.done $0x0  }
0x51c: {  	[sflag:s0] =	ssyncadd.s32 $0xFFFFF000  }
0x51d: {  	_ =	swait.ge [sflag:s0], $0x1000  }
0x51e: {  	[sflag:s0] =	ssyncset.done $0x0  }
0x51f: {  	[sflag:s0] =	ssyncadd.s32 $0xFFFFF000  }
0x520: {  	_ =	swait.ge [sflag:s24], $0x1000  }
0x521: {  	[sflag:s24] =	ssyncset.done $0x0  }
0x522: {  	[sflag:s24] =	ssyncadd.s32 $0xFFFFF000  }
0x523: {  	_ =	swait.ge [sflag:s24], $0x1000  }
0x524: {  	[sflag:s24] =	ssyncset.done $0x0  }
0x525: {  	[sflag:s24] =	ssyncadd.s32 $0xFFFFF000  }
0x526: {  	_ =	swait.ge [sflag:s24], $0x1000  }
0x527: {  	[sflag:s24] =	ssyncset.done $0x0  }
0x528: {  	[sflag:s24] =	ssyncadd.s32 $0xFFFFF000  }
0x529: {  	_ =	swait.ge [sflag:s24], $0x1000  }
0x52a: {  	s1 =	rddreg [dreg:$0x8]  }
0x52b: {  	s31 =	rddreg [dreg:$0x5];
	s1 =	sadd.s32 $0x1, s1  }
0x52c: {  	p0 =	sne.s32 s1, s31  }
.Ltmp9:
0x52d: {  	_ = 	snop;
	(pc) =	sbr.rel @p0 .LBB2_1-.Ltmp9, $3  }
0x52e: {  	_ =	sdelay $0x1  }
0x52f: {  	[sflag:s24] =	ssyncset.done $0x0  }
0x530: {  	[sflag:s24] =	ssyncadd.s32 $0xFFFFF000  }
0x531: {  	_ =	sfence.sel $0x180000  }
0x532: {  	[bflag:$0x0] =	sbarrier.arrive $0xFFFF  }
0x533: {  	_ =	strace $0x90000047  }
0x534: {  	s0 =	stileid.u32;
	[bflag:$0x2] =	sbarrier.arrive $0xFFFF  }
0x535: {  	p0 =	sne.s32 s0, $0x0;
	s0 =	rddreg [dreg:$0x3]  }
0x536: {  	s0 =	sadd.s32 @!p0 $0x100000, s0  }
0x537: {  	[sflag:s0] =	ssyncadd.tile.s32 @!p0 $0x1;
	_ =	shalt  }
.Lfunc_end2:
_tile_overlayer_lowered:
.L_overlay_start_2:
0x538: {  	(tag) =	ssettag $0x2  }
0x539: {  	s0 =	rddreg [dreg:$0x0];
	s2 =	stileid.u32  }
0x53a: {  	s1 =	rddreg [dreg:$0x1];
	p0 =	sne.s32 s2, $0x0  }
0x53b: {  	s3 =	rddreg [dreg:$0x2];
	[bflag:$0x3] =	sbarrier.arrive $0xFFFF;
	s2 =	simm.s32 @!p0 $0x1C05  }
0x53c: {  	[timem:s3], [sflag:s2] =	dma.local @!p0 [hbm:s0], s1  }
0x53d: {  	s0 =	simm.s32 @!p0 $0x5  }
0x53e: {  	_ =	swait.ge @!p0 [sflag:s0], s1  }
0x53f: {  	s1 =	ssub.s32 @!p0 $0x0, s1;
	[sflag:s0] =	ssyncset.done @!p0 $0x0  }
0x540: {  	[sflag:s0] =	ssyncadd.s32 @!p0 s1  }
0x541: {  	[bflag:$0x3] =	sbarrier.arrive $0xFFFF  }
0x542: {  	_ =	shalt  }

</sc_bundles>
